<compile_context>
chip_gen: v7x
topology: tpu7x:2x2x1
jax: 0.10.2.dev20260603
libtpu: 0.0.44.dev20260713+nightly
codegen_flags: <defaults>
</compile_context>

<pallas_src>
import functools

import jax
import jax.numpy as jnp
from jax import lax
from jax.experimental import pallas as pl
from jax.experimental.pallas import tpu as pltpu
from jax.experimental.pallas import tpu_sc as plsc


def _build_sc_call(S, B, F, L):
    info = plsc.get_sparse_core_info()
    NC, NS = info.num_cores, info.num_subcores
    NW = NC * NS
    rows_w = B // NW
    R = min(rows_w, 128)
    CH = rows_w // R
    SP = 32
    D = 6

    mesh = plsc.VectorSubcoreMesh(core_axis_name="c", subcore_axis_name="s")

    @functools.partial(
        pl.kernel,
        mesh=mesh,
        out_type=jax.ShapeDtypeStruct((S * B, L), jnp.float32),
        scratch_types=[
            pltpu.VMEM((SP,), jnp.int32),
            *([pltpu.VMEM((R, L), jnp.float32)] * D),
            *([pltpu.SemaphoreType.DMA] * (2 * D)),
        ],
    )
    def fused_slice(inp, slices, out, slv, *bufs_sems):
        bufs = bufs_sems[:D]
        isems = bufs_sems[D:2 * D]
        osems = bufs_sems[2 * D:]
        wid = lax.axis_index("s") * NC + lax.axis_index("c")
        base = wid * rows_w

        pltpu.sync_copy(slices, slv)
        parts = [slv[pl.ds(p * 16, 16)] for p in range(SP // 16)]
        offs = [pl.multiple_of(parts[s // 16][s % 16], L) for s in range(S)]

        tasks = [(s, c) for s in range(S) for c in range(CH)]
        T = len(tasks)

        def start_in(t):
            s, c = tasks[t]
            return pltpu.async_copy(
                inp.at[pl.ds(base + c * R, R), pl.ds(offs[s], L)],
                bufs[t % D],
                isems[t % D],
            )

        def start_out(t):
            s, c = tasks[t]
            return pltpu.async_copy(
                bufs[t % D],
                out.at[pl.ds(s * B + base + c * R, R)],
                osems[t % D],
            )

        in_h = [None] * T
        out_h = [None] * T
        for t in range(min(D - 1, T)):
            in_h[t] = start_in(t)
        for t in range(T):
            in_h[t].wait()
            out_h[t] = start_out(t)
            if t + D - 1 < T:
                if t - 1 >= 0:
                    out_h[t - 1].wait()
                in_h[t + D - 1] = start_in(t + D - 1)
        for t in range(max(T - D, 0), T):
            out_h[t].wait()

    return fused_slice


def kernel(input_tensor, slices_index, slice_len):
    B, F = input_tensor.shape
    S = slices_index.shape[0]
    L = F // S
    sl_pad = jnp.zeros((32,), jnp.int32).at[:S].set(slices_index.astype(jnp.int32))
    out2d = _build_sc_call(S, B, F, L)(input_tensor, sl_pad)
    return out2d.reshape(S, B, L)

# --- scband reference (transcript-rebuilt; emitter-appended) ---
"""Pipeline reference for scband-fuse-slice-module-5720896438283 (READ-ONLY COPY).

The authoritative reference and input builder live on the scoring server;
editing this copy changes nothing except your own understanding.
"""

import jax, jax.numpy as jnp
import numpy as np

BATCH = 16384
N_FIELDS = 26
EMBED_DIM = 128

def setup_inputs(seed: int = 0) -> dict:
    key = jax.random.key(seed)
    input_tensor = jax.random.normal(key, (BATCH, N_FIELDS * EMBED_DIM), dtype=jnp.float32)
    # learned/buffer parameter from __init__: slices_index (field start offsets)
    slices_index = (jnp.arange(N_FIELDS, dtype=jnp.int32) * EMBED_DIM).astype(jnp.int32)
    return {"input_tensor": input_tensor, "slices_index": slices_index, "slice_len": EMBED_DIM}

def reference(input_tensor, slices_index, slice_len):
    # fused_slice_low: for each start offset s in slices_index, gather
    # input_tensor[:, s:s+slice_len]; stacked result viewed as
    # [num_slices, batch, slice_len].
    static_len = input_tensor.shape[1] // slices_index.shape[0]
    slice_len = jnp.asarray(slice_len, dtype=jnp.int32)
    zero = slice_len - slice_len
    cols = slices_index[:, None].astype(jnp.int32) + jnp.arange(static_len, dtype=jnp.int32)[None, :] + zero  # [S, L]
    out = jnp.take(input_tensor, cols, axis=1)  # [B, S, L] gather
    out = jnp.transpose(out, (1, 0, 2))  # [S, B, L] == view(len(slices_index), batch, slice_len)
    return out

if __name__ == "__main__":
    import jax
    _d = setup_inputs()
    print(jax.jit(kernel)(*tuple(_d.values())))

</pallas_src>

<mosaic_0001>
#map = affine_map<(d0, d1) -> (0, 0)>
#map1 = affine_map<(d0, d1) -> (0)>
module attributes {stable_mosaic.version = 14 : i64} {
  func.func @fused_slice(%arg0: i32, %arg1: i32, %arg2: memref<16384x3328xf32, #tpu.memory_space<hbm>>, %arg3: memref<32xi32, #tpu.memory_space<hbm>>, %arg4: memref<425984x128xf32, #tpu.memory_space<hbm>>, %arg5: memref<32xi32, #tpu.memory_space<vmem>>, %arg6: memref<128x128xf32, #tpu.memory_space<vmem>>, %arg7: memref<128x128xf32, #tpu.memory_space<vmem>>, %arg8: memref<128x128xf32, #tpu.memory_space<vmem>>, %arg9: memref<128x128xf32, #tpu.memory_space<vmem>>, %arg10: memref<128x128xf32, #tpu.memory_space<vmem>>, %arg11: memref<128x128xf32, #tpu.memory_space<vmem>>, %arg12: memref<!tpu.dma_semaphore, #tpu.memory_space<semaphore_mem>>, %arg13: memref<!tpu.dma_semaphore, #tpu.memory_space<semaphore_mem>>, %arg14: memref<!tpu.dma_semaphore, #tpu.memory_space<semaphore_mem>>, %arg15: memref<!tpu.dma_semaphore, #tpu.memory_space<semaphore_mem>>, %arg16: memref<!tpu.dma_semaphore, #tpu.memory_space<semaphore_mem>>, %arg17: memref<!tpu.dma_semaphore, #tpu.memory_space<semaphore_mem>>, %arg18: memref<!tpu.dma_semaphore, #tpu.memory_space<semaphore_mem>>, %arg19: memref<!tpu.dma_semaphore, #tpu.memory_space<semaphore_mem>>, %arg20: memref<!tpu.dma_semaphore, #tpu.memory_space<semaphore_mem>>, %arg21: memref<!tpu.dma_semaphore, #tpu.memory_space<semaphore_mem>>, %arg22: memref<!tpu.dma_semaphore, #tpu.memory_space<semaphore_mem>>, %arg23: memref<!tpu.dma_semaphore, #tpu.memory_space<semaphore_mem>>) attributes {dimension_semantics = [#tpu.dimension_semantics<core_parallel>, #tpu.dimension_semantics<subcore_parallel>], iteration_bounds = array<i64: 2, 16>, scalar_prefetch = 0 : i64, scratch_operands = 19 : i64, tpu.core_type = #tpu.core_type<sc_vector_subcore>, window_params = [{transform_indices = #map}, {transform_indices = #map1}, {transform_indices = #map}]} {
    %mul3A = arith.constant 2 : i32
    %mul3A_0 = arith.muli %arg1, %mul3A : i32
    %add3A = arith.addi %mul3A_0, %arg0 : i32
    %mul3A_1 = arith.constant 512 : i32
    %mul3A_2 = arith.muli %add3A, %mul3A_1 : i32
    "tpu.region"() ({
      %run_scoped3A = tpu.sem_alloc : memref<!tpu.dma_semaphore, #tpu.memory_space<semaphore_mem>>
      tpu.enqueue_dma source(%arg3 : memref<32xi32, #tpu.memory_space<hbm>>) target(%arg5 : memref<32xi32, #tpu.memory_space<vmem>>) target_semaphore(%run_scoped3A : memref<!tpu.dma_semaphore, #tpu.memory_space<semaphore_mem>>)
      tpu.wait_dma2 semaphore(%run_scoped3A : memref<!tpu.dma_semaphore, #tpu.memory_space<semaphore_mem>>) src(%arg3 : memref<32xi32, #tpu.memory_space<hbm>>) dst(%arg5 : memref<32xi32, #tpu.memory_space<vmem>>)
      tpu.yield
    }) : () -> ()
    %get3A = arith.constant 0 : index
    %get3A_3 = tpu.vector_load %arg5[%get3A] {strides = array<i32>} : memref<32xi32, #tpu.memory_space<vmem>>, vector<16xi32>,
    %get3A_4 = vector.shape_cast %get3A_3 : vector<16xi32> to vector<16xi32>
    %get3A_5 = arith.constant 16 : index
    %get3A_6 = tpu.vector_load %arg5[%get3A_5] {strides = array<i32>} : memref<32xi32, #tpu.memory_space<vmem>>, vector<16xi32>,
    %get3A_7 = vector.shape_cast %get3A_6 : vector<16xi32> to vector<16xi32>
    %slice3A = vector.extract_strided_slice %get3A_4 {offsets = [0], sizes = [1], strides = [1]} : vector<16xi32> to vector<1xi32>
    %squeeze3A = vector.extract %slice3A[0] : i32 from vector<1xi32>
    %multiple_of3A = tpu.assume_multiple %squeeze3A, 128 : i32
    %slice3A_8 = vector.extract_strided_slice %get3A_4 {offsets = [1], sizes = [1], strides = [1]} : vector<16xi32> to vector<1xi32>
    %squeeze3A_9 = vector.extract %slice3A_8[0] : i32 from vector<1xi32>
    %multiple_of3A_10 = tpu.assume_multiple %squeeze3A_9, 128 : i32
    %slice3A_11 = vector.extract_strided_slice %get3A_4 {offsets = [2], sizes = [1], strides = [1]} : vector<16xi32> to vector<1xi32>
    %squeeze3A_12 = vector.extract %slice3A_11[0] : i32 from vector<1xi32>
    %multiple_of3A_13 = tpu.assume_multiple %squeeze3A_12, 128 : i32
    %slice3A_14 = vector.extract_strided_slice %get3A_4 {offsets = [3], sizes = [1], strides = [1]} : vector<16xi32> to vector<1xi32>
    %squeeze3A_15 = vector.extract %slice3A_14[0] : i32 from vector<1xi32>
    %multiple_of3A_16 = tpu.assume_multiple %squeeze3A_15, 128 : i32
    %slice3A_17 = vector.extract_strided_slice %get3A_4 {offsets = [4], sizes = [1], strides = [1]} : vector<16xi32> to vector<1xi32>
    %squeeze3A_18 = vector.extract %slice3A_17[0] : i32 from vector<1xi32>
    %multiple_of3A_19 = tpu.assume_multiple %squeeze3A_18, 128 : i32
    %slice3A_20 = vector.extract_strided_slice %get3A_4 {offsets = [5], sizes = [1], strides = [1]} : vector<16xi32> to vector<1xi32>
    %squeeze3A_21 = vector.extract %slice3A_20[0] : i32 from vector<1xi32>
    %multiple_of3A_22 = tpu.assume_multiple %squeeze3A_21, 128 : i32
    %slice3A_23 = vector.extract_strided_slice %get3A_4 {offsets = [6], sizes = [1], strides = [1]} : vector<16xi32> to vector<1xi32>
    %squeeze3A_24 = vector.extract %slice3A_23[0] : i32 from vector<1xi32>
    %multiple_of3A_25 = tpu.assume_multiple %squeeze3A_24, 128 : i32
    %slice3A_26 = vector.extract_strided_slice %get3A_4 {offsets = [7], sizes = [1], strides = [1]} : vector<16xi32> to vector<1xi32>
    %squeeze3A_27 = vector.extract %slice3A_26[0] : i32 from vector<1xi32>
    %multiple_of3A_28 = tpu.assume_multiple %squeeze3A_27, 128 : i32
    %slice3A_29 = vector.extract_strided_slice %get3A_4 {offsets = [8], sizes = [1], strides = [1]} : vector<16xi32> to vector<1xi32>
    %squeeze3A_30 = vector.extract %slice3A_29[0] : i32 from vector<1xi32>
    %multiple_of3A_31 = tpu.assume_multiple %squeeze3A_30, 128 : i32
    %slice3A_32 = vector.extract_strided_slice %get3A_4 {offsets = [9], sizes = [1], strides = [1]} : vector<16xi32> to vector<1xi32>
    %squeeze3A_33 = vector.extract %slice3A_32[0] : i32 from vector<1xi32>
    %multiple_of3A_34 = tpu.assume_multiple %squeeze3A_33, 128 : i32
    %slice3A_35 = vector.extract_strided_slice %get3A_4 {offsets = [10], sizes = [1], strides = [1]} : vector<16xi32> to vector<1xi32>
    %squeeze3A_36 = vector.extract %slice3A_35[0] : i32 from vector<1xi32>
    %multiple_of3A_37 = tpu.assume_multiple %squeeze3A_36, 128 : i32
    %slice3A_38 = vector.extract_strided_slice %get3A_4 {offsets = [11], sizes = [1], strides = [1]} : vector<16xi32> to vector<1xi32>
    %squeeze3A_39 = vector.extract %slice3A_38[0] : i32 from vector<1xi32>
    %multiple_of3A_40 = tpu.assume_multiple %squeeze3A_39, 128 : i32
    %slice3A_41 = vector.extract_strided_slice %get3A_4 {offsets = [12], sizes = [1], strides = [1]} : vector<16xi32> to vector<1xi32>
    %squeeze3A_42 = vector.extract %slice3A_41[0] : i32 from vector<1xi32>
    %multiple_of3A_43 = tpu.assume_multiple %squeeze3A_42, 128 : i32
    %slice3A_44 = vector.extract_strided_slice %get3A_4 {offsets = [13], sizes = [1], strides = [1]} : vector<16xi32> to vector<1xi32>
    %squeeze3A_45 = vector.extract %slice3A_44[0] : i32 from vector<1xi32>
    %multiple_of3A_46 = tpu.assume_multiple %squeeze3A_45, 128 : i32
    %slice3A_47 = vector.extract_strided_slice %get3A_4 {offsets = [14], sizes = [1], strides = [1]} : vector<16xi32> to vector<1xi32>
    %squeeze3A_48 = vector.extract %slice3A_47[0] : i32 from vector<1xi32>
    %multiple_of3A_49 = tpu.assume_multiple %squeeze3A_48, 128 : i32
    %slice3A_50 = vector.extract_strided_slice %get3A_4 {offsets = [15], sizes = [1], strides = [1]} : vector<16xi32> to vector<1xi32>
    %squeeze3A_51 = vector.extract %slice3A_50[0] : i32 from vector<1xi32>
    %multiple_of3A_52 = tpu.assume_multiple %squeeze3A_51, 128 : i32
    %slice3A_53 = vector.extract_strided_slice %get3A_7 {offsets = [0], sizes = [1], strides = [1]} : vector<16xi32> to vector<1xi32>
    %squeeze3A_54 = vector.extract %slice3A_53[0] : i32 from vector<1xi32>
    %multiple_of3A_55 = tpu.assume_multiple %squeeze3A_54, 128 : i32
    %slice3A_56 = vector.extract_strided_slice %get3A_7 {offsets = [1], sizes = [1], strides = [1]} : vector<16xi32> to vector<1xi32>
    %squeeze3A_57 = vector.extract %slice3A_56[0] : i32 from vector<1xi32>
    %multiple_of3A_58 = tpu.assume_multiple %squeeze3A_57, 128 : i32
    %slice3A_59 = vector.extract_strided_slice %get3A_7 {offsets = [2], sizes = [1], strides = [1]} : vector<16xi32> to vector<1xi32>
    %squeeze3A_60 = vector.extract %slice3A_59[0] : i32 from vector<1xi32>
    %multiple_of3A_61 = tpu.assume_multiple %squeeze3A_60, 128 : i32
    %slice3A_62 = vector.extract_strided_slice %get3A_7 {offsets = [3], sizes = [1], strides = [1]} : vector<16xi32> to vector<1xi32>
    %squeeze3A_63 = vector.extract %slice3A_62[0] : i32 from vector<1xi32>
    %multiple_of3A_64 = tpu.assume_multiple %squeeze3A_63, 128 : i32
    %slice3A_65 = vector.extract_strided_slice %get3A_7 {offsets = [4], sizes = [1], strides = [1]} : vector<16xi32> to vector<1xi32>
    %squeeze3A_66 = vector.extract %slice3A_65[0] : i32 from vector<1xi32>
    %multiple_of3A_67 = tpu.assume_multiple %squeeze3A_66, 128 : i32
    %slice3A_68 = vector.extract_strided_slice %get3A_7 {offsets = [5], sizes = [1], strides = [1]} : vector<16xi32> to vector<1xi32>
    %squeeze3A_69 = vector.extract %slice3A_68[0] : i32 from vector<1xi32>
    %multiple_of3A_70 = tpu.assume_multiple %squeeze3A_69, 128 : i32
    %slice3A_71 = vector.extract_strided_slice %get3A_7 {offsets = [6], sizes = [1], strides = [1]} : vector<16xi32> to vector<1xi32>
    %squeeze3A_72 = vector.extract %slice3A_71[0] : i32 from vector<1xi32>
    %multiple_of3A_73 = tpu.assume_multiple %squeeze3A_72, 128 : i32
    %slice3A_74 = vector.extract_strided_slice %get3A_7 {offsets = [7], sizes = [1], strides = [1]} : vector<16xi32> to vector<1xi32>
    %squeeze3A_75 = vector.extract %slice3A_74[0] : i32 from vector<1xi32>
    %multiple_of3A_76 = tpu.assume_multiple %squeeze3A_75, 128 : i32
    %slice3A_77 = vector.extract_strided_slice %get3A_7 {offsets = [8], sizes = [1], strides = [1]} : vector<16xi32> to vector<1xi32>
    %squeeze3A_78 = vector.extract %slice3A_77[0] : i32 from vector<1xi32>
    %multiple_of3A_79 = tpu.assume_multiple %squeeze3A_78, 128 : i32
    %slice3A_80 = vector.extract_strided_slice %get3A_7 {offsets = [9], sizes = [1], strides = [1]} : vector<16xi32> to vector<1xi32>
    %squeeze3A_81 = vector.extract %slice3A_80[0] : i32 from vector<1xi32>
    %multiple_of3A_82 = tpu.assume_multiple %squeeze3A_81, 128 : i32
    %add3A_83 = arith.constant 0 : i32
    %add3A_84 = arith.addi %mul3A_2, %add3A_83 : i32
    %dma_start3A = tpu.memref_slice %arg2[%add3A_84, %multiple_of3A] : memref<16384x3328xf32, #tpu.memory_space<hbm>> -> memref<128x128xf32, #tpu.memory_space<hbm>>
    %dma_start3A_85 = tpu.memref_slice %arg2[%add3A_84, %multiple_of3A] : memref<16384x3328xf32, #tpu.memory_space<hbm>> -> memref<128x128xf32, #tpu.memory_space<hbm>>
    tpu.enqueue_dma source(%dma_start3A_85 : memref<128x128xf32, #tpu.memory_space<hbm>>) target(%arg6 : memref<128x128xf32, #tpu.memory_space<vmem>>) target_semaphore(%arg12 : memref<!tpu.dma_semaphore, #tpu.memory_space<semaphore_mem>>)
    %add3A_86 = arith.constant 128 : i32
    %add3A_87 = arith.addi %mul3A_2, %add3A_86 : i32
    %dma_start3A_88 = tpu.memref_slice %arg2[%add3A_87, %multiple_of3A] : memref<16384x3328xf32, #tpu.memory_space<hbm>> -> memref<128x128xf32, #tpu.memory_space<hbm>>
    %dma_start3A_89 = tpu.memref_slice %arg2[%add3A_87, %multiple_of3A] : memref<16384x3328xf32, #tpu.memory_space<hbm>> -> memref<128x128xf32, #tpu.memory_space<hbm>>
    tpu.enqueue_dma source(%dma_start3A_89 : memref<128x128xf32, #tpu.memory_space<hbm>>) target(%arg7 : memref<128x128xf32, #tpu.memory_space<vmem>>) target_semaphore(%arg13 : memref<!tpu.dma_semaphore, #tpu.memory_space<semaphore_mem>>)
    %add3A_90 = arith.constant 256 : i32
    %add3A_91 = arith.addi %mul3A_2, %add3A_90 : i32
    %dma_start3A_92 = tpu.memref_slice %arg2[%add3A_91, %multiple_of3A] : memref<16384x3328xf32, #tpu.memory_space<hbm>> -> memref<128x128xf32, #tpu.memory_space<hbm>>
    %dma_start3A_93 = tpu.memref_slice %arg2[%add3A_91, %multiple_of3A] : memref<16384x3328xf32, #tpu.memory_space<hbm>> -> memref<128x128xf32, #tpu.memory_space<hbm>>
    tpu.enqueue_dma source(%dma_start3A_93 : memref<128x128xf32, #tpu.memory_space<hbm>>) target(%arg8 : memref<128x128xf32, #tpu.memory_space<vmem>>) target_semaphore(%arg14 : memref<!tpu.dma_semaphore, #tpu.memory_space<semaphore_mem>>)
    %add3A_94 = arith.constant 384 : i32
    %add3A_95 = arith.addi %mul3A_2, %add3A_94 : i32
    %dma_start3A_96 = tpu.memref_slice %arg2[%add3A_95, %multiple_of3A] : memref<16384x3328xf32, #tpu.memory_space<hbm>> -> memref<128x128xf32, #tpu.memory_space<hbm>>
    %dma_start3A_97 = tpu.memref_slice %arg2[%add3A_95, %multiple_of3A] : memref<16384x3328xf32, #tpu.memory_space<hbm>> -> memref<128x128xf32, #tpu.memory_space<hbm>>
    tpu.enqueue_dma source(%dma_start3A_97 : memref<128x128xf32, #tpu.memory_space<hbm>>) target(%arg9 : memref<128x128xf32, #tpu.memory_space<vmem>>) target_semaphore(%arg15 : memref<!tpu.dma_semaphore, #tpu.memory_space<semaphore_mem>>)
    %add3A_98 = arith.constant 0 : i32
    %add3A_99 = arith.addi %mul3A_2, %add3A_98 : i32
    %dma_start3A_100 = tpu.memref_slice %arg2[%add3A_99, %multiple_of3A_10] : memref<16384x3328xf32, #tpu.memory_space<hbm>> -> memref<128x128xf32, #tpu.memory_space<hbm>>
    %dma_start3A_101 = tpu.memref_slice %arg2[%add3A_99, %multiple_of3A_10] : memref<16384x3328xf32, #tpu.memory_space<hbm>> -> memref<128x128xf32, #tpu.memory_space<hbm>>
    tpu.enqueue_dma source(%dma_start3A_101 : memref<128x128xf32, #tpu.memory_space<hbm>>) target(%arg10 : memref<128x128xf32, #tpu.memory_space<vmem>>) target_semaphore(%arg16 : memref<!tpu.dma_semaphore, #tpu.memory_space<semaphore_mem>>)
    %dma_wait3A = tpu.memref_slice %arg2[%add3A_84, %multiple_of3A] : memref<16384x3328xf32, #tpu.memory_space<hbm>> -> memref<128x128xf32, #tpu.memory_space<hbm>>
    %dma_wait3A_102 = tpu.memref_slice %arg2[%add3A_84, %multiple_of3A] : memref<16384x3328xf32, #tpu.memory_space<hbm>> -> memref<128x128xf32, #tpu.memory_space<hbm>>
    tpu.wait_dma2 semaphore(%arg12 : memref<!tpu.dma_semaphore, #tpu.memory_space<semaphore_mem>>) src(%dma_wait3A_102 : memref<128x128xf32, #tpu.memory_space<hbm>>) dst(%arg6 : memref<128x128xf32, #tpu.memory_space<vmem>>)
    %add3A_103 = arith.constant 0 : i32
    %add3A_104 = arith.addi %add3A_103, %mul3A_2 : i32
    %add3A_105 = arith.constant 0 : i32
    %add3A_106 = arith.addi %add3A_104, %add3A_105 : i32
    %dma_start3A_107 = arith.constant 0 : i32
    %dma_start3A_108 = tpu.memref_slice %arg4[%add3A_106, %dma_start3A_107] : memref<425984x128xf32, #tpu.memory_space<hbm>> -> memref<128x128xf32, #tpu.memory_space<hbm>>
    %dma_start3A_109 = arith.constant 0 : i32
    %dma_start3A_110 = tpu.memref_slice %arg4[%add3A_106, %dma_start3A_109] : memref<425984x128xf32, #tpu.memory_space<hbm>> -> memref<128x128xf32, #tpu.memory_space<hbm>>
    tpu.enqueue_dma source(%arg6 : memref<128x128xf32, #tpu.memory_space<vmem>>) target(%dma_start3A_110 : memref<128x128xf32, #tpu.memory_space<hbm>>) target_semaphore(%arg18 : memref<!tpu.dma_semaphore, #tpu.memory_space<semaphore_mem>>)
    %add3A_111 = arith.constant 128 : i32
    %add3A_112 = arith.addi %mul3A_2, %add3A_111 : i32
    %dma_start3A_113 = tpu.memref_slice %arg2[%add3A_112, %multiple_of3A_10] : memref<16384x3328xf32, #tpu.memory_space<hbm>> -> memref<128x128xf32, #tpu.memory_space<hbm>>
    %dma_start3A_114 = tpu.memref_slice %arg2[%add3A_112, %multiple_of3A_10] : memref<16384x3328xf32, #tpu.memory_space<hbm>> -> memref<128x128xf32, #tpu.memory_space<hbm>>
    tpu.enqueue_dma source(%dma_start3A_114 : memref<128x128xf32, #tpu.memory_space<hbm>>) target(%arg11 : memref<128x128xf32, #tpu.memory_space<vmem>>) target_semaphore(%arg17 : memref<!tpu.dma_semaphore, #tpu.memory_space<semaphore_mem>>)
    %dma_wait3A_115 = tpu.memref_slice %arg2[%add3A_87, %multiple_of3A] : memref<16384x3328xf32, #tpu.memory_space<hbm>> -> memref<128x128xf32, #tpu.memory_space<hbm>>
    %dma_wait3A_116 = tpu.memref_slice %arg2[%add3A_87, %multiple_of3A] : memref<16384x3328xf32, #tpu.memory_space<hbm>> -> memref<128x128xf32, #tpu.memory_space<hbm>>
    tpu.wait_dma2 semaphore(%arg13 : memref<!tpu.dma_semaphore, #tpu.memory_space<semaphore_mem>>) src(%dma_wait3A_116 : memref<128x128xf32, #tpu.memory_space<hbm>>) dst(%arg7 : memref<128x128xf32, #tpu.memory_space<vmem>>)
    %add3A_117 = arith.constant 0 : i32
    %add3A_118 = arith.addi %add3A_117, %mul3A_2 : i32
    %add3A_119 = arith.constant 128 : i32
    %add3A_120 = arith.addi %add3A_118, %add3A_119 : i32
    %dma_start3A_121 = arith.constant 0 : i32
    %dma_start3A_122 = tpu.memref_slice %arg4[%add3A_120, %dma_start3A_121] : memref<425984x128xf32, #tpu.memory_space<hbm>> -> memref<128x128xf32, #tpu.memory_space<hbm>>
    %dma_start3A_123 = arith.constant 0 : i32
    %dma_start3A_124 = tpu.memref_slice %arg4[%add3A_120, %dma_start3A_123] : memref<425984x128xf32, #tpu.memory_space<hbm>> -> memref<128x128xf32, #tpu.memory_space<hbm>>
    tpu.enqueue_dma source(%arg7 : memref<128x128xf32, #tpu.memory_space<vmem>>) target(%dma_start3A_124 : memref<128x128xf32, #tpu.memory_space<hbm>>) target_semaphore(%arg19 : memref<!tpu.dma_semaphore, #tpu.memory_space<semaphore_mem>>)
    %dma_wait3A_125 = arith.constant 0 : i32
    %dma_wait3A_126 = tpu.memref_slice %arg4[%add3A_106, %dma_wait3A_125] : memref<425984x128xf32, #tpu.memory_space<hbm>> -> memref<128x128xf32, #tpu.memory_space<hbm>>
    %dma_wait3A_127 = arith.constant 0 : i32
    %dma_wait3A_128 = tpu.memref_slice %arg4[%add3A_106, %dma_wait3A_127] : memref<425984x128xf32, #tpu.memory_space<hbm>> -> memref<128x128xf32, #tpu.memory_space<hbm>>
    tpu.wait_dma2 semaphore(%arg18 : memref<!tpu.dma_semaphore, #tpu.memory_space<semaphore_mem>>) src(%arg6 : memref<128x128xf32, #tpu.memory_space<vmem>>) dst(%dma_wait3A_128 : memref<128x128xf32, #tpu.memory_space<hbm>>)
    %add3A_129 = arith.constant 256 : i32
    %add3A_130 = arith.addi %mul3A_2, %add3A_129 : i32
    %dma_start3A_131 = tpu.memref_slice %arg2[%add3A_130, %multiple_of3A_10] : memref<16384x3328xf32, #tpu.memory_space<hbm>> -> memref<128x128xf32, #tpu.memory_space<hbm>>
    %dma_start3A_132 = tpu.memref_slice %arg2[%add3A_130, %multiple_of3A_10] : memref<16384x3328xf32, #tpu.memory_space<hbm>> -> memref<128x128xf32, #tpu.memory_space<hbm>>
    tpu.enqueue_dma source(%dma_start3A_132 : memref<128x128xf32, #tpu.memory_space<hbm>>) target(%arg6 : memref<128x128xf32, #tpu.memory_space<vmem>>) target_semaphore(%arg12 : memref<!tpu.dma_semaphore, #tpu.memory_space<semaphore_mem>>)
    %dma_wait3A_133 = tpu.memref_slice %arg2[%add3A_91, %multiple_of3A] : memref<16384x3328xf32, #tpu.memory_space<hbm>> -> memref<128x128xf32, #tpu.memory_space<hbm>>
    %dma_wait3A_134 = tpu.memref_slice %arg2[%add3A_91, %multiple_of3A] : memref<16384x3328xf32, #tpu.memory_space<hbm>> -> memref<128x128xf32, #tpu.memory_space<hbm>>
    tpu.wait_dma2 semaphore(%arg14 : memref<!tpu.dma_semaphore, #tpu.memory_space<semaphore_mem>>) src(%dma_wait3A_134 : memref<128x128xf32, #tpu.memory_space<hbm>>) dst(%arg8 : memref<128x128xf32, #tpu.memory_space<vmem>>)
    %add3A_135 = arith.constant 0 : i32
    %add3A_136 = arith.addi %add3A_135, %mul3A_2 : i32
    %add3A_137 = arith.constant 256 : i32
    %add3A_138 = arith.addi %add3A_136, %add3A_137 : i32
    %dma_start3A_139 = arith.constant 0 : i32
    %dma_start3A_140 = tpu.memref_slice %arg4[%add3A_138, %dma_start3A_139] : memref<425984x128xf32, #tpu.memory_space<hbm>> -> memref<128x128xf32, #tpu.memory_space<hbm>>
    %dma_start3A_141 = arith.constant 0 : i32
    %dma_start3A_142 = tpu.memref_slice %arg4[%add3A_138, %dma_start3A_141] : memref<425984x128xf32, #tpu.memory_space<hbm>> -> memref<128x128xf32, #tpu.memory_space<hbm>>
    tpu.enqueue_dma source(%arg8 : memref<128x128xf32, #tpu.memory_space<vmem>>) target(%dma_start3A_142 : memref<128x128xf32, #tpu.memory_space<hbm>>) target_semaphore(%arg20 : memref<!tpu.dma_semaphore, #tpu.memory_space<semaphore_mem>>)
    %dma_wait3A_143 = arith.constant 0 : i32
    %dma_wait3A_144 = tpu.memref_slice %arg4[%add3A_120, %dma_wait3A_143] : memref<425984x128xf32, #tpu.memory_space<hbm>> -> memref<128x128xf32, #tpu.memory_space<hbm>>
    %dma_wait3A_145 = arith.constant 0 : i32
    %dma_wait3A_146 = tpu.memref_slice %arg4[%add3A_120, %dma_wait3A_145] : memref<425984x128xf32, #tpu.memory_space<hbm>> -> memref<128x128xf32, #tpu.memory_space<hbm>>
    tpu.wait_dma2 semaphore(%arg19 : memref<!tpu.dma_semaphore, #tpu.memory_space<semaphore_mem>>) src(%arg7 : memref<128x128xf32, #tpu.memory_space<vmem>>) dst(%dma_wait3A_146 : memref<128x128xf32, #tpu.memory_space<hbm>>)
    %add3A_147 = arith.constant 384 : i32
    %add3A_148 = arith.addi %mul3A_2, %add3A_147 : i32
    %dma_start3A_149 = tpu.memref_slice %arg2[%add3A_148, %multiple_of3A_10] : memref<16384x3328xf32, #tpu.memory_space<hbm>> -> memref<128x128xf32, #tpu.memory_space<hbm>>
    %dma_start3A_150 = tpu.memref_slice %arg2[%add3A_148, %multiple_of3A_10] : memref<16384x3328xf32, #tpu.memory_space<hbm>> -> memref<128x128xf32, #tpu.memory_space<hbm>>
    tpu.enqueue_dma source(%dma_start3A_150 : memref<128x128xf32, #tpu.memory_space<hbm>>) target(%arg7 : memref<128x128xf32, #tpu.memory_space<vmem>>) target_semaphore(%arg13 : memref<!tpu.dma_semaphore, #tpu.memory_space<semaphore_mem>>)
    %dma_wait3A_151 = tpu.memref_slice %arg2[%add3A_95, %multiple_of3A] : memref<16384x3328xf32, #tpu.memory_space<hbm>> -> memref<128x128xf32, #tpu.memory_space<hbm>>
    %dma_wait3A_152 = tpu.memref_slice %arg2[%add3A_95, %multiple_of3A] : memref<16384x3328xf32, #tpu.memory_space<hbm>> -> memref<128x128xf32, #tpu.memory_space<hbm>>
    tpu.wait_dma2 semaphore(%arg15 : memref<!tpu.dma_semaphore, #tpu.memory_space<semaphore_mem>>) src(%dma_wait3A_152 : memref<128x128xf32, #tpu.memory_space<hbm>>) dst(%arg9 : memref<128x128xf32, #tpu.memory_space<vmem>>)
    %add3A_153 = arith.constant 0 : i32
    %add3A_154 = arith.addi %add3A_153, %mul3A_2 : i32
    %add3A_155 = arith.constant 384 : i32
    %add3A_156 = arith.addi %add3A_154, %add3A_155 : i32
    %dma_start3A_157 = arith.constant 0 : i32
    %dma_start3A_158 = tpu.memref_slice %arg4[%add3A_156, %dma_start3A_157] : memref<425984x128xf32, #tpu.memory_space<hbm>> -> memref<128x128xf32, #tpu.memory_space<hbm>>
    %dma_start3A_159 = arith.constant 0 : i32
    %dma_start3A_160 = tpu.memref_slice %arg4[%add3A_156, %dma_start3A_159] : memref<425984x128xf32, #tpu.memory_space<hbm>> -> memref<128x128xf32, #tpu.memory_space<hbm>>
    tpu.enqueue_dma source(%arg9 : memref<128x128xf32, #tpu.memory_space<vmem>>) target(%dma_start3A_160 : memref<128x128xf32, #tpu.memory_space<hbm>>) target_semaphore(%arg21 : memref<!tpu.dma_semaphore, #tpu.memory_space<semaphore_mem>>)
    %dma_wait3A_161 = arith.constant 0 : i32
    %dma_wait3A_162 = tpu.memref_slice %arg4[%add3A_138, %dma_wait3A_161] : memref<425984x128xf32, #tpu.memory_space<hbm>> -> memref<128x128xf32, #tpu.memory_space<hbm>>
    %dma_wait3A_163 = arith.constant 0 : i32
    %dma_wait3A_164 = tpu.memref_slice %arg4[%add3A_138, %dma_wait3A_163] : memref<425984x128xf32, #tpu.memory_space<hbm>> -> memref<128x128xf32, #tpu.memory_space<hbm>>
    tpu.wait_dma2 semaphore(%arg20 : memref<!tpu.dma_semaphore, #tpu.memory_space<semaphore_mem>>) src(%arg8 : memref<128x128xf32, #tpu.memory_space<vmem>>) dst(%dma_wait3A_164 : memref<128x128xf32, #tpu.memory_space<hbm>>)
    %add3A_165 = arith.constant 0 : i32
    %add3A_166 = arith.addi %mul3A_2, %add3A_165 : i32
    %dma_start3A_167 = tpu.memref_slice %arg2[%add3A_166, %multiple_of3A_13] : memref<16384x3328xf32, #tpu.memory_space<hbm>> -> memref<128x128xf32, #tpu.memory_space<hbm>>
    %dma_start3A_168 = tpu.memref_slice %arg2[%add3A_166, %multiple_of3A_13] : memref<16384x3328xf32, #tpu.memory_space<hbm>> -> memref<128x128xf32, #tpu.memory_space<hbm>>
    tpu.enqueue_dma source(%dma_start3A_168 : memref<128x128xf32, #tpu.memory_space<hbm>>) target(%arg8 : memref<128x128xf32, #tpu.memory_space<vmem>>) target_semaphore(%arg14 : memref<!tpu.dma_semaphore, #tpu.memory_space<semaphore_mem>>)
    %dma_wait3A_169 = tpu.memref_slice %arg2[%add3A_99, %multiple_of3A_10] : memref<16384x3328xf32, #tpu.memory_space<hbm>> -> memref<128x128xf32, #tpu.memory_space<hbm>>
    %dma_wait3A_170 = tpu.memref_slice %arg2[%add3A_99, %multiple_of3A_10] : memref<16384x3328xf32, #tpu.memory_space<hbm>> -> memref<128x128xf32, #tpu.memory_space<hbm>>
    tpu.wait_dma2 semaphore(%arg16 : memref<!tpu.dma_semaphore, #tpu.memory_space<semaphore_mem>>) src(%dma_wait3A_170 : memref<128x128xf32, #tpu.memory_space<hbm>>) dst(%arg10 : memref<128x128xf32, #tpu.memory_space<vmem>>)
    %add3A_171 = arith.constant 16384 : i32
    %add3A_172 = arith.addi %add3A_171, %mul3A_2 : i32
    %add3A_173 = arith.constant 0 : i32
    %add3A_174 = arith.addi %add3A_172, %add3A_173 : i32
    %dma_start3A_175 = arith.constant 0 : i32
    %dma_start3A_176 = tpu.memref_slice %arg4[%add3A_174, %dma_start3A_175] : memref<425984x128xf32, #tpu.memory_space<hbm>> -> memref<128x128xf32, #tpu.memory_space<hbm>>
    %dma_start3A_177 = arith.constant 0 : i32
    %dma_start3A_178 = tpu.memref_slice %arg4[%add3A_174, %dma_start3A_177] : memref<425984x128xf32, #tpu.memory_space<hbm>> -> memref<128x128xf32, #tpu.memory_space<hbm>>
    tpu.enqueue_dma source(%arg10 : memref<128x128xf32, #tpu.memory_space<vmem>>) target(%dma_start3A_178 : memref<128x128xf32, #tpu.memory_space<hbm>>) target_semaphore(%arg22 : memref<!tpu.dma_semaphore, #tpu.memory_space<semaphore_mem>>)
    %dma_wait3A_179 = arith.constant 0 : i32
    %dma_wait3A_180 = tpu.memref_slice %arg4[%add3A_156, %dma_wait3A_179] : memref<425984x128xf32, #tpu.memory_space<hbm>> -> memref<128x128xf32, #tpu.memory_space<hbm>>
    %dma_wait3A_181 = arith.constant 0 : i32
    %dma_wait3A_182 = tpu.memref_slice %arg4[%add3A_156, %dma_wait3A_181] : memref<425984x128xf32, #tpu.memory_space<hbm>> -> memref<128x128xf32, #tpu.memory_space<hbm>>
    tpu.wait_dma2 semaphore(%arg21 : memref<!tpu.dma_semaphore, #tpu.memory_space<semaphore_mem>>) src(%arg9 : memref<128x128xf32, #tpu.memory_space<vmem>>) dst(%dma_wait3A_182 : memref<128x128xf32, #tpu.memory_space<hbm>>)
    %add3A_183 = arith.constant 128 : i32
    %add3A_184 = arith.addi %mul3A_2, %add3A_183 : i32
    %dma_start3A_185 = tpu.memref_slice %arg2[%add3A_184, %multiple_of3A_13] : memref<16384x3328xf32, #tpu.memory_space<hbm>> -> memref<128x128xf32, #tpu.memory_space<hbm>>
    %dma_start3A_186 = tpu.memref_slice %arg2[%add3A_184, %multiple_of3A_13] : memref<16384x3328xf32, #tpu.memory_space<hbm>> -> memref<128x128xf32, #tpu.memory_space<hbm>>
    tpu.enqueue_dma source(%dma_start3A_186 : memref<128x128xf32, #tpu.memory_space<hbm>>) target(%arg9 : memref<128x128xf32, #tpu.memory_space<vmem>>) target_semaphore(%arg15 : memref<!tpu.dma_semaphore, #tpu.memory_space<semaphore_mem>>)
    %dma_wait3A_187 = tpu.memref_slice %arg2[%add3A_112, %multiple_of3A_10] : memref<16384x3328xf32, #tpu.memory_space<hbm>> -> memref<128x128xf32, #tpu.memory_space<hbm>>
    %dma_wait3A_188 = tpu.memref_slice %arg2[%add3A_112, %multiple_of3A_10] : memref<16384x3328xf32, #tpu.memory_space<hbm>> -> memref<128x128xf32, #tpu.memory_space<hbm>>
    tpu.wait_dma2 semaphore(%arg17 : memref<!tpu.dma_semaphore, #tpu.memory_space<semaphore_mem>>) src(%dma_wait3A_188 : memref<128x128xf32, #tpu.memory_space<hbm>>) dst(%arg11 : memref<128x128xf32, #tpu.memory_space<vmem>>)
    %add3A_189 = arith.constant 16384 : i32
    %add3A_190 = arith.addi %add3A_189, %mul3A_2 : i32
    %add3A_191 = arith.constant 128 : i32
    %add3A_192 = arith.addi %add3A_190, %add3A_191 : i32
    %dma_start3A_193 = arith.constant 0 : i32
    %dma_start3A_194 = tpu.memref_slice %arg4[%add3A_192, %dma_start3A_193] : memref<425984x128xf32, #tpu.memory_space<hbm>> -> memref<128x128xf32, #tpu.memory_space<hbm>>
    %dma_start3A_195 = arith.constant 0 : i32
    %dma_start3A_196 = tpu.memref_slice %arg4[%add3A_192, %dma_start3A_195] : memref<425984x128xf32, #tpu.memory_space<hbm>> -> memref<128x128xf32, #tpu.memory_space<hbm>>
    tpu.enqueue_dma source(%arg11 : memref<128x128xf32, #tpu.memory_space<vmem>>) target(%dma_start3A_196 : memref<128x128xf32, #tpu.memory_space<hbm>>) target_semaphore(%arg23 : memref<!tpu.dma_semaphore, #tpu.memory_space<semaphore_mem>>)
    %dma_wait3A_197 = arith.constant 0 : i32
    %dma_wait3A_198 = tpu.memref_slice %arg4[%add3A_174, %dma_wait3A_197] : memref<425984x128xf32, #tpu.memory_space<hbm>> -> memref<128x128xf32, #tpu.memory_space<hbm>>
    %dma_wait3A_199 = arith.constant 0 : i32
    %dma_wait3A_200 = tpu.memref_slice %arg4[%add3A_174, %dma_wait3A_199] : memref<425984x128xf32, #tpu.memory_space<hbm>> -> memref<128x128xf32, #tpu.memory_space<hbm>>
    tpu.wait_dma2 semaphore(%arg22 : memref<!tpu.dma_semaphore, #tpu.memory_space<semaphore_mem>>) src(%arg10 : memref<128x128xf32, #tpu.memory_space<vmem>>) dst(%dma_wait3A_200 : memref<128x128xf32, #tpu.memory_space<hbm>>)
    %add3A_201 = arith.constant 256 : i32
    %add3A_202 = arith.addi %mul3A_2, %add3A_201 : i32
    %dma_start3A_203 = tpu.memref_slice %arg2[%add3A_202, %multiple_of3A_13] : memref<16384x3328xf32, #tpu.memory_space<hbm>> -> memref<128x128xf32, #tpu.memory_space<hbm>>
    %dma_start3A_204 = tpu.memref_slice %arg2[%add3A_202, %multiple_of3A_13] : memref<16384x3328xf32, #tpu.memory_space<hbm>> -> memref<128x128xf32, #tpu.memory_space<hbm>>
    tpu.enqueue_dma source(%dma_start3A_204 : memref<128x128xf32, #tpu.memory_space<hbm>>) target(%arg10 : memref<128x128xf32, #tpu.memory_space<vmem>>) target_semaphore(%arg16 : memref<!tpu.dma_semaphore, #tpu.memory_space<semaphore_mem>>)
    %dma_wait3A_205 = tpu.memref_slice %arg2[%add3A_130, %multiple_of3A_10] : memref<16384x3328xf32, #tpu.memory_space<hbm>> -> memref<128x128xf32, #tpu.memory_space<hbm>>
    %dma_wait3A_206 = tpu.memref_slice %arg2[%add3A_130, %multiple_of3A_10] : memref<16384x3328xf32, #tpu.memory_space<hbm>> -> memref<128x128xf32, #tpu.memory_space<hbm>>
    tpu.wait_dma2 semaphore(%arg12 : memref<!tpu.dma_semaphore, #tpu.memory_space<semaphore_mem>>) src(%dma_wait3A_206 : memref<128x128xf32, #tpu.memory_space<hbm>>) dst(%arg6 : memref<128x128xf32, #tpu.memory_space<vmem>>)
    %add3A_207 = arith.constant 16384 : i32
    %add3A_208 = arith.addi %add3A_207, %mul3A_2 : i32
    %add3A_209 = arith.constant 256 : i32
    %add3A_210 = arith.addi %add3A_208, %add3A_209 : i32
    %dma_start3A_211 = arith.constant 0 : i32
    %dma_start3A_212 = tpu.memref_slice %arg4[%add3A_210, %dma_start3A_211] : memref<425984x128xf32, #tpu.memory_space<hbm>> -> memref<128x128xf32, #tpu.memory_space<hbm>>
    %dma_start3A_213 = arith.constant 0 : i32
    %dma_start3A_214 = tpu.memref_slice %arg4[%add3A_210, %dma_start3A_213] : memref<425984x128xf32, #tpu.memory_space<hbm>> -> memref<128x128xf32, #tpu.memory_space<hbm>>
    tpu.enqueue_dma source(%arg6 : memref<128x128xf32, #tpu.memory_space<vmem>>) target(%dma_start3A_214 : memref<128x128xf32, #tpu.memory_space<hbm>>) target_semaphore(%arg18 : memref<!tpu.dma_semaphore, #tpu.memory_space<semaphore_mem>>)
    %dma_wait3A_215 = arith.constant 0 : i32
    %dma_wait3A_216 = tpu.memref_slice %arg4[%add3A_192, %dma_wait3A_215] : memref<425984x128xf32, #tpu.memory_space<hbm>> -> memref<128x128xf32, #tpu.memory_space<hbm>>
    %dma_wait3A_217 = arith.constant 0 : i32
    %dma_wait3A_218 = tpu.memref_slice %arg4[%add3A_192, %dma_wait3A_217] : memref<425984x128xf32, #tpu.memory_space<hbm>> -> memref<128x128xf32, #tpu.memory_space<hbm>>
    tpu.wait_dma2 semaphore(%arg23 : memref<!tpu.dma_semaphore, #tpu.memory_space<semaphore_mem>>) src(%arg11 : memref<128x128xf32, #tpu.memory_space<vmem>>) dst(%dma_wait3A_218 : memref<128x128xf32, #tpu.memory_space<hbm>>)
    %add3A_219 = arith.constant 384 : i32
    %add3A_220 = arith.addi %mul3A_2, %add3A_219 : i32
    %dma_start3A_221 = tpu.memref_slice %arg2[%add3A_220, %multiple_of3A_13] : memref<16384x3328xf32, #tpu.memory_space<hbm>> -> memref<128x128xf32, #tpu.memory_space<hbm>>
    %dma_start3A_222 = tpu.memref_slice %arg2[%add3A_220, %multiple_of3A_13] : memref<16384x3328xf32, #tpu.memory_space<hbm>> -> memref<128x128xf32, #tpu.memory_space<hbm>>
    tpu.enqueue_dma source(%dma_start3A_222 : memref<128x128xf32, #tpu.memory_space<hbm>>) target(%arg11 : memref<128x128xf32, #tpu.memory_space<vmem>>) target_semaphore(%arg17 : memref<!tpu.dma_semaphore, #tpu.memory_space<semaphore_mem>>)
    %dma_wait3A_223 = tpu.memref_slice %arg2[%add3A_148, %multiple_of3A_10] : memref<16384x3328xf32, #tpu.memory_space<hbm>> -> memref<128x128xf32, #tpu.memory_space<hbm>>
    %dma_wait3A_224 = tpu.memref_slice %arg2[%add3A_148, %multiple_of3A_10] : memref<16384x3328xf32, #tpu.memory_space<hbm>> -> memref<128x128xf32, #tpu.memory_space<hbm>>
    tpu.wait_dma2 semaphore(%arg13 : memref<!tpu.dma_semaphore, #tpu.memory_space<semaphore_mem>>) src(%dma_wait3A_224 : memref<128x128xf32, #tpu.memory_space<hbm>>) dst(%arg7 : memref<128x128xf32, #tpu.memory_space<vmem>>)
    %add3A_225 = arith.constant 16384 : i32
    %add3A_226 = arith.addi %add3A_225, %mul3A_2 : i32
    %add3A_227 = arith.constant 384 : i32
    %add3A_228 = arith.addi %add3A_226, %add3A_227 : i32
    %dma_start3A_229 = arith.constant 0 : i32
    %dma_start3A_230 = tpu.memref_slice %arg4[%add3A_228, %dma_start3A_229] : memref<425984x128xf32, #tpu.memory_space<hbm>> -> memref<128x128xf32, #tpu.memory_space<hbm>>
    %dma_start3A_231 = arith.constant 0 : i32
    %dma_start3A_232 = tpu.memref_slice %arg4[%add3A_228, %dma_start3A_231] : memref<425984x128xf32, #tpu.memory_space<hbm>> -> memref<128x128xf32, #tpu.memory_space<hbm>>
    tpu.enqueue_dma source(%arg7 : memref<128x128xf32, #tpu.memory_space<vmem>>) target(%dma_start3A_232 : memref<128x128xf32, #tpu.memory_space<hbm>>) target_semaphore(%arg19 : memref<!tpu.dma_semaphore, #tpu.memory_space<semaphore_mem>>)
    %dma_wait3A_233 = arith.constant 0 : i32
    %dma_wait3A_234 = tpu.memref_slice %arg4[%add3A_210, %dma_wait3A_233] : memref<425984x128xf32, #tpu.memory_space<hbm>> -> memref<128x128xf32, #tpu.memory_space<hbm>>
    %dma_wait3A_235 = arith.constant 0 : i32
    %dma_wait3A_236 = tpu.memref_slice %arg4[%add3A_210, %dma_wait3A_235] : memref<425984x128xf32, #tpu.memory_space<hbm>> -> memref<128x128xf32, #tpu.memory_space<hbm>>
    tpu.wait_dma2 semaphore(%arg18 : memref<!tpu.dma_semaphore, #tpu.memory_space<semaphore_mem>>) src(%arg6 : memref<128x128xf32, #tpu.memory_space<vmem>>) dst(%dma_wait3A_236 : memref<128x128xf32, #tpu.memory_space<hbm>>)
    %add3A_237 = arith.constant 0 : i32
    %add3A_238 = arith.addi %mul3A_2, %add3A_237 : i32
    %dma_start3A_239 = tpu.memref_slice %arg2[%add3A_238, %multiple_of3A_16] : memref<16384x3328xf32, #tpu.memory_space<hbm>> -> memref<128x128xf32, #tpu.memory_space<hbm>>
    %dma_start3A_240 = tpu.memref_slice %arg2[%add3A_238, %multiple_of3A_16] : memref<16384x3328xf32, #tpu.memory_space<hbm>> -> memref<128x128xf32, #tpu.memory_space<hbm>>
    tpu.enqueue_dma source(%dma_start3A_240 : memref<128x128xf32, #tpu.memory_space<hbm>>) target(%arg6 : memref<128x128xf32, #tpu.memory_space<vmem>>) target_semaphore(%arg12 : memref<!tpu.dma_semaphore, #tpu.memory_space<semaphore_mem>>)
    %dma_wait3A_241 = tpu.memref_slice %arg2[%add3A_166, %multiple_of3A_13] : memref<16384x3328xf32, #tpu.memory_space<hbm>> -> memref<128x128xf32, #tpu.memory_space<hbm>>
    %dma_wait3A_242 = tpu.memref_slice %arg2[%add3A_166, %multiple_of3A_13] : memref<16384x3328xf32, #tpu.memory_space<hbm>> -> memref<128x128xf32, #tpu.memory_space<hbm>>
    tpu.wait_dma2 semaphore(%arg14 : memref<!tpu.dma_semaphore, #tpu.memory_space<semaphore_mem>>) src(%dma_wait3A_242 : memref<128x128xf32, #tpu.memory_space<hbm>>) dst(%arg8 : memref<128x128xf32, #tpu.memory_space<vmem>>)
    %add3A_243 = arith.constant 32768 : i32
    %add3A_244 = arith.addi %add3A_243, %mul3A_2 : i32
    %add3A_245 = arith.constant 0 : i32
    %add3A_246 = arith.addi %add3A_244, %add3A_245 : i32
    %dma_start3A_247 = arith.constant 0 : i32
    %dma_start3A_248 = tpu.memref_slice %arg4[%add3A_246, %dma_start3A_247] : memref<425984x128xf32, #tpu.memory_space<hbm>> -> memref<128x128xf32, #tpu.memory_space<hbm>>
    %dma_start3A_249 = arith.constant 0 : i32
    %dma_start3A_250 = tpu.memref_slice %arg4[%add3A_246, %dma_start3A_249] : memref<425984x128xf32, #tpu.memory_space<hbm>> -> memref<128x128xf32, #tpu.memory_space<hbm>>
    tpu.enqueue_dma source(%arg8 : memref<128x128xf32, #tpu.memory_space<vmem>>) target(%dma_start3A_250 : memref<128x128xf32, #tpu.memory_space<hbm>>) target_semaphore(%arg20 : memref<!tpu.dma_semaphore, #tpu.memory_space<semaphore_mem>>)
    %dma_wait3A_251 = arith.constant 0 : i32
    %dma_wait3A_252 = tpu.memref_slice %arg4[%add3A_228, %dma_wait3A_251] : memref<425984x128xf32, #tpu.memory_space<hbm>> -> memref<128x128xf32, #tpu.memory_space<hbm>>
    %dma_wait3A_253 = arith.constant 0 : i32
    %dma_wait3A_254 = tpu.memref_slice %arg4[%add3A_228, %dma_wait3A_253] : memref<425984x128xf32, #tpu.memory_space<hbm>> -> memref<128x128xf32, #tpu.memory_space<hbm>>
    tpu.wait_dma2 semaphore(%arg19 : memref<!tpu.dma_semaphore, #tpu.memory_space<semaphore_mem>>) src(%arg7 : memref<128x128xf32, #tpu.memory_space<vmem>>) dst(%dma_wait3A_254 : memref<128x128xf32, #tpu.memory_space<hbm>>)
    %add3A_255 = arith.constant 128 : i32
    %add3A_256 = arith.addi %mul3A_2, %add3A_255 : i32
    %dma_start3A_257 = tpu.memref_slice %arg2[%add3A_256, %multiple_of3A_16] : memref<16384x3328xf32, #tpu.memory_space<hbm>> -> memref<128x128xf32, #tpu.memory_space<hbm>>
    %dma_start3A_258 = tpu.memref_slice %arg2[%add3A_256, %multiple_of3A_16] : memref<16384x3328xf32, #tpu.memory_space<hbm>> -> memref<128x128xf32, #tpu.memory_space<hbm>>
    tpu.enqueue_dma source(%dma_start3A_258 : memref<128x128xf32, #tpu.memory_space<hbm>>) target(%arg7 : memref<128x128xf32, #tpu.memory_space<vmem>>) target_semaphore(%arg13 : memref<!tpu.dma_semaphore, #tpu.memory_space<semaphore_mem>>)
    %dma_wait3A_259 = tpu.memref_slice %arg2[%add3A_184, %multiple_of3A_13] : memref<16384x3328xf32, #tpu.memory_space<hbm>> -> memref<128x128xf32, #tpu.memory_space<hbm>>
    %dma_wait3A_260 = tpu.memref_slice %arg2[%add3A_184, %multiple_of3A_13] : memref<16384x3328xf32, #tpu.memory_space<hbm>> -> memref<128x128xf32, #tpu.memory_space<hbm>>
    tpu.wait_dma2 semaphore(%arg15 : memref<!tpu.dma_semaphore, #tpu.memory_space<semaphore_mem>>) src(%dma_wait3A_260 : memref<128x128xf32, #tpu.memory_space<hbm>>) dst(%arg9 : memref<128x128xf32, #tpu.memory_space<vmem>>)
    %add3A_261 = arith.constant 32768 : i32
    %add3A_262 = arith.addi %add3A_261, %mul3A_2 : i32
    %add3A_263 = arith.constant 128 : i32
    %add3A_264 = arith.addi %add3A_262, %add3A_263 : i32
    %dma_start3A_265 = arith.constant 0 : i32
    %dma_start3A_266 = tpu.memref_slice %arg4[%add3A_264, %dma_start3A_265] : memref<425984x128xf32, #tpu.memory_space<hbm>> -> memref<128x128xf32, #tpu.memory_space<hbm>>
    %dma_start3A_267 = arith.constant 0 : i32
    %dma_start3A_268 = tpu.memref_slice %arg4[%add3A_264, %dma_start3A_267] : memref<425984x128xf32, #tpu.memory_space<hbm>> -> memref<128x128xf32, #tpu.memory_space<hbm>>
    tpu.enqueue_dma source(%arg9 : memref<128x128xf32, #tpu.memory_space<vmem>>) target(%dma_start3A_268 : memref<128x128xf32, #tpu.memory_space<hbm>>) target_semaphore(%arg21 : memref<!tpu.dma_semaphore, #tpu.memory_space<semaphore_mem>>)
    %dma_wait3A_269 = arith.constant 0 : i32
    %dma_wait3A_270 = tpu.memref_slice %arg4[%add3A_246, %dma_wait3A_269] : memref<425984x128xf32, #tpu.memory_space<hbm>> -> memref<128x128xf32, #tpu.memory_space<hbm>>
    %dma_wait3A_271 = arith.constant 0 : i32
    %dma_wait3A_272 = tpu.memref_slice %arg4[%add3A_246, %dma_wait3A_271] : memref<425984x128xf32, #tpu.memory_space<hbm>> -> memref<128x128xf32, #tpu.memory_space<hbm>>
    tpu.wait_dma2 semaphore(%arg20 : memref<!tpu.dma_semaphore, #tpu.memory_space<semaphore_mem>>) src(%arg8 : memref<128x128xf32, #tpu.memory_space<vmem>>) dst(%dma_wait3A_272 : memref<128x128xf32, #tpu.memory_space<hbm>>)
    %add3A_273 = arith.constant 256 : i32
    %add3A_274 = arith.addi %mul3A_2, %add3A_273 : i32
    %dma_start3A_275 = tpu.memref_slice %arg2[%add3A_274, %multiple_of3A_16] : memref<16384x3328xf32, #tpu.memory_space<hbm>> -> memref<128x128xf32, #tpu.memory_space<hbm>>
    %dma_start3A_276 = tpu.memref_slice %arg2[%add3A_274, %multiple_of3A_16] : memref<16384x3328xf32, #tpu.memory_space<hbm>> -> memref<128x128xf32, #tpu.memory_space<hbm>>
    tpu.enqueue_dma source(%dma_start3A_276 : memref<128x128xf32, #tpu.memory_space<hbm>>) target(%arg8 : memref<128x128xf32, #tpu.memory_space<vmem>>) target_semaphore(%arg14 : memref<!tpu.dma_semaphore, #tpu.memory_space<semaphore_mem>>)
    %dma_wait3A_277 = tpu.memref_slice %arg2[%add3A_202, %multiple_of3A_13] : memref<16384x3328xf32, #tpu.memory_space<hbm>> -> memref<128x128xf32, #tpu.memory_space<hbm>>
    %dma_wait3A_278 = tpu.memref_slice %arg2[%add3A_202, %multiple_of3A_13] : memref<16384x3328xf32, #tpu.memory_space<hbm>> -> memref<128x128xf32, #tpu.memory_space<hbm>>
    tpu.wait_dma2 semaphore(%arg16 : memref<!tpu.dma_semaphore, #tpu.memory_space<semaphore_mem>>) src(%dma_wait3A_278 : memref<128x128xf32, #tpu.memory_space<hbm>>) dst(%arg10 : memref<128x128xf32, #tpu.memory_space<vmem>>)
    %add3A_279 = arith.constant 32768 : i32
    %add3A_280 = arith.addi %add3A_279, %mul3A_2 : i32
    %add3A_281 = arith.constant 256 : i32
    %add3A_282 = arith.addi %add3A_280, %add3A_281 : i32
    %dma_start3A_283 = arith.constant 0 : i32
    %dma_start3A_284 = tpu.memref_slice %arg4[%add3A_282, %dma_start3A_283] : memref<425984x128xf32, #tpu.memory_space<hbm>> -> memref<128x128xf32, #tpu.memory_space<hbm>>
    %dma_start3A_285 = arith.constant 0 : i32
    %dma_start3A_286 = tpu.memref_slice %arg4[%add3A_282, %dma_start3A_285] : memref<425984x128xf32, #tpu.memory_space<hbm>> -> memref<128x128xf32, #tpu.memory_space<hbm>>
    tpu.enqueue_dma source(%arg10 : memref<128x128xf32, #tpu.memory_space<vmem>>) target(%dma_start3A_286 : memref<128x128xf32, #tpu.memory_space<hbm>>) target_semaphore(%arg22 : memref<!tpu.dma_semaphore, #tpu.memory_space<semaphore_mem>>)
    %dma_wait3A_287 = arith.constant 0 : i32
    %dma_wait3A_288 = tpu.memref_slice %arg4[%add3A_264, %dma_wait3A_287] : memref<425984x128xf32, #tpu.memory_space<hbm>> -> memref<128x128xf32, #tpu.memory_space<hbm>>
    %dma_wait3A_289 = arith.constant 0 : i32
    %dma_wait3A_290 = tpu.memref_slice %arg4[%add3A_264, %dma_wait3A_289] : memref<425984x128xf32, #tpu.memory_space<hbm>> -> memref<128x128xf32, #tpu.memory_space<hbm>>
    tpu.wait_dma2 semaphore(%arg21 : memref<!tpu.dma_semaphore, #tpu.memory_space<semaphore_mem>>) src(%arg9 : memref<128x128xf32, #tpu.memory_space<vmem>>) dst(%dma_wait3A_290 : memref<128x128xf32, #tpu.memory_space<hbm>>)
    %add3A_291 = arith.constant 384 : i32
    %add3A_292 = arith.addi %mul3A_2, %add3A_291 : i32
    %dma_start3A_293 = tpu.memref_slice %arg2[%add3A_292, %multiple_of3A_16] : memref<16384x3328xf32, #tpu.memory_space<hbm>> -> memref<128x128xf32, #tpu.memory_space<hbm>>
    %dma_start3A_294 = tpu.memref_slice %arg2[%add3A_292, %multiple_of3A_16] : memref<16384x3328xf32, #tpu.memory_space<hbm>> -> memref<128x128xf32, #tpu.memory_space<hbm>>
    tpu.enqueue_dma source(%dma_start3A_294 : memref<128x128xf32, #tpu.memory_space<hbm>>) target(%arg9 : memref<128x128xf32, #tpu.memory_space<vmem>>) target_semaphore(%arg15 : memref<!tpu.dma_semaphore, #tpu.memory_space<semaphore_mem>>)
    %dma_wait3A_295 = tpu.memref_slice %arg2[%add3A_220, %multiple_of3A_13] : memref<16384x3328xf32, #tpu.memory_space<hbm>> -> memref<128x128xf32, #tpu.memory_space<hbm>>
    %dma_wait3A_296 = tpu.memref_slice %arg2[%add3A_220, %multiple_of3A_13] : memref<16384x3328xf32, #tpu.memory_space<hbm>> -> memref<128x128xf32, #tpu.memory_space<hbm>>
    tpu.wait_dma2 semaphore(%arg17 : memref<!tpu.dma_semaphore, #tpu.memory_space<semaphore_mem>>) src(%dma_wait3A_296 : memref<128x128xf32, #tpu.memory_space<hbm>>) dst(%arg11 : memref<128x128xf32, #tpu.memory_space<vmem>>)
    %add3A_297 = arith.constant 32768 : i32
    %add3A_298 = arith.addi %add3A_297, %mul3A_2 : i32
    %add3A_299 = arith.constant 384 : i32
    %add3A_300 = arith.addi %add3A_298, %add3A_299 : i32
    %dma_start3A_301 = arith.constant 0 : i32
    %dma_start3A_302 = tpu.memref_slice %arg4[%add3A_300, %dma_start3A_301] : memref<425984x128xf32, #tpu.memory_space<hbm>> -> memref<128x128xf32, #tpu.memory_space<hbm>>
    %dma_start3A_303 = arith.constant 0 : i32
    %dma_start3A_304 = tpu.memref_slice %arg4[%add3A_300, %dma_start3A_303] : memref<425984x128xf32, #tpu.memory_space<hbm>> -> memref<128x128xf32, #tpu.memory_space<hbm>>
    tpu.enqueue_dma source(%arg11 : memref<128x128xf32, #tpu.memory_space<vmem>>) target(%dma_start3A_304 : memref<128x128xf32, #tpu.memory_space<hbm>>) target_semaphore(%arg23 : memref<!tpu.dma_semaphore, #tpu.memory_space<semaphore_mem>>)
    %dma_wait3A_305 = arith.constant 0 : i32
    %dma_wait3A_306 = tpu.memref_slice %arg4[%add3A_282, %dma_wait3A_305] : memref<425984x128xf32, #tpu.memory_space<hbm>> -> memref<128x128xf32, #tpu.memory_space<hbm>>
    %dma_wait3A_307 = arith.constant 0 : i32
    %dma_wait3A_308 = tpu.memref_slice %arg4[%add3A_282, %dma_wait3A_307] : memref<425984x128xf32, #tpu.memory_space<hbm>> -> memref<128x128xf32, #tpu.memory_space<hbm>>
    tpu.wait_dma2 semaphore(%arg22 : memref<!tpu.dma_semaphore, #tpu.memory_space<semaphore_mem>>) src(%arg10 : memref<128x128xf32, #tpu.memory_space<vmem>>) dst(%dma_wait3A_308 : memref<128x128xf32, #tpu.memory_space<hbm>>)
    %add3A_309 = arith.constant 0 : i32
    %add3A_310 = arith.addi %mul3A_2, %add3A_309 : i32
    %dma_start3A_311 = tpu.memref_slice %arg2[%add3A_310, %multiple_of3A_19] : memref<16384x3328xf32, #tpu.memory_space<hbm>> -> memref<128x128xf32, #tpu.memory_space<hbm>>
    %dma_start3A_312 = tpu.memref_slice %arg2[%add3A_310, %multiple_of3A_19] : memref<16384x3328xf32, #tpu.memory_space<hbm>> -> memref<128x128xf32, #tpu.memory_space<hbm>>
    tpu.enqueue_dma source(%dma_start3A_312 : memref<128x128xf32, #tpu.memory_space<hbm>>) target(%arg10 : memref<128x128xf32, #tpu.memory_space<vmem>>) target_semaphore(%arg16 : memref<!tpu.dma_semaphore, #tpu.memory_space<semaphore_mem>>)
    %dma_wait3A_313 = tpu.memref_slice %arg2[%add3A_238, %multiple_of3A_16] : memref<16384x3328xf32, #tpu.memory_space<hbm>> -> memref<128x128xf32, #tpu.memory_space<hbm>>
    %dma_wait3A_314 = tpu.memref_slice %arg2[%add3A_238, %multiple_of3A_16] : memref<16384x3328xf32, #tpu.memory_space<hbm>> -> memref<128x128xf32, #tpu.memory_space<hbm>>
    tpu.wait_dma2 semaphore(%arg12 : memref<!tpu.dma_semaphore, #tpu.memory_space<semaphore_mem>>) src(%dma_wait3A_314 : memref<128x128xf32, #tpu.memory_space<hbm>>) dst(%arg6 : memref<128x128xf32, #tpu.memory_space<vmem>>)
    %add3A_315 = arith.constant 49152 : i32
    %add3A_316 = arith.addi %add3A_315, %mul3A_2 : i32
    %add3A_317 = arith.constant 0 : i32
    %add3A_318 = arith.addi %add3A_316, %add3A_317 : i32
    %dma_start3A_319 = arith.constant 0 : i32
    %dma_start3A_320 = tpu.memref_slice %arg4[%add3A_318, %dma_start3A_319] : memref<425984x128xf32, #tpu.memory_space<hbm>> -> memref<128x128xf32, #tpu.memory_space<hbm>>
    %dma_start3A_321 = arith.constant 0 : i32
    %dma_start3A_322 = tpu.memref_slice %arg4[%add3A_318, %dma_start3A_321] : memref<425984x128xf32, #tpu.memory_space<hbm>> -> memref<128x128xf32, #tpu.memory_space<hbm>>
    tpu.enqueue_dma source(%arg6 : memref<128x128xf32, #tpu.memory_space<vmem>>) target(%dma_start3A_322 : memref<128x128xf32, #tpu.memory_space<hbm>>) target_semaphore(%arg18 : memref<!tpu.dma_semaphore, #tpu.memory_space<semaphore_mem>>)
    %dma_wait3A_323 = arith.constant 0 : i32
    %dma_wait3A_324 = tpu.memref_slice %arg4[%add3A_300, %dma_wait3A_323] : memref<425984x128xf32, #tpu.memory_space<hbm>> -> memref<128x128xf32, #tpu.memory_space<hbm>>
    %dma_wait3A_325 = arith.constant 0 : i32
    %dma_wait3A_326 = tpu.memref_slice %arg4[%add3A_300, %dma_wait3A_325] : memref<425984x128xf32, #tpu.memory_space<hbm>> -> memref<128x128xf32, #tpu.memory_space<hbm>>
    tpu.wait_dma2 semaphore(%arg23 : memref<!tpu.dma_semaphore, #tpu.memory_space<semaphore_mem>>) src(%arg11 : memref<128x128xf32, #tpu.memory_space<vmem>>) dst(%dma_wait3A_326 : memref<128x128xf32, #tpu.memory_space<hbm>>)
    %add3A_327 = arith.constant 128 : i32
    %add3A_328 = arith.addi %mul3A_2, %add3A_327 : i32
    %dma_start3A_329 = tpu.memref_slice %arg2[%add3A_328, %multiple_of3A_19] : memref<16384x3328xf32, #tpu.memory_space<hbm>> -> memref<128x128xf32, #tpu.memory_space<hbm>>
    %dma_start3A_330 = tpu.memref_slice %arg2[%add3A_328, %multiple_of3A_19] : memref<16384x3328xf32, #tpu.memory_space<hbm>> -> memref<128x128xf32, #tpu.memory_space<hbm>>
    tpu.enqueue_dma source(%dma_start3A_330 : memref<128x128xf32, #tpu.memory_space<hbm>>) target(%arg11 : memref<128x128xf32, #tpu.memory_space<vmem>>) target_semaphore(%arg17 : memref<!tpu.dma_semaphore, #tpu.memory_space<semaphore_mem>>)
    %dma_wait3A_331 = tpu.memref_slice %arg2[%add3A_256, %multiple_of3A_16] : memref<16384x3328xf32, #tpu.memory_space<hbm>> -> memref<128x128xf32, #tpu.memory_space<hbm>>
    %dma_wait3A_332 = tpu.memref_slice %arg2[%add3A_256, %multiple_of3A_16] : memref<16384x3328xf32, #tpu.memory_space<hbm>> -> memref<128x128xf32, #tpu.memory_space<hbm>>
    tpu.wait_dma2 semaphore(%arg13 : memref<!tpu.dma_semaphore, #tpu.memory_space<semaphore_mem>>) src(%dma_wait3A_332 : memref<128x128xf32, #tpu.memory_space<hbm>>) dst(%arg7 : memref<128x128xf32, #tpu.memory_space<vmem>>)
    %add3A_333 = arith.constant 49152 : i32
    %add3A_334 = arith.addi %add3A_333, %mul3A_2 : i32
    %add3A_335 = arith.constant 128 : i32
    %add3A_336 = arith.addi %add3A_334, %add3A_335 : i32
    %dma_start3A_337 = arith.constant 0 : i32
    %dma_start3A_338 = tpu.memref_slice %arg4[%add3A_336, %dma_start3A_337] : memref<425984x128xf32, #tpu.memory_space<hbm>> -> memref<128x128xf32, #tpu.memory_space<hbm>>
    %dma_start3A_339 = arith.constant 0 : i32
    %dma_start3A_340 = tpu.memref_slice %arg4[%add3A_336, %dma_start3A_339] : memref<425984x128xf32, #tpu.memory_space<hbm>> -> memref<128x128xf32, #tpu.memory_space<hbm>>
    tpu.enqueue_dma source(%arg7 : memref<128x128xf32, #tpu.memory_space<vmem>>) target(%dma_start3A_340 : memref<128x128xf32, #tpu.memory_space<hbm>>) target_semaphore(%arg19 : memref<!tpu.dma_semaphore, #tpu.memory_space<semaphore_mem>>)
    %dma_wait3A_341 = arith.constant 0 : i32
    %dma_wait3A_342 = tpu.memref_slice %arg4[%add3A_318, %dma_wait3A_341] : memref<425984x128xf32, #tpu.memory_space<hbm>> -> memref<128x128xf32, #tpu.memory_space<hbm>>
    %dma_wait3A_343 = arith.constant 0 : i32
    %dma_wait3A_344 = tpu.memref_slice %arg4[%add3A_318, %dma_wait3A_343] : memref<425984x128xf32, #tpu.memory_space<hbm>> -> memref<128x128xf32, #tpu.memory_space<hbm>>
    tpu.wait_dma2 semaphore(%arg18 : memref<!tpu.dma_semaphore, #tpu.memory_space<semaphore_mem>>) src(%arg6 : memref<128x128xf32, #tpu.memory_space<vmem>>) dst(%dma_wait3A_344 : memref<128x128xf32, #tpu.memory_space<hbm>>)
    %add3A_345 = arith.constant 256 : i32
    %add3A_346 = arith.addi %mul3A_2, %add3A_345 : i32
    %dma_start3A_347 = tpu.memref_slice %arg2[%add3A_346, %multiple_of3A_19] : memref<16384x3328xf32, #tpu.memory_space<hbm>> -> memref<128x128xf32, #tpu.memory_space<hbm>>
    %dma_start3A_348 = tpu.memref_slice %arg2[%add3A_346, %multiple_of3A_19] : memref<16384x3328xf32, #tpu.memory_space<hbm>> -> memref<128x128xf32, #tpu.memory_space<hbm>>
    tpu.enqueue_dma source(%dma_start3A_348 : memref<128x128xf32, #tpu.memory_space<hbm>>) target(%arg6 : memref<128x128xf32, #tpu.memory_space<vmem>>) target_semaphore(%arg12 : memref<!tpu.dma_semaphore, #tpu.memory_space<semaphore_mem>>)
    %dma_wait3A_349 = tpu.memref_slice %arg2[%add3A_274, %multiple_of3A_16] : memref<16384x3328xf32, #tpu.memory_space<hbm>> -> memref<128x128xf32, #tpu.memory_space<hbm>>
    %dma_wait3A_350 = tpu.memref_slice %arg2[%add3A_274, %multiple_of3A_16] : memref<16384x3328xf32, #tpu.memory_space<hbm>> -> memref<128x128xf32, #tpu.memory_space<hbm>>
    tpu.wait_dma2 semaphore(%arg14 : memref<!tpu.dma_semaphore, #tpu.memory_space<semaphore_mem>>) src(%dma_wait3A_350 : memref<128x128xf32, #tpu.memory_space<hbm>>) dst(%arg8 : memref<128x128xf32, #tpu.memory_space<vmem>>)
    %add3A_351 = arith.constant 49152 : i32
    %add3A_352 = arith.addi %add3A_351, %mul3A_2 : i32
    %add3A_353 = arith.constant 256 : i32
    %add3A_354 = arith.addi %add3A_352, %add3A_353 : i32
    %dma_start3A_355 = arith.constant 0 : i32
    %dma_start3A_356 = tpu.memref_slice %arg4[%add3A_354, %dma_start3A_355] : memref<425984x128xf32, #tpu.memory_space<hbm>> -> memref<128x128xf32, #tpu.memory_space<hbm>>
    %dma_start3A_357 = arith.constant 0 : i32
    %dma_start3A_358 = tpu.memref_slice %arg4[%add3A_354, %dma_start3A_357] : memref<425984x128xf32, #tpu.memory_space<hbm>> -> memref<128x128xf32, #tpu.memory_space<hbm>>
    tpu.enqueue_dma source(%arg8 : memref<128x128xf32, #tpu.memory_space<vmem>>) target(%dma_start3A_358 : memref<128x128xf32, #tpu.memory_space<hbm>>) target_semaphore(%arg20 : memref<!tpu.dma_semaphore, #tpu.memory_space<semaphore_mem>>)
    %dma_wait3A_359 = arith.constant 0 : i32
    %dma_wait3A_360 = tpu.memref_slice %arg4[%add3A_336, %dma_wait3A_359] : memref<425984x128xf32, #tpu.memory_space<hbm>> -> memref<128x128xf32, #tpu.memory_space<hbm>>
    %dma_wait3A_361 = arith.constant 0 : i32
    %dma_wait3A_362 = tpu.memref_slice %arg4[%add3A_336, %dma_wait3A_361] : memref<425984x128xf32, #tpu.memory_space<hbm>> -> memref<128x128xf32, #tpu.memory_space<hbm>>
    tpu.wait_dma2 semaphore(%arg19 : memref<!tpu.dma_semaphore, #tpu.memory_space<semaphore_mem>>) src(%arg7 : memref<128x128xf32, #tpu.memory_space<vmem>>) dst(%dma_wait3A_362 : memref<128x128xf32, #tpu.memory_space<hbm>>)
    %add3A_363 = arith.constant 384 : i32
    %add3A_364 = arith.addi %mul3A_2, %add3A_363 : i32
    %dma_start3A_365 = tpu.memref_slice %arg2[%add3A_364, %multiple_of3A_19] : memref<16384x3328xf32, #tpu.memory_space<hbm>> -> memref<128x128xf32, #tpu.memory_space<hbm>>
    %dma_start3A_366 = tpu.memref_slice %arg2[%add3A_364, %multiple_of3A_19] : memref<16384x3328xf32, #tpu.memory_space<hbm>> -> memref<128x128xf32, #tpu.memory_space<hbm>>
    tpu.enqueue_dma source(%dma_start3A_366 : memref<128x128xf32, #tpu.memory_space<hbm>>) target(%arg7 : memref<128x128xf32, #tpu.memory_space<vmem>>) target_semaphore(%arg13 : memref<!tpu.dma_semaphore, #tpu.memory_space<semaphore_mem>>)
    %dma_wait3A_367 = tpu.memref_slice %arg2[%add3A_292, %multiple_of3A_16] : memref<16384x3328xf32, #tpu.memory_space<hbm>> -> memref<128x128xf32, #tpu.memory_space<hbm>>
    %dma_wait3A_368 = tpu.memref_slice %arg2[%add3A_292, %multiple_of3A_16] : memref<16384x3328xf32, #tpu.memory_space<hbm>> -> memref<128x128xf32, #tpu.memory_space<hbm>>
    tpu.wait_dma2 semaphore(%arg15 : memref<!tpu.dma_semaphore, #tpu.memory_space<semaphore_mem>>) src(%dma_wait3A_368 : memref<128x128xf32, #tpu.memory_space<hbm>>) dst(%arg9 : memref<128x128xf32, #tpu.memory_space<vmem>>)
    %add3A_369 = arith.constant 49152 : i32
    %add3A_370 = arith.addi %add3A_369, %mul3A_2 : i32
    %add3A_371 = arith.constant 384 : i32
    %add3A_372 = arith.addi %add3A_370, %add3A_371 : i32
    %dma_start3A_373 = arith.constant 0 : i32
    %dma_start3A_374 = tpu.memref_slice %arg4[%add3A_372, %dma_start3A_373] : memref<425984x128xf32, #tpu.memory_space<hbm>> -> memref<128x128xf32, #tpu.memory_space<hbm>>
    %dma_start3A_375 = arith.constant 0 : i32
    %dma_start3A_376 = tpu.memref_slice %arg4[%add3A_372, %dma_start3A_375] : memref<425984x128xf32, #tpu.memory_space<hbm>> -> memref<128x128xf32, #tpu.memory_space<hbm>>
    tpu.enqueue_dma source(%arg9 : memref<128x128xf32, #tpu.memory_space<vmem>>) target(%dma_start3A_376 : memref<128x128xf32, #tpu.memory_space<hbm>>) target_semaphore(%arg21 : memref<!tpu.dma_semaphore, #tpu.memory_space<semaphore_mem>>)
    %dma_wait3A_377 = arith.constant 0 : i32
    %dma_wait3A_378 = tpu.memref_slice %arg4[%add3A_354, %dma_wait3A_377] : memref<425984x128xf32, #tpu.memory_space<hbm>> -> memref<128x128xf32, #tpu.memory_space<hbm>>
    %dma_wait3A_379 = arith.constant 0 : i32
    %dma_wait3A_380 = tpu.memref_slice %arg4[%add3A_354, %dma_wait3A_379] : memref<425984x128xf32, #tpu.memory_space<hbm>> -> memref<128x128xf32, #tpu.memory_space<hbm>>
    tpu.wait_dma2 semaphore(%arg20 : memref<!tpu.dma_semaphore, #tpu.memory_space<semaphore_mem>>) src(%arg8 : memref<128x128xf32, #tpu.memory_space<vmem>>) dst(%dma_wait3A_380 : memref<128x128xf32, #tpu.memory_space<hbm>>)
    %add3A_381 = arith.constant 0 : i32
    %add3A_382 = arith.addi %mul3A_2, %add3A_381 : i32
    %dma_start3A_383 = tpu.memref_slice %arg2[%add3A_382, %multiple_of3A_22] : memref<16384x3328xf32, #tpu.memory_space<hbm>> -> memref<128x128xf32, #tpu.memory_space<hbm>>
    %dma_start3A_384 = tpu.memref_slice %arg2[%add3A_382, %multiple_of3A_22] : memref<16384x3328xf32, #tpu.memory_space<hbm>> -> memref<128x128xf32, #tpu.memory_space<hbm>>
    tpu.enqueue_dma source(%dma_start3A_384 : memref<128x128xf32, #tpu.memory_space<hbm>>) target(%arg8 : memref<128x128xf32, #tpu.memory_space<vmem>>) target_semaphore(%arg14 : memref<!tpu.dma_semaphore, #tpu.memory_space<semaphore_mem>>)
    %dma_wait3A_385 = tpu.memref_slice %arg2[%add3A_310, %multiple_of3A_19] : memref<16384x3328xf32, #tpu.memory_space<hbm>> -> memref<128x128xf32, #tpu.memory_space<hbm>>
    %dma_wait3A_386 = tpu.memref_slice %arg2[%add3A_310, %multiple_of3A_19] : memref<16384x3328xf32, #tpu.memory_space<hbm>> -> memref<128x128xf32, #tpu.memory_space<hbm>>
    tpu.wait_dma2 semaphore(%arg16 : memref<!tpu.dma_semaphore, #tpu.memory_space<semaphore_mem>>) src(%dma_wait3A_386 : memref<128x128xf32, #tpu.memory_space<hbm>>) dst(%arg10 : memref<128x128xf32, #tpu.memory_space<vmem>>)
    %add3A_387 = arith.constant 65536 : i32
    %add3A_388 = arith.addi %add3A_387, %mul3A_2 : i32
    %add3A_389 = arith.constant 0 : i32
    %add3A_390 = arith.addi %add3A_388, %add3A_389 : i32
    %dma_start3A_391 = arith.constant 0 : i32
    %dma_start3A_392 = tpu.memref_slice %arg4[%add3A_390, %dma_start3A_391] : memref<425984x128xf32, #tpu.memory_space<hbm>> -> memref<128x128xf32, #tpu.memory_space<hbm>>
    %dma_start3A_393 = arith.constant 0 : i32
    %dma_start3A_394 = tpu.memref_slice %arg4[%add3A_390, %dma_start3A_393] : memref<425984x128xf32, #tpu.memory_space<hbm>> -> memref<128x128xf32, #tpu.memory_space<hbm>>
    tpu.enqueue_dma source(%arg10 : memref<128x128xf32, #tpu.memory_space<vmem>>) target(%dma_start3A_394 : memref<128x128xf32, #tpu.memory_space<hbm>>) target_semaphore(%arg22 : memref<!tpu.dma_semaphore, #tpu.memory_space<semaphore_mem>>)
    %dma_wait3A_395 = arith.constant 0 : i32
    %dma_wait3A_396 = tpu.memref_slice %arg4[%add3A_372, %dma_wait3A_395] : memref<425984x128xf32, #tpu.memory_space<hbm>> -> memref<128x128xf32, #tpu.memory_space<hbm>>
    %dma_wait3A_397 = arith.constant 0 : i32
    %dma_wait3A_398 = tpu.memref_slice %arg4[%add3A_372, %dma_wait3A_397] : memref<425984x128xf32, #tpu.memory_space<hbm>> -> memref<128x128xf32, #tpu.memory_space<hbm>>
    tpu.wait_dma2 semaphore(%arg21 : memref<!tpu.dma_semaphore, #tpu.memory_space<semaphore_mem>>) src(%arg9 : memref<128x128xf32, #tpu.memory_space<vmem>>) dst(%dma_wait3A_398 : memref<128x128xf32, #tpu.memory_space<hbm>>)
    %add3A_399 = arith.constant 128 : i32
    %add3A_400 = arith.addi %mul3A_2, %add3A_399 : i32
    %dma_start3A_401 = tpu.memref_slice %arg2[%add3A_400, %multiple_of3A_22] : memref<16384x3328xf32, #tpu.memory_space<hbm>> -> memref<128x128xf32, #tpu.memory_space<hbm>>
    %dma_start3A_402 = tpu.memref_slice %arg2[%add3A_400, %multiple_of3A_22] : memref<16384x3328xf32, #tpu.memory_space<hbm>> -> memref<128x128xf32, #tpu.memory_space<hbm>>
    tpu.enqueue_dma source(%dma_start3A_402 : memref<128x128xf32, #tpu.memory_space<hbm>>) target(%arg9 : memref<128x128xf32, #tpu.memory_space<vmem>>) target_semaphore(%arg15 : memref<!tpu.dma_semaphore, #tpu.memory_space<semaphore_mem>>)
    %dma_wait3A_403 = tpu.memref_slice %arg2[%add3A_328, %multiple_of3A_19] : memref<16384x3328xf32, #tpu.memory_space<hbm>> -> memref<128x128xf32, #tpu.memory_space<hbm>>
    %dma_wait3A_404 = tpu.memref_slice %arg2[%add3A_328, %multiple_of3A_19] : memref<16384x3328xf32, #tpu.memory_space<hbm>> -> memref<128x128xf32, #tpu.memory_space<hbm>>
    tpu.wait_dma2 semaphore(%arg17 : memref<!tpu.dma_semaphore, #tpu.memory_space<semaphore_mem>>) src(%dma_wait3A_404 : memref<128x128xf32, #tpu.memory_space<hbm>>) dst(%arg11 : memref<128x128xf32, #tpu.memory_space<vmem>>)
    %add3A_405 = arith.constant 65536 : i32
    %add3A_406 = arith.addi %add3A_405, %mul3A_2 : i32
    %add3A_407 = arith.constant 128 : i32
    %add3A_408 = arith.addi %add3A_406, %add3A_407 : i32
    %dma_start3A_409 = arith.constant 0 : i32
    %dma_start3A_410 = tpu.memref_slice %arg4[%add3A_408, %dma_start3A_409] : memref<425984x128xf32, #tpu.memory_space<hbm>> -> memref<128x128xf32, #tpu.memory_space<hbm>>
    %dma_start3A_411 = arith.constant 0 : i32
    %dma_start3A_412 = tpu.memref_slice %arg4[%add3A_408, %dma_start3A_411] : memref<425984x128xf32, #tpu.memory_space<hbm>> -> memref<128x128xf32, #tpu.memory_space<hbm>>
    tpu.enqueue_dma source(%arg11 : memref<128x128xf32, #tpu.memory_space<vmem>>) target(%dma_start3A_412 : memref<128x128xf32, #tpu.memory_space<hbm>>) target_semaphore(%arg23 : memref<!tpu.dma_semaphore, #tpu.memory_space<semaphore_mem>>)
    %dma_wait3A_413 = arith.constant 0 : i32
    %dma_wait3A_414 = tpu.memref_slice %arg4[%add3A_390, %dma_wait3A_413] : memref<425984x128xf32, #tpu.memory_space<hbm>> -> memref<128x128xf32, #tpu.memory_space<hbm>>
    %dma_wait3A_415 = arith.constant 0 : i32
    %dma_wait3A_416 = tpu.memref_slice %arg4[%add3A_390, %dma_wait3A_415] : memref<425984x128xf32, #tpu.memory_space<hbm>> -> memref<128x128xf32, #tpu.memory_space<hbm>>
    tpu.wait_dma2 semaphore(%arg22 : memref<!tpu.dma_semaphore, #tpu.memory_space<semaphore_mem>>) src(%arg10 : memref<128x128xf32, #tpu.memory_space<vmem>>) dst(%dma_wait3A_416 : memref<128x128xf32, #tpu.memory_space<hbm>>)
    %add3A_417 = arith.constant 256 : i32
    %add3A_418 = arith.addi %mul3A_2, %add3A_417 : i32
    %dma_start3A_419 = tpu.memref_slice %arg2[%add3A_418, %multiple_of3A_22] : memref<16384x3328xf32, #tpu.memory_space<hbm>> -> memref<128x128xf32, #tpu.memory_space<hbm>>
    %dma_start3A_420 = tpu.memref_slice %arg2[%add3A_418, %multiple_of3A_22] : memref<16384x3328xf32, #tpu.memory_space<hbm>> -> memref<128x128xf32, #tpu.memory_space<hbm>>
    tpu.enqueue_dma source(%dma_start3A_420 : memref<128x128xf32, #tpu.memory_space<hbm>>) target(%arg10 : memref<128x128xf32, #tpu.memory_space<vmem>>) target_semaphore(%arg16 : memref<!tpu.dma_semaphore, #tpu.memory_space<semaphore_mem>>)
    %dma_wait3A_421 = tpu.memref_slice %arg2[%add3A_346, %multiple_of3A_19] : memref<16384x3328xf32, #tpu.memory_space<hbm>> -> memref<128x128xf32, #tpu.memory_space<hbm>>
    %dma_wait3A_422 = tpu.memref_slice %arg2[%add3A_346, %multiple_of3A_19] : memref<16384x3328xf32, #tpu.memory_space<hbm>> -> memref<128x128xf32, #tpu.memory_space<hbm>>
    tpu.wait_dma2 semaphore(%arg12 : memref<!tpu.dma_semaphore, #tpu.memory_space<semaphore_mem>>) src(%dma_wait3A_422 : memref<128x128xf32, #tpu.memory_space<hbm>>) dst(%arg6 : memref<128x128xf32, #tpu.memory_space<vmem>>)
    %add3A_423 = arith.constant 65536 : i32
    %add3A_424 = arith.addi %add3A_423, %mul3A_2 : i32
    %add3A_425 = arith.constant 256 : i32
    %add3A_426 = arith.addi %add3A_424, %add3A_425 : i32
    %dma_start3A_427 = arith.constant 0 : i32
    %dma_start3A_428 = tpu.memref_slice %arg4[%add3A_426, %dma_start3A_427] : memref<425984x128xf32, #tpu.memory_space<hbm>> -> memref<128x128xf32, #tpu.memory_space<hbm>>
    %dma_start3A_429 = arith.constant 0 : i32
    %dma_start3A_430 = tpu.memref_slice %arg4[%add3A_426, %dma_start3A_429] : memref<425984x128xf32, #tpu.memory_space<hbm>> -> memref<128x128xf32, #tpu.memory_space<hbm>>
    tpu.enqueue_dma source(%arg6 : memref<128x128xf32, #tpu.memory_space<vmem>>) target(%dma_start3A_430 : memref<128x128xf32, #tpu.memory_space<hbm>>) target_semaphore(%arg18 : memref<!tpu.dma_semaphore, #tpu.memory_space<semaphore_mem>>)
    %dma_wait3A_431 = arith.constant 0 : i32
    %dma_wait3A_432 = tpu.memref_slice %arg4[%add3A_408, %dma_wait3A_431] : memref<425984x128xf32, #tpu.memory_space<hbm>> -> memref<128x128xf32, #tpu.memory_space<hbm>>
    %dma_wait3A_433 = arith.constant 0 : i32
    %dma_wait3A_434 = tpu.memref_slice %arg4[%add3A_408, %dma_wait3A_433] : memref<425984x128xf32, #tpu.memory_space<hbm>> -> memref<128x128xf32, #tpu.memory_space<hbm>>
    tpu.wait_dma2 semaphore(%arg23 : memref<!tpu.dma_semaphore, #tpu.memory_space<semaphore_mem>>) src(%arg11 : memref<128x128xf32, #tpu.memory_space<vmem>>) dst(%dma_wait3A_434 : memref<128x128xf32, #tpu.memory_space<hbm>>)
    %add3A_435 = arith.constant 384 : i32
    %add3A_436 = arith.addi %mul3A_2, %add3A_435 : i32
    %dma_start3A_437 = tpu.memref_slice %arg2[%add3A_436, %multiple_of3A_22] : memref<16384x3328xf32, #tpu.memory_space<hbm>> -> memref<128x128xf32, #tpu.memory_space<hbm>>
    %dma_start3A_438 = tpu.memref_slice %arg2[%add3A_436, %multiple_of3A_22] : memref<16384x3328xf32, #tpu.memory_space<hbm>> -> memref<128x128xf32, #tpu.memory_space<hbm>>
    tpu.enqueue_dma source(%dma_start3A_438 : memref<128x128xf32, #tpu.memory_space<hbm>>) target(%arg11 : memref<128x128xf32, #tpu.memory_space<vmem>>) target_semaphore(%arg17 : memref<!tpu.dma_semaphore, #tpu.memory_space<semaphore_mem>>)
    %dma_wait3A_439 = tpu.memref_slice %arg2[%add3A_364, %multiple_of3A_19] : memref<16384x3328xf32, #tpu.memory_space<hbm>> -> memref<128x128xf32, #tpu.memory_space<hbm>>
    %dma_wait3A_440 = tpu.memref_slice %arg2[%add3A_364, %multiple_of3A_19] : memref<16384x3328xf32, #tpu.memory_space<hbm>> -> memref<128x128xf32, #tpu.memory_space<hbm>>
    tpu.wait_dma2 semaphore(%arg13 : memref<!tpu.dma_semaphore, #tpu.memory_space<semaphore_mem>>) src(%dma_wait3A_440 : memref<128x128xf32, #tpu.memory_space<hbm>>) dst(%arg7 : memref<128x128xf32, #tpu.memory_space<vmem>>)
    %add3A_441 = arith.constant 65536 : i32
    %add3A_442 = arith.addi %add3A_441, %mul3A_2 : i32
    %add3A_443 = arith.constant 384 : i32
    %add3A_444 = arith.addi %add3A_442, %add3A_443 : i32
    %dma_start3A_445 = arith.constant 0 : i32
    %dma_start3A_446 = tpu.memref_slice %arg4[%add3A_444, %dma_start3A_445] : memref<425984x128xf32, #tpu.memory_space<hbm>> -> memref<128x128xf32, #tpu.memory_space<hbm>>
    %dma_start3A_447 = arith.constant 0 : i32
    %dma_start3A_448 = tpu.memref_slice %arg4[%add3A_444, %dma_start3A_447] : memref<425984x128xf32, #tpu.memory_space<hbm>> -> memref<128x128xf32, #tpu.memory_space<hbm>>
    tpu.enqueue_dma source(%arg7 : memref<128x128xf32, #tpu.memory_space<vmem>>) target(%dma_start3A_448 : memref<128x128xf32, #tpu.memory_space<hbm>>) target_semaphore(%arg19 : memref<!tpu.dma_semaphore, #tpu.memory_space<semaphore_mem>>)
    %dma_wait3A_449 = arith.constant 0 : i32
    %dma_wait3A_450 = tpu.memref_slice %arg4[%add3A_426, %dma_wait3A_449] : memref<425984x128xf32, #tpu.memory_space<hbm>> -> memref<128x128xf32, #tpu.memory_space<hbm>>
    %dma_wait3A_451 = arith.constant 0 : i32
    %dma_wait3A_452 = tpu.memref_slice %arg4[%add3A_426, %dma_wait3A_451] : memref<425984x128xf32, #tpu.memory_space<hbm>> -> memref<128x128xf32, #tpu.memory_space<hbm>>
    tpu.wait_dma2 semaphore(%arg18 : memref<!tpu.dma_semaphore, #tpu.memory_space<semaphore_mem>>) src(%arg6 : memref<128x128xf32, #tpu.memory_space<vmem>>) dst(%dma_wait3A_452 : memref<128x128xf32, #tpu.memory_space<hbm>>)
    %add3A_453 = arith.constant 0 : i32
    %add3A_454 = arith.addi %mul3A_2, %add3A_453 : i32
    %dma_start3A_455 = tpu.memref_slice %arg2[%add3A_454, %multiple_of3A_25] : memref<16384x3328xf32, #tpu.memory_space<hbm>> -> memref<128x128xf32, #tpu.memory_space<hbm>>
    %dma_start3A_456 = tpu.memref_slice %arg2[%add3A_454, %multiple_of3A_25] : memref<16384x3328xf32, #tpu.memory_space<hbm>> -> memref<128x128xf32, #tpu.memory_space<hbm>>
    tpu.enqueue_dma source(%dma_start3A_456 : memref<128x128xf32, #tpu.memory_space<hbm>>) target(%arg6 : memref<128x128xf32, #tpu.memory_space<vmem>>) target_semaphore(%arg12 : memref<!tpu.dma_semaphore, #tpu.memory_space<semaphore_mem>>)
    %dma_wait3A_457 = tpu.memref_slice %arg2[%add3A_382, %multiple_of3A_22] : memref<16384x3328xf32, #tpu.memory_space<hbm>> -> memref<128x128xf32, #tpu.memory_space<hbm>>
    %dma_wait3A_458 = tpu.memref_slice %arg2[%add3A_382, %multiple_of3A_22] : memref<16384x3328xf32, #tpu.memory_space<hbm>> -> memref<128x128xf32, #tpu.memory_space<hbm>>
    tpu.wait_dma2 semaphore(%arg14 : memref<!tpu.dma_semaphore, #tpu.memory_space<semaphore_mem>>) src(%dma_wait3A_458 : memref<128x128xf32, #tpu.memory_space<hbm>>) dst(%arg8 : memref<128x128xf32, #tpu.memory_space<vmem>>)
    %add3A_459 = arith.constant 81920 : i32
    %add3A_460 = arith.addi %add3A_459, %mul3A_2 : i32
    %add3A_461 = arith.constant 0 : i32
    %add3A_462 = arith.addi %add3A_460, %add3A_461 : i32
    %dma_start3A_463 = arith.constant 0 : i32
    %dma_start3A_464 = tpu.memref_slice %arg4[%add3A_462, %dma_start3A_463] : memref<425984x128xf32, #tpu.memory_space<hbm>> -> memref<128x128xf32, #tpu.memory_space<hbm>>
    %dma_start3A_465 = arith.constant 0 : i32
    %dma_start3A_466 = tpu.memref_slice %arg4[%add3A_462, %dma_start3A_465] : memref<425984x128xf32, #tpu.memory_space<hbm>> -> memref<128x128xf32, #tpu.memory_space<hbm>>
    tpu.enqueue_dma source(%arg8 : memref<128x128xf32, #tpu.memory_space<vmem>>) target(%dma_start3A_466 : memref<128x128xf32, #tpu.memory_space<hbm>>) target_semaphore(%arg20 : memref<!tpu.dma_semaphore, #tpu.memory_space<semaphore_mem>>)
    %dma_wait3A_467 = arith.constant 0 : i32
    %dma_wait3A_468 = tpu.memref_slice %arg4[%add3A_444, %dma_wait3A_467] : memref<425984x128xf32, #tpu.memory_space<hbm>> -> memref<128x128xf32, #tpu.memory_space<hbm>>
    %dma_wait3A_469 = arith.constant 0 : i32
    %dma_wait3A_470 = tpu.memref_slice %arg4[%add3A_444, %dma_wait3A_469] : memref<425984x128xf32, #tpu.memory_space<hbm>> -> memref<128x128xf32, #tpu.memory_space<hbm>>
    tpu.wait_dma2 semaphore(%arg19 : memref<!tpu.dma_semaphore, #tpu.memory_space<semaphore_mem>>) src(%arg7 : memref<128x128xf32, #tpu.memory_space<vmem>>) dst(%dma_wait3A_470 : memref<128x128xf32, #tpu.memory_space<hbm>>)
    %add3A_471 = arith.constant 128 : i32
    %add3A_472 = arith.addi %mul3A_2, %add3A_471 : i32
    %dma_start3A_473 = tpu.memref_slice %arg2[%add3A_472, %multiple_of3A_25] : memref<16384x3328xf32, #tpu.memory_space<hbm>> -> memref<128x128xf32, #tpu.memory_space<hbm>>
    %dma_start3A_474 = tpu.memref_slice %arg2[%add3A_472, %multiple_of3A_25] : memref<16384x3328xf32, #tpu.memory_space<hbm>> -> memref<128x128xf32, #tpu.memory_space<hbm>>
    tpu.enqueue_dma source(%dma_start3A_474 : memref<128x128xf32, #tpu.memory_space<hbm>>) target(%arg7 : memref<128x128xf32, #tpu.memory_space<vmem>>) target_semaphore(%arg13 : memref<!tpu.dma_semaphore, #tpu.memory_space<semaphore_mem>>)
    %dma_wait3A_475 = tpu.memref_slice %arg2[%add3A_400, %multiple_of3A_22] : memref<16384x3328xf32, #tpu.memory_space<hbm>> -> memref<128x128xf32, #tpu.memory_space<hbm>>
    %dma_wait3A_476 = tpu.memref_slice %arg2[%add3A_400, %multiple_of3A_22] : memref<16384x3328xf32, #tpu.memory_space<hbm>> -> memref<128x128xf32, #tpu.memory_space<hbm>>
    tpu.wait_dma2 semaphore(%arg15 : memref<!tpu.dma_semaphore, #tpu.memory_space<semaphore_mem>>) src(%dma_wait3A_476 : memref<128x128xf32, #tpu.memory_space<hbm>>) dst(%arg9 : memref<128x128xf32, #tpu.memory_space<vmem>>)
    %add3A_477 = arith.constant 81920 : i32
    %add3A_478 = arith.addi %add3A_477, %mul3A_2 : i32
    %add3A_479 = arith.constant 128 : i32
    %add3A_480 = arith.addi %add3A_478, %add3A_479 : i32
    %dma_start3A_481 = arith.constant 0 : i32
    %dma_start3A_482 = tpu.memref_slice %arg4[%add3A_480, %dma_start3A_481] : memref<425984x128xf32, #tpu.memory_space<hbm>> -> memref<128x128xf32, #tpu.memory_space<hbm>>
    %dma_start3A_483 = arith.constant 0 : i32
    %dma_start3A_484 = tpu.memref_slice %arg4[%add3A_480, %dma_start3A_483] : memref<425984x128xf32, #tpu.memory_space<hbm>> -> memref<128x128xf32, #tpu.memory_space<hbm>>
    tpu.enqueue_dma source(%arg9 : memref<128x128xf32, #tpu.memory_space<vmem>>) target(%dma_start3A_484 : memref<128x128xf32, #tpu.memory_space<hbm>>) target_semaphore(%arg21 : memref<!tpu.dma_semaphore, #tpu.memory_space<semaphore_mem>>)
    %dma_wait3A_485 = arith.constant 0 : i32
    %dma_wait3A_486 = tpu.memref_slice %arg4[%add3A_462, %dma_wait3A_485] : memref<425984x128xf32, #tpu.memory_space<hbm>> -> memref<128x128xf32, #tpu.memory_space<hbm>>
    %dma_wait3A_487 = arith.constant 0 : i32
    %dma_wait3A_488 = tpu.memref_slice %arg4[%add3A_462, %dma_wait3A_487] : memref<425984x128xf32, #tpu.memory_space<hbm>> -> memref<128x128xf32, #tpu.memory_space<hbm>>
    tpu.wait_dma2 semaphore(%arg20 : memref<!tpu.dma_semaphore, #tpu.memory_space<semaphore_mem>>) src(%arg8 : memref<128x128xf32, #tpu.memory_space<vmem>>) dst(%dma_wait3A_488 : memref<128x128xf32, #tpu.memory_space<hbm>>)
    %add3A_489 = arith.constant 256 : i32
    %add3A_490 = arith.addi %mul3A_2, %add3A_489 : i32
    %dma_start3A_491 = tpu.memref_slice %arg2[%add3A_490, %multiple_of3A_25] : memref<16384x3328xf32, #tpu.memory_space<hbm>> -> memref<128x128xf32, #tpu.memory_space<hbm>>
    %dma_start3A_492 = tpu.memref_slice %arg2[%add3A_490, %multiple_of3A_25] : memref<16384x3328xf32, #tpu.memory_space<hbm>> -> memref<128x128xf32, #tpu.memory_space<hbm>>
    tpu.enqueue_dma source(%dma_start3A_492 : memref<128x128xf32, #tpu.memory_space<hbm>>) target(%arg8 : memref<128x128xf32, #tpu.memory_space<vmem>>) target_semaphore(%arg14 : memref<!tpu.dma_semaphore, #tpu.memory_space<semaphore_mem>>)
    %dma_wait3A_493 = tpu.memref_slice %arg2[%add3A_418, %multiple_of3A_22] : memref<16384x3328xf32, #tpu.memory_space<hbm>> -> memref<128x128xf32, #tpu.memory_space<hbm>>
    %dma_wait3A_494 = tpu.memref_slice %arg2[%add3A_418, %multiple_of3A_22] : memref<16384x3328xf32, #tpu.memory_space<hbm>> -> memref<128x128xf32, #tpu.memory_space<hbm>>
    tpu.wait_dma2 semaphore(%arg16 : memref<!tpu.dma_semaphore, #tpu.memory_space<semaphore_mem>>) src(%dma_wait3A_494 : memref<128x128xf32, #tpu.memory_space<hbm>>) dst(%arg10 : memref<128x128xf32, #tpu.memory_space<vmem>>)
    %add3A_495 = arith.constant 81920 : i32
    %add3A_496 = arith.addi %add3A_495, %mul3A_2 : i32
    %add3A_497 = arith.constant 256 : i32
    %add3A_498 = arith.addi %add3A_496, %add3A_497 : i32
    %dma_start3A_499 = arith.constant 0 : i32
    %dma_start3A_500 = tpu.memref_slice %arg4[%add3A_498, %dma_start3A_499] : memref<425984x128xf32, #tpu.memory_space<hbm>> -> memref<128x128xf32, #tpu.memory_space<hbm>>
    %dma_start3A_501 = arith.constant 0 : i32
    %dma_start3A_502 = tpu.memref_slice %arg4[%add3A_498, %dma_start3A_501] : memref<425984x128xf32, #tpu.memory_space<hbm>> -> memref<128x128xf32, #tpu.memory_space<hbm>>
    tpu.enqueue_dma source(%arg10 : memref<128x128xf32, #tpu.memory_space<vmem>>) target(%dma_start3A_502 : memref<128x128xf32, #tpu.memory_space<hbm>>) target_semaphore(%arg22 : memref<!tpu.dma_semaphore, #tpu.memory_space<semaphore_mem>>)
    %dma_wait3A_503 = arith.constant 0 : i32
    %dma_wait3A_504 = tpu.memref_slice %arg4[%add3A_480, %dma_wait3A_503] : memref<425984x128xf32, #tpu.memory_space<hbm>> -> memref<128x128xf32, #tpu.memory_space<hbm>>
    %dma_wait3A_505 = arith.constant 0 : i32
    %dma_wait3A_506 = tpu.memref_slice %arg4[%add3A_480, %dma_wait3A_505] : memref<425984x128xf32, #tpu.memory_space<hbm>> -> memref<128x128xf32, #tpu.memory_space<hbm>>
    tpu.wait_dma2 semaphore(%arg21 : memref<!tpu.dma_semaphore, #tpu.memory_space<semaphore_mem>>) src(%arg9 : memref<128x128xf32, #tpu.memory_space<vmem>>) dst(%dma_wait3A_506 : memref<128x128xf32, #tpu.memory_space<hbm>>)
    %add3A_507 = arith.constant 384 : i32
    %add3A_508 = arith.addi %mul3A_2, %add3A_507 : i32
    %dma_start3A_509 = tpu.memref_slice %arg2[%add3A_508, %multiple_of3A_25] : memref<16384x3328xf32, #tpu.memory_space<hbm>> -> memref<128x128xf32, #tpu.memory_space<hbm>>
    %dma_start3A_510 = tpu.memref_slice %arg2[%add3A_508, %multiple_of3A_25] : memref<16384x3328xf32, #tpu.memory_space<hbm>> -> memref<128x128xf32, #tpu.memory_space<hbm>>
    tpu.enqueue_dma source(%dma_start3A_510 : memref<128x128xf32, #tpu.memory_space<hbm>>) target(%arg9 : memref<128x128xf32, #tpu.memory_space<vmem>>) target_semaphore(%arg15 : memref<!tpu.dma_semaphore, #tpu.memory_space<semaphore_mem>>)
    %dma_wait3A_511 = tpu.memref_slice %arg2[%add3A_436, %multiple_of3A_22] : memref<16384x3328xf32, #tpu.memory_space<hbm>> -> memref<128x128xf32, #tpu.memory_space<hbm>>
    %dma_wait3A_512 = tpu.memref_slice %arg2[%add3A_436, %multiple_of3A_22] : memref<16384x3328xf32, #tpu.memory_space<hbm>> -> memref<128x128xf32, #tpu.memory_space<hbm>>
    tpu.wait_dma2 semaphore(%arg17 : memref<!tpu.dma_semaphore, #tpu.memory_space<semaphore_mem>>) src(%dma_wait3A_512 : memref<128x128xf32, #tpu.memory_space<hbm>>) dst(%arg11 : memref<128x128xf32, #tpu.memory_space<vmem>>)
    %add3A_513 = arith.constant 81920 : i32
    %add3A_514 = arith.addi %add3A_513, %mul3A_2 : i32
    %add3A_515 = arith.constant 384 : i32
    %add3A_516 = arith.addi %add3A_514, %add3A_515 : i32
    %dma_start3A_517 = arith.constant 0 : i32
    %dma_start3A_518 = tpu.memref_slice %arg4[%add3A_516, %dma_start3A_517] : memref<425984x128xf32, #tpu.memory_space<hbm>> -> memref<128x128xf32, #tpu.memory_space<hbm>>
    %dma_start3A_519 = arith.constant 0 : i32
    %dma_start3A_520 = tpu.memref_slice %arg4[%add3A_516, %dma_start3A_519] : memref<425984x128xf32, #tpu.memory_space<hbm>> -> memref<128x128xf32, #tpu.memory_space<hbm>>
    tpu.enqueue_dma source(%arg11 : memref<128x128xf32, #tpu.memory_space<vmem>>) target(%dma_start3A_520 : memref<128x128xf32, #tpu.memory_space<hbm>>) target_semaphore(%arg23 : memref<!tpu.dma_semaphore, #tpu.memory_space<semaphore_mem>>)
    %dma_wait3A_521 = arith.constant 0 : i32
    %dma_wait3A_522 = tpu.memref_slice %arg4[%add3A_498, %dma_wait3A_521] : memref<425984x128xf32, #tpu.memory_space<hbm>> -> memref<128x128xf32, #tpu.memory_space<hbm>>
    %dma_wait3A_523 = arith.constant 0 : i32
    %dma_wait3A_524 = tpu.memref_slice %arg4[%add3A_498, %dma_wait3A_523] : memref<425984x128xf32, #tpu.memory_space<hbm>> -> memref<128x128xf32, #tpu.memory_space<hbm>>
    tpu.wait_dma2 semaphore(%arg22 : memref<!tpu.dma_semaphore, #tpu.memory_space<semaphore_mem>>) src(%arg10 : memref<128x128xf32, #tpu.memory_space<vmem>>) dst(%dma_wait3A_524 : memref<128x128xf32, #tpu.memory_space<hbm>>)
    %add3A_525 = arith.constant 0 : i32
    %add3A_526 = arith.addi %mul3A_2, %add3A_525 : i32
    %dma_start3A_527 = tpu.memref_slice %arg2[%add3A_526, %multiple_of3A_28] : memref<16384x3328xf32, #tpu.memory_space<hbm>> -> memref<128x128xf32, #tpu.memory_space<hbm>>
    %dma_start3A_528 = tpu.memref_slice %arg2[%add3A_526, %multiple_of3A_28] : memref<16384x3328xf32, #tpu.memory_space<hbm>> -> memref<128x128xf32, #tpu.memory_space<hbm>>
    tpu.enqueue_dma source(%dma_start3A_528 : memref<128x128xf32, #tpu.memory_space<hbm>>) target(%arg10 : memref<128x128xf32, #tpu.memory_space<vmem>>) target_semaphore(%arg16 : memref<!tpu.dma_semaphore, #tpu.memory_space<semaphore_mem>>)
    %dma_wait3A_529 = tpu.memref_slice %arg2[%add3A_454, %multiple_of3A_25] : memref<16384x3328xf32, #tpu.memory_space<hbm>> -> memref<128x128xf32, #tpu.memory_space<hbm>>
    %dma_wait3A_530 = tpu.memref_slice %arg2[%add3A_454, %multiple_of3A_25] : memref<16384x3328xf32, #tpu.memory_space<hbm>> -> memref<128x128xf32, #tpu.memory_space<hbm>>
    tpu.wait_dma2 semaphore(%arg12 : memref<!tpu.dma_semaphore, #tpu.memory_space<semaphore_mem>>) src(%dma_wait3A_530 : memref<128x128xf32, #tpu.memory_space<hbm>>) dst(%arg6 : memref<128x128xf32, #tpu.memory_space<vmem>>)
    %add3A_531 = arith.constant 98304 : i32
    %add3A_532 = arith.addi %add3A_531, %mul3A_2 : i32
    %add3A_533 = arith.constant 0 : i32
    %add3A_534 = arith.addi %add3A_532, %add3A_533 : i32
    %dma_start3A_535 = arith.constant 0 : i32
    %dma_start3A_536 = tpu.memref_slice %arg4[%add3A_534, %dma_start3A_535] : memref<425984x128xf32, #tpu.memory_space<hbm>> -> memref<128x128xf32, #tpu.memory_space<hbm>>
    %dma_start3A_537 = arith.constant 0 : i32
    %dma_start3A_538 = tpu.memref_slice %arg4[%add3A_534, %dma_start3A_537] : memref<425984x128xf32, #tpu.memory_space<hbm>> -> memref<128x128xf32, #tpu.memory_space<hbm>>
    tpu.enqueue_dma source(%arg6 : memref<128x128xf32, #tpu.memory_space<vmem>>) target(%dma_start3A_538 : memref<128x128xf32, #tpu.memory_space<hbm>>) target_semaphore(%arg18 : memref<!tpu.dma_semaphore, #tpu.memory_space<semaphore_mem>>)
    %dma_wait3A_539 = arith.constant 0 : i32
    %dma_wait3A_540 = tpu.memref_slice %arg4[%add3A_516, %dma_wait3A_539] : memref<425984x128xf32, #tpu.memory_space<hbm>> -> memref<128x128xf32, #tpu.memory_space<hbm>>
    %dma_wait3A_541 = arith.constant 0 : i32
    %dma_wait3A_542 = tpu.memref_slice %arg4[%add3A_516, %dma_wait3A_541] : memref<425984x128xf32, #tpu.memory_space<hbm>> -> memref<128x128xf32, #tpu.memory_space<hbm>>
    tpu.wait_dma2 semaphore(%arg23 : memref<!tpu.dma_semaphore, #tpu.memory_space<semaphore_mem>>) src(%arg11 : memref<128x128xf32, #tpu.memory_space<vmem>>) dst(%dma_wait3A_542 : memref<128x128xf32, #tpu.memory_space<hbm>>)
    %add3A_543 = arith.constant 128 : i32
    %add3A_544 = arith.addi %mul3A_2, %add3A_543 : i32
    %dma_start3A_545 = tpu.memref_slice %arg2[%add3A_544, %multiple_of3A_28] : memref<16384x3328xf32, #tpu.memory_space<hbm>> -> memref<128x128xf32, #tpu.memory_space<hbm>>
    %dma_start3A_546 = tpu.memref_slice %arg2[%add3A_544, %multiple_of3A_28] : memref<16384x3328xf32, #tpu.memory_space<hbm>> -> memref<128x128xf32, #tpu.memory_space<hbm>>
    tpu.enqueue_dma source(%dma_start3A_546 : memref<128x128xf32, #tpu.memory_space<hbm>>) target(%arg11 : memref<128x128xf32, #tpu.memory_space<vmem>>) target_semaphore(%arg17 : memref<!tpu.dma_semaphore, #tpu.memory_space<semaphore_mem>>)
    %dma_wait3A_547 = tpu.memref_slice %arg2[%add3A_472, %multiple_of3A_25] : memref<16384x3328xf32, #tpu.memory_space<hbm>> -> memref<128x128xf32, #tpu.memory_space<hbm>>
    %dma_wait3A_548 = tpu.memref_slice %arg2[%add3A_472, %multiple_of3A_25] : memref<16384x3328xf32, #tpu.memory_space<hbm>> -> memref<128x128xf32, #tpu.memory_space<hbm>>
    tpu.wait_dma2 semaphore(%arg13 : memref<!tpu.dma_semaphore, #tpu.memory_space<semaphore_mem>>) src(%dma_wait3A_548 : memref<128x128xf32, #tpu.memory_space<hbm>>) dst(%arg7 : memref<128x128xf32, #tpu.memory_space<vmem>>)
    %add3A_549 = arith.constant 98304 : i32
    %add3A_550 = arith.addi %add3A_549, %mul3A_2 : i32
    %add3A_551 = arith.constant 128 : i32
    %add3A_552 = arith.addi %add3A_550, %add3A_551 : i32
    %dma_start3A_553 = arith.constant 0 : i32
    %dma_start3A_554 = tpu.memref_slice %arg4[%add3A_552, %dma_start3A_553] : memref<425984x128xf32, #tpu.memory_space<hbm>> -> memref<128x128xf32, #tpu.memory_space<hbm>>
    %dma_start3A_555 = arith.constant 0 : i32
    %dma_start3A_556 = tpu.memref_slice %arg4[%add3A_552, %dma_start3A_555] : memref<425984x128xf32, #tpu.memory_space<hbm>> -> memref<128x128xf32, #tpu.memory_space<hbm>>
    tpu.enqueue_dma source(%arg7 : memref<128x128xf32, #tpu.memory_space<vmem>>) target(%dma_start3A_556 : memref<128x128xf32, #tpu.memory_space<hbm>>) target_semaphore(%arg19 : memref<!tpu.dma_semaphore, #tpu.memory_space<semaphore_mem>>)
    %dma_wait3A_557 = arith.constant 0 : i32
    %dma_wait3A_558 = tpu.memref_slice %arg4[%add3A_534, %dma_wait3A_557] : memref<425984x128xf32, #tpu.memory_space<hbm>> -> memref<128x128xf32, #tpu.memory_space<hbm>>
    %dma_wait3A_559 = arith.constant 0 : i32
    %dma_wait3A_560 = tpu.memref_slice %arg4[%add3A_534, %dma_wait3A_559] : memref<425984x128xf32, #tpu.memory_space<hbm>> -> memref<128x128xf32, #tpu.memory_space<hbm>>
    tpu.wait_dma2 semaphore(%arg18 : memref<!tpu.dma_semaphore, #tpu.memory_space<semaphore_mem>>) src(%arg6 : memref<128x128xf32, #tpu.memory_space<vmem>>) dst(%dma_wait3A_560 : memref<128x128xf32, #tpu.memory_space<hbm>>)
    %add3A_561 = arith.constant 256 : i32
    %add3A_562 = arith.addi %mul3A_2, %add3A_561 : i32
    %dma_start3A_563 = tpu.memref_slice %arg2[%add3A_562, %multiple_of3A_28] : memref<16384x3328xf32, #tpu.memory_space<hbm>> -> memref<128x128xf32, #tpu.memory_space<hbm>>
    %dma_start3A_564 = tpu.memref_slice %arg2[%add3A_562, %multiple_of3A_28] : memref<16384x3328xf32, #tpu.memory_space<hbm>> -> memref<128x128xf32, #tpu.memory_space<hbm>>
    tpu.enqueue_dma source(%dma_start3A_564 : memref<128x128xf32, #tpu.memory_space<hbm>>) target(%arg6 : memref<128x128xf32, #tpu.memory_space<vmem>>) target_semaphore(%arg12 : memref<!tpu.dma_semaphore, #tpu.memory_space<semaphore_mem>>)
    %dma_wait3A_565 = tpu.memref_slice %arg2[%add3A_490, %multiple_of3A_25] : memref<16384x3328xf32, #tpu.memory_space<hbm>> -> memref<128x128xf32, #tpu.memory_space<hbm>>
    %dma_wait3A_566 = tpu.memref_slice %arg2[%add3A_490, %multiple_of3A_25] : memref<16384x3328xf32, #tpu.memory_space<hbm>> -> memref<128x128xf32, #tpu.memory_space<hbm>>
    tpu.wait_dma2 semaphore(%arg14 : memref<!tpu.dma_semaphore, #tpu.memory_space<semaphore_mem>>) src(%dma_wait3A_566 : memref<128x128xf32, #tpu.memory_space<hbm>>) dst(%arg8 : memref<128x128xf32, #tpu.memory_space<vmem>>)
    %add3A_567 = arith.constant 98304 : i32
    %add3A_568 = arith.addi %add3A_567, %mul3A_2 : i32
    %add3A_569 = arith.constant 256 : i32
    %add3A_570 = arith.addi %add3A_568, %add3A_569 : i32
    %dma_start3A_571 = arith.constant 0 : i32
    %dma_start3A_572 = tpu.memref_slice %arg4[%add3A_570, %dma_start3A_571] : memref<425984x128xf32, #tpu.memory_space<hbm>> -> memref<128x128xf32, #tpu.memory_space<hbm>>
    %dma_start3A_573 = arith.constant 0 : i32
    %dma_start3A_574 = tpu.memref_slice %arg4[%add3A_570, %dma_start3A_573] : memref<425984x128xf32, #tpu.memory_space<hbm>> -> memref<128x128xf32, #tpu.memory_space<hbm>>
    tpu.enqueue_dma source(%arg8 : memref<128x128xf32, #tpu.memory_space<vmem>>) target(%dma_start3A_574 : memref<128x128xf32, #tpu.memory_space<hbm>>) target_semaphore(%arg20 : memref<!tpu.dma_semaphore, #tpu.memory_space<semaphore_mem>>)
    %dma_wait3A_575 = arith.constant 0 : i32
    %dma_wait3A_576 = tpu.memref_slice %arg4[%add3A_552, %dma_wait3A_575] : memref<425984x128xf32, #tpu.memory_space<hbm>> -> memref<128x128xf32, #tpu.memory_space<hbm>>
    %dma_wait3A_577 = arith.constant 0 : i32
    %dma_wait3A_578 = tpu.memref_slice %arg4[%add3A_552, %dma_wait3A_577] : memref<425984x128xf32, #tpu.memory_space<hbm>> -> memref<128x128xf32, #tpu.memory_space<hbm>>
    tpu.wait_dma2 semaphore(%arg19 : memref<!tpu.dma_semaphore, #tpu.memory_space<semaphore_mem>>) src(%arg7 : memref<128x128xf32, #tpu.memory_space<vmem>>) dst(%dma_wait3A_578 : memref<128x128xf32, #tpu.memory_space<hbm>>)
    %add3A_579 = arith.constant 384 : i32
    %add3A_580 = arith.addi %mul3A_2, %add3A_579 : i32
    %dma_start3A_581 = tpu.memref_slice %arg2[%add3A_580, %multiple_of3A_28] : memref<16384x3328xf32, #tpu.memory_space<hbm>> -> memref<128x128xf32, #tpu.memory_space<hbm>>
    %dma_start3A_582 = tpu.memref_slice %arg2[%add3A_580, %multiple_of3A_28] : memref<16384x3328xf32, #tpu.memory_space<hbm>> -> memref<128x128xf32, #tpu.memory_space<hbm>>
    tpu.enqueue_dma source(%dma_start3A_582 : memref<128x128xf32, #tpu.memory_space<hbm>>) target(%arg7 : memref<128x128xf32, #tpu.memory_space<vmem>>) target_semaphore(%arg13 : memref<!tpu.dma_semaphore, #tpu.memory_space<semaphore_mem>>)
    %dma_wait3A_583 = tpu.memref_slice %arg2[%add3A_508, %multiple_of3A_25] : memref<16384x3328xf32, #tpu.memory_space<hbm>> -> memref<128x128xf32, #tpu.memory_space<hbm>>
    %dma_wait3A_584 = tpu.memref_slice %arg2[%add3A_508, %multiple_of3A_25] : memref<16384x3328xf32, #tpu.memory_space<hbm>> -> memref<128x128xf32, #tpu.memory_space<hbm>>
    tpu.wait_dma2 semaphore(%arg15 : memref<!tpu.dma_semaphore, #tpu.memory_space<semaphore_mem>>) src(%dma_wait3A_584 : memref<128x128xf32, #tpu.memory_space<hbm>>) dst(%arg9 : memref<128x128xf32, #tpu.memory_space<vmem>>)
    %add3A_585 = arith.constant 98304 : i32
    %add3A_586 = arith.addi %add3A_585, %mul3A_2 : i32
    %add3A_587 = arith.constant 384 : i32
    %add3A_588 = arith.addi %add3A_586, %add3A_587 : i32
    %dma_start3A_589 = arith.constant 0 : i32
    %dma_start3A_590 = tpu.memref_slice %arg4[%add3A_588, %dma_start3A_589] : memref<425984x128xf32, #tpu.memory_space<hbm>> -> memref<128x128xf32, #tpu.memory_space<hbm>>
    %dma_start3A_591 = arith.constant 0 : i32
    %dma_start3A_592 = tpu.memref_slice %arg4[%add3A_588, %dma_start3A_591] : memref<425984x128xf32, #tpu.memory_space<hbm>> -> memref<128x128xf32, #tpu.memory_space<hbm>>
    tpu.enqueue_dma source(%arg9 : memref<128x128xf32, #tpu.memory_space<vmem>>) target(%dma_start3A_592 : memref<128x128xf32, #tpu.memory_space<hbm>>) target_semaphore(%arg21 : memref<!tpu.dma_semaphore, #tpu.memory_space<semaphore_mem>>)
    %dma_wait3A_593 = arith.constant 0 : i32
    %dma_wait3A_594 = tpu.memref_slice %arg4[%add3A_570, %dma_wait3A_593] : memref<425984x128xf32, #tpu.memory_space<hbm>> -> memref<128x128xf32, #tpu.memory_space<hbm>>
    %dma_wait3A_595 = arith.constant 0 : i32
    %dma_wait3A_596 = tpu.memref_slice %arg4[%add3A_570, %dma_wait3A_595] : memref<425984x128xf32, #tpu.memory_space<hbm>> -> memref<128x128xf32, #tpu.memory_space<hbm>>
    tpu.wait_dma2 semaphore(%arg20 : memref<!tpu.dma_semaphore, #tpu.memory_space<semaphore_mem>>) src(%arg8 : memref<128x128xf32, #tpu.memory_space<vmem>>) dst(%dma_wait3A_596 : memref<128x128xf32, #tpu.memory_space<hbm>>)
    %add3A_597 = arith.constant 0 : i32
    %add3A_598 = arith.addi %mul3A_2, %add3A_597 : i32
    %dma_start3A_599 = tpu.memref_slice %arg2[%add3A_598, %multiple_of3A_31] : memref<16384x3328xf32, #tpu.memory_space<hbm>> -> memref<128x128xf32, #tpu.memory_space<hbm>>
    %dma_start3A_600 = tpu.memref_slice %arg2[%add3A_598, %multiple_of3A_31] : memref<16384x3328xf32, #tpu.memory_space<hbm>> -> memref<128x128xf32, #tpu.memory_space<hbm>>
    tpu.enqueue_dma source(%dma_start3A_600 : memref<128x128xf32, #tpu.memory_space<hbm>>) target(%arg8 : memref<128x128xf32, #tpu.memory_space<vmem>>) target_semaphore(%arg14 : memref<!tpu.dma_semaphore, #tpu.memory_space<semaphore_mem>>)
    %dma_wait3A_601 = tpu.memref_slice %arg2[%add3A_526, %multiple_of3A_28] : memref<16384x3328xf32, #tpu.memory_space<hbm>> -> memref<128x128xf32, #tpu.memory_space<hbm>>
    %dma_wait3A_602 = tpu.memref_slice %arg2[%add3A_526, %multiple_of3A_28] : memref<16384x3328xf32, #tpu.memory_space<hbm>> -> memref<128x128xf32, #tpu.memory_space<hbm>>
    tpu.wait_dma2 semaphore(%arg16 : memref<!tpu.dma_semaphore, #tpu.memory_space<semaphore_mem>>) src(%dma_wait3A_602 : memref<128x128xf32, #tpu.memory_space<hbm>>) dst(%arg10 : memref<128x128xf32, #tpu.memory_space<vmem>>)
    %add3A_603 = arith.constant 114688 : i32
    %add3A_604 = arith.addi %add3A_603, %mul3A_2 : i32
    %add3A_605 = arith.constant 0 : i32
    %add3A_606 = arith.addi %add3A_604, %add3A_605 : i32
    %dma_start3A_607 = arith.constant 0 : i32
    %dma_start3A_608 = tpu.memref_slice %arg4[%add3A_606, %dma_start3A_607] : memref<425984x128xf32, #tpu.memory_space<hbm>> -> memref<128x128xf32, #tpu.memory_space<hbm>>
    %dma_start3A_609 = arith.constant 0 : i32
    %dma_start3A_610 = tpu.memref_slice %arg4[%add3A_606, %dma_start3A_609] : memref<425984x128xf32, #tpu.memory_space<hbm>> -> memref<128x128xf32, #tpu.memory_space<hbm>>
    tpu.enqueue_dma source(%arg10 : memref<128x128xf32, #tpu.memory_space<vmem>>) target(%dma_start3A_610 : memref<128x128xf32, #tpu.memory_space<hbm>>) target_semaphore(%arg22 : memref<!tpu.dma_semaphore, #tpu.memory_space<semaphore_mem>>)
    %dma_wait3A_611 = arith.constant 0 : i32
    %dma_wait3A_612 = tpu.memref_slice %arg4[%add3A_588, %dma_wait3A_611] : memref<425984x128xf32, #tpu.memory_space<hbm>> -> memref<128x128xf32, #tpu.memory_space<hbm>>
    %dma_wait3A_613 = arith.constant 0 : i32
    %dma_wait3A_614 = tpu.memref_slice %arg4[%add3A_588, %dma_wait3A_613] : memref<425984x128xf32, #tpu.memory_space<hbm>> -> memref<128x128xf32, #tpu.memory_space<hbm>>
    tpu.wait_dma2 semaphore(%arg21 : memref<!tpu.dma_semaphore, #tpu.memory_space<semaphore_mem>>) src(%arg9 : memref<128x128xf32, #tpu.memory_space<vmem>>) dst(%dma_wait3A_614 : memref<128x128xf32, #tpu.memory_space<hbm>>)
    %add3A_615 = arith.constant 128 : i32
    %add3A_616 = arith.addi %mul3A_2, %add3A_615 : i32
    %dma_start3A_617 = tpu.memref_slice %arg2[%add3A_616, %multiple_of3A_31] : memref<16384x3328xf32, #tpu.memory_space<hbm>> -> memref<128x128xf32, #tpu.memory_space<hbm>>
    %dma_start3A_618 = tpu.memref_slice %arg2[%add3A_616, %multiple_of3A_31] : memref<16384x3328xf32, #tpu.memory_space<hbm>> -> memref<128x128xf32, #tpu.memory_space<hbm>>
    tpu.enqueue_dma source(%dma_start3A_618 : memref<128x128xf32, #tpu.memory_space<hbm>>) target(%arg9 : memref<128x128xf32, #tpu.memory_space<vmem>>) target_semaphore(%arg15 : memref<!tpu.dma_semaphore, #tpu.memory_space<semaphore_mem>>)
    %dma_wait3A_619 = tpu.memref_slice %arg2[%add3A_544, %multiple_of3A_28] : memref<16384x3328xf32, #tpu.memory_space<hbm>> -> memref<128x128xf32, #tpu.memory_space<hbm>>
    %dma_wait3A_620 = tpu.memref_slice %arg2[%add3A_544, %multiple_of3A_28] : memref<16384x3328xf32, #tpu.memory_space<hbm>> -> memref<128x128xf32, #tpu.memory_space<hbm>>
    tpu.wait_dma2 semaphore(%arg17 : memref<!tpu.dma_semaphore, #tpu.memory_space<semaphore_mem>>) src(%dma_wait3A_620 : memref<128x128xf32, #tpu.memory_space<hbm>>) dst(%arg11 : memref<128x128xf32, #tpu.memory_space<vmem>>)
    %add3A_621 = arith.constant 114688 : i32
    %add3A_622 = arith.addi %add3A_621, %mul3A_2 : i32
    %add3A_623 = arith.constant 128 : i32
    %add3A_624 = arith.addi %add3A_622, %add3A_623 : i32
    %dma_start3A_625 = arith.constant 0 : i32
    %dma_start3A_626 = tpu.memref_slice %arg4[%add3A_624, %dma_start3A_625] : memref<425984x128xf32, #tpu.memory_space<hbm>> -> memref<128x128xf32, #tpu.memory_space<hbm>>
    %dma_start3A_627 = arith.constant 0 : i32
    %dma_start3A_628 = tpu.memref_slice %arg4[%add3A_624, %dma_start3A_627] : memref<425984x128xf32, #tpu.memory_space<hbm>> -> memref<128x128xf32, #tpu.memory_space<hbm>>
    tpu.enqueue_dma source(%arg11 : memref<128x128xf32, #tpu.memory_space<vmem>>) target(%dma_start3A_628 : memref<128x128xf32, #tpu.memory_space<hbm>>) target_semaphore(%arg23 : memref<!tpu.dma_semaphore, #tpu.memory_space<semaphore_mem>>)
    %dma_wait3A_629 = arith.constant 0 : i32
    %dma_wait3A_630 = tpu.memref_slice %arg4[%add3A_606, %dma_wait3A_629] : memref<425984x128xf32, #tpu.memory_space<hbm>> -> memref<128x128xf32, #tpu.memory_space<hbm>>
    %dma_wait3A_631 = arith.constant 0 : i32
    %dma_wait3A_632 = tpu.memref_slice %arg4[%add3A_606, %dma_wait3A_631] : memref<425984x128xf32, #tpu.memory_space<hbm>> -> memref<128x128xf32, #tpu.memory_space<hbm>>
    tpu.wait_dma2 semaphore(%arg22 : memref<!tpu.dma_semaphore, #tpu.memory_space<semaphore_mem>>) src(%arg10 : memref<128x128xf32, #tpu.memory_space<vmem>>) dst(%dma_wait3A_632 : memref<128x128xf32, #tpu.memory_space<hbm>>)
    %add3A_633 = arith.constant 256 : i32
    %add3A_634 = arith.addi %mul3A_2, %add3A_633 : i32
    %dma_start3A_635 = tpu.memref_slice %arg2[%add3A_634, %multiple_of3A_31] : memref<16384x3328xf32, #tpu.memory_space<hbm>> -> memref<128x128xf32, #tpu.memory_space<hbm>>
    %dma_start3A_636 = tpu.memref_slice %arg2[%add3A_634, %multiple_of3A_31] : memref<16384x3328xf32, #tpu.memory_space<hbm>> -> memref<128x128xf32, #tpu.memory_space<hbm>>
    tpu.enqueue_dma source(%dma_start3A_636 : memref<128x128xf32, #tpu.memory_space<hbm>>) target(%arg10 : memref<128x128xf32, #tpu.memory_space<vmem>>) target_semaphore(%arg16 : memref<!tpu.dma_semaphore, #tpu.memory_space<semaphore_mem>>)
    %dma_wait3A_637 = tpu.memref_slice %arg2[%add3A_562, %multiple_of3A_28] : memref<16384x3328xf32, #tpu.memory_space<hbm>> -> memref<128x128xf32, #tpu.memory_space<hbm>>
    %dma_wait3A_638 = tpu.memref_slice %arg2[%add3A_562, %multiple_of3A_28] : memref<16384x3328xf32, #tpu.memory_space<hbm>> -> memref<128x128xf32, #tpu.memory_space<hbm>>
    tpu.wait_dma2 semaphore(%arg12 : memref<!tpu.dma_semaphore, #tpu.memory_space<semaphore_mem>>) src(%dma_wait3A_638 : memref<128x128xf32, #tpu.memory_space<hbm>>) dst(%arg6 : memref<128x128xf32, #tpu.memory_space<vmem>>)
    %add3A_639 = arith.constant 114688 : i32
    %add3A_640 = arith.addi %add3A_639, %mul3A_2 : i32
    %add3A_641 = arith.constant 256 : i32
    %add3A_642 = arith.addi %add3A_640, %add3A_641 : i32
    %dma_start3A_643 = arith.constant 0 : i32
    %dma_start3A_644 = tpu.memref_slice %arg4[%add3A_642, %dma_start3A_643] : memref<425984x128xf32, #tpu.memory_space<hbm>> -> memref<128x128xf32, #tpu.memory_space<hbm>>
    %dma_start3A_645 = arith.constant 0 : i32
    %dma_start3A_646 = tpu.memref_slice %arg4[%add3A_642, %dma_start3A_645] : memref<425984x128xf32, #tpu.memory_space<hbm>> -> memref<128x128xf32, #tpu.memory_space<hbm>>
    tpu.enqueue_dma source(%arg6 : memref<128x128xf32, #tpu.memory_space<vmem>>) target(%dma_start3A_646 : memref<128x128xf32, #tpu.memory_space<hbm>>) target_semaphore(%arg18 : memref<!tpu.dma_semaphore, #tpu.memory_space<semaphore_mem>>)
    %dma_wait3A_647 = arith.constant 0 : i32
    %dma_wait3A_648 = tpu.memref_slice %arg4[%add3A_624, %dma_wait3A_647] : memref<425984x128xf32, #tpu.memory_space<hbm>> -> memref<128x128xf32, #tpu.memory_space<hbm>>
    %dma_wait3A_649 = arith.constant 0 : i32
    %dma_wait3A_650 = tpu.memref_slice %arg4[%add3A_624, %dma_wait3A_649] : memref<425984x128xf32, #tpu.memory_space<hbm>> -> memref<128x128xf32, #tpu.memory_space<hbm>>
    tpu.wait_dma2 semaphore(%arg23 : memref<!tpu.dma_semaphore, #tpu.memory_space<semaphore_mem>>) src(%arg11 : memref<128x128xf32, #tpu.memory_space<vmem>>) dst(%dma_wait3A_650 : memref<128x128xf32, #tpu.memory_space<hbm>>)
    %add3A_651 = arith.constant 384 : i32
    %add3A_652 = arith.addi %mul3A_2, %add3A_651 : i32
    %dma_start3A_653 = tpu.memref_slice %arg2[%add3A_652, %multiple_of3A_31] : memref<16384x3328xf32, #tpu.memory_space<hbm>> -> memref<128x128xf32, #tpu.memory_space<hbm>>
    %dma_start3A_654 = tpu.memref_slice %arg2[%add3A_652, %multiple_of3A_31] : memref<16384x3328xf32, #tpu.memory_space<hbm>> -> memref<128x128xf32, #tpu.memory_space<hbm>>
    tpu.enqueue_dma source(%dma_start3A_654 : memref<128x128xf32, #tpu.memory_space<hbm>>) target(%arg11 : memref<128x128xf32, #tpu.memory_space<vmem>>) target_semaphore(%arg17 : memref<!tpu.dma_semaphore, #tpu.memory_space<semaphore_mem>>)
    %dma_wait3A_655 = tpu.memref_slice %arg2[%add3A_580, %multiple_of3A_28] : memref<16384x3328xf32, #tpu.memory_space<hbm>> -> memref<128x128xf32, #tpu.memory_space<hbm>>
    %dma_wait3A_656 = tpu.memref_slice %arg2[%add3A_580, %multiple_of3A_28] : memref<16384x3328xf32, #tpu.memory_space<hbm>> -> memref<128x128xf32, #tpu.memory_space<hbm>>
    tpu.wait_dma2 semaphore(%arg13 : memref<!tpu.dma_semaphore, #tpu.memory_space<semaphore_mem>>) src(%dma_wait3A_656 : memref<128x128xf32, #tpu.memory_space<hbm>>) dst(%arg7 : memref<128x128xf32, #tpu.memory_space<vmem>>)
    %add3A_657 = arith.constant 114688 : i32
    %add3A_658 = arith.addi %add3A_657, %mul3A_2 : i32
    %add3A_659 = arith.constant 384 : i32
    %add3A_660 = arith.addi %add3A_658, %add3A_659 : i32
    %dma_start3A_661 = arith.constant 0 : i32
    %dma_start3A_662 = tpu.memref_slice %arg4[%add3A_660, %dma_start3A_661] : memref<425984x128xf32, #tpu.memory_space<hbm>> -> memref<128x128xf32, #tpu.memory_space<hbm>>
    %dma_start3A_663 = arith.constant 0 : i32
    %dma_start3A_664 = tpu.memref_slice %arg4[%add3A_660, %dma_start3A_663] : memref<425984x128xf32, #tpu.memory_space<hbm>> -> memref<128x128xf32, #tpu.memory_space<hbm>>
    tpu.enqueue_dma source(%arg7 : memref<128x128xf32, #tpu.memory_space<vmem>>) target(%dma_start3A_664 : memref<128x128xf32, #tpu.memory_space<hbm>>) target_semaphore(%arg19 : memref<!tpu.dma_semaphore, #tpu.memory_space<semaphore_mem>>)
    %dma_wait3A_665 = arith.constant 0 : i32
    %dma_wait3A_666 = tpu.memref_slice %arg4[%add3A_642, %dma_wait3A_665] : memref<425984x128xf32, #tpu.memory_space<hbm>> -> memref<128x128xf32, #tpu.memory_space<hbm>>
    %dma_wait3A_667 = arith.constant 0 : i32
    %dma_wait3A_668 = tpu.memref_slice %arg4[%add3A_642, %dma_wait3A_667] : memref<425984x128xf32, #tpu.memory_space<hbm>> -> memref<128x128xf32, #tpu.memory_space<hbm>>
    tpu.wait_dma2 semaphore(%arg18 : memref<!tpu.dma_semaphore, #tpu.memory_space<semaphore_mem>>) src(%arg6 : memref<128x128xf32, #tpu.memory_space<vmem>>) dst(%dma_wait3A_668 : memref<128x128xf32, #tpu.memory_space<hbm>>)
    %add3A_669 = arith.constant 0 : i32
    %add3A_670 = arith.addi %mul3A_2, %add3A_669 : i32
    %dma_start3A_671 = tpu.memref_slice %arg2[%add3A_670, %multiple_of3A_34] : memref<16384x3328xf32, #tpu.memory_space<hbm>> -> memref<128x128xf32, #tpu.memory_space<hbm>>
    %dma_start3A_672 = tpu.memref_slice %arg2[%add3A_670, %multiple_of3A_34] : memref<16384x3328xf32, #tpu.memory_space<hbm>> -> memref<128x128xf32, #tpu.memory_space<hbm>>
    tpu.enqueue_dma source(%dma_start3A_672 : memref<128x128xf32, #tpu.memory_space<hbm>>) target(%arg6 : memref<128x128xf32, #tpu.memory_space<vmem>>) target_semaphore(%arg12 : memref<!tpu.dma_semaphore, #tpu.memory_space<semaphore_mem>>)
    %dma_wait3A_673 = tpu.memref_slice %arg2[%add3A_598, %multiple_of3A_31] : memref<16384x3328xf32, #tpu.memory_space<hbm>> -> memref<128x128xf32, #tpu.memory_space<hbm>>
    %dma_wait3A_674 = tpu.memref_slice %arg2[%add3A_598, %multiple_of3A_31] : memref<16384x3328xf32, #tpu.memory_space<hbm>> -> memref<128x128xf32, #tpu.memory_space<hbm>>
    tpu.wait_dma2 semaphore(%arg14 : memref<!tpu.dma_semaphore, #tpu.memory_space<semaphore_mem>>) src(%dma_wait3A_674 : memref<128x128xf32, #tpu.memory_space<hbm>>) dst(%arg8 : memref<128x128xf32, #tpu.memory_space<vmem>>)
    %add3A_675 = arith.constant 131072 : i32
    %add3A_676 = arith.addi %add3A_675, %mul3A_2 : i32
    %add3A_677 = arith.constant 0 : i32
    %add3A_678 = arith.addi %add3A_676, %add3A_677 : i32
    %dma_start3A_679 = arith.constant 0 : i32
    %dma_start3A_680 = tpu.memref_slice %arg4[%add3A_678, %dma_start3A_679] : memref<425984x128xf32, #tpu.memory_space<hbm>> -> memref<128x128xf32, #tpu.memory_space<hbm>>
    %dma_start3A_681 = arith.constant 0 : i32
    %dma_start3A_682 = tpu.memref_slice %arg4[%add3A_678, %dma_start3A_681] : memref<425984x128xf32, #tpu.memory_space<hbm>> -> memref<128x128xf32, #tpu.memory_space<hbm>>
    tpu.enqueue_dma source(%arg8 : memref<128x128xf32, #tpu.memory_space<vmem>>) target(%dma_start3A_682 : memref<128x128xf32, #tpu.memory_space<hbm>>) target_semaphore(%arg20 : memref<!tpu.dma_semaphore, #tpu.memory_space<semaphore_mem>>)
    %dma_wait3A_683 = arith.constant 0 : i32
    %dma_wait3A_684 = tpu.memref_slice %arg4[%add3A_660, %dma_wait3A_683] : memref<425984x128xf32, #tpu.memory_space<hbm>> -> memref<128x128xf32, #tpu.memory_space<hbm>>
    %dma_wait3A_685 = arith.constant 0 : i32
    %dma_wait3A_686 = tpu.memref_slice %arg4[%add3A_660, %dma_wait3A_685] : memref<425984x128xf32, #tpu.memory_space<hbm>> -> memref<128x128xf32, #tpu.memory_space<hbm>>
    tpu.wait_dma2 semaphore(%arg19 : memref<!tpu.dma_semaphore, #tpu.memory_space<semaphore_mem>>) src(%arg7 : memref<128x128xf32, #tpu.memory_space<vmem>>) dst(%dma_wait3A_686 : memref<128x128xf32, #tpu.memory_space<hbm>>)
    %add3A_687 = arith.constant 128 : i32
    %add3A_688 = arith.addi %mul3A_2, %add3A_687 : i32
    %dma_start3A_689 = tpu.memref_slice %arg2[%add3A_688, %multiple_of3A_34] : memref<16384x3328xf32, #tpu.memory_space<hbm>> -> memref<128x128xf32, #tpu.memory_space<hbm>>
    %dma_start3A_690 = tpu.memref_slice %arg2[%add3A_688, %multiple_of3A_34] : memref<16384x3328xf32, #tpu.memory_space<hbm>> -> memref<128x128xf32, #tpu.memory_space<hbm>>
    tpu.enqueue_dma source(%dma_start3A_690 : memref<128x128xf32, #tpu.memory_space<hbm>>) target(%arg7 : memref<128x128xf32, #tpu.memory_space<vmem>>) target_semaphore(%arg13 : memref<!tpu.dma_semaphore, #tpu.memory_space<semaphore_mem>>)
    %dma_wait3A_691 = tpu.memref_slice %arg2[%add3A_616, %multiple_of3A_31] : memref<16384x3328xf32, #tpu.memory_space<hbm>> -> memref<128x128xf32, #tpu.memory_space<hbm>>
    %dma_wait3A_692 = tpu.memref_slice %arg2[%add3A_616, %multiple_of3A_31] : memref<16384x3328xf32, #tpu.memory_space<hbm>> -> memref<128x128xf32, #tpu.memory_space<hbm>>
    tpu.wait_dma2 semaphore(%arg15 : memref<!tpu.dma_semaphore, #tpu.memory_space<semaphore_mem>>) src(%dma_wait3A_692 : memref<128x128xf32, #tpu.memory_space<hbm>>) dst(%arg9 : memref<128x128xf32, #tpu.memory_space<vmem>>)
    %add3A_693 = arith.constant 131072 : i32
    %add3A_694 = arith.addi %add3A_693, %mul3A_2 : i32
    %add3A_695 = arith.constant 128 : i32
    %add3A_696 = arith.addi %add3A_694, %add3A_695 : i32
    %dma_start3A_697 = arith.constant 0 : i32
    %dma_start3A_698 = tpu.memref_slice %arg4[%add3A_696, %dma_start3A_697] : memref<425984x128xf32, #tpu.memory_space<hbm>> -> memref<128x128xf32, #tpu.memory_space<hbm>>
    %dma_start3A_699 = arith.constant 0 : i32
    %dma_start3A_700 = tpu.memref_slice %arg4[%add3A_696, %dma_start3A_699] : memref<425984x128xf32, #tpu.memory_space<hbm>> -> memref<128x128xf32, #tpu.memory_space<hbm>>
    tpu.enqueue_dma source(%arg9 : memref<128x128xf32, #tpu.memory_space<vmem>>) target(%dma_start3A_700 : memref<128x128xf32, #tpu.memory_space<hbm>>) target_semaphore(%arg21 : memref<!tpu.dma_semaphore, #tpu.memory_space<semaphore_mem>>)
    %dma_wait3A_701 = arith.constant 0 : i32
    %dma_wait3A_702 = tpu.memref_slice %arg4[%add3A_678, %dma_wait3A_701] : memref<425984x128xf32, #tpu.memory_space<hbm>> -> memref<128x128xf32, #tpu.memory_space<hbm>>
    %dma_wait3A_703 = arith.constant 0 : i32
    %dma_wait3A_704 = tpu.memref_slice %arg4[%add3A_678, %dma_wait3A_703] : memref<425984x128xf32, #tpu.memory_space<hbm>> -> memref<128x128xf32, #tpu.memory_space<hbm>>
    tpu.wait_dma2 semaphore(%arg20 : memref<!tpu.dma_semaphore, #tpu.memory_space<semaphore_mem>>) src(%arg8 : memref<128x128xf32, #tpu.memory_space<vmem>>) dst(%dma_wait3A_704 : memref<128x128xf32, #tpu.memory_space<hbm>>)
    %add3A_705 = arith.constant 256 : i32
    %add3A_706 = arith.addi %mul3A_2, %add3A_705 : i32
    %dma_start3A_707 = tpu.memref_slice %arg2[%add3A_706, %multiple_of3A_34] : memref<16384x3328xf32, #tpu.memory_space<hbm>> -> memref<128x128xf32, #tpu.memory_space<hbm>>
    %dma_start3A_708 = tpu.memref_slice %arg2[%add3A_706, %multiple_of3A_34] : memref<16384x3328xf32, #tpu.memory_space<hbm>> -> memref<128x128xf32, #tpu.memory_space<hbm>>
    tpu.enqueue_dma source(%dma_start3A_708 : memref<128x128xf32, #tpu.memory_space<hbm>>) target(%arg8 : memref<128x128xf32, #tpu.memory_space<vmem>>) target_semaphore(%arg14 : memref<!tpu.dma_semaphore, #tpu.memory_space<semaphore_mem>>)
    %dma_wait3A_709 = tpu.memref_slice %arg2[%add3A_634, %multiple_of3A_31] : memref<16384x3328xf32, #tpu.memory_space<hbm>> -> memref<128x128xf32, #tpu.memory_space<hbm>>
    %dma_wait3A_710 = tpu.memref_slice %arg2[%add3A_634, %multiple_of3A_31] : memref<16384x3328xf32, #tpu.memory_space<hbm>> -> memref<128x128xf32, #tpu.memory_space<hbm>>
    tpu.wait_dma2 semaphore(%arg16 : memref<!tpu.dma_semaphore, #tpu.memory_space<semaphore_mem>>) src(%dma_wait3A_710 : memref<128x128xf32, #tpu.memory_space<hbm>>) dst(%arg10 : memref<128x128xf32, #tpu.memory_space<vmem>>)
    %add3A_711 = arith.constant 131072 : i32
    %add3A_712 = arith.addi %add3A_711, %mul3A_2 : i32
    %add3A_713 = arith.constant 256 : i32
    %add3A_714 = arith.addi %add3A_712, %add3A_713 : i32
    %dma_start3A_715 = arith.constant 0 : i32
    %dma_start3A_716 = tpu.memref_slice %arg4[%add3A_714, %dma_start3A_715] : memref<425984x128xf32, #tpu.memory_space<hbm>> -> memref<128x128xf32, #tpu.memory_space<hbm>>
    %dma_start3A_717 = arith.constant 0 : i32
    %dma_start3A_718 = tpu.memref_slice %arg4[%add3A_714, %dma_start3A_717] : memref<425984x128xf32, #tpu.memory_space<hbm>> -> memref<128x128xf32, #tpu.memory_space<hbm>>
    tpu.enqueue_dma source(%arg10 : memref<128x128xf32, #tpu.memory_space<vmem>>) target(%dma_start3A_718 : memref<128x128xf32, #tpu.memory_space<hbm>>) target_semaphore(%arg22 : memref<!tpu.dma_semaphore, #tpu.memory_space<semaphore_mem>>)
    %dma_wait3A_719 = arith.constant 0 : i32
    %dma_wait3A_720 = tpu.memref_slice %arg4[%add3A_696, %dma_wait3A_719] : memref<425984x128xf32, #tpu.memory_space<hbm>> -> memref<128x128xf32, #tpu.memory_space<hbm>>
    %dma_wait3A_721 = arith.constant 0 : i32
    %dma_wait3A_722 = tpu.memref_slice %arg4[%add3A_696, %dma_wait3A_721] : memref<425984x128xf32, #tpu.memory_space<hbm>> -> memref<128x128xf32, #tpu.memory_space<hbm>>
    tpu.wait_dma2 semaphore(%arg21 : memref<!tpu.dma_semaphore, #tpu.memory_space<semaphore_mem>>) src(%arg9 : memref<128x128xf32, #tpu.memory_space<vmem>>) dst(%dma_wait3A_722 : memref<128x128xf32, #tpu.memory_space<hbm>>)
    %add3A_723 = arith.constant 384 : i32
    %add3A_724 = arith.addi %mul3A_2, %add3A_723 : i32
    %dma_start3A_725 = tpu.memref_slice %arg2[%add3A_724, %multiple_of3A_34] : memref<16384x3328xf32, #tpu.memory_space<hbm>> -> memref<128x128xf32, #tpu.memory_space<hbm>>
    %dma_start3A_726 = tpu.memref_slice %arg2[%add3A_724, %multiple_of3A_34] : memref<16384x3328xf32, #tpu.memory_space<hbm>> -> memref<128x128xf32, #tpu.memory_space<hbm>>
    tpu.enqueue_dma source(%dma_start3A_726 : memref<128x128xf32, #tpu.memory_space<hbm>>) target(%arg9 : memref<128x128xf32, #tpu.memory_space<vmem>>) target_semaphore(%arg15 : memref<!tpu.dma_semaphore, #tpu.memory_space<semaphore_mem>>)
    %dma_wait3A_727 = tpu.memref_slice %arg2[%add3A_652, %multiple_of3A_31] : memref<16384x3328xf32, #tpu.memory_space<hbm>> -> memref<128x128xf32, #tpu.memory_space<hbm>>
    %dma_wait3A_728 = tpu.memref_slice %arg2[%add3A_652, %multiple_of3A_31] : memref<16384x3328xf32, #tpu.memory_space<hbm>> -> memref<128x128xf32, #tpu.memory_space<hbm>>
    tpu.wait_dma2 semaphore(%arg17 : memref<!tpu.dma_semaphore, #tpu.memory_space<semaphore_mem>>) src(%dma_wait3A_728 : memref<128x128xf32, #tpu.memory_space<hbm>>) dst(%arg11 : memref<128x128xf32, #tpu.memory_space<vmem>>)
    %add3A_729 = arith.constant 131072 : i32
    %add3A_730 = arith.addi %add3A_729, %mul3A_2 : i32
    %add3A_731 = arith.constant 384 : i32
    %add3A_732 = arith.addi %add3A_730, %add3A_731 : i32
    %dma_start3A_733 = arith.constant 0 : i32
    %dma_start3A_734 = tpu.memref_slice %arg4[%add3A_732, %dma_start3A_733] : memref<425984x128xf32, #tpu.memory_space<hbm>> -> memref<128x128xf32, #tpu.memory_space<hbm>>
    %dma_start3A_735 = arith.constant 0 : i32
    %dma_start3A_736 = tpu.memref_slice %arg4[%add3A_732, %dma_start3A_735] : memref<425984x128xf32, #tpu.memory_space<hbm>> -> memref<128x128xf32, #tpu.memory_space<hbm>>
    tpu.enqueue_dma source(%arg11 : memref<128x128xf32, #tpu.memory_space<vmem>>) target(%dma_start3A_736 : memref<128x128xf32, #tpu.memory_space<hbm>>) target_semaphore(%arg23 : memref<!tpu.dma_semaphore, #tpu.memory_space<semaphore_mem>>)
    %dma_wait3A_737 = arith.constant 0 : i32
    %dma_wait3A_738 = tpu.memref_slice %arg4[%add3A_714, %dma_wait3A_737] : memref<425984x128xf32, #tpu.memory_space<hbm>> -> memref<128x128xf32, #tpu.memory_space<hbm>>
    %dma_wait3A_739 = arith.constant 0 : i32
    %dma_wait3A_740 = tpu.memref_slice %arg4[%add3A_714, %dma_wait3A_739] : memref<425984x128xf32, #tpu.memory_space<hbm>> -> memref<128x128xf32, #tpu.memory_space<hbm>>
    tpu.wait_dma2 semaphore(%arg22 : memref<!tpu.dma_semaphore, #tpu.memory_space<semaphore_mem>>) src(%arg10 : memref<128x128xf32, #tpu.memory_space<vmem>>) dst(%dma_wait3A_740 : memref<128x128xf32, #tpu.memory_space<hbm>>)
    %add3A_741 = arith.constant 0 : i32
    %add3A_742 = arith.addi %mul3A_2, %add3A_741 : i32
    %dma_start3A_743 = tpu.memref_slice %arg2[%add3A_742, %multiple_of3A_37] : memref<16384x3328xf32, #tpu.memory_space<hbm>> -> memref<128x128xf32, #tpu.memory_space<hbm>>
    %dma_start3A_744 = tpu.memref_slice %arg2[%add3A_742, %multiple_of3A_37] : memref<16384x3328xf32, #tpu.memory_space<hbm>> -> memref<128x128xf32, #tpu.memory_space<hbm>>
    tpu.enqueue_dma source(%dma_start3A_744 : memref<128x128xf32, #tpu.memory_space<hbm>>) target(%arg10 : memref<128x128xf32, #tpu.memory_space<vmem>>) target_semaphore(%arg16 : memref<!tpu.dma_semaphore, #tpu.memory_space<semaphore_mem>>)
    %dma_wait3A_745 = tpu.memref_slice %arg2[%add3A_670, %multiple_of3A_34] : memref<16384x3328xf32, #tpu.memory_space<hbm>> -> memref<128x128xf32, #tpu.memory_space<hbm>>
    %dma_wait3A_746 = tpu.memref_slice %arg2[%add3A_670, %multiple_of3A_34] : memref<16384x3328xf32, #tpu.memory_space<hbm>> -> memref<128x128xf32, #tpu.memory_space<hbm>>
    tpu.wait_dma2 semaphore(%arg12 : memref<!tpu.dma_semaphore, #tpu.memory_space<semaphore_mem>>) src(%dma_wait3A_746 : memref<128x128xf32, #tpu.memory_space<hbm>>) dst(%arg6 : memref<128x128xf32, #tpu.memory_space<vmem>>)
    %add3A_747 = arith.constant 147456 : i32
    %add3A_748 = arith.addi %add3A_747, %mul3A_2 : i32
    %add3A_749 = arith.constant 0 : i32
    %add3A_750 = arith.addi %add3A_748, %add3A_749 : i32
    %dma_start3A_751 = arith.constant 0 : i32
    %dma_start3A_752 = tpu.memref_slice %arg4[%add3A_750, %dma_start3A_751] : memref<425984x128xf32, #tpu.memory_space<hbm>> -> memref<128x128xf32, #tpu.memory_space<hbm>>
    %dma_start3A_753 = arith.constant 0 : i32
    %dma_start3A_754 = tpu.memref_slice %arg4[%add3A_750, %dma_start3A_753] : memref<425984x128xf32, #tpu.memory_space<hbm>> -> memref<128x128xf32, #tpu.memory_space<hbm>>
    tpu.enqueue_dma source(%arg6 : memref<128x128xf32, #tpu.memory_space<vmem>>) target(%dma_start3A_754 : memref<128x128xf32, #tpu.memory_space<hbm>>) target_semaphore(%arg18 : memref<!tpu.dma_semaphore, #tpu.memory_space<semaphore_mem>>)
    %dma_wait3A_755 = arith.constant 0 : i32
    %dma_wait3A_756 = tpu.memref_slice %arg4[%add3A_732, %dma_wait3A_755] : memref<425984x128xf32, #tpu.memory_space<hbm>> -> memref<128x128xf32, #tpu.memory_space<hbm>>
    %dma_wait3A_757 = arith.constant 0 : i32
    %dma_wait3A_758 = tpu.memref_slice %arg4[%add3A_732, %dma_wait3A_757] : memref<425984x128xf32, #tpu.memory_space<hbm>> -> memref<128x128xf32, #tpu.memory_space<hbm>>
    tpu.wait_dma2 semaphore(%arg23 : memref<!tpu.dma_semaphore, #tpu.memory_space<semaphore_mem>>) src(%arg11 : memref<128x128xf32, #tpu.memory_space<vmem>>) dst(%dma_wait3A_758 : memref<128x128xf32, #tpu.memory_space<hbm>>)
    %add3A_759 = arith.constant 128 : i32
    %add3A_760 = arith.addi %mul3A_2, %add3A_759 : i32
    %dma_start3A_761 = tpu.memref_slice %arg2[%add3A_760, %multiple_of3A_37] : memref<16384x3328xf32, #tpu.memory_space<hbm>> -> memref<128x128xf32, #tpu.memory_space<hbm>>
    %dma_start3A_762 = tpu.memref_slice %arg2[%add3A_760, %multiple_of3A_37] : memref<16384x3328xf32, #tpu.memory_space<hbm>> -> memref<128x128xf32, #tpu.memory_space<hbm>>
    tpu.enqueue_dma source(%dma_start3A_762 : memref<128x128xf32, #tpu.memory_space<hbm>>) target(%arg11 : memref<128x128xf32, #tpu.memory_space<vmem>>) target_semaphore(%arg17 : memref<!tpu.dma_semaphore, #tpu.memory_space<semaphore_mem>>)
    %dma_wait3A_763 = tpu.memref_slice %arg2[%add3A_688, %multiple_of3A_34] : memref<16384x3328xf32, #tpu.memory_space<hbm>> -> memref<128x128xf32, #tpu.memory_space<hbm>>
    %dma_wait3A_764 = tpu.memref_slice %arg2[%add3A_688, %multiple_of3A_34] : memref<16384x3328xf32, #tpu.memory_space<hbm>> -> memref<128x128xf32, #tpu.memory_space<hbm>>
    tpu.wait_dma2 semaphore(%arg13 : memref<!tpu.dma_semaphore, #tpu.memory_space<semaphore_mem>>) src(%dma_wait3A_764 : memref<128x128xf32, #tpu.memory_space<hbm>>) dst(%arg7 : memref<128x128xf32, #tpu.memory_space<vmem>>)
    %add3A_765 = arith.constant 147456 : i32
    %add3A_766 = arith.addi %add3A_765, %mul3A_2 : i32
    %add3A_767 = arith.constant 128 : i32
    %add3A_768 = arith.addi %add3A_766, %add3A_767 : i32
    %dma_start3A_769 = arith.constant 0 : i32
    %dma_start3A_770 = tpu.memref_slice %arg4[%add3A_768, %dma_start3A_769] : memref<425984x128xf32, #tpu.memory_space<hbm>> -> memref<128x128xf32, #tpu.memory_space<hbm>>
    %dma_start3A_771 = arith.constant 0 : i32
    %dma_start3A_772 = tpu.memref_slice %arg4[%add3A_768, %dma_start3A_771] : memref<425984x128xf32, #tpu.memory_space<hbm>> -> memref<128x128xf32, #tpu.memory_space<hbm>>
    tpu.enqueue_dma source(%arg7 : memref<128x128xf32, #tpu.memory_space<vmem>>) target(%dma_start3A_772 : memref<128x128xf32, #tpu.memory_space<hbm>>) target_semaphore(%arg19 : memref<!tpu.dma_semaphore, #tpu.memory_space<semaphore_mem>>)
    %dma_wait3A_773 = arith.constant 0 : i32
    %dma_wait3A_774 = tpu.memref_slice %arg4[%add3A_750, %dma_wait3A_773] : memref<425984x128xf32, #tpu.memory_space<hbm>> -> memref<128x128xf32, #tpu.memory_space<hbm>>
    %dma_wait3A_775 = arith.constant 0 : i32
    %dma_wait3A_776 = tpu.memref_slice %arg4[%add3A_750, %dma_wait3A_775] : memref<425984x128xf32, #tpu.memory_space<hbm>> -> memref<128x128xf32, #tpu.memory_space<hbm>>
    tpu.wait_dma2 semaphore(%arg18 : memref<!tpu.dma_semaphore, #tpu.memory_space<semaphore_mem>>) src(%arg6 : memref<128x128xf32, #tpu.memory_space<vmem>>) dst(%dma_wait3A_776 : memref<128x128xf32, #tpu.memory_space<hbm>>)
    %add3A_777 = arith.constant 256 : i32
    %add3A_778 = arith.addi %mul3A_2, %add3A_777 : i32
    %dma_start3A_779 = tpu.memref_slice %arg2[%add3A_778, %multiple_of3A_37] : memref<16384x3328xf32, #tpu.memory_space<hbm>> -> memref<128x128xf32, #tpu.memory_space<hbm>>
    %dma_start3A_780 = tpu.memref_slice %arg2[%add3A_778, %multiple_of3A_37] : memref<16384x3328xf32, #tpu.memory_space<hbm>> -> memref<128x128xf32, #tpu.memory_space<hbm>>
    tpu.enqueue_dma source(%dma_start3A_780 : memref<128x128xf32, #tpu.memory_space<hbm>>) target(%arg6 : memref<128x128xf32, #tpu.memory_space<vmem>>) target_semaphore(%arg12 : memref<!tpu.dma_semaphore, #tpu.memory_space<semaphore_mem>>)
    %dma_wait3A_781 = tpu.memref_slice %arg2[%add3A_706, %multiple_of3A_34] : memref<16384x3328xf32, #tpu.memory_space<hbm>> -> memref<128x128xf32, #tpu.memory_space<hbm>>
    %dma_wait3A_782 = tpu.memref_slice %arg2[%add3A_706, %multiple_of3A_34] : memref<16384x3328xf32, #tpu.memory_space<hbm>> -> memref<128x128xf32, #tpu.memory_space<hbm>>
    tpu.wait_dma2 semaphore(%arg14 : memref<!tpu.dma_semaphore, #tpu.memory_space<semaphore_mem>>) src(%dma_wait3A_782 : memref<128x128xf32, #tpu.memory_space<hbm>>) dst(%arg8 : memref<128x128xf32, #tpu.memory_space<vmem>>)
    %add3A_783 = arith.constant 147456 : i32
    %add3A_784 = arith.addi %add3A_783, %mul3A_2 : i32
    %add3A_785 = arith.constant 256 : i32
    %add3A_786 = arith.addi %add3A_784, %add3A_785 : i32
    %dma_start3A_787 = arith.constant 0 : i32
    %dma_start3A_788 = tpu.memref_slice %arg4[%add3A_786, %dma_start3A_787] : memref<425984x128xf32, #tpu.memory_space<hbm>> -> memref<128x128xf32, #tpu.memory_space<hbm>>
    %dma_start3A_789 = arith.constant 0 : i32
    %dma_start3A_790 = tpu.memref_slice %arg4[%add3A_786, %dma_start3A_789] : memref<425984x128xf32, #tpu.memory_space<hbm>> -> memref<128x128xf32, #tpu.memory_space<hbm>>
    tpu.enqueue_dma source(%arg8 : memref<128x128xf32, #tpu.memory_space<vmem>>) target(%dma_start3A_790 : memref<128x128xf32, #tpu.memory_space<hbm>>) target_semaphore(%arg20 : memref<!tpu.dma_semaphore, #tpu.memory_space<semaphore_mem>>)
    %dma_wait3A_791 = arith.constant 0 : i32
    %dma_wait3A_792 = tpu.memref_slice %arg4[%add3A_768, %dma_wait3A_791] : memref<425984x128xf32, #tpu.memory_space<hbm>> -> memref<128x128xf32, #tpu.memory_space<hbm>>
    %dma_wait3A_793 = arith.constant 0 : i32
    %dma_wait3A_794 = tpu.memref_slice %arg4[%add3A_768, %dma_wait3A_793] : memref<425984x128xf32, #tpu.memory_space<hbm>> -> memref<128x128xf32, #tpu.memory_space<hbm>>
    tpu.wait_dma2 semaphore(%arg19 : memref<!tpu.dma_semaphore, #tpu.memory_space<semaphore_mem>>) src(%arg7 : memref<128x128xf32, #tpu.memory_space<vmem>>) dst(%dma_wait3A_794 : memref<128x128xf32, #tpu.memory_space<hbm>>)
    %add3A_795 = arith.constant 384 : i32
    %add3A_796 = arith.addi %mul3A_2, %add3A_795 : i32
    %dma_start3A_797 = tpu.memref_slice %arg2[%add3A_796, %multiple_of3A_37] : memref<16384x3328xf32, #tpu.memory_space<hbm>> -> memref<128x128xf32, #tpu.memory_space<hbm>>
    %dma_start3A_798 = tpu.memref_slice %arg2[%add3A_796, %multiple_of3A_37] : memref<16384x3328xf32, #tpu.memory_space<hbm>> -> memref<128x128xf32, #tpu.memory_space<hbm>>
    tpu.enqueue_dma source(%dma_start3A_798 : memref<128x128xf32, #tpu.memory_space<hbm>>) target(%arg7 : memref<128x128xf32, #tpu.memory_space<vmem>>) target_semaphore(%arg13 : memref<!tpu.dma_semaphore, #tpu.memory_space<semaphore_mem>>)
    %dma_wait3A_799 = tpu.memref_slice %arg2[%add3A_724, %multiple_of3A_34] : memref<16384x3328xf32, #tpu.memory_space<hbm>> -> memref<128x128xf32, #tpu.memory_space<hbm>>
    %dma_wait3A_800 = tpu.memref_slice %arg2[%add3A_724, %multiple_of3A_34] : memref<16384x3328xf32, #tpu.memory_space<hbm>> -> memref<128x128xf32, #tpu.memory_space<hbm>>
    tpu.wait_dma2 semaphore(%arg15 : memref<!tpu.dma_semaphore, #tpu.memory_space<semaphore_mem>>) src(%dma_wait3A_800 : memref<128x128xf32, #tpu.memory_space<hbm>>) dst(%arg9 : memref<128x128xf32, #tpu.memory_space<vmem>>)
    %add3A_801 = arith.constant 147456 : i32
    %add3A_802 = arith.addi %add3A_801, %mul3A_2 : i32
    %add3A_803 = arith.constant 384 : i32
    %add3A_804 = arith.addi %add3A_802, %add3A_803 : i32
    %dma_start3A_805 = arith.constant 0 : i32
    %dma_start3A_806 = tpu.memref_slice %arg4[%add3A_804, %dma_start3A_805] : memref<425984x128xf32, #tpu.memory_space<hbm>> -> memref<128x128xf32, #tpu.memory_space<hbm>>
    %dma_start3A_807 = arith.constant 0 : i32
    %dma_start3A_808 = tpu.memref_slice %arg4[%add3A_804, %dma_start3A_807] : memref<425984x128xf32, #tpu.memory_space<hbm>> -> memref<128x128xf32, #tpu.memory_space<hbm>>
    tpu.enqueue_dma source(%arg9 : memref<128x128xf32, #tpu.memory_space<vmem>>) target(%dma_start3A_808 : memref<128x128xf32, #tpu.memory_space<hbm>>) target_semaphore(%arg21 : memref<!tpu.dma_semaphore, #tpu.memory_space<semaphore_mem>>)
    %dma_wait3A_809 = arith.constant 0 : i32
    %dma_wait3A_810 = tpu.memref_slice %arg4[%add3A_786, %dma_wait3A_809] : memref<425984x128xf32, #tpu.memory_space<hbm>> -> memref<128x128xf32, #tpu.memory_space<hbm>>
    %dma_wait3A_811 = arith.constant 0 : i32
    %dma_wait3A_812 = tpu.memref_slice %arg4[%add3A_786, %dma_wait3A_811] : memref<425984x128xf32, #tpu.memory_space<hbm>> -> memref<128x128xf32, #tpu.memory_space<hbm>>
    tpu.wait_dma2 semaphore(%arg20 : memref<!tpu.dma_semaphore, #tpu.memory_space<semaphore_mem>>) src(%arg8 : memref<128x128xf32, #tpu.memory_space<vmem>>) dst(%dma_wait3A_812 : memref<128x128xf32, #tpu.memory_space<hbm>>)
    %add3A_813 = arith.constant 0 : i32
    %add3A_814 = arith.addi %mul3A_2, %add3A_813 : i32
    %dma_start3A_815 = tpu.memref_slice %arg2[%add3A_814, %multiple_of3A_40] : memref<16384x3328xf32, #tpu.memory_space<hbm>> -> memref<128x128xf32, #tpu.memory_space<hbm>>
    %dma_start3A_816 = tpu.memref_slice %arg2[%add3A_814, %multiple_of3A_40] : memref<16384x3328xf32, #tpu.memory_space<hbm>> -> memref<128x128xf32, #tpu.memory_space<hbm>>
    tpu.enqueue_dma source(%dma_start3A_816 : memref<128x128xf32, #tpu.memory_space<hbm>>) target(%arg8 : memref<128x128xf32, #tpu.memory_space<vmem>>) target_semaphore(%arg14 : memref<!tpu.dma_semaphore, #tpu.memory_space<semaphore_mem>>)
    %dma_wait3A_817 = tpu.memref_slice %arg2[%add3A_742, %multiple_of3A_37] : memref<16384x3328xf32, #tpu.memory_space<hbm>> -> memref<128x128xf32, #tpu.memory_space<hbm>>
    %dma_wait3A_818 = tpu.memref_slice %arg2[%add3A_742, %multiple_of3A_37] : memref<16384x3328xf32, #tpu.memory_space<hbm>> -> memref<128x128xf32, #tpu.memory_space<hbm>>
    tpu.wait_dma2 semaphore(%arg16 : memref<!tpu.dma_semaphore, #tpu.memory_space<semaphore_mem>>) src(%dma_wait3A_818 : memref<128x128xf32, #tpu.memory_space<hbm>>) dst(%arg10 : memref<128x128xf32, #tpu.memory_space<vmem>>)
    %add3A_819 = arith.constant 163840 : i32
    %add3A_820 = arith.addi %add3A_819, %mul3A_2 : i32
    %add3A_821 = arith.constant 0 : i32
    %add3A_822 = arith.addi %add3A_820, %add3A_821 : i32
    %dma_start3A_823 = arith.constant 0 : i32
    %dma_start3A_824 = tpu.memref_slice %arg4[%add3A_822, %dma_start3A_823] : memref<425984x128xf32, #tpu.memory_space<hbm>> -> memref<128x128xf32, #tpu.memory_space<hbm>>
    %dma_start3A_825 = arith.constant 0 : i32
    %dma_start3A_826 = tpu.memref_slice %arg4[%add3A_822, %dma_start3A_825] : memref<425984x128xf32, #tpu.memory_space<hbm>> -> memref<128x128xf32, #tpu.memory_space<hbm>>
    tpu.enqueue_dma source(%arg10 : memref<128x128xf32, #tpu.memory_space<vmem>>) target(%dma_start3A_826 : memref<128x128xf32, #tpu.memory_space<hbm>>) target_semaphore(%arg22 : memref<!tpu.dma_semaphore, #tpu.memory_space<semaphore_mem>>)
    %dma_wait3A_827 = arith.constant 0 : i32
    %dma_wait3A_828 = tpu.memref_slice %arg4[%add3A_804, %dma_wait3A_827] : memref<425984x128xf32, #tpu.memory_space<hbm>> -> memref<128x128xf32, #tpu.memory_space<hbm>>
    %dma_wait3A_829 = arith.constant 0 : i32
    %dma_wait3A_830 = tpu.memref_slice %arg4[%add3A_804, %dma_wait3A_829] : memref<425984x128xf32, #tpu.memory_space<hbm>> -> memref<128x128xf32, #tpu.memory_space<hbm>>
    tpu.wait_dma2 semaphore(%arg21 : memref<!tpu.dma_semaphore, #tpu.memory_space<semaphore_mem>>) src(%arg9 : memref<128x128xf32, #tpu.memory_space<vmem>>) dst(%dma_wait3A_830 : memref<128x128xf32, #tpu.memory_space<hbm>>)
    %add3A_831 = arith.constant 128 : i32
    %add3A_832 = arith.addi %mul3A_2, %add3A_831 : i32
    %dma_start3A_833 = tpu.memref_slice %arg2[%add3A_832, %multiple_of3A_40] : memref<16384x3328xf32, #tpu.memory_space<hbm>> -> memref<128x128xf32, #tpu.memory_space<hbm>>
    %dma_start3A_834 = tpu.memref_slice %arg2[%add3A_832, %multiple_of3A_40] : memref<16384x3328xf32, #tpu.memory_space<hbm>> -> memref<128x128xf32, #tpu.memory_space<hbm>>
    tpu.enqueue_dma source(%dma_start3A_834 : memref<128x128xf32, #tpu.memory_space<hbm>>) target(%arg9 : memref<128x128xf32, #tpu.memory_space<vmem>>) target_semaphore(%arg15 : memref<!tpu.dma_semaphore, #tpu.memory_space<semaphore_mem>>)
    %dma_wait3A_835 = tpu.memref_slice %arg2[%add3A_760, %multiple_of3A_37] : memref<16384x3328xf32, #tpu.memory_space<hbm>> -> memref<128x128xf32, #tpu.memory_space<hbm>>
    %dma_wait3A_836 = tpu.memref_slice %arg2[%add3A_760, %multiple_of3A_37] : memref<16384x3328xf32, #tpu.memory_space<hbm>> -> memref<128x128xf32, #tpu.memory_space<hbm>>
    tpu.wait_dma2 semaphore(%arg17 : memref<!tpu.dma_semaphore, #tpu.memory_space<semaphore_mem>>) src(%dma_wait3A_836 : memref<128x128xf32, #tpu.memory_space<hbm>>) dst(%arg11 : memref<128x128xf32, #tpu.memory_space<vmem>>)
    %add3A_837 = arith.constant 163840 : i32
    %add3A_838 = arith.addi %add3A_837, %mul3A_2 : i32
    %add3A_839 = arith.constant 128 : i32
    %add3A_840 = arith.addi %add3A_838, %add3A_839 : i32
    %dma_start3A_841 = arith.constant 0 : i32
    %dma_start3A_842 = tpu.memref_slice %arg4[%add3A_840, %dma_start3A_841] : memref<425984x128xf32, #tpu.memory_space<hbm>> -> memref<128x128xf32, #tpu.memory_space<hbm>>
    %dma_start3A_843 = arith.constant 0 : i32
    %dma_start3A_844 = tpu.memref_slice %arg4[%add3A_840, %dma_start3A_843] : memref<425984x128xf32, #tpu.memory_space<hbm>> -> memref<128x128xf32, #tpu.memory_space<hbm>>
    tpu.enqueue_dma source(%arg11 : memref<128x128xf32, #tpu.memory_space<vmem>>) target(%dma_start3A_844 : memref<128x128xf32, #tpu.memory_space<hbm>>) target_semaphore(%arg23 : memref<!tpu.dma_semaphore, #tpu.memory_space<semaphore_mem>>)
    %dma_wait3A_845 = arith.constant 0 : i32
    %dma_wait3A_846 = tpu.memref_slice %arg4[%add3A_822, %dma_wait3A_845] : memref<425984x128xf32, #tpu.memory_space<hbm>> -> memref<128x128xf32, #tpu.memory_space<hbm>>
    %dma_wait3A_847 = arith.constant 0 : i32
    %dma_wait3A_848 = tpu.memref_slice %arg4[%add3A_822, %dma_wait3A_847] : memref<425984x128xf32, #tpu.memory_space<hbm>> -> memref<128x128xf32, #tpu.memory_space<hbm>>
    tpu.wait_dma2 semaphore(%arg22 : memref<!tpu.dma_semaphore, #tpu.memory_space<semaphore_mem>>) src(%arg10 : memref<128x128xf32, #tpu.memory_space<vmem>>) dst(%dma_wait3A_848 : memref<128x128xf32, #tpu.memory_space<hbm>>)
    %add3A_849 = arith.constant 256 : i32
    %add3A_850 = arith.addi %mul3A_2, %add3A_849 : i32
    %dma_start3A_851 = tpu.memref_slice %arg2[%add3A_850, %multiple_of3A_40] : memref<16384x3328xf32, #tpu.memory_space<hbm>> -> memref<128x128xf32, #tpu.memory_space<hbm>>
    %dma_start3A_852 = tpu.memref_slice %arg2[%add3A_850, %multiple_of3A_40] : memref<16384x3328xf32, #tpu.memory_space<hbm>> -> memref<128x128xf32, #tpu.memory_space<hbm>>
    tpu.enqueue_dma source(%dma_start3A_852 : memref<128x128xf32, #tpu.memory_space<hbm>>) target(%arg10 : memref<128x128xf32, #tpu.memory_space<vmem>>) target_semaphore(%arg16 : memref<!tpu.dma_semaphore, #tpu.memory_space<semaphore_mem>>)
    %dma_wait3A_853 = tpu.memref_slice %arg2[%add3A_778, %multiple_of3A_37] : memref<16384x3328xf32, #tpu.memory_space<hbm>> -> memref<128x128xf32, #tpu.memory_space<hbm>>
    %dma_wait3A_854 = tpu.memref_slice %arg2[%add3A_778, %multiple_of3A_37] : memref<16384x3328xf32, #tpu.memory_space<hbm>> -> memref<128x128xf32, #tpu.memory_space<hbm>>
    tpu.wait_dma2 semaphore(%arg12 : memref<!tpu.dma_semaphore, #tpu.memory_space<semaphore_mem>>) src(%dma_wait3A_854 : memref<128x128xf32, #tpu.memory_space<hbm>>) dst(%arg6 : memref<128x128xf32, #tpu.memory_space<vmem>>)
    %add3A_855 = arith.constant 163840 : i32
    %add3A_856 = arith.addi %add3A_855, %mul3A_2 : i32
    %add3A_857 = arith.constant 256 : i32
    %add3A_858 = arith.addi %add3A_856, %add3A_857 : i32
    %dma_start3A_859 = arith.constant 0 : i32
    %dma_start3A_860 = tpu.memref_slice %arg4[%add3A_858, %dma_start3A_859] : memref<425984x128xf32, #tpu.memory_space<hbm>> -> memref<128x128xf32, #tpu.memory_space<hbm>>
    %dma_start3A_861 = arith.constant 0 : i32
    %dma_start3A_862 = tpu.memref_slice %arg4[%add3A_858, %dma_start3A_861] : memref<425984x128xf32, #tpu.memory_space<hbm>> -> memref<128x128xf32, #tpu.memory_space<hbm>>
    tpu.enqueue_dma source(%arg6 : memref<128x128xf32, #tpu.memory_space<vmem>>) target(%dma_start3A_862 : memref<128x128xf32, #tpu.memory_space<hbm>>) target_semaphore(%arg18 : memref<!tpu.dma_semaphore, #tpu.memory_space<semaphore_mem>>)
    %dma_wait3A_863 = arith.constant 0 : i32
    %dma_wait3A_864 = tpu.memref_slice %arg4[%add3A_840, %dma_wait3A_863] : memref<425984x128xf32, #tpu.memory_space<hbm>> -> memref<128x128xf32, #tpu.memory_space<hbm>>
    %dma_wait3A_865 = arith.constant 0 : i32
    %dma_wait3A_866 = tpu.memref_slice %arg4[%add3A_840, %dma_wait3A_865] : memref<425984x128xf32, #tpu.memory_space<hbm>> -> memref<128x128xf32, #tpu.memory_space<hbm>>
    tpu.wait_dma2 semaphore(%arg23 : memref<!tpu.dma_semaphore, #tpu.memory_space<semaphore_mem>>) src(%arg11 : memref<128x128xf32, #tpu.memory_space<vmem>>) dst(%dma_wait3A_866 : memref<128x128xf32, #tpu.memory_space<hbm>>)
    %add3A_867 = arith.constant 384 : i32
    %add3A_868 = arith.addi %mul3A_2, %add3A_867 : i32
    %dma_start3A_869 = tpu.memref_slice %arg2[%add3A_868, %multiple_of3A_40] : memref<16384x3328xf32, #tpu.memory_space<hbm>> -> memref<128x128xf32, #tpu.memory_space<hbm>>
    %dma_start3A_870 = tpu.memref_slice %arg2[%add3A_868, %multiple_of3A_40] : memref<16384x3328xf32, #tpu.memory_space<hbm>> -> memref<128x128xf32, #tpu.memory_space<hbm>>
    tpu.enqueue_dma source(%dma_start3A_870 : memref<128x128xf32, #tpu.memory_space<hbm>>) target(%arg11 : memref<128x128xf32, #tpu.memory_space<vmem>>) target_semaphore(%arg17 : memref<!tpu.dma_semaphore, #tpu.memory_space<semaphore_mem>>)
    %dma_wait3A_871 = tpu.memref_slice %arg2[%add3A_796, %multiple_of3A_37] : memref<16384x3328xf32, #tpu.memory_space<hbm>> -> memref<128x128xf32, #tpu.memory_space<hbm>>
    %dma_wait3A_872 = tpu.memref_slice %arg2[%add3A_796, %multiple_of3A_37] : memref<16384x3328xf32, #tpu.memory_space<hbm>> -> memref<128x128xf32, #tpu.memory_space<hbm>>
    tpu.wait_dma2 semaphore(%arg13 : memref<!tpu.dma_semaphore, #tpu.memory_space<semaphore_mem>>) src(%dma_wait3A_872 : memref<128x128xf32, #tpu.memory_space<hbm>>) dst(%arg7 : memref<128x128xf32, #tpu.memory_space<vmem>>)
    %add3A_873 = arith.constant 163840 : i32
    %add3A_874 = arith.addi %add3A_873, %mul3A_2 : i32
    %add3A_875 = arith.constant 384 : i32
    %add3A_876 = arith.addi %add3A_874, %add3A_875 : i32
    %dma_start3A_877 = arith.constant 0 : i32
    %dma_start3A_878 = tpu.memref_slice %arg4[%add3A_876, %dma_start3A_877] : memref<425984x128xf32, #tpu.memory_space<hbm>> -> memref<128x128xf32, #tpu.memory_space<hbm>>
    %dma_start3A_879 = arith.constant 0 : i32
    %dma_start3A_880 = tpu.memref_slice %arg4[%add3A_876, %dma_start3A_879] : memref<425984x128xf32, #tpu.memory_space<hbm>> -> memref<128x128xf32, #tpu.memory_space<hbm>>
    tpu.enqueue_dma source(%arg7 : memref<128x128xf32, #tpu.memory_space<vmem>>) target(%dma_start3A_880 : memref<128x128xf32, #tpu.memory_space<hbm>>) target_semaphore(%arg19 : memref<!tpu.dma_semaphore, #tpu.memory_space<semaphore_mem>>)
    %dma_wait3A_881 = arith.constant 0 : i32
    %dma_wait3A_882 = tpu.memref_slice %arg4[%add3A_858, %dma_wait3A_881] : memref<425984x128xf32, #tpu.memory_space<hbm>> -> memref<128x128xf32, #tpu.memory_space<hbm>>
    %dma_wait3A_883 = arith.constant 0 : i32
    %dma_wait3A_884 = tpu.memref_slice %arg4[%add3A_858, %dma_wait3A_883] : memref<425984x128xf32, #tpu.memory_space<hbm>> -> memref<128x128xf32, #tpu.memory_space<hbm>>
    tpu.wait_dma2 semaphore(%arg18 : memref<!tpu.dma_semaphore, #tpu.memory_space<semaphore_mem>>) src(%arg6 : memref<128x128xf32, #tpu.memory_space<vmem>>) dst(%dma_wait3A_884 : memref<128x128xf32, #tpu.memory_space<hbm>>)
    %add3A_885 = arith.constant 0 : i32
    %add3A_886 = arith.addi %mul3A_2, %add3A_885 : i32
    %dma_start3A_887 = tpu.memref_slice %arg2[%add3A_886, %multiple_of3A_43] : memref<16384x3328xf32, #tpu.memory_space<hbm>> -> memref<128x128xf32, #tpu.memory_space<hbm>>
    %dma_start3A_888 = tpu.memref_slice %arg2[%add3A_886, %multiple_of3A_43] : memref<16384x3328xf32, #tpu.memory_space<hbm>> -> memref<128x128xf32, #tpu.memory_space<hbm>>
    tpu.enqueue_dma source(%dma_start3A_888 : memref<128x128xf32, #tpu.memory_space<hbm>>) target(%arg6 : memref<128x128xf32, #tpu.memory_space<vmem>>) target_semaphore(%arg12 : memref<!tpu.dma_semaphore, #tpu.memory_space<semaphore_mem>>)
    %dma_wait3A_889 = tpu.memref_slice %arg2[%add3A_814, %multiple_of3A_40] : memref<16384x3328xf32, #tpu.memory_space<hbm>> -> memref<128x128xf32, #tpu.memory_space<hbm>>
    %dma_wait3A_890 = tpu.memref_slice %arg2[%add3A_814, %multiple_of3A_40] : memref<16384x3328xf32, #tpu.memory_space<hbm>> -> memref<128x128xf32, #tpu.memory_space<hbm>>
    tpu.wait_dma2 semaphore(%arg14 : memref<!tpu.dma_semaphore, #tpu.memory_space<semaphore_mem>>) src(%dma_wait3A_890 : memref<128x128xf32, #tpu.memory_space<hbm>>) dst(%arg8 : memref<128x128xf32, #tpu.memory_space<vmem>>)
    %add3A_891 = arith.constant 180224 : i32
    %add3A_892 = arith.addi %add3A_891, %mul3A_2 : i32
    %add3A_893 = arith.constant 0 : i32
    %add3A_894 = arith.addi %add3A_892, %add3A_893 : i32
    %dma_start3A_895 = arith.constant 0 : i32
    %dma_start3A_896 = tpu.memref_slice %arg4[%add3A_894, %dma_start3A_895] : memref<425984x128xf32, #tpu.memory_space<hbm>> -> memref<128x128xf32, #tpu.memory_space<hbm>>
    %dma_start3A_897 = arith.constant 0 : i32
    %dma_start3A_898 = tpu.memref_slice %arg4[%add3A_894, %dma_start3A_897] : memref<425984x128xf32, #tpu.memory_space<hbm>> -> memref<128x128xf32, #tpu.memory_space<hbm>>
    tpu.enqueue_dma source(%arg8 : memref<128x128xf32, #tpu.memory_space<vmem>>) target(%dma_start3A_898 : memref<128x128xf32, #tpu.memory_space<hbm>>) target_semaphore(%arg20 : memref<!tpu.dma_semaphore, #tpu.memory_space<semaphore_mem>>)
    %dma_wait3A_899 = arith.constant 0 : i32
    %dma_wait3A_900 = tpu.memref_slice %arg4[%add3A_876, %dma_wait3A_899] : memref<425984x128xf32, #tpu.memory_space<hbm>> -> memref<128x128xf32, #tpu.memory_space<hbm>>
    %dma_wait3A_901 = arith.constant 0 : i32
    %dma_wait3A_902 = tpu.memref_slice %arg4[%add3A_876, %dma_wait3A_901] : memref<425984x128xf32, #tpu.memory_space<hbm>> -> memref<128x128xf32, #tpu.memory_space<hbm>>
    tpu.wait_dma2 semaphore(%arg19 : memref<!tpu.dma_semaphore, #tpu.memory_space<semaphore_mem>>) src(%arg7 : memref<128x128xf32, #tpu.memory_space<vmem>>) dst(%dma_wait3A_902 : memref<128x128xf32, #tpu.memory_space<hbm>>)
    %add3A_903 = arith.constant 128 : i32
    %add3A_904 = arith.addi %mul3A_2, %add3A_903 : i32
    %dma_start3A_905 = tpu.memref_slice %arg2[%add3A_904, %multiple_of3A_43] : memref<16384x3328xf32, #tpu.memory_space<hbm>> -> memref<128x128xf32, #tpu.memory_space<hbm>>
    %dma_start3A_906 = tpu.memref_slice %arg2[%add3A_904, %multiple_of3A_43] : memref<16384x3328xf32, #tpu.memory_space<hbm>> -> memref<128x128xf32, #tpu.memory_space<hbm>>
    tpu.enqueue_dma source(%dma_start3A_906 : memref<128x128xf32, #tpu.memory_space<hbm>>) target(%arg7 : memref<128x128xf32, #tpu.memory_space<vmem>>) target_semaphore(%arg13 : memref<!tpu.dma_semaphore, #tpu.memory_space<semaphore_mem>>)
    %dma_wait3A_907 = tpu.memref_slice %arg2[%add3A_832, %multiple_of3A_40] : memref<16384x3328xf32, #tpu.memory_space<hbm>> -> memref<128x128xf32, #tpu.memory_space<hbm>>
    %dma_wait3A_908 = tpu.memref_slice %arg2[%add3A_832, %multiple_of3A_40] : memref<16384x3328xf32, #tpu.memory_space<hbm>> -> memref<128x128xf32, #tpu.memory_space<hbm>>
    tpu.wait_dma2 semaphore(%arg15 : memref<!tpu.dma_semaphore, #tpu.memory_space<semaphore_mem>>) src(%dma_wait3A_908 : memref<128x128xf32, #tpu.memory_space<hbm>>) dst(%arg9 : memref<128x128xf32, #tpu.memory_space<vmem>>)
    %add3A_909 = arith.constant 180224 : i32
    %add3A_910 = arith.addi %add3A_909, %mul3A_2 : i32
    %add3A_911 = arith.constant 128 : i32
    %add3A_912 = arith.addi %add3A_910, %add3A_911 : i32
    %dma_start3A_913 = arith.constant 0 : i32
    %dma_start3A_914 = tpu.memref_slice %arg4[%add3A_912, %dma_start3A_913] : memref<425984x128xf32, #tpu.memory_space<hbm>> -> memref<128x128xf32, #tpu.memory_space<hbm>>
    %dma_start3A_915 = arith.constant 0 : i32
    %dma_start3A_916 = tpu.memref_slice %arg4[%add3A_912, %dma_start3A_915] : memref<425984x128xf32, #tpu.memory_space<hbm>> -> memref<128x128xf32, #tpu.memory_space<hbm>>
    tpu.enqueue_dma source(%arg9 : memref<128x128xf32, #tpu.memory_space<vmem>>) target(%dma_start3A_916 : memref<128x128xf32, #tpu.memory_space<hbm>>) target_semaphore(%arg21 : memref<!tpu.dma_semaphore, #tpu.memory_space<semaphore_mem>>)
    %dma_wait3A_917 = arith.constant 0 : i32
    %dma_wait3A_918 = tpu.memref_slice %arg4[%add3A_894, %dma_wait3A_917] : memref<425984x128xf32, #tpu.memory_space<hbm>> -> memref<128x128xf32, #tpu.memory_space<hbm>>
    %dma_wait3A_919 = arith.constant 0 : i32
    %dma_wait3A_920 = tpu.memref_slice %arg4[%add3A_894, %dma_wait3A_919] : memref<425984x128xf32, #tpu.memory_space<hbm>> -> memref<128x128xf32, #tpu.memory_space<hbm>>
    tpu.wait_dma2 semaphore(%arg20 : memref<!tpu.dma_semaphore, #tpu.memory_space<semaphore_mem>>) src(%arg8 : memref<128x128xf32, #tpu.memory_space<vmem>>) dst(%dma_wait3A_920 : memref<128x128xf32, #tpu.memory_space<hbm>>)
    %add3A_921 = arith.constant 256 : i32
    %add3A_922 = arith.addi %mul3A_2, %add3A_921 : i32
    %dma_start3A_923 = tpu.memref_slice %arg2[%add3A_922, %multiple_of3A_43] : memref<16384x3328xf32, #tpu.memory_space<hbm>> -> memref<128x128xf32, #tpu.memory_space<hbm>>
    %dma_start3A_924 = tpu.memref_slice %arg2[%add3A_922, %multiple_of3A_43] : memref<16384x3328xf32, #tpu.memory_space<hbm>> -> memref<128x128xf32, #tpu.memory_space<hbm>>
    tpu.enqueue_dma source(%dma_start3A_924 : memref<128x128xf32, #tpu.memory_space<hbm>>) target(%arg8 : memref<128x128xf32, #tpu.memory_space<vmem>>) target_semaphore(%arg14 : memref<!tpu.dma_semaphore, #tpu.memory_space<semaphore_mem>>)
    %dma_wait3A_925 = tpu.memref_slice %arg2[%add3A_850, %multiple_of3A_40] : memref<16384x3328xf32, #tpu.memory_space<hbm>> -> memref<128x128xf32, #tpu.memory_space<hbm>>
    %dma_wait3A_926 = tpu.memref_slice %arg2[%add3A_850, %multiple_of3A_40] : memref<16384x3328xf32, #tpu.memory_space<hbm>> -> memref<128x128xf32, #tpu.memory_space<hbm>>
    tpu.wait_dma2 semaphore(%arg16 : memref<!tpu.dma_semaphore, #tpu.memory_space<semaphore_mem>>) src(%dma_wait3A_926 : memref<128x128xf32, #tpu.memory_space<hbm>>) dst(%arg10 : memref<128x128xf32, #tpu.memory_space<vmem>>)
    %add3A_927 = arith.constant 180224 : i32
    %add3A_928 = arith.addi %add3A_927, %mul3A_2 : i32
    %add3A_929 = arith.constant 256 : i32
    %add3A_930 = arith.addi %add3A_928, %add3A_929 : i32
    %dma_start3A_931 = arith.constant 0 : i32
    %dma_start3A_932 = tpu.memref_slice %arg4[%add3A_930, %dma_start3A_931] : memref<425984x128xf32, #tpu.memory_space<hbm>> -> memref<128x128xf32, #tpu.memory_space<hbm>>
    %dma_start3A_933 = arith.constant 0 : i32
    %dma_start3A_934 = tpu.memref_slice %arg4[%add3A_930, %dma_start3A_933] : memref<425984x128xf32, #tpu.memory_space<hbm>> -> memref<128x128xf32, #tpu.memory_space<hbm>>
    tpu.enqueue_dma source(%arg10 : memref<128x128xf32, #tpu.memory_space<vmem>>) target(%dma_start3A_934 : memref<128x128xf32, #tpu.memory_space<hbm>>) target_semaphore(%arg22 : memref<!tpu.dma_semaphore, #tpu.memory_space<semaphore_mem>>)
    %dma_wait3A_935 = arith.constant 0 : i32
    %dma_wait3A_936 = tpu.memref_slice %arg4[%add3A_912, %dma_wait3A_935] : memref<425984x128xf32, #tpu.memory_space<hbm>> -> memref<128x128xf32, #tpu.memory_space<hbm>>
    %dma_wait3A_937 = arith.constant 0 : i32
    %dma_wait3A_938 = tpu.memref_slice %arg4[%add3A_912, %dma_wait3A_937] : memref<425984x128xf32, #tpu.memory_space<hbm>> -> memref<128x128xf32, #tpu.memory_space<hbm>>
    tpu.wait_dma2 semaphore(%arg21 : memref<!tpu.dma_semaphore, #tpu.memory_space<semaphore_mem>>) src(%arg9 : memref<128x128xf32, #tpu.memory_space<vmem>>) dst(%dma_wait3A_938 : memref<128x128xf32, #tpu.memory_space<hbm>>)
    %add3A_939 = arith.constant 384 : i32
    %add3A_940 = arith.addi %mul3A_2, %add3A_939 : i32
    %dma_start3A_941 = tpu.memref_slice %arg2[%add3A_940, %multiple_of3A_43] : memref<16384x3328xf32, #tpu.memory_space<hbm>> -> memref<128x128xf32, #tpu.memory_space<hbm>>
    %dma_start3A_942 = tpu.memref_slice %arg2[%add3A_940, %multiple_of3A_43] : memref<16384x3328xf32, #tpu.memory_space<hbm>> -> memref<128x128xf32, #tpu.memory_space<hbm>>
    tpu.enqueue_dma source(%dma_start3A_942 : memref<128x128xf32, #tpu.memory_space<hbm>>) target(%arg9 : memref<128x128xf32, #tpu.memory_space<vmem>>) target_semaphore(%arg15 : memref<!tpu.dma_semaphore, #tpu.memory_space<semaphore_mem>>)
    %dma_wait3A_943 = tpu.memref_slice %arg2[%add3A_868, %multiple_of3A_40] : memref<16384x3328xf32, #tpu.memory_space<hbm>> -> memref<128x128xf32, #tpu.memory_space<hbm>>
    %dma_wait3A_944 = tpu.memref_slice %arg2[%add3A_868, %multiple_of3A_40] : memref<16384x3328xf32, #tpu.memory_space<hbm>> -> memref<128x128xf32, #tpu.memory_space<hbm>>
    tpu.wait_dma2 semaphore(%arg17 : memref<!tpu.dma_semaphore, #tpu.memory_space<semaphore_mem>>) src(%dma_wait3A_944 : memref<128x128xf32, #tpu.memory_space<hbm>>) dst(%arg11 : memref<128x128xf32, #tpu.memory_space<vmem>>)
    %add3A_945 = arith.constant 180224 : i32
    %add3A_946 = arith.addi %add3A_945, %mul3A_2 : i32
    %add3A_947 = arith.constant 384 : i32
    %add3A_948 = arith.addi %add3A_946, %add3A_947 : i32
    %dma_start3A_949 = arith.constant 0 : i32
    %dma_start3A_950 = tpu.memref_slice %arg4[%add3A_948, %dma_start3A_949] : memref<425984x128xf32, #tpu.memory_space<hbm>> -> memref<128x128xf32, #tpu.memory_space<hbm>>
    %dma_start3A_951 = arith.constant 0 : i32
    %dma_start3A_952 = tpu.memref_slice %arg4[%add3A_948, %dma_start3A_951] : memref<425984x128xf32, #tpu.memory_space<hbm>> -> memref<128x128xf32, #tpu.memory_space<hbm>>
    tpu.enqueue_dma source(%arg11 : memref<128x128xf32, #tpu.memory_space<vmem>>) target(%dma_start3A_952 : memref<128x128xf32, #tpu.memory_space<hbm>>) target_semaphore(%arg23 : memref<!tpu.dma_semaphore, #tpu.memory_space<semaphore_mem>>)
    %dma_wait3A_953 = arith.constant 0 : i32
    %dma_wait3A_954 = tpu.memref_slice %arg4[%add3A_930, %dma_wait3A_953] : memref<425984x128xf32, #tpu.memory_space<hbm>> -> memref<128x128xf32, #tpu.memory_space<hbm>>
    %dma_wait3A_955 = arith.constant 0 : i32
    %dma_wait3A_956 = tpu.memref_slice %arg4[%add3A_930, %dma_wait3A_955] : memref<425984x128xf32, #tpu.memory_space<hbm>> -> memref<128x128xf32, #tpu.memory_space<hbm>>
    tpu.wait_dma2 semaphore(%arg22 : memref<!tpu.dma_semaphore, #tpu.memory_space<semaphore_mem>>) src(%arg10 : memref<128x128xf32, #tpu.memory_space<vmem>>) dst(%dma_wait3A_956 : memref<128x128xf32, #tpu.memory_space<hbm>>)
    %add3A_957 = arith.constant 0 : i32
    %add3A_958 = arith.addi %mul3A_2, %add3A_957 : i32
    %dma_start3A_959 = tpu.memref_slice %arg2[%add3A_958, %multiple_of3A_46] : memref<16384x3328xf32, #tpu.memory_space<hbm>> -> memref<128x128xf32, #tpu.memory_space<hbm>>
    %dma_start3A_960 = tpu.memref_slice %arg2[%add3A_958, %multiple_of3A_46] : memref<16384x3328xf32, #tpu.memory_space<hbm>> -> memref<128x128xf32, #tpu.memory_space<hbm>>
    tpu.enqueue_dma source(%dma_start3A_960 : memref<128x128xf32, #tpu.memory_space<hbm>>) target(%arg10 : memref<128x128xf32, #tpu.memory_space<vmem>>) target_semaphore(%arg16 : memref<!tpu.dma_semaphore, #tpu.memory_space<semaphore_mem>>)
    %dma_wait3A_961 = tpu.memref_slice %arg2[%add3A_886, %multiple_of3A_43] : memref<16384x3328xf32, #tpu.memory_space<hbm>> -> memref<128x128xf32, #tpu.memory_space<hbm>>
    %dma_wait3A_962 = tpu.memref_slice %arg2[%add3A_886, %multiple_of3A_43] : memref<16384x3328xf32, #tpu.memory_space<hbm>> -> memref<128x128xf32, #tpu.memory_space<hbm>>
    tpu.wait_dma2 semaphore(%arg12 : memref<!tpu.dma_semaphore, #tpu.memory_space<semaphore_mem>>) src(%dma_wait3A_962 : memref<128x128xf32, #tpu.memory_space<hbm>>) dst(%arg6 : memref<128x128xf32, #tpu.memory_space<vmem>>)
    %add3A_963 = arith.constant 196608 : i32
    %add3A_964 = arith.addi %add3A_963, %mul3A_2 : i32
    %add3A_965 = arith.constant 0 : i32
    %add3A_966 = arith.addi %add3A_964, %add3A_965 : i32
    %dma_start3A_967 = arith.constant 0 : i32
    %dma_start3A_968 = tpu.memref_slice %arg4[%add3A_966, %dma_start3A_967] : memref<425984x128xf32, #tpu.memory_space<hbm>> -> memref<128x128xf32, #tpu.memory_space<hbm>>
    %dma_start3A_969 = arith.constant 0 : i32
    %dma_start3A_970 = tpu.memref_slice %arg4[%add3A_966, %dma_start3A_969] : memref<425984x128xf32, #tpu.memory_space<hbm>> -> memref<128x128xf32, #tpu.memory_space<hbm>>
    tpu.enqueue_dma source(%arg6 : memref<128x128xf32, #tpu.memory_space<vmem>>) target(%dma_start3A_970 : memref<128x128xf32, #tpu.memory_space<hbm>>) target_semaphore(%arg18 : memref<!tpu.dma_semaphore, #tpu.memory_space<semaphore_mem>>)
    %dma_wait3A_971 = arith.constant 0 : i32
    %dma_wait3A_972 = tpu.memref_slice %arg4[%add3A_948, %dma_wait3A_971] : memref<425984x128xf32, #tpu.memory_space<hbm>> -> memref<128x128xf32, #tpu.memory_space<hbm>>
    %dma_wait3A_973 = arith.constant 0 : i32
    %dma_wait3A_974 = tpu.memref_slice %arg4[%add3A_948, %dma_wait3A_973] : memref<425984x128xf32, #tpu.memory_space<hbm>> -> memref<128x128xf32, #tpu.memory_space<hbm>>
    tpu.wait_dma2 semaphore(%arg23 : memref<!tpu.dma_semaphore, #tpu.memory_space<semaphore_mem>>) src(%arg11 : memref<128x128xf32, #tpu.memory_space<vmem>>) dst(%dma_wait3A_974 : memref<128x128xf32, #tpu.memory_space<hbm>>)
    %add3A_975 = arith.constant 128 : i32
    %add3A_976 = arith.addi %mul3A_2, %add3A_975 : i32
    %dma_start3A_977 = tpu.memref_slice %arg2[%add3A_976, %multiple_of3A_46] : memref<16384x3328xf32, #tpu.memory_space<hbm>> -> memref<128x128xf32, #tpu.memory_space<hbm>>
    %dma_start3A_978 = tpu.memref_slice %arg2[%add3A_976, %multiple_of3A_46] : memref<16384x3328xf32, #tpu.memory_space<hbm>> -> memref<128x128xf32, #tpu.memory_space<hbm>>
    tpu.enqueue_dma source(%dma_start3A_978 : memref<128x128xf32, #tpu.memory_space<hbm>>) target(%arg11 : memref<128x128xf32, #tpu.memory_space<vmem>>) target_semaphore(%arg17 : memref<!tpu.dma_semaphore, #tpu.memory_space<semaphore_mem>>)
    %dma_wait3A_979 = tpu.memref_slice %arg2[%add3A_904, %multiple_of3A_43] : memref<16384x3328xf32, #tpu.memory_space<hbm>> -> memref<128x128xf32, #tpu.memory_space<hbm>>
    %dma_wait3A_980 = tpu.memref_slice %arg2[%add3A_904, %multiple_of3A_43] : memref<16384x3328xf32, #tpu.memory_space<hbm>> -> memref<128x128xf32, #tpu.memory_space<hbm>>
    tpu.wait_dma2 semaphore(%arg13 : memref<!tpu.dma_semaphore, #tpu.memory_space<semaphore_mem>>) src(%dma_wait3A_980 : memref<128x128xf32, #tpu.memory_space<hbm>>) dst(%arg7 : memref<128x128xf32, #tpu.memory_space<vmem>>)
    %add3A_981 = arith.constant 196608 : i32
    %add3A_982 = arith.addi %add3A_981, %mul3A_2 : i32
    %add3A_983 = arith.constant 128 : i32
    %add3A_984 = arith.addi %add3A_982, %add3A_983 : i32
    %dma_start3A_985 = arith.constant 0 : i32
    %dma_start3A_986 = tpu.memref_slice %arg4[%add3A_984, %dma_start3A_985] : memref<425984x128xf32, #tpu.memory_space<hbm>> -> memref<128x128xf32, #tpu.memory_space<hbm>>
    %dma_start3A_987 = arith.constant 0 : i32
    %dma_start3A_988 = tpu.memref_slice %arg4[%add3A_984, %dma_start3A_987] : memref<425984x128xf32, #tpu.memory_space<hbm>> -> memref<128x128xf32, #tpu.memory_space<hbm>>
    tpu.enqueue_dma source(%arg7 : memref<128x128xf32, #tpu.memory_space<vmem>>) target(%dma_start3A_988 : memref<128x128xf32, #tpu.memory_space<hbm>>) target_semaphore(%arg19 : memref<!tpu.dma_semaphore, #tpu.memory_space<semaphore_mem>>)
    %dma_wait3A_989 = arith.constant 0 : i32
    %dma_wait3A_990 = tpu.memref_slice %arg4[%add3A_966, %dma_wait3A_989] : memref<425984x128xf32, #tpu.memory_space<hbm>> -> memref<128x128xf32, #tpu.memory_space<hbm>>
    %dma_wait3A_991 = arith.constant 0 : i32
    %dma_wait3A_992 = tpu.memref_slice %arg4[%add3A_966, %dma_wait3A_991] : memref<425984x128xf32, #tpu.memory_space<hbm>> -> memref<128x128xf32, #tpu.memory_space<hbm>>
    tpu.wait_dma2 semaphore(%arg18 : memref<!tpu.dma_semaphore, #tpu.memory_space<semaphore_mem>>) src(%arg6 : memref<128x128xf32, #tpu.memory_space<vmem>>) dst(%dma_wait3A_992 : memref<128x128xf32, #tpu.memory_space<hbm>>)
    %add3A_993 = arith.constant 256 : i32
    %add3A_994 = arith.addi %mul3A_2, %add3A_993 : i32
    %dma_start3A_995 = tpu.memref_slice %arg2[%add3A_994, %multiple_of3A_46] : memref<16384x3328xf32, #tpu.memory_space<hbm>> -> memref<128x128xf32, #tpu.memory_space<hbm>>
    %dma_start3A_996 = tpu.memref_slice %arg2[%add3A_994, %multiple_of3A_46] : memref<16384x3328xf32, #tpu.memory_space<hbm>> -> memref<128x128xf32, #tpu.memory_space<hbm>>
    tpu.enqueue_dma source(%dma_start3A_996 : memref<128x128xf32, #tpu.memory_space<hbm>>) target(%arg6 : memref<128x128xf32, #tpu.memory_space<vmem>>) target_semaphore(%arg12 : memref<!tpu.dma_semaphore, #tpu.memory_space<semaphore_mem>>)
    %dma_wait3A_997 = tpu.memref_slice %arg2[%add3A_922, %multiple_of3A_43] : memref<16384x3328xf32, #tpu.memory_space<hbm>> -> memref<128x128xf32, #tpu.memory_space<hbm>>
    %dma_wait3A_998 = tpu.memref_slice %arg2[%add3A_922, %multiple_of3A_43] : memref<16384x3328xf32, #tpu.memory_space<hbm>> -> memref<128x128xf32, #tpu.memory_space<hbm>>
    tpu.wait_dma2 semaphore(%arg14 : memref<!tpu.dma_semaphore, #tpu.memory_space<semaphore_mem>>) src(%dma_wait3A_998 : memref<128x128xf32, #tpu.memory_space<hbm>>) dst(%arg8 : memref<128x128xf32, #tpu.memory_space<vmem>>)
    %add3A_999 = arith.constant 196608 : i32
    %add3A_1000 = arith.addi %add3A_999, %mul3A_2 : i32
    %add3A_1001 = arith.constant 256 : i32
    %add3A_1002 = arith.addi %add3A_1000, %add3A_1001 : i32
    %dma_start3A_1003 = arith.constant 0 : i32
    %dma_start3A_1004 = tpu.memref_slice %arg4[%add3A_1002, %dma_start3A_1003] : memref<425984x128xf32, #tpu.memory_space<hbm>> -> memref<128x128xf32, #tpu.memory_space<hbm>>
    %dma_start3A_1005 = arith.constant 0 : i32
    %dma_start3A_1006 = tpu.memref_slice %arg4[%add3A_1002, %dma_start3A_1005] : memref<425984x128xf32, #tpu.memory_space<hbm>> -> memref<128x128xf32, #tpu.memory_space<hbm>>
    tpu.enqueue_dma source(%arg8 : memref<128x128xf32, #tpu.memory_space<vmem>>) target(%dma_start3A_1006 : memref<128x128xf32, #tpu.memory_space<hbm>>) target_semaphore(%arg20 : memref<!tpu.dma_semaphore, #tpu.memory_space<semaphore_mem>>)
    %dma_wait3A_1007 = arith.constant 0 : i32
    %dma_wait3A_1008 = tpu.memref_slice %arg4[%add3A_984, %dma_wait3A_1007] : memref<425984x128xf32, #tpu.memory_space<hbm>> -> memref<128x128xf32, #tpu.memory_space<hbm>>
    %dma_wait3A_1009 = arith.constant 0 : i32
    %dma_wait3A_1010 = tpu.memref_slice %arg4[%add3A_984, %dma_wait3A_1009] : memref<425984x128xf32, #tpu.memory_space<hbm>> -> memref<128x128xf32, #tpu.memory_space<hbm>>
    tpu.wait_dma2 semaphore(%arg19 : memref<!tpu.dma_semaphore, #tpu.memory_space<semaphore_mem>>) src(%arg7 : memref<128x128xf32, #tpu.memory_space<vmem>>) dst(%dma_wait3A_1010 : memref<128x128xf32, #tpu.memory_space<hbm>>)
    %add3A_1011 = arith.constant 384 : i32
    %add3A_1012 = arith.addi %mul3A_2, %add3A_1011 : i32
    %dma_start3A_1013 = tpu.memref_slice %arg2[%add3A_1012, %multiple_of3A_46] : memref<16384x3328xf32, #tpu.memory_space<hbm>> -> memref<128x128xf32, #tpu.memory_space<hbm>>
    %dma_start3A_1014 = tpu.memref_slice %arg2[%add3A_1012, %multiple_of3A_46] : memref<16384x3328xf32, #tpu.memory_space<hbm>> -> memref<128x128xf32, #tpu.memory_space<hbm>>
    tpu.enqueue_dma source(%dma_start3A_1014 : memref<128x128xf32, #tpu.memory_space<hbm>>) target(%arg7 : memref<128x128xf32, #tpu.memory_space<vmem>>) target_semaphore(%arg13 : memref<!tpu.dma_semaphore, #tpu.memory_space<semaphore_mem>>)
    %dma_wait3A_1015 = tpu.memref_slice %arg2[%add3A_940, %multiple_of3A_43] : memref<16384x3328xf32, #tpu.memory_space<hbm>> -> memref<128x128xf32, #tpu.memory_space<hbm>>
    %dma_wait3A_1016 = tpu.memref_slice %arg2[%add3A_940, %multiple_of3A_43] : memref<16384x3328xf32, #tpu.memory_space<hbm>> -> memref<128x128xf32, #tpu.memory_space<hbm>>
    tpu.wait_dma2 semaphore(%arg15 : memref<!tpu.dma_semaphore, #tpu.memory_space<semaphore_mem>>) src(%dma_wait3A_1016 : memref<128x128xf32, #tpu.memory_space<hbm>>) dst(%arg9 : memref<128x128xf32, #tpu.memory_space<vmem>>)
    %add3A_1017 = arith.constant 196608 : i32
    %add3A_1018 = arith.addi %add3A_1017, %mul3A_2 : i32
    %add3A_1019 = arith.constant 384 : i32
    %add3A_1020 = arith.addi %add3A_1018, %add3A_1019 : i32
    %dma_start3A_1021 = arith.constant 0 : i32
    %dma_start3A_1022 = tpu.memref_slice %arg4[%add3A_1020, %dma_start3A_1021] : memref<425984x128xf32, #tpu.memory_space<hbm>> -> memref<128x128xf32, #tpu.memory_space<hbm>>
    %dma_start3A_1023 = arith.constant 0 : i32
    %dma_start3A_1024 = tpu.memref_slice %arg4[%add3A_1020, %dma_start3A_1023] : memref<425984x128xf32, #tpu.memory_space<hbm>> -> memref<128x128xf32, #tpu.memory_space<hbm>>
    tpu.enqueue_dma source(%arg9 : memref<128x128xf32, #tpu.memory_space<vmem>>) target(%dma_start3A_1024 : memref<128x128xf32, #tpu.memory_space<hbm>>) target_semaphore(%arg21 : memref<!tpu.dma_semaphore, #tpu.memory_space<semaphore_mem>>)
    %dma_wait3A_1025 = arith.constant 0 : i32
    %dma_wait3A_1026 = tpu.memref_slice %arg4[%add3A_1002, %dma_wait3A_1025] : memref<425984x128xf32, #tpu.memory_space<hbm>> -> memref<128x128xf32, #tpu.memory_space<hbm>>
    %dma_wait3A_1027 = arith.constant 0 : i32
    %dma_wait3A_1028 = tpu.memref_slice %arg4[%add3A_1002, %dma_wait3A_1027] : memref<425984x128xf32, #tpu.memory_space<hbm>> -> memref<128x128xf32, #tpu.memory_space<hbm>>
    tpu.wait_dma2 semaphore(%arg20 : memref<!tpu.dma_semaphore, #tpu.memory_space<semaphore_mem>>) src(%arg8 : memref<128x128xf32, #tpu.memory_space<vmem>>) dst(%dma_wait3A_1028 : memref<128x128xf32, #tpu.memory_space<hbm>>)
    %add3A_1029 = arith.constant 0 : i32
    %add3A_1030 = arith.addi %mul3A_2, %add3A_1029 : i32
    %dma_start3A_1031 = tpu.memref_slice %arg2[%add3A_1030, %multiple_of3A_49] : memref<16384x3328xf32, #tpu.memory_space<hbm>> -> memref<128x128xf32, #tpu.memory_space<hbm>>
    %dma_start3A_1032 = tpu.memref_slice %arg2[%add3A_1030, %multiple_of3A_49] : memref<16384x3328xf32, #tpu.memory_space<hbm>> -> memref<128x128xf32, #tpu.memory_space<hbm>>
    tpu.enqueue_dma source(%dma_start3A_1032 : memref<128x128xf32, #tpu.memory_space<hbm>>) target(%arg8 : memref<128x128xf32, #tpu.memory_space<vmem>>) target_semaphore(%arg14 : memref<!tpu.dma_semaphore, #tpu.memory_space<semaphore_mem>>)
    %dma_wait3A_1033 = tpu.memref_slice %arg2[%add3A_958, %multiple_of3A_46] : memref<16384x3328xf32, #tpu.memory_space<hbm>> -> memref<128x128xf32, #tpu.memory_space<hbm>>
    %dma_wait3A_1034 = tpu.memref_slice %arg2[%add3A_958, %multiple_of3A_46] : memref<16384x3328xf32, #tpu.memory_space<hbm>> -> memref<128x128xf32, #tpu.memory_space<hbm>>
    tpu.wait_dma2 semaphore(%arg16 : memref<!tpu.dma_semaphore, #tpu.memory_space<semaphore_mem>>) src(%dma_wait3A_1034 : memref<128x128xf32, #tpu.memory_space<hbm>>) dst(%arg10 : memref<128x128xf32, #tpu.memory_space<vmem>>)
    %add3A_1035 = arith.constant 212992 : i32
    %add3A_1036 = arith.addi %add3A_1035, %mul3A_2 : i32
    %add3A_1037 = arith.constant 0 : i32
    %add3A_1038 = arith.addi %add3A_1036, %add3A_1037 : i32
    %dma_start3A_1039 = arith.constant 0 : i32
    %dma_start3A_1040 = tpu.memref_slice %arg4[%add3A_1038, %dma_start3A_1039] : memref<425984x128xf32, #tpu.memory_space<hbm>> -> memref<128x128xf32, #tpu.memory_space<hbm>>
    %dma_start3A_1041 = arith.constant 0 : i32
    %dma_start3A_1042 = tpu.memref_slice %arg4[%add3A_1038, %dma_start3A_1041] : memref<425984x128xf32, #tpu.memory_space<hbm>> -> memref<128x128xf32, #tpu.memory_space<hbm>>
    tpu.enqueue_dma source(%arg10 : memref<128x128xf32, #tpu.memory_space<vmem>>) target(%dma_start3A_1042 : memref<128x128xf32, #tpu.memory_space<hbm>>) target_semaphore(%arg22 : memref<!tpu.dma_semaphore, #tpu.memory_space<semaphore_mem>>)
    %dma_wait3A_1043 = arith.constant 0 : i32
    %dma_wait3A_1044 = tpu.memref_slice %arg4[%add3A_1020, %dma_wait3A_1043] : memref<425984x128xf32, #tpu.memory_space<hbm>> -> memref<128x128xf32, #tpu.memory_space<hbm>>
    %dma_wait3A_1045 = arith.constant 0 : i32
    %dma_wait3A_1046 = tpu.memref_slice %arg4[%add3A_1020, %dma_wait3A_1045] : memref<425984x128xf32, #tpu.memory_space<hbm>> -> memref<128x128xf32, #tpu.memory_space<hbm>>
    tpu.wait_dma2 semaphore(%arg21 : memref<!tpu.dma_semaphore, #tpu.memory_space<semaphore_mem>>) src(%arg9 : memref<128x128xf32, #tpu.memory_space<vmem>>) dst(%dma_wait3A_1046 : memref<128x128xf32, #tpu.memory_space<hbm>>)
    %add3A_1047 = arith.constant 128 : i32
    %add3A_1048 = arith.addi %mul3A_2, %add3A_1047 : i32
    %dma_start3A_1049 = tpu.memref_slice %arg2[%add3A_1048, %multiple_of3A_49] : memref<16384x3328xf32, #tpu.memory_space<hbm>> -> memref<128x128xf32, #tpu.memory_space<hbm>>
    %dma_start3A_1050 = tpu.memref_slice %arg2[%add3A_1048, %multiple_of3A_49] : memref<16384x3328xf32, #tpu.memory_space<hbm>> -> memref<128x128xf32, #tpu.memory_space<hbm>>
    tpu.enqueue_dma source(%dma_start3A_1050 : memref<128x128xf32, #tpu.memory_space<hbm>>) target(%arg9 : memref<128x128xf32, #tpu.memory_space<vmem>>) target_semaphore(%arg15 : memref<!tpu.dma_semaphore, #tpu.memory_space<semaphore_mem>>)
    %dma_wait3A_1051 = tpu.memref_slice %arg2[%add3A_976, %multiple_of3A_46] : memref<16384x3328xf32, #tpu.memory_space<hbm>> -> memref<128x128xf32, #tpu.memory_space<hbm>>
    %dma_wait3A_1052 = tpu.memref_slice %arg2[%add3A_976, %multiple_of3A_46] : memref<16384x3328xf32, #tpu.memory_space<hbm>> -> memref<128x128xf32, #tpu.memory_space<hbm>>
    tpu.wait_dma2 semaphore(%arg17 : memref<!tpu.dma_semaphore, #tpu.memory_space<semaphore_mem>>) src(%dma_wait3A_1052 : memref<128x128xf32, #tpu.memory_space<hbm>>) dst(%arg11 : memref<128x128xf32, #tpu.memory_space<vmem>>)
    %add3A_1053 = arith.constant 212992 : i32
    %add3A_1054 = arith.addi %add3A_1053, %mul3A_2 : i32
    %add3A_1055 = arith.constant 128 : i32
    %add3A_1056 = arith.addi %add3A_1054, %add3A_1055 : i32
    %dma_start3A_1057 = arith.constant 0 : i32
    %dma_start3A_1058 = tpu.memref_slice %arg4[%add3A_1056, %dma_start3A_1057] : memref<425984x128xf32, #tpu.memory_space<hbm>> -> memref<128x128xf32, #tpu.memory_space<hbm>>
    %dma_start3A_1059 = arith.constant 0 : i32
    %dma_start3A_1060 = tpu.memref_slice %arg4[%add3A_1056, %dma_start3A_1059] : memref<425984x128xf32, #tpu.memory_space<hbm>> -> memref<128x128xf32, #tpu.memory_space<hbm>>
    tpu.enqueue_dma source(%arg11 : memref<128x128xf32, #tpu.memory_space<vmem>>) target(%dma_start3A_1060 : memref<128x128xf32, #tpu.memory_space<hbm>>) target_semaphore(%arg23 : memref<!tpu.dma_semaphore, #tpu.memory_space<semaphore_mem>>)
    %dma_wait3A_1061 = arith.constant 0 : i32
    %dma_wait3A_1062 = tpu.memref_slice %arg4[%add3A_1038, %dma_wait3A_1061] : memref<425984x128xf32, #tpu.memory_space<hbm>> -> memref<128x128xf32, #tpu.memory_space<hbm>>
    %dma_wait3A_1063 = arith.constant 0 : i32
    %dma_wait3A_1064 = tpu.memref_slice %arg4[%add3A_1038, %dma_wait3A_1063] : memref<425984x128xf32, #tpu.memory_space<hbm>> -> memref<128x128xf32, #tpu.memory_space<hbm>>
    tpu.wait_dma2 semaphore(%arg22 : memref<!tpu.dma_semaphore, #tpu.memory_space<semaphore_mem>>) src(%arg10 : memref<128x128xf32, #tpu.memory_space<vmem>>) dst(%dma_wait3A_1064 : memref<128x128xf32, #tpu.memory_space<hbm>>)
    %add3A_1065 = arith.constant 256 : i32
    %add3A_1066 = arith.addi %mul3A_2, %add3A_1065 : i32
    %dma_start3A_1067 = tpu.memref_slice %arg2[%add3A_1066, %multiple_of3A_49] : memref<16384x3328xf32, #tpu.memory_space<hbm>> -> memref<128x128xf32, #tpu.memory_space<hbm>>
    %dma_start3A_1068 = tpu.memref_slice %arg2[%add3A_1066, %multiple_of3A_49] : memref<16384x3328xf32, #tpu.memory_space<hbm>> -> memref<128x128xf32, #tpu.memory_space<hbm>>
    tpu.enqueue_dma source(%dma_start3A_1068 : memref<128x128xf32, #tpu.memory_space<hbm>>) target(%arg10 : memref<128x128xf32, #tpu.memory_space<vmem>>) target_semaphore(%arg16 : memref<!tpu.dma_semaphore, #tpu.memory_space<semaphore_mem>>)
    %dma_wait3A_1069 = tpu.memref_slice %arg2[%add3A_994, %multiple_of3A_46] : memref<16384x3328xf32, #tpu.memory_space<hbm>> -> memref<128x128xf32, #tpu.memory_space<hbm>>
    %dma_wait3A_1070 = tpu.memref_slice %arg2[%add3A_994, %multiple_of3A_46] : memref<16384x3328xf32, #tpu.memory_space<hbm>> -> memref<128x128xf32, #tpu.memory_space<hbm>>
    tpu.wait_dma2 semaphore(%arg12 : memref<!tpu.dma_semaphore, #tpu.memory_space<semaphore_mem>>) src(%dma_wait3A_1070 : memref<128x128xf32, #tpu.memory_space<hbm>>) dst(%arg6 : memref<128x128xf32, #tpu.memory_space<vmem>>)
    %add3A_1071 = arith.constant 212992 : i32
    %add3A_1072 = arith.addi %add3A_1071, %mul3A_2 : i32
    %add3A_1073 = arith.constant 256 : i32
    %add3A_1074 = arith.addi %add3A_1072, %add3A_1073 : i32
    %dma_start3A_1075 = arith.constant 0 : i32
    %dma_start3A_1076 = tpu.memref_slice %arg4[%add3A_1074, %dma_start3A_1075] : memref<425984x128xf32, #tpu.memory_space<hbm>> -> memref<128x128xf32, #tpu.memory_space<hbm>>
    %dma_start3A_1077 = arith.constant 0 : i32
    %dma_start3A_1078 = tpu.memref_slice %arg4[%add3A_1074, %dma_start3A_1077] : memref<425984x128xf32, #tpu.memory_space<hbm>> -> memref<128x128xf32, #tpu.memory_space<hbm>>
    tpu.enqueue_dma source(%arg6 : memref<128x128xf32, #tpu.memory_space<vmem>>) target(%dma_start3A_1078 : memref<128x128xf32, #tpu.memory_space<hbm>>) target_semaphore(%arg18 : memref<!tpu.dma_semaphore, #tpu.memory_space<semaphore_mem>>)
    %dma_wait3A_1079 = arith.constant 0 : i32
    %dma_wait3A_1080 = tpu.memref_slice %arg4[%add3A_1056, %dma_wait3A_1079] : memref<425984x128xf32, #tpu.memory_space<hbm>> -> memref<128x128xf32, #tpu.memory_space<hbm>>
    %dma_wait3A_1081 = arith.constant 0 : i32
    %dma_wait3A_1082 = tpu.memref_slice %arg4[%add3A_1056, %dma_wait3A_1081] : memref<425984x128xf32, #tpu.memory_space<hbm>> -> memref<128x128xf32, #tpu.memory_space<hbm>>
    tpu.wait_dma2 semaphore(%arg23 : memref<!tpu.dma_semaphore, #tpu.memory_space<semaphore_mem>>) src(%arg11 : memref<128x128xf32, #tpu.memory_space<vmem>>) dst(%dma_wait3A_1082 : memref<128x128xf32, #tpu.memory_space<hbm>>)
    %add3A_1083 = arith.constant 384 : i32
    %add3A_1084 = arith.addi %mul3A_2, %add3A_1083 : i32
    %dma_start3A_1085 = tpu.memref_slice %arg2[%add3A_1084, %multiple_of3A_49] : memref<16384x3328xf32, #tpu.memory_space<hbm>> -> memref<128x128xf32, #tpu.memory_space<hbm>>
    %dma_start3A_1086 = tpu.memref_slice %arg2[%add3A_1084, %multiple_of3A_49] : memref<16384x3328xf32, #tpu.memory_space<hbm>> -> memref<128x128xf32, #tpu.memory_space<hbm>>
    tpu.enqueue_dma source(%dma_start3A_1086 : memref<128x128xf32, #tpu.memory_space<hbm>>) target(%arg11 : memref<128x128xf32, #tpu.memory_space<vmem>>) target_semaphore(%arg17 : memref<!tpu.dma_semaphore, #tpu.memory_space<semaphore_mem>>)
    %dma_wait3A_1087 = tpu.memref_slice %arg2[%add3A_1012, %multiple_of3A_46] : memref<16384x3328xf32, #tpu.memory_space<hbm>> -> memref<128x128xf32, #tpu.memory_space<hbm>>
    %dma_wait3A_1088 = tpu.memref_slice %arg2[%add3A_1012, %multiple_of3A_46] : memref<16384x3328xf32, #tpu.memory_space<hbm>> -> memref<128x128xf32, #tpu.memory_space<hbm>>
    tpu.wait_dma2 semaphore(%arg13 : memref<!tpu.dma_semaphore, #tpu.memory_space<semaphore_mem>>) src(%dma_wait3A_1088 : memref<128x128xf32, #tpu.memory_space<hbm>>) dst(%arg7 : memref<128x128xf32, #tpu.memory_space<vmem>>)
    %add3A_1089 = arith.constant 212992 : i32
    %add3A_1090 = arith.addi %add3A_1089, %mul3A_2 : i32
    %add3A_1091 = arith.constant 384 : i32
    %add3A_1092 = arith.addi %add3A_1090, %add3A_1091 : i32
    %dma_start3A_1093 = arith.constant 0 : i32
    %dma_start3A_1094 = tpu.memref_slice %arg4[%add3A_1092, %dma_start3A_1093] : memref<425984x128xf32, #tpu.memory_space<hbm>> -> memref<128x128xf32, #tpu.memory_space<hbm>>
    %dma_start3A_1095 = arith.constant 0 : i32
    %dma_start3A_1096 = tpu.memref_slice %arg4[%add3A_1092, %dma_start3A_1095] : memref<425984x128xf32, #tpu.memory_space<hbm>> -> memref<128x128xf32, #tpu.memory_space<hbm>>
    tpu.enqueue_dma source(%arg7 : memref<128x128xf32, #tpu.memory_space<vmem>>) target(%dma_start3A_1096 : memref<128x128xf32, #tpu.memory_space<hbm>>) target_semaphore(%arg19 : memref<!tpu.dma_semaphore, #tpu.memory_space<semaphore_mem>>)
    %dma_wait3A_1097 = arith.constant 0 : i32
    %dma_wait3A_1098 = tpu.memref_slice %arg4[%add3A_1074, %dma_wait3A_1097] : memref<425984x128xf32, #tpu.memory_space<hbm>> -> memref<128x128xf32, #tpu.memory_space<hbm>>
    %dma_wait3A_1099 = arith.constant 0 : i32
    %dma_wait3A_1100 = tpu.memref_slice %arg4[%add3A_1074, %dma_wait3A_1099] : memref<425984x128xf32, #tpu.memory_space<hbm>> -> memref<128x128xf32, #tpu.memory_space<hbm>>
    tpu.wait_dma2 semaphore(%arg18 : memref<!tpu.dma_semaphore, #tpu.memory_space<semaphore_mem>>) src(%arg6 : memref<128x128xf32, #tpu.memory_space<vmem>>) dst(%dma_wait3A_1100 : memref<128x128xf32, #tpu.memory_space<hbm>>)
    %add3A_1101 = arith.constant 0 : i32
    %add3A_1102 = arith.addi %mul3A_2, %add3A_1101 : i32
    %dma_start3A_1103 = tpu.memref_slice %arg2[%add3A_1102, %multiple_of3A_52] : memref<16384x3328xf32, #tpu.memory_space<hbm>> -> memref<128x128xf32, #tpu.memory_space<hbm>>
    %dma_start3A_1104 = tpu.memref_slice %arg2[%add3A_1102, %multiple_of3A_52] : memref<16384x3328xf32, #tpu.memory_space<hbm>> -> memref<128x128xf32, #tpu.memory_space<hbm>>
    tpu.enqueue_dma source(%dma_start3A_1104 : memref<128x128xf32, #tpu.memory_space<hbm>>) target(%arg6 : memref<128x128xf32, #tpu.memory_space<vmem>>) target_semaphore(%arg12 : memref<!tpu.dma_semaphore, #tpu.memory_space<semaphore_mem>>)
    %dma_wait3A_1105 = tpu.memref_slice %arg2[%add3A_1030, %multiple_of3A_49] : memref<16384x3328xf32, #tpu.memory_space<hbm>> -> memref<128x128xf32, #tpu.memory_space<hbm>>
    %dma_wait3A_1106 = tpu.memref_slice %arg2[%add3A_1030, %multiple_of3A_49] : memref<16384x3328xf32, #tpu.memory_space<hbm>> -> memref<128x128xf32, #tpu.memory_space<hbm>>
    tpu.wait_dma2 semaphore(%arg14 : memref<!tpu.dma_semaphore, #tpu.memory_space<semaphore_mem>>) src(%dma_wait3A_1106 : memref<128x128xf32, #tpu.memory_space<hbm>>) dst(%arg8 : memref<128x128xf32, #tpu.memory_space<vmem>>)
    %add3A_1107 = arith.constant 229376 : i32
    %add3A_1108 = arith.addi %add3A_1107, %mul3A_2 : i32
    %add3A_1109 = arith.constant 0 : i32
    %add3A_1110 = arith.addi %add3A_1108, %add3A_1109 : i32
    %dma_start3A_1111 = arith.constant 0 : i32
    %dma_start3A_1112 = tpu.memref_slice %arg4[%add3A_1110, %dma_start3A_1111] : memref<425984x128xf32, #tpu.memory_space<hbm>> -> memref<128x128xf32, #tpu.memory_space<hbm>>
    %dma_start3A_1113 = arith.constant 0 : i32
    %dma_start3A_1114 = tpu.memref_slice %arg4[%add3A_1110, %dma_start3A_1113] : memref<425984x128xf32, #tpu.memory_space<hbm>> -> memref<128x128xf32, #tpu.memory_space<hbm>>
    tpu.enqueue_dma source(%arg8 : memref<128x128xf32, #tpu.memory_space<vmem>>) target(%dma_start3A_1114 : memref<128x128xf32, #tpu.memory_space<hbm>>) target_semaphore(%arg20 : memref<!tpu.dma_semaphore, #tpu.memory_space<semaphore_mem>>)
    %dma_wait3A_1115 = arith.constant 0 : i32
    %dma_wait3A_1116 = tpu.memref_slice %arg4[%add3A_1092, %dma_wait3A_1115] : memref<425984x128xf32, #tpu.memory_space<hbm>> -> memref<128x128xf32, #tpu.memory_space<hbm>>
    %dma_wait3A_1117 = arith.constant 0 : i32
    %dma_wait3A_1118 = tpu.memref_slice %arg4[%add3A_1092, %dma_wait3A_1117] : memref<425984x128xf32, #tpu.memory_space<hbm>> -> memref<128x128xf32, #tpu.memory_space<hbm>>
    tpu.wait_dma2 semaphore(%arg19 : memref<!tpu.dma_semaphore, #tpu.memory_space<semaphore_mem>>) src(%arg7 : memref<128x128xf32, #tpu.memory_space<vmem>>) dst(%dma_wait3A_1118 : memref<128x128xf32, #tpu.memory_space<hbm>>)
    %add3A_1119 = arith.constant 128 : i32
    %add3A_1120 = arith.addi %mul3A_2, %add3A_1119 : i32
    %dma_start3A_1121 = tpu.memref_slice %arg2[%add3A_1120, %multiple_of3A_52] : memref<16384x3328xf32, #tpu.memory_space<hbm>> -> memref<128x128xf32, #tpu.memory_space<hbm>>
    %dma_start3A_1122 = tpu.memref_slice %arg2[%add3A_1120, %multiple_of3A_52] : memref<16384x3328xf32, #tpu.memory_space<hbm>> -> memref<128x128xf32, #tpu.memory_space<hbm>>
    tpu.enqueue_dma source(%dma_start3A_1122 : memref<128x128xf32, #tpu.memory_space<hbm>>) target(%arg7 : memref<128x128xf32, #tpu.memory_space<vmem>>) target_semaphore(%arg13 : memref<!tpu.dma_semaphore, #tpu.memory_space<semaphore_mem>>)
    %dma_wait3A_1123 = tpu.memref_slice %arg2[%add3A_1048, %multiple_of3A_49] : memref<16384x3328xf32, #tpu.memory_space<hbm>> -> memref<128x128xf32, #tpu.memory_space<hbm>>
    %dma_wait3A_1124 = tpu.memref_slice %arg2[%add3A_1048, %multiple_of3A_49] : memref<16384x3328xf32, #tpu.memory_space<hbm>> -> memref<128x128xf32, #tpu.memory_space<hbm>>
    tpu.wait_dma2 semaphore(%arg15 : memref<!tpu.dma_semaphore, #tpu.memory_space<semaphore_mem>>) src(%dma_wait3A_1124 : memref<128x128xf32, #tpu.memory_space<hbm>>) dst(%arg9 : memref<128x128xf32, #tpu.memory_space<vmem>>)
    %add3A_1125 = arith.constant 229376 : i32
    %add3A_1126 = arith.addi %add3A_1125, %mul3A_2 : i32
    %add3A_1127 = arith.constant 128 : i32
    %add3A_1128 = arith.addi %add3A_1126, %add3A_1127 : i32
    %dma_start3A_1129 = arith.constant 0 : i32
    %dma_start3A_1130 = tpu.memref_slice %arg4[%add3A_1128, %dma_start3A_1129] : memref<425984x128xf32, #tpu.memory_space<hbm>> -> memref<128x128xf32, #tpu.memory_space<hbm>>
    %dma_start3A_1131 = arith.constant 0 : i32
    %dma_start3A_1132 = tpu.memref_slice %arg4[%add3A_1128, %dma_start3A_1131] : memref<425984x128xf32, #tpu.memory_space<hbm>> -> memref<128x128xf32, #tpu.memory_space<hbm>>
    tpu.enqueue_dma source(%arg9 : memref<128x128xf32, #tpu.memory_space<vmem>>) target(%dma_start3A_1132 : memref<128x128xf32, #tpu.memory_space<hbm>>) target_semaphore(%arg21 : memref<!tpu.dma_semaphore, #tpu.memory_space<semaphore_mem>>)
    %dma_wait3A_1133 = arith.constant 0 : i32
    %dma_wait3A_1134 = tpu.memref_slice %arg4[%add3A_1110, %dma_wait3A_1133] : memref<425984x128xf32, #tpu.memory_space<hbm>> -> memref<128x128xf32, #tpu.memory_space<hbm>>
    %dma_wait3A_1135 = arith.constant 0 : i32
    %dma_wait3A_1136 = tpu.memref_slice %arg4[%add3A_1110, %dma_wait3A_1135] : memref<425984x128xf32, #tpu.memory_space<hbm>> -> memref<128x128xf32, #tpu.memory_space<hbm>>
    tpu.wait_dma2 semaphore(%arg20 : memref<!tpu.dma_semaphore, #tpu.memory_space<semaphore_mem>>) src(%arg8 : memref<128x128xf32, #tpu.memory_space<vmem>>) dst(%dma_wait3A_1136 : memref<128x128xf32, #tpu.memory_space<hbm>>)
    %add3A_1137 = arith.constant 256 : i32
    %add3A_1138 = arith.addi %mul3A_2, %add3A_1137 : i32
    %dma_start3A_1139 = tpu.memref_slice %arg2[%add3A_1138, %multiple_of3A_52] : memref<16384x3328xf32, #tpu.memory_space<hbm>> -> memref<128x128xf32, #tpu.memory_space<hbm>>
    %dma_start3A_1140 = tpu.memref_slice %arg2[%add3A_1138, %multiple_of3A_52] : memref<16384x3328xf32, #tpu.memory_space<hbm>> -> memref<128x128xf32, #tpu.memory_space<hbm>>
    tpu.enqueue_dma source(%dma_start3A_1140 : memref<128x128xf32, #tpu.memory_space<hbm>>) target(%arg8 : memref<128x128xf32, #tpu.memory_space<vmem>>) target_semaphore(%arg14 : memref<!tpu.dma_semaphore, #tpu.memory_space<semaphore_mem>>)
    %dma_wait3A_1141 = tpu.memref_slice %arg2[%add3A_1066, %multiple_of3A_49] : memref<16384x3328xf32, #tpu.memory_space<hbm>> -> memref<128x128xf32, #tpu.memory_space<hbm>>
    %dma_wait3A_1142 = tpu.memref_slice %arg2[%add3A_1066, %multiple_of3A_49] : memref<16384x3328xf32, #tpu.memory_space<hbm>> -> memref<128x128xf32, #tpu.memory_space<hbm>>
    tpu.wait_dma2 semaphore(%arg16 : memref<!tpu.dma_semaphore, #tpu.memory_space<semaphore_mem>>) src(%dma_wait3A_1142 : memref<128x128xf32, #tpu.memory_space<hbm>>) dst(%arg10 : memref<128x128xf32, #tpu.memory_space<vmem>>)
    %add3A_1143 = arith.constant 229376 : i32
    %add3A_1144 = arith.addi %add3A_1143, %mul3A_2 : i32
    %add3A_1145 = arith.constant 256 : i32
    %add3A_1146 = arith.addi %add3A_1144, %add3A_1145 : i32
    %dma_start3A_1147 = arith.constant 0 : i32
    %dma_start3A_1148 = tpu.memref_slice %arg4[%add3A_1146, %dma_start3A_1147] : memref<425984x128xf32, #tpu.memory_space<hbm>> -> memref<128x128xf32, #tpu.memory_space<hbm>>
    %dma_start3A_1149 = arith.constant 0 : i32
    %dma_start3A_1150 = tpu.memref_slice %arg4[%add3A_1146, %dma_start3A_1149] : memref<425984x128xf32, #tpu.memory_space<hbm>> -> memref<128x128xf32, #tpu.memory_space<hbm>>
    tpu.enqueue_dma source(%arg10 : memref<128x128xf32, #tpu.memory_space<vmem>>) target(%dma_start3A_1150 : memref<128x128xf32, #tpu.memory_space<hbm>>) target_semaphore(%arg22 : memref<!tpu.dma_semaphore, #tpu.memory_space<semaphore_mem>>)
    %dma_wait3A_1151 = arith.constant 0 : i32
    %dma_wait3A_1152 = tpu.memref_slice %arg4[%add3A_1128, %dma_wait3A_1151] : memref<425984x128xf32, #tpu.memory_space<hbm>> -> memref<128x128xf32, #tpu.memory_space<hbm>>
    %dma_wait3A_1153 = arith.constant 0 : i32
    %dma_wait3A_1154 = tpu.memref_slice %arg4[%add3A_1128, %dma_wait3A_1153] : memref<425984x128xf32, #tpu.memory_space<hbm>> -> memref<128x128xf32, #tpu.memory_space<hbm>>
    tpu.wait_dma2 semaphore(%arg21 : memref<!tpu.dma_semaphore, #tpu.memory_space<semaphore_mem>>) src(%arg9 : memref<128x128xf32, #tpu.memory_space<vmem>>) dst(%dma_wait3A_1154 : memref<128x128xf32, #tpu.memory_space<hbm>>)
    %add3A_1155 = arith.constant 384 : i32
    %add3A_1156 = arith.addi %mul3A_2, %add3A_1155 : i32
    %dma_start3A_1157 = tpu.memref_slice %arg2[%add3A_1156, %multiple_of3A_52] : memref<16384x3328xf32, #tpu.memory_space<hbm>> -> memref<128x128xf32, #tpu.memory_space<hbm>>
    %dma_start3A_1158 = tpu.memref_slice %arg2[%add3A_1156, %multiple_of3A_52] : memref<16384x3328xf32, #tpu.memory_space<hbm>> -> memref<128x128xf32, #tpu.memory_space<hbm>>
    tpu.enqueue_dma source(%dma_start3A_1158 : memref<128x128xf32, #tpu.memory_space<hbm>>) target(%arg9 : memref<128x128xf32, #tpu.memory_space<vmem>>) target_semaphore(%arg15 : memref<!tpu.dma_semaphore, #tpu.memory_space<semaphore_mem>>)
    %dma_wait3A_1159 = tpu.memref_slice %arg2[%add3A_1084, %multiple_of3A_49] : memref<16384x3328xf32, #tpu.memory_space<hbm>> -> memref<128x128xf32, #tpu.memory_space<hbm>>
    %dma_wait3A_1160 = tpu.memref_slice %arg2[%add3A_1084, %multiple_of3A_49] : memref<16384x3328xf32, #tpu.memory_space<hbm>> -> memref<128x128xf32, #tpu.memory_space<hbm>>
    tpu.wait_dma2 semaphore(%arg17 : memref<!tpu.dma_semaphore, #tpu.memory_space<semaphore_mem>>) src(%dma_wait3A_1160 : memref<128x128xf32, #tpu.memory_space<hbm>>) dst(%arg11 : memref<128x128xf32, #tpu.memory_space<vmem>>)
    %add3A_1161 = arith.constant 229376 : i32
    %add3A_1162 = arith.addi %add3A_1161, %mul3A_2 : i32
    %add3A_1163 = arith.constant 384 : i32
    %add3A_1164 = arith.addi %add3A_1162, %add3A_1163 : i32
    %dma_start3A_1165 = arith.constant 0 : i32
    %dma_start3A_1166 = tpu.memref_slice %arg4[%add3A_1164, %dma_start3A_1165] : memref<425984x128xf32, #tpu.memory_space<hbm>> -> memref<128x128xf32, #tpu.memory_space<hbm>>
    %dma_start3A_1167 = arith.constant 0 : i32
    %dma_start3A_1168 = tpu.memref_slice %arg4[%add3A_1164, %dma_start3A_1167] : memref<425984x128xf32, #tpu.memory_space<hbm>> -> memref<128x128xf32, #tpu.memory_space<hbm>>
    tpu.enqueue_dma source(%arg11 : memref<128x128xf32, #tpu.memory_space<vmem>>) target(%dma_start3A_1168 : memref<128x128xf32, #tpu.memory_space<hbm>>) target_semaphore(%arg23 : memref<!tpu.dma_semaphore, #tpu.memory_space<semaphore_mem>>)
    %dma_wait3A_1169 = arith.constant 0 : i32
    %dma_wait3A_1170 = tpu.memref_slice %arg4[%add3A_1146, %dma_wait3A_1169] : memref<425984x128xf32, #tpu.memory_space<hbm>> -> memref<128x128xf32, #tpu.memory_space<hbm>>
    %dma_wait3A_1171 = arith.constant 0 : i32
    %dma_wait3A_1172 = tpu.memref_slice %arg4[%add3A_1146, %dma_wait3A_1171] : memref<425984x128xf32, #tpu.memory_space<hbm>> -> memref<128x128xf32, #tpu.memory_space<hbm>>
    tpu.wait_dma2 semaphore(%arg22 : memref<!tpu.dma_semaphore, #tpu.memory_space<semaphore_mem>>) src(%arg10 : memref<128x128xf32, #tpu.memory_space<vmem>>) dst(%dma_wait3A_1172 : memref<128x128xf32, #tpu.memory_space<hbm>>)
    %add3A_1173 = arith.constant 0 : i32
    %add3A_1174 = arith.addi %mul3A_2, %add3A_1173 : i32
    %dma_start3A_1175 = tpu.memref_slice %arg2[%add3A_1174, %multiple_of3A_55] : memref<16384x3328xf32, #tpu.memory_space<hbm>> -> memref<128x128xf32, #tpu.memory_space<hbm>>
    %dma_start3A_1176 = tpu.memref_slice %arg2[%add3A_1174, %multiple_of3A_55] : memref<16384x3328xf32, #tpu.memory_space<hbm>> -> memref<128x128xf32, #tpu.memory_space<hbm>>
    tpu.enqueue_dma source(%dma_start3A_1176 : memref<128x128xf32, #tpu.memory_space<hbm>>) target(%arg10 : memref<128x128xf32, #tpu.memory_space<vmem>>) target_semaphore(%arg16 : memref<!tpu.dma_semaphore, #tpu.memory_space<semaphore_mem>>)
    %dma_wait3A_1177 = tpu.memref_slice %arg2[%add3A_1102, %multiple_of3A_52] : memref<16384x3328xf32, #tpu.memory_space<hbm>> -> memref<128x128xf32, #tpu.memory_space<hbm>>
    %dma_wait3A_1178 = tpu.memref_slice %arg2[%add3A_1102, %multiple_of3A_52] : memref<16384x3328xf32, #tpu.memory_space<hbm>> -> memref<128x128xf32, #tpu.memory_space<hbm>>
    tpu.wait_dma2 semaphore(%arg12 : memref<!tpu.dma_semaphore, #tpu.memory_space<semaphore_mem>>) src(%dma_wait3A_1178 : memref<128x128xf32, #tpu.memory_space<hbm>>) dst(%arg6 : memref<128x128xf32, #tpu.memory_space<vmem>>)
    %add3A_1179 = arith.constant 245760 : i32
    %add3A_1180 = arith.addi %add3A_1179, %mul3A_2 : i32
    %add3A_1181 = arith.constant 0 : i32
    %add3A_1182 = arith.addi %add3A_1180, %add3A_1181 : i32
    %dma_start3A_1183 = arith.constant 0 : i32
    %dma_start3A_1184 = tpu.memref_slice %arg4[%add3A_1182, %dma_start3A_1183] : memref<425984x128xf32, #tpu.memory_space<hbm>> -> memref<128x128xf32, #tpu.memory_space<hbm>>
    %dma_start3A_1185 = arith.constant 0 : i32
    %dma_start3A_1186 = tpu.memref_slice %arg4[%add3A_1182, %dma_start3A_1185] : memref<425984x128xf32, #tpu.memory_space<hbm>> -> memref<128x128xf32, #tpu.memory_space<hbm>>
    tpu.enqueue_dma source(%arg6 : memref<128x128xf32, #tpu.memory_space<vmem>>) target(%dma_start3A_1186 : memref<128x128xf32, #tpu.memory_space<hbm>>) target_semaphore(%arg18 : memref<!tpu.dma_semaphore, #tpu.memory_space<semaphore_mem>>)
    %dma_wait3A_1187 = arith.constant 0 : i32
    %dma_wait3A_1188 = tpu.memref_slice %arg4[%add3A_1164, %dma_wait3A_1187] : memref<425984x128xf32, #tpu.memory_space<hbm>> -> memref<128x128xf32, #tpu.memory_space<hbm>>
    %dma_wait3A_1189 = arith.constant 0 : i32
    %dma_wait3A_1190 = tpu.memref_slice %arg4[%add3A_1164, %dma_wait3A_1189] : memref<425984x128xf32, #tpu.memory_space<hbm>> -> memref<128x128xf32, #tpu.memory_space<hbm>>
    tpu.wait_dma2 semaphore(%arg23 : memref<!tpu.dma_semaphore, #tpu.memory_space<semaphore_mem>>) src(%arg11 : memref<128x128xf32, #tpu.memory_space<vmem>>) dst(%dma_wait3A_1190 : memref<128x128xf32, #tpu.memory_space<hbm>>)
    %add3A_1191 = arith.constant 128 : i32
    %add3A_1192 = arith.addi %mul3A_2, %add3A_1191 : i32
    %dma_start3A_1193 = tpu.memref_slice %arg2[%add3A_1192, %multiple_of3A_55] : memref<16384x3328xf32, #tpu.memory_space<hbm>> -> memref<128x128xf32, #tpu.memory_space<hbm>>
    %dma_start3A_1194 = tpu.memref_slice %arg2[%add3A_1192, %multiple_of3A_55] : memref<16384x3328xf32, #tpu.memory_space<hbm>> -> memref<128x128xf32, #tpu.memory_space<hbm>>
    tpu.enqueue_dma source(%dma_start3A_1194 : memref<128x128xf32, #tpu.memory_space<hbm>>) target(%arg11 : memref<128x128xf32, #tpu.memory_space<vmem>>) target_semaphore(%arg17 : memref<!tpu.dma_semaphore, #tpu.memory_space<semaphore_mem>>)
    %dma_wait3A_1195 = tpu.memref_slice %arg2[%add3A_1120, %multiple_of3A_52] : memref<16384x3328xf32, #tpu.memory_space<hbm>> -> memref<128x128xf32, #tpu.memory_space<hbm>>
    %dma_wait3A_1196 = tpu.memref_slice %arg2[%add3A_1120, %multiple_of3A_52] : memref<16384x3328xf32, #tpu.memory_space<hbm>> -> memref<128x128xf32, #tpu.memory_space<hbm>>
    tpu.wait_dma2 semaphore(%arg13 : memref<!tpu.dma_semaphore, #tpu.memory_space<semaphore_mem>>) src(%dma_wait3A_1196 : memref<128x128xf32, #tpu.memory_space<hbm>>) dst(%arg7 : memref<128x128xf32, #tpu.memory_space<vmem>>)
    %add3A_1197 = arith.constant 245760 : i32
    %add3A_1198 = arith.addi %add3A_1197, %mul3A_2 : i32
    %add3A_1199 = arith.constant 128 : i32
    %add3A_1200 = arith.addi %add3A_1198, %add3A_1199 : i32
    %dma_start3A_1201 = arith.constant 0 : i32
    %dma_start3A_1202 = tpu.memref_slice %arg4[%add3A_1200, %dma_start3A_1201] : memref<425984x128xf32, #tpu.memory_space<hbm>> -> memref<128x128xf32, #tpu.memory_space<hbm>>
    %dma_start3A_1203 = arith.constant 0 : i32
    %dma_start3A_1204 = tpu.memref_slice %arg4[%add3A_1200, %dma_start3A_1203] : memref<425984x128xf32, #tpu.memory_space<hbm>> -> memref<128x128xf32, #tpu.memory_space<hbm>>
    tpu.enqueue_dma source(%arg7 : memref<128x128xf32, #tpu.memory_space<vmem>>) target(%dma_start3A_1204 : memref<128x128xf32, #tpu.memory_space<hbm>>) target_semaphore(%arg19 : memref<!tpu.dma_semaphore, #tpu.memory_space<semaphore_mem>>)
    %dma_wait3A_1205 = arith.constant 0 : i32
    %dma_wait3A_1206 = tpu.memref_slice %arg4[%add3A_1182, %dma_wait3A_1205] : memref<425984x128xf32, #tpu.memory_space<hbm>> -> memref<128x128xf32, #tpu.memory_space<hbm>>
    %dma_wait3A_1207 = arith.constant 0 : i32
    %dma_wait3A_1208 = tpu.memref_slice %arg4[%add3A_1182, %dma_wait3A_1207] : memref<425984x128xf32, #tpu.memory_space<hbm>> -> memref<128x128xf32, #tpu.memory_space<hbm>>
    tpu.wait_dma2 semaphore(%arg18 : memref<!tpu.dma_semaphore, #tpu.memory_space<semaphore_mem>>) src(%arg6 : memref<128x128xf32, #tpu.memory_space<vmem>>) dst(%dma_wait3A_1208 : memref<128x128xf32, #tpu.memory_space<hbm>>)
    %add3A_1209 = arith.constant 256 : i32
    %add3A_1210 = arith.addi %mul3A_2, %add3A_1209 : i32
    %dma_start3A_1211 = tpu.memref_slice %arg2[%add3A_1210, %multiple_of3A_55] : memref<16384x3328xf32, #tpu.memory_space<hbm>> -> memref<128x128xf32, #tpu.memory_space<hbm>>
    %dma_start3A_1212 = tpu.memref_slice %arg2[%add3A_1210, %multiple_of3A_55] : memref<16384x3328xf32, #tpu.memory_space<hbm>> -> memref<128x128xf32, #tpu.memory_space<hbm>>
    tpu.enqueue_dma source(%dma_start3A_1212 : memref<128x128xf32, #tpu.memory_space<hbm>>) target(%arg6 : memref<128x128xf32, #tpu.memory_space<vmem>>) target_semaphore(%arg12 : memref<!tpu.dma_semaphore, #tpu.memory_space<semaphore_mem>>)
    %dma_wait3A_1213 = tpu.memref_slice %arg2[%add3A_1138, %multiple_of3A_52] : memref<16384x3328xf32, #tpu.memory_space<hbm>> -> memref<128x128xf32, #tpu.memory_space<hbm>>
    %dma_wait3A_1214 = tpu.memref_slice %arg2[%add3A_1138, %multiple_of3A_52] : memref<16384x3328xf32, #tpu.memory_space<hbm>> -> memref<128x128xf32, #tpu.memory_space<hbm>>
    tpu.wait_dma2 semaphore(%arg14 : memref<!tpu.dma_semaphore, #tpu.memory_space<semaphore_mem>>) src(%dma_wait3A_1214 : memref<128x128xf32, #tpu.memory_space<hbm>>) dst(%arg8 : memref<128x128xf32, #tpu.memory_space<vmem>>)
    %add3A_1215 = arith.constant 245760 : i32
    %add3A_1216 = arith.addi %add3A_1215, %mul3A_2 : i32
    %add3A_1217 = arith.constant 256 : i32
    %add3A_1218 = arith.addi %add3A_1216, %add3A_1217 : i32
    %dma_start3A_1219 = arith.constant 0 : i32
    %dma_start3A_1220 = tpu.memref_slice %arg4[%add3A_1218, %dma_start3A_1219] : memref<425984x128xf32, #tpu.memory_space<hbm>> -> memref<128x128xf32, #tpu.memory_space<hbm>>
    %dma_start3A_1221 = arith.constant 0 : i32
    %dma_start3A_1222 = tpu.memref_slice %arg4[%add3A_1218, %dma_start3A_1221] : memref<425984x128xf32, #tpu.memory_space<hbm>> -> memref<128x128xf32, #tpu.memory_space<hbm>>
    tpu.enqueue_dma source(%arg8 : memref<128x128xf32, #tpu.memory_space<vmem>>) target(%dma_start3A_1222 : memref<128x128xf32, #tpu.memory_space<hbm>>) target_semaphore(%arg20 : memref<!tpu.dma_semaphore, #tpu.memory_space<semaphore_mem>>)
    %dma_wait3A_1223 = arith.constant 0 : i32
    %dma_wait3A_1224 = tpu.memref_slice %arg4[%add3A_1200, %dma_wait3A_1223] : memref<425984x128xf32, #tpu.memory_space<hbm>> -> memref<128x128xf32, #tpu.memory_space<hbm>>
    %dma_wait3A_1225 = arith.constant 0 : i32
    %dma_wait3A_1226 = tpu.memref_slice %arg4[%add3A_1200, %dma_wait3A_1225] : memref<425984x128xf32, #tpu.memory_space<hbm>> -> memref<128x128xf32, #tpu.memory_space<hbm>>
    tpu.wait_dma2 semaphore(%arg19 : memref<!tpu.dma_semaphore, #tpu.memory_space<semaphore_mem>>) src(%arg7 : memref<128x128xf32, #tpu.memory_space<vmem>>) dst(%dma_wait3A_1226 : memref<128x128xf32, #tpu.memory_space<hbm>>)
    %add3A_1227 = arith.constant 384 : i32
    %add3A_1228 = arith.addi %mul3A_2, %add3A_1227 : i32
    %dma_start3A_1229 = tpu.memref_slice %arg2[%add3A_1228, %multiple_of3A_55] : memref<16384x3328xf32, #tpu.memory_space<hbm>> -> memref<128x128xf32, #tpu.memory_space<hbm>>
    %dma_start3A_1230 = tpu.memref_slice %arg2[%add3A_1228, %multiple_of3A_55] : memref<16384x3328xf32, #tpu.memory_space<hbm>> -> memref<128x128xf32, #tpu.memory_space<hbm>>
    tpu.enqueue_dma source(%dma_start3A_1230 : memref<128x128xf32, #tpu.memory_space<hbm>>) target(%arg7 : memref<128x128xf32, #tpu.memory_space<vmem>>) target_semaphore(%arg13 : memref<!tpu.dma_semaphore, #tpu.memory_space<semaphore_mem>>)
    %dma_wait3A_1231 = tpu.memref_slice %arg2[%add3A_1156, %multiple_of3A_52] : memref<16384x3328xf32, #tpu.memory_space<hbm>> -> memref<128x128xf32, #tpu.memory_space<hbm>>
    %dma_wait3A_1232 = tpu.memref_slice %arg2[%add3A_1156, %multiple_of3A_52] : memref<16384x3328xf32, #tpu.memory_space<hbm>> -> memref<128x128xf32, #tpu.memory_space<hbm>>
    tpu.wait_dma2 semaphore(%arg15 : memref<!tpu.dma_semaphore, #tpu.memory_space<semaphore_mem>>) src(%dma_wait3A_1232 : memref<128x128xf32, #tpu.memory_space<hbm>>) dst(%arg9 : memref<128x128xf32, #tpu.memory_space<vmem>>)
    %add3A_1233 = arith.constant 245760 : i32
    %add3A_1234 = arith.addi %add3A_1233, %mul3A_2 : i32
    %add3A_1235 = arith.constant 384 : i32
    %add3A_1236 = arith.addi %add3A_1234, %add3A_1235 : i32
    %dma_start3A_1237 = arith.constant 0 : i32
    %dma_start3A_1238 = tpu.memref_slice %arg4[%add3A_1236, %dma_start3A_1237] : memref<425984x128xf32, #tpu.memory_space<hbm>> -> memref<128x128xf32, #tpu.memory_space<hbm>>
    %dma_start3A_1239 = arith.constant 0 : i32
    %dma_start3A_1240 = tpu.memref_slice %arg4[%add3A_1236, %dma_start3A_1239] : memref<425984x128xf32, #tpu.memory_space<hbm>> -> memref<128x128xf32, #tpu.memory_space<hbm>>
    tpu.enqueue_dma source(%arg9 : memref<128x128xf32, #tpu.memory_space<vmem>>) target(%dma_start3A_1240 : memref<128x128xf32, #tpu.memory_space<hbm>>) target_semaphore(%arg21 : memref<!tpu.dma_semaphore, #tpu.memory_space<semaphore_mem>>)
    %dma_wait3A_1241 = arith.constant 0 : i32
    %dma_wait3A_1242 = tpu.memref_slice %arg4[%add3A_1218, %dma_wait3A_1241] : memref<425984x128xf32, #tpu.memory_space<hbm>> -> memref<128x128xf32, #tpu.memory_space<hbm>>
    %dma_wait3A_1243 = arith.constant 0 : i32
    %dma_wait3A_1244 = tpu.memref_slice %arg4[%add3A_1218, %dma_wait3A_1243] : memref<425984x128xf32, #tpu.memory_space<hbm>> -> memref<128x128xf32, #tpu.memory_space<hbm>>
    tpu.wait_dma2 semaphore(%arg20 : memref<!tpu.dma_semaphore, #tpu.memory_space<semaphore_mem>>) src(%arg8 : memref<128x128xf32, #tpu.memory_space<vmem>>) dst(%dma_wait3A_1244 : memref<128x128xf32, #tpu.memory_space<hbm>>)
    %add3A_1245 = arith.constant 0 : i32
    %add3A_1246 = arith.addi %mul3A_2, %add3A_1245 : i32
    %dma_start3A_1247 = tpu.memref_slice %arg2[%add3A_1246, %multiple_of3A_58] : memref<16384x3328xf32, #tpu.memory_space<hbm>> -> memref<128x128xf32, #tpu.memory_space<hbm>>
    %dma_start3A_1248 = tpu.memref_slice %arg2[%add3A_1246, %multiple_of3A_58] : memref<16384x3328xf32, #tpu.memory_space<hbm>> -> memref<128x128xf32, #tpu.memory_space<hbm>>
    tpu.enqueue_dma source(%dma_start3A_1248 : memref<128x128xf32, #tpu.memory_space<hbm>>) target(%arg8 : memref<128x128xf32, #tpu.memory_space<vmem>>) target_semaphore(%arg14 : memref<!tpu.dma_semaphore, #tpu.memory_space<semaphore_mem>>)
    %dma_wait3A_1249 = tpu.memref_slice %arg2[%add3A_1174, %multiple_of3A_55] : memref<16384x3328xf32, #tpu.memory_space<hbm>> -> memref<128x128xf32, #tpu.memory_space<hbm>>
    %dma_wait3A_1250 = tpu.memref_slice %arg2[%add3A_1174, %multiple_of3A_55] : memref<16384x3328xf32, #tpu.memory_space<hbm>> -> memref<128x128xf32, #tpu.memory_space<hbm>>
    tpu.wait_dma2 semaphore(%arg16 : memref<!tpu.dma_semaphore, #tpu.memory_space<semaphore_mem>>) src(%dma_wait3A_1250 : memref<128x128xf32, #tpu.memory_space<hbm>>) dst(%arg10 : memref<128x128xf32, #tpu.memory_space<vmem>>)
    %add3A_1251 = arith.constant 262144 : i32
    %add3A_1252 = arith.addi %add3A_1251, %mul3A_2 : i32
    %add3A_1253 = arith.constant 0 : i32
    %add3A_1254 = arith.addi %add3A_1252, %add3A_1253 : i32
    %dma_start3A_1255 = arith.constant 0 : i32
    %dma_start3A_1256 = tpu.memref_slice %arg4[%add3A_1254, %dma_start3A_1255] : memref<425984x128xf32, #tpu.memory_space<hbm>> -> memref<128x128xf32, #tpu.memory_space<hbm>>
    %dma_start3A_1257 = arith.constant 0 : i32
    %dma_start3A_1258 = tpu.memref_slice %arg4[%add3A_1254, %dma_start3A_1257] : memref<425984x128xf32, #tpu.memory_space<hbm>> -> memref<128x128xf32, #tpu.memory_space<hbm>>
    tpu.enqueue_dma source(%arg10 : memref<128x128xf32, #tpu.memory_space<vmem>>) target(%dma_start3A_1258 : memref<128x128xf32, #tpu.memory_space<hbm>>) target_semaphore(%arg22 : memref<!tpu.dma_semaphore, #tpu.memory_space<semaphore_mem>>)
    %dma_wait3A_1259 = arith.constant 0 : i32
    %dma_wait3A_1260 = tpu.memref_slice %arg4[%add3A_1236, %dma_wait3A_1259] : memref<425984x128xf32, #tpu.memory_space<hbm>> -> memref<128x128xf32, #tpu.memory_space<hbm>>
    %dma_wait3A_1261 = arith.constant 0 : i32
    %dma_wait3A_1262 = tpu.memref_slice %arg4[%add3A_1236, %dma_wait3A_1261] : memref<425984x128xf32, #tpu.memory_space<hbm>> -> memref<128x128xf32, #tpu.memory_space<hbm>>
    tpu.wait_dma2 semaphore(%arg21 : memref<!tpu.dma_semaphore, #tpu.memory_space<semaphore_mem>>) src(%arg9 : memref<128x128xf32, #tpu.memory_space<vmem>>) dst(%dma_wait3A_1262 : memref<128x128xf32, #tpu.memory_space<hbm>>)
    %add3A_1263 = arith.constant 128 : i32
    %add3A_1264 = arith.addi %mul3A_2, %add3A_1263 : i32
    %dma_start3A_1265 = tpu.memref_slice %arg2[%add3A_1264, %multiple_of3A_58] : memref<16384x3328xf32, #tpu.memory_space<hbm>> -> memref<128x128xf32, #tpu.memory_space<hbm>>
    %dma_start3A_1266 = tpu.memref_slice %arg2[%add3A_1264, %multiple_of3A_58] : memref<16384x3328xf32, #tpu.memory_space<hbm>> -> memref<128x128xf32, #tpu.memory_space<hbm>>
    tpu.enqueue_dma source(%dma_start3A_1266 : memref<128x128xf32, #tpu.memory_space<hbm>>) target(%arg9 : memref<128x128xf32, #tpu.memory_space<vmem>>) target_semaphore(%arg15 : memref<!tpu.dma_semaphore, #tpu.memory_space<semaphore_mem>>)
    %dma_wait3A_1267 = tpu.memref_slice %arg2[%add3A_1192, %multiple_of3A_55] : memref<16384x3328xf32, #tpu.memory_space<hbm>> -> memref<128x128xf32, #tpu.memory_space<hbm>>
    %dma_wait3A_1268 = tpu.memref_slice %arg2[%add3A_1192, %multiple_of3A_55] : memref<16384x3328xf32, #tpu.memory_space<hbm>> -> memref<128x128xf32, #tpu.memory_space<hbm>>
    tpu.wait_dma2 semaphore(%arg17 : memref<!tpu.dma_semaphore, #tpu.memory_space<semaphore_mem>>) src(%dma_wait3A_1268 : memref<128x128xf32, #tpu.memory_space<hbm>>) dst(%arg11 : memref<128x128xf32, #tpu.memory_space<vmem>>)
    %add3A_1269 = arith.constant 262144 : i32
    %add3A_1270 = arith.addi %add3A_1269, %mul3A_2 : i32
    %add3A_1271 = arith.constant 128 : i32
    %add3A_1272 = arith.addi %add3A_1270, %add3A_1271 : i32
    %dma_start3A_1273 = arith.constant 0 : i32
    %dma_start3A_1274 = tpu.memref_slice %arg4[%add3A_1272, %dma_start3A_1273] : memref<425984x128xf32, #tpu.memory_space<hbm>> -> memref<128x128xf32, #tpu.memory_space<hbm>>
    %dma_start3A_1275 = arith.constant 0 : i32
    %dma_start3A_1276 = tpu.memref_slice %arg4[%add3A_1272, %dma_start3A_1275] : memref<425984x128xf32, #tpu.memory_space<hbm>> -> memref<128x128xf32, #tpu.memory_space<hbm>>
    tpu.enqueue_dma source(%arg11 : memref<128x128xf32, #tpu.memory_space<vmem>>) target(%dma_start3A_1276 : memref<128x128xf32, #tpu.memory_space<hbm>>) target_semaphore(%arg23 : memref<!tpu.dma_semaphore, #tpu.memory_space<semaphore_mem>>)
    %dma_wait3A_1277 = arith.constant 0 : i32
    %dma_wait3A_1278 = tpu.memref_slice %arg4[%add3A_1254, %dma_wait3A_1277] : memref<425984x128xf32, #tpu.memory_space<hbm>> -> memref<128x128xf32, #tpu.memory_space<hbm>>
    %dma_wait3A_1279 = arith.constant 0 : i32
    %dma_wait3A_1280 = tpu.memref_slice %arg4[%add3A_1254, %dma_wait3A_1279] : memref<425984x128xf32, #tpu.memory_space<hbm>> -> memref<128x128xf32, #tpu.memory_space<hbm>>
    tpu.wait_dma2 semaphore(%arg22 : memref<!tpu.dma_semaphore, #tpu.memory_space<semaphore_mem>>) src(%arg10 : memref<128x128xf32, #tpu.memory_space<vmem>>) dst(%dma_wait3A_1280 : memref<128x128xf32, #tpu.memory_space<hbm>>)
    %add3A_1281 = arith.constant 256 : i32
    %add3A_1282 = arith.addi %mul3A_2, %add3A_1281 : i32
    %dma_start3A_1283 = tpu.memref_slice %arg2[%add3A_1282, %multiple_of3A_58] : memref<16384x3328xf32, #tpu.memory_space<hbm>> -> memref<128x128xf32, #tpu.memory_space<hbm>>
    %dma_start3A_1284 = tpu.memref_slice %arg2[%add3A_1282, %multiple_of3A_58] : memref<16384x3328xf32, #tpu.memory_space<hbm>> -> memref<128x128xf32, #tpu.memory_space<hbm>>
    tpu.enqueue_dma source(%dma_start3A_1284 : memref<128x128xf32, #tpu.memory_space<hbm>>) target(%arg10 : memref<128x128xf32, #tpu.memory_space<vmem>>) target_semaphore(%arg16 : memref<!tpu.dma_semaphore, #tpu.memory_space<semaphore_mem>>)
    %dma_wait3A_1285 = tpu.memref_slice %arg2[%add3A_1210, %multiple_of3A_55] : memref<16384x3328xf32, #tpu.memory_space<hbm>> -> memref<128x128xf32, #tpu.memory_space<hbm>>
    %dma_wait3A_1286 = tpu.memref_slice %arg2[%add3A_1210, %multiple_of3A_55] : memref<16384x3328xf32, #tpu.memory_space<hbm>> -> memref<128x128xf32, #tpu.memory_space<hbm>>
    tpu.wait_dma2 semaphore(%arg12 : memref<!tpu.dma_semaphore, #tpu.memory_space<semaphore_mem>>) src(%dma_wait3A_1286 : memref<128x128xf32, #tpu.memory_space<hbm>>) dst(%arg6 : memref<128x128xf32, #tpu.memory_space<vmem>>)
    %add3A_1287 = arith.constant 262144 : i32
    %add3A_1288 = arith.addi %add3A_1287, %mul3A_2 : i32
    %add3A_1289 = arith.constant 256 : i32
    %add3A_1290 = arith.addi %add3A_1288, %add3A_1289 : i32
    %dma_start3A_1291 = arith.constant 0 : i32
    %dma_start3A_1292 = tpu.memref_slice %arg4[%add3A_1290, %dma_start3A_1291] : memref<425984x128xf32, #tpu.memory_space<hbm>> -> memref<128x128xf32, #tpu.memory_space<hbm>>
    %dma_start3A_1293 = arith.constant 0 : i32
    %dma_start3A_1294 = tpu.memref_slice %arg4[%add3A_1290, %dma_start3A_1293] : memref<425984x128xf32, #tpu.memory_space<hbm>> -> memref<128x128xf32, #tpu.memory_space<hbm>>
    tpu.enqueue_dma source(%arg6 : memref<128x128xf32, #tpu.memory_space<vmem>>) target(%dma_start3A_1294 : memref<128x128xf32, #tpu.memory_space<hbm>>) target_semaphore(%arg18 : memref<!tpu.dma_semaphore, #tpu.memory_space<semaphore_mem>>)
    %dma_wait3A_1295 = arith.constant 0 : i32
    %dma_wait3A_1296 = tpu.memref_slice %arg4[%add3A_1272, %dma_wait3A_1295] : memref<425984x128xf32, #tpu.memory_space<hbm>> -> memref<128x128xf32, #tpu.memory_space<hbm>>
    %dma_wait3A_1297 = arith.constant 0 : i32
    %dma_wait3A_1298 = tpu.memref_slice %arg4[%add3A_1272, %dma_wait3A_1297] : memref<425984x128xf32, #tpu.memory_space<hbm>> -> memref<128x128xf32, #tpu.memory_space<hbm>>
    tpu.wait_dma2 semaphore(%arg23 : memref<!tpu.dma_semaphore, #tpu.memory_space<semaphore_mem>>) src(%arg11 : memref<128x128xf32, #tpu.memory_space<vmem>>) dst(%dma_wait3A_1298 : memref<128x128xf32, #tpu.memory_space<hbm>>)
    %add3A_1299 = arith.constant 384 : i32
    %add3A_1300 = arith.addi %mul3A_2, %add3A_1299 : i32
    %dma_start3A_1301 = tpu.memref_slice %arg2[%add3A_1300, %multiple_of3A_58] : memref<16384x3328xf32, #tpu.memory_space<hbm>> -> memref<128x128xf32, #tpu.memory_space<hbm>>
    %dma_start3A_1302 = tpu.memref_slice %arg2[%add3A_1300, %multiple_of3A_58] : memref<16384x3328xf32, #tpu.memory_space<hbm>> -> memref<128x128xf32, #tpu.memory_space<hbm>>
    tpu.enqueue_dma source(%dma_start3A_1302 : memref<128x128xf32, #tpu.memory_space<hbm>>) target(%arg11 : memref<128x128xf32, #tpu.memory_space<vmem>>) target_semaphore(%arg17 : memref<!tpu.dma_semaphore, #tpu.memory_space<semaphore_mem>>)
    %dma_wait3A_1303 = tpu.memref_slice %arg2[%add3A_1228, %multiple_of3A_55] : memref<16384x3328xf32, #tpu.memory_space<hbm>> -> memref<128x128xf32, #tpu.memory_space<hbm>>
    %dma_wait3A_1304 = tpu.memref_slice %arg2[%add3A_1228, %multiple_of3A_55] : memref<16384x3328xf32, #tpu.memory_space<hbm>> -> memref<128x128xf32, #tpu.memory_space<hbm>>
    tpu.wait_dma2 semaphore(%arg13 : memref<!tpu.dma_semaphore, #tpu.memory_space<semaphore_mem>>) src(%dma_wait3A_1304 : memref<128x128xf32, #tpu.memory_space<hbm>>) dst(%arg7 : memref<128x128xf32, #tpu.memory_space<vmem>>)
    %add3A_1305 = arith.constant 262144 : i32
    %add3A_1306 = arith.addi %add3A_1305, %mul3A_2 : i32
    %add3A_1307 = arith.constant 384 : i32
    %add3A_1308 = arith.addi %add3A_1306, %add3A_1307 : i32
    %dma_start3A_1309 = arith.constant 0 : i32
    %dma_start3A_1310 = tpu.memref_slice %arg4[%add3A_1308, %dma_start3A_1309] : memref<425984x128xf32, #tpu.memory_space<hbm>> -> memref<128x128xf32, #tpu.memory_space<hbm>>
    %dma_start3A_1311 = arith.constant 0 : i32
    %dma_start3A_1312 = tpu.memref_slice %arg4[%add3A_1308, %dma_start3A_1311] : memref<425984x128xf32, #tpu.memory_space<hbm>> -> memref<128x128xf32, #tpu.memory_space<hbm>>
    tpu.enqueue_dma source(%arg7 : memref<128x128xf32, #tpu.memory_space<vmem>>) target(%dma_start3A_1312 : memref<128x128xf32, #tpu.memory_space<hbm>>) target_semaphore(%arg19 : memref<!tpu.dma_semaphore, #tpu.memory_space<semaphore_mem>>)
    %dma_wait3A_1313 = arith.constant 0 : i32
    %dma_wait3A_1314 = tpu.memref_slice %arg4[%add3A_1290, %dma_wait3A_1313] : memref<425984x128xf32, #tpu.memory_space<hbm>> -> memref<128x128xf32, #tpu.memory_space<hbm>>
    %dma_wait3A_1315 = arith.constant 0 : i32
    %dma_wait3A_1316 = tpu.memref_slice %arg4[%add3A_1290, %dma_wait3A_1315] : memref<425984x128xf32, #tpu.memory_space<hbm>> -> memref<128x128xf32, #tpu.memory_space<hbm>>
    tpu.wait_dma2 semaphore(%arg18 : memref<!tpu.dma_semaphore, #tpu.memory_space<semaphore_mem>>) src(%arg6 : memref<128x128xf32, #tpu.memory_space<vmem>>) dst(%dma_wait3A_1316 : memref<128x128xf32, #tpu.memory_space<hbm>>)
    %add3A_1317 = arith.constant 0 : i32
    %add3A_1318 = arith.addi %mul3A_2, %add3A_1317 : i32
    %dma_start3A_1319 = tpu.memref_slice %arg2[%add3A_1318, %multiple_of3A_61] : memref<16384x3328xf32, #tpu.memory_space<hbm>> -> memref<128x128xf32, #tpu.memory_space<hbm>>
    %dma_start3A_1320 = tpu.memref_slice %arg2[%add3A_1318, %multiple_of3A_61] : memref<16384x3328xf32, #tpu.memory_space<hbm>> -> memref<128x128xf32, #tpu.memory_space<hbm>>
    tpu.enqueue_dma source(%dma_start3A_1320 : memref<128x128xf32, #tpu.memory_space<hbm>>) target(%arg6 : memref<128x128xf32, #tpu.memory_space<vmem>>) target_semaphore(%arg12 : memref<!tpu.dma_semaphore, #tpu.memory_space<semaphore_mem>>)
    %dma_wait3A_1321 = tpu.memref_slice %arg2[%add3A_1246, %multiple_of3A_58] : memref<16384x3328xf32, #tpu.memory_space<hbm>> -> memref<128x128xf32, #tpu.memory_space<hbm>>
    %dma_wait3A_1322 = tpu.memref_slice %arg2[%add3A_1246, %multiple_of3A_58] : memref<16384x3328xf32, #tpu.memory_space<hbm>> -> memref<128x128xf32, #tpu.memory_space<hbm>>
    tpu.wait_dma2 semaphore(%arg14 : memref<!tpu.dma_semaphore, #tpu.memory_space<semaphore_mem>>) src(%dma_wait3A_1322 : memref<128x128xf32, #tpu.memory_space<hbm>>) dst(%arg8 : memref<128x128xf32, #tpu.memory_space<vmem>>)
    %add3A_1323 = arith.constant 278528 : i32
    %add3A_1324 = arith.addi %add3A_1323, %mul3A_2 : i32
    %add3A_1325 = arith.constant 0 : i32
    %add3A_1326 = arith.addi %add3A_1324, %add3A_1325 : i32
    %dma_start3A_1327 = arith.constant 0 : i32
    %dma_start3A_1328 = tpu.memref_slice %arg4[%add3A_1326, %dma_start3A_1327] : memref<425984x128xf32, #tpu.memory_space<hbm>> -> memref<128x128xf32, #tpu.memory_space<hbm>>
    %dma_start3A_1329 = arith.constant 0 : i32
    %dma_start3A_1330 = tpu.memref_slice %arg4[%add3A_1326, %dma_start3A_1329] : memref<425984x128xf32, #tpu.memory_space<hbm>> -> memref<128x128xf32, #tpu.memory_space<hbm>>
    tpu.enqueue_dma source(%arg8 : memref<128x128xf32, #tpu.memory_space<vmem>>) target(%dma_start3A_1330 : memref<128x128xf32, #tpu.memory_space<hbm>>) target_semaphore(%arg20 : memref<!tpu.dma_semaphore, #tpu.memory_space<semaphore_mem>>)
    %dma_wait3A_1331 = arith.constant 0 : i32
    %dma_wait3A_1332 = tpu.memref_slice %arg4[%add3A_1308, %dma_wait3A_1331] : memref<425984x128xf32, #tpu.memory_space<hbm>> -> memref<128x128xf32, #tpu.memory_space<hbm>>
    %dma_wait3A_1333 = arith.constant 0 : i32
    %dma_wait3A_1334 = tpu.memref_slice %arg4[%add3A_1308, %dma_wait3A_1333] : memref<425984x128xf32, #tpu.memory_space<hbm>> -> memref<128x128xf32, #tpu.memory_space<hbm>>
    tpu.wait_dma2 semaphore(%arg19 : memref<!tpu.dma_semaphore, #tpu.memory_space<semaphore_mem>>) src(%arg7 : memref<128x128xf32, #tpu.memory_space<vmem>>) dst(%dma_wait3A_1334 : memref<128x128xf32, #tpu.memory_space<hbm>>)
    %add3A_1335 = arith.constant 128 : i32
    %add3A_1336 = arith.addi %mul3A_2, %add3A_1335 : i32
    %dma_start3A_1337 = tpu.memref_slice %arg2[%add3A_1336, %multiple_of3A_61] : memref<16384x3328xf32, #tpu.memory_space<hbm>> -> memref<128x128xf32, #tpu.memory_space<hbm>>
    %dma_start3A_1338 = tpu.memref_slice %arg2[%add3A_1336, %multiple_of3A_61] : memref<16384x3328xf32, #tpu.memory_space<hbm>> -> memref<128x128xf32, #tpu.memory_space<hbm>>
    tpu.enqueue_dma source(%dma_start3A_1338 : memref<128x128xf32, #tpu.memory_space<hbm>>) target(%arg7 : memref<128x128xf32, #tpu.memory_space<vmem>>) target_semaphore(%arg13 : memref<!tpu.dma_semaphore, #tpu.memory_space<semaphore_mem>>)
    %dma_wait3A_1339 = tpu.memref_slice %arg2[%add3A_1264, %multiple_of3A_58] : memref<16384x3328xf32, #tpu.memory_space<hbm>> -> memref<128x128xf32, #tpu.memory_space<hbm>>
    %dma_wait3A_1340 = tpu.memref_slice %arg2[%add3A_1264, %multiple_of3A_58] : memref<16384x3328xf32, #tpu.memory_space<hbm>> -> memref<128x128xf32, #tpu.memory_space<hbm>>
    tpu.wait_dma2 semaphore(%arg15 : memref<!tpu.dma_semaphore, #tpu.memory_space<semaphore_mem>>) src(%dma_wait3A_1340 : memref<128x128xf32, #tpu.memory_space<hbm>>) dst(%arg9 : memref<128x128xf32, #tpu.memory_space<vmem>>)
    %add3A_1341 = arith.constant 278528 : i32
    %add3A_1342 = arith.addi %add3A_1341, %mul3A_2 : i32
    %add3A_1343 = arith.constant 128 : i32
    %add3A_1344 = arith.addi %add3A_1342, %add3A_1343 : i32
    %dma_start3A_1345 = arith.constant 0 : i32
    %dma_start3A_1346 = tpu.memref_slice %arg4[%add3A_1344, %dma_start3A_1345] : memref<425984x128xf32, #tpu.memory_space<hbm>> -> memref<128x128xf32, #tpu.memory_space<hbm>>
    %dma_start3A_1347 = arith.constant 0 : i32
    %dma_start3A_1348 = tpu.memref_slice %arg4[%add3A_1344, %dma_start3A_1347] : memref<425984x128xf32, #tpu.memory_space<hbm>> -> memref<128x128xf32, #tpu.memory_space<hbm>>
    tpu.enqueue_dma source(%arg9 : memref<128x128xf32, #tpu.memory_space<vmem>>) target(%dma_start3A_1348 : memref<128x128xf32, #tpu.memory_space<hbm>>) target_semaphore(%arg21 : memref<!tpu.dma_semaphore, #tpu.memory_space<semaphore_mem>>)
    %dma_wait3A_1349 = arith.constant 0 : i32
    %dma_wait3A_1350 = tpu.memref_slice %arg4[%add3A_1326, %dma_wait3A_1349] : memref<425984x128xf32, #tpu.memory_space<hbm>> -> memref<128x128xf32, #tpu.memory_space<hbm>>
    %dma_wait3A_1351 = arith.constant 0 : i32
    %dma_wait3A_1352 = tpu.memref_slice %arg4[%add3A_1326, %dma_wait3A_1351] : memref<425984x128xf32, #tpu.memory_space<hbm>> -> memref<128x128xf32, #tpu.memory_space<hbm>>
    tpu.wait_dma2 semaphore(%arg20 : memref<!tpu.dma_semaphore, #tpu.memory_space<semaphore_mem>>) src(%arg8 : memref<128x128xf32, #tpu.memory_space<vmem>>) dst(%dma_wait3A_1352 : memref<128x128xf32, #tpu.memory_space<hbm>>)
    %add3A_1353 = arith.constant 256 : i32
    %add3A_1354 = arith.addi %mul3A_2, %add3A_1353 : i32
    %dma_start3A_1355 = tpu.memref_slice %arg2[%add3A_1354, %multiple_of3A_61] : memref<16384x3328xf32, #tpu.memory_space<hbm>> -> memref<128x128xf32, #tpu.memory_space<hbm>>
    %dma_start3A_1356 = tpu.memref_slice %arg2[%add3A_1354, %multiple_of3A_61] : memref<16384x3328xf32, #tpu.memory_space<hbm>> -> memref<128x128xf32, #tpu.memory_space<hbm>>
    tpu.enqueue_dma source(%dma_start3A_1356 : memref<128x128xf32, #tpu.memory_space<hbm>>) target(%arg8 : memref<128x128xf32, #tpu.memory_space<vmem>>) target_semaphore(%arg14 : memref<!tpu.dma_semaphore, #tpu.memory_space<semaphore_mem>>)
    %dma_wait3A_1357 = tpu.memref_slice %arg2[%add3A_1282, %multiple_of3A_58] : memref<16384x3328xf32, #tpu.memory_space<hbm>> -> memref<128x128xf32, #tpu.memory_space<hbm>>
    %dma_wait3A_1358 = tpu.memref_slice %arg2[%add3A_1282, %multiple_of3A_58] : memref<16384x3328xf32, #tpu.memory_space<hbm>> -> memref<128x128xf32, #tpu.memory_space<hbm>>
    tpu.wait_dma2 semaphore(%arg16 : memref<!tpu.dma_semaphore, #tpu.memory_space<semaphore_mem>>) src(%dma_wait3A_1358 : memref<128x128xf32, #tpu.memory_space<hbm>>) dst(%arg10 : memref<128x128xf32, #tpu.memory_space<vmem>>)
    %add3A_1359 = arith.constant 278528 : i32
    %add3A_1360 = arith.addi %add3A_1359, %mul3A_2 : i32
    %add3A_1361 = arith.constant 256 : i32
    %add3A_1362 = arith.addi %add3A_1360, %add3A_1361 : i32
    %dma_start3A_1363 = arith.constant 0 : i32
    %dma_start3A_1364 = tpu.memref_slice %arg4[%add3A_1362, %dma_start3A_1363] : memref<425984x128xf32, #tpu.memory_space<hbm>> -> memref<128x128xf32, #tpu.memory_space<hbm>>
    %dma_start3A_1365 = arith.constant 0 : i32
    %dma_start3A_1366 = tpu.memref_slice %arg4[%add3A_1362, %dma_start3A_1365] : memref<425984x128xf32, #tpu.memory_space<hbm>> -> memref<128x128xf32, #tpu.memory_space<hbm>>
    tpu.enqueue_dma source(%arg10 : memref<128x128xf32, #tpu.memory_space<vmem>>) target(%dma_start3A_1366 : memref<128x128xf32, #tpu.memory_space<hbm>>) target_semaphore(%arg22 : memref<!tpu.dma_semaphore, #tpu.memory_space<semaphore_mem>>)
    %dma_wait3A_1367 = arith.constant 0 : i32
    %dma_wait3A_1368 = tpu.memref_slice %arg4[%add3A_1344, %dma_wait3A_1367] : memref<425984x128xf32, #tpu.memory_space<hbm>> -> memref<128x128xf32, #tpu.memory_space<hbm>>
    %dma_wait3A_1369 = arith.constant 0 : i32
    %dma_wait3A_1370 = tpu.memref_slice %arg4[%add3A_1344, %dma_wait3A_1369] : memref<425984x128xf32, #tpu.memory_space<hbm>> -> memref<128x128xf32, #tpu.memory_space<hbm>>
    tpu.wait_dma2 semaphore(%arg21 : memref<!tpu.dma_semaphore, #tpu.memory_space<semaphore_mem>>) src(%arg9 : memref<128x128xf32, #tpu.memory_space<vmem>>) dst(%dma_wait3A_1370 : memref<128x128xf32, #tpu.memory_space<hbm>>)
    %add3A_1371 = arith.constant 384 : i32
    %add3A_1372 = arith.addi %mul3A_2, %add3A_1371 : i32
    %dma_start3A_1373 = tpu.memref_slice %arg2[%add3A_1372, %multiple_of3A_61] : memref<16384x3328xf32, #tpu.memory_space<hbm>> -> memref<128x128xf32, #tpu.memory_space<hbm>>
    %dma_start3A_1374 = tpu.memref_slice %arg2[%add3A_1372, %multiple_of3A_61] : memref<16384x3328xf32, #tpu.memory_space<hbm>> -> memref<128x128xf32, #tpu.memory_space<hbm>>
    tpu.enqueue_dma source(%dma_start3A_1374 : memref<128x128xf32, #tpu.memory_space<hbm>>) target(%arg9 : memref<128x128xf32, #tpu.memory_space<vmem>>) target_semaphore(%arg15 : memref<!tpu.dma_semaphore, #tpu.memory_space<semaphore_mem>>)
    %dma_wait3A_1375 = tpu.memref_slice %arg2[%add3A_1300, %multiple_of3A_58] : memref<16384x3328xf32, #tpu.memory_space<hbm>> -> memref<128x128xf32, #tpu.memory_space<hbm>>
    %dma_wait3A_1376 = tpu.memref_slice %arg2[%add3A_1300, %multiple_of3A_58] : memref<16384x3328xf32, #tpu.memory_space<hbm>> -> memref<128x128xf32, #tpu.memory_space<hbm>>
    tpu.wait_dma2 semaphore(%arg17 : memref<!tpu.dma_semaphore, #tpu.memory_space<semaphore_mem>>) src(%dma_wait3A_1376 : memref<128x128xf32, #tpu.memory_space<hbm>>) dst(%arg11 : memref<128x128xf32, #tpu.memory_space<vmem>>)
    %add3A_1377 = arith.constant 278528 : i32
    %add3A_1378 = arith.addi %add3A_1377, %mul3A_2 : i32
    %add3A_1379 = arith.constant 384 : i32
    %add3A_1380 = arith.addi %add3A_1378, %add3A_1379 : i32
    %dma_start3A_1381 = arith.constant 0 : i32
    %dma_start3A_1382 = tpu.memref_slice %arg4[%add3A_1380, %dma_start3A_1381] : memref<425984x128xf32, #tpu.memory_space<hbm>> -> memref<128x128xf32, #tpu.memory_space<hbm>>
    %dma_start3A_1383 = arith.constant 0 : i32
    %dma_start3A_1384 = tpu.memref_slice %arg4[%add3A_1380, %dma_start3A_1383] : memref<425984x128xf32, #tpu.memory_space<hbm>> -> memref<128x128xf32, #tpu.memory_space<hbm>>
    tpu.enqueue_dma source(%arg11 : memref<128x128xf32, #tpu.memory_space<vmem>>) target(%dma_start3A_1384 : memref<128x128xf32, #tpu.memory_space<hbm>>) target_semaphore(%arg23 : memref<!tpu.dma_semaphore, #tpu.memory_space<semaphore_mem>>)
    %dma_wait3A_1385 = arith.constant 0 : i32
    %dma_wait3A_1386 = tpu.memref_slice %arg4[%add3A_1362, %dma_wait3A_1385] : memref<425984x128xf32, #tpu.memory_space<hbm>> -> memref<128x128xf32, #tpu.memory_space<hbm>>
    %dma_wait3A_1387 = arith.constant 0 : i32
    %dma_wait3A_1388 = tpu.memref_slice %arg4[%add3A_1362, %dma_wait3A_1387] : memref<425984x128xf32, #tpu.memory_space<hbm>> -> memref<128x128xf32, #tpu.memory_space<hbm>>
    tpu.wait_dma2 semaphore(%arg22 : memref<!tpu.dma_semaphore, #tpu.memory_space<semaphore_mem>>) src(%arg10 : memref<128x128xf32, #tpu.memory_space<vmem>>) dst(%dma_wait3A_1388 : memref<128x128xf32, #tpu.memory_space<hbm>>)
    %add3A_1389 = arith.constant 0 : i32
    %add3A_1390 = arith.addi %mul3A_2, %add3A_1389 : i32
    %dma_start3A_1391 = tpu.memref_slice %arg2[%add3A_1390, %multiple_of3A_64] : memref<16384x3328xf32, #tpu.memory_space<hbm>> -> memref<128x128xf32, #tpu.memory_space<hbm>>
    %dma_start3A_1392 = tpu.memref_slice %arg2[%add3A_1390, %multiple_of3A_64] : memref<16384x3328xf32, #tpu.memory_space<hbm>> -> memref<128x128xf32, #tpu.memory_space<hbm>>
    tpu.enqueue_dma source(%dma_start3A_1392 : memref<128x128xf32, #tpu.memory_space<hbm>>) target(%arg10 : memref<128x128xf32, #tpu.memory_space<vmem>>) target_semaphore(%arg16 : memref<!tpu.dma_semaphore, #tpu.memory_space<semaphore_mem>>)
    %dma_wait3A_1393 = tpu.memref_slice %arg2[%add3A_1318, %multiple_of3A_61] : memref<16384x3328xf32, #tpu.memory_space<hbm>> -> memref<128x128xf32, #tpu.memory_space<hbm>>
    %dma_wait3A_1394 = tpu.memref_slice %arg2[%add3A_1318, %multiple_of3A_61] : memref<16384x3328xf32, #tpu.memory_space<hbm>> -> memref<128x128xf32, #tpu.memory_space<hbm>>
    tpu.wait_dma2 semaphore(%arg12 : memref<!tpu.dma_semaphore, #tpu.memory_space<semaphore_mem>>) src(%dma_wait3A_1394 : memref<128x128xf32, #tpu.memory_space<hbm>>) dst(%arg6 : memref<128x128xf32, #tpu.memory_space<vmem>>)
    %add3A_1395 = arith.constant 294912 : i32
    %add3A_1396 = arith.addi %add3A_1395, %mul3A_2 : i32
    %add3A_1397 = arith.constant 0 : i32
    %add3A_1398 = arith.addi %add3A_1396, %add3A_1397 : i32
    %dma_start3A_1399 = arith.constant 0 : i32
    %dma_start3A_1400 = tpu.memref_slice %arg4[%add3A_1398, %dma_start3A_1399] : memref<425984x128xf32, #tpu.memory_space<hbm>> -> memref<128x128xf32, #tpu.memory_space<hbm>>
    %dma_start3A_1401 = arith.constant 0 : i32
    %dma_start3A_1402 = tpu.memref_slice %arg4[%add3A_1398, %dma_start3A_1401] : memref<425984x128xf32, #tpu.memory_space<hbm>> -> memref<128x128xf32, #tpu.memory_space<hbm>>
    tpu.enqueue_dma source(%arg6 : memref<128x128xf32, #tpu.memory_space<vmem>>) target(%dma_start3A_1402 : memref<128x128xf32, #tpu.memory_space<hbm>>) target_semaphore(%arg18 : memref<!tpu.dma_semaphore, #tpu.memory_space<semaphore_mem>>)
    %dma_wait3A_1403 = arith.constant 0 : i32
    %dma_wait3A_1404 = tpu.memref_slice %arg4[%add3A_1380, %dma_wait3A_1403] : memref<425984x128xf32, #tpu.memory_space<hbm>> -> memref<128x128xf32, #tpu.memory_space<hbm>>
    %dma_wait3A_1405 = arith.constant 0 : i32
    %dma_wait3A_1406 = tpu.memref_slice %arg4[%add3A_1380, %dma_wait3A_1405] : memref<425984x128xf32, #tpu.memory_space<hbm>> -> memref<128x128xf32, #tpu.memory_space<hbm>>
    tpu.wait_dma2 semaphore(%arg23 : memref<!tpu.dma_semaphore, #tpu.memory_space<semaphore_mem>>) src(%arg11 : memref<128x128xf32, #tpu.memory_space<vmem>>) dst(%dma_wait3A_1406 : memref<128x128xf32, #tpu.memory_space<hbm>>)
    %add3A_1407 = arith.constant 128 : i32
    %add3A_1408 = arith.addi %mul3A_2, %add3A_1407 : i32
    %dma_start3A_1409 = tpu.memref_slice %arg2[%add3A_1408, %multiple_of3A_64] : memref<16384x3328xf32, #tpu.memory_space<hbm>> -> memref<128x128xf32, #tpu.memory_space<hbm>>
    %dma_start3A_1410 = tpu.memref_slice %arg2[%add3A_1408, %multiple_of3A_64] : memref<16384x3328xf32, #tpu.memory_space<hbm>> -> memref<128x128xf32, #tpu.memory_space<hbm>>
    tpu.enqueue_dma source(%dma_start3A_1410 : memref<128x128xf32, #tpu.memory_space<hbm>>) target(%arg11 : memref<128x128xf32, #tpu.memory_space<vmem>>) target_semaphore(%arg17 : memref<!tpu.dma_semaphore, #tpu.memory_space<semaphore_mem>>)
    %dma_wait3A_1411 = tpu.memref_slice %arg2[%add3A_1336, %multiple_of3A_61] : memref<16384x3328xf32, #tpu.memory_space<hbm>> -> memref<128x128xf32, #tpu.memory_space<hbm>>
    %dma_wait3A_1412 = tpu.memref_slice %arg2[%add3A_1336, %multiple_of3A_61] : memref<16384x3328xf32, #tpu.memory_space<hbm>> -> memref<128x128xf32, #tpu.memory_space<hbm>>
    tpu.wait_dma2 semaphore(%arg13 : memref<!tpu.dma_semaphore, #tpu.memory_space<semaphore_mem>>) src(%dma_wait3A_1412 : memref<128x128xf32, #tpu.memory_space<hbm>>) dst(%arg7 : memref<128x128xf32, #tpu.memory_space<vmem>>)
    %add3A_1413 = arith.constant 294912 : i32
    %add3A_1414 = arith.addi %add3A_1413, %mul3A_2 : i32
    %add3A_1415 = arith.constant 128 : i32
    %add3A_1416 = arith.addi %add3A_1414, %add3A_1415 : i32
    %dma_start3A_1417 = arith.constant 0 : i32
    %dma_start3A_1418 = tpu.memref_slice %arg4[%add3A_1416, %dma_start3A_1417] : memref<425984x128xf32, #tpu.memory_space<hbm>> -> memref<128x128xf32, #tpu.memory_space<hbm>>
    %dma_start3A_1419 = arith.constant 0 : i32
    %dma_start3A_1420 = tpu.memref_slice %arg4[%add3A_1416, %dma_start3A_1419] : memref<425984x128xf32, #tpu.memory_space<hbm>> -> memref<128x128xf32, #tpu.memory_space<hbm>>
    tpu.enqueue_dma source(%arg7 : memref<128x128xf32, #tpu.memory_space<vmem>>) target(%dma_start3A_1420 : memref<128x128xf32, #tpu.memory_space<hbm>>) target_semaphore(%arg19 : memref<!tpu.dma_semaphore, #tpu.memory_space<semaphore_mem>>)
    %dma_wait3A_1421 = arith.constant 0 : i32
    %dma_wait3A_1422 = tpu.memref_slice %arg4[%add3A_1398, %dma_wait3A_1421] : memref<425984x128xf32, #tpu.memory_space<hbm>> -> memref<128x128xf32, #tpu.memory_space<hbm>>
    %dma_wait3A_1423 = arith.constant 0 : i32
    %dma_wait3A_1424 = tpu.memref_slice %arg4[%add3A_1398, %dma_wait3A_1423] : memref<425984x128xf32, #tpu.memory_space<hbm>> -> memref<128x128xf32, #tpu.memory_space<hbm>>
    tpu.wait_dma2 semaphore(%arg18 : memref<!tpu.dma_semaphore, #tpu.memory_space<semaphore_mem>>) src(%arg6 : memref<128x128xf32, #tpu.memory_space<vmem>>) dst(%dma_wait3A_1424 : memref<128x128xf32, #tpu.memory_space<hbm>>)
    %add3A_1425 = arith.constant 256 : i32
    %add3A_1426 = arith.addi %mul3A_2, %add3A_1425 : i32
    %dma_start3A_1427 = tpu.memref_slice %arg2[%add3A_1426, %multiple_of3A_64] : memref<16384x3328xf32, #tpu.memory_space<hbm>> -> memref<128x128xf32, #tpu.memory_space<hbm>>
    %dma_start3A_1428 = tpu.memref_slice %arg2[%add3A_1426, %multiple_of3A_64] : memref<16384x3328xf32, #tpu.memory_space<hbm>> -> memref<128x128xf32, #tpu.memory_space<hbm>>
    tpu.enqueue_dma source(%dma_start3A_1428 : memref<128x128xf32, #tpu.memory_space<hbm>>) target(%arg6 : memref<128x128xf32, #tpu.memory_space<vmem>>) target_semaphore(%arg12 : memref<!tpu.dma_semaphore, #tpu.memory_space<semaphore_mem>>)
    %dma_wait3A_1429 = tpu.memref_slice %arg2[%add3A_1354, %multiple_of3A_61] : memref<16384x3328xf32, #tpu.memory_space<hbm>> -> memref<128x128xf32, #tpu.memory_space<hbm>>
    %dma_wait3A_1430 = tpu.memref_slice %arg2[%add3A_1354, %multiple_of3A_61] : memref<16384x3328xf32, #tpu.memory_space<hbm>> -> memref<128x128xf32, #tpu.memory_space<hbm>>
    tpu.wait_dma2 semaphore(%arg14 : memref<!tpu.dma_semaphore, #tpu.memory_space<semaphore_mem>>) src(%dma_wait3A_1430 : memref<128x128xf32, #tpu.memory_space<hbm>>) dst(%arg8 : memref<128x128xf32, #tpu.memory_space<vmem>>)
    %add3A_1431 = arith.constant 294912 : i32
    %add3A_1432 = arith.addi %add3A_1431, %mul3A_2 : i32
    %add3A_1433 = arith.constant 256 : i32
    %add3A_1434 = arith.addi %add3A_1432, %add3A_1433 : i32
    %dma_start3A_1435 = arith.constant 0 : i32
    %dma_start3A_1436 = tpu.memref_slice %arg4[%add3A_1434, %dma_start3A_1435] : memref<425984x128xf32, #tpu.memory_space<hbm>> -> memref<128x128xf32, #tpu.memory_space<hbm>>
    %dma_start3A_1437 = arith.constant 0 : i32
    %dma_start3A_1438 = tpu.memref_slice %arg4[%add3A_1434, %dma_start3A_1437] : memref<425984x128xf32, #tpu.memory_space<hbm>> -> memref<128x128xf32, #tpu.memory_space<hbm>>
    tpu.enqueue_dma source(%arg8 : memref<128x128xf32, #tpu.memory_space<vmem>>) target(%dma_start3A_1438 : memref<128x128xf32, #tpu.memory_space<hbm>>) target_semaphore(%arg20 : memref<!tpu.dma_semaphore, #tpu.memory_space<semaphore_mem>>)
    %dma_wait3A_1439 = arith.constant 0 : i32
    %dma_wait3A_1440 = tpu.memref_slice %arg4[%add3A_1416, %dma_wait3A_1439] : memref<425984x128xf32, #tpu.memory_space<hbm>> -> memref<128x128xf32, #tpu.memory_space<hbm>>
    %dma_wait3A_1441 = arith.constant 0 : i32
    %dma_wait3A_1442 = tpu.memref_slice %arg4[%add3A_1416, %dma_wait3A_1441] : memref<425984x128xf32, #tpu.memory_space<hbm>> -> memref<128x128xf32, #tpu.memory_space<hbm>>
    tpu.wait_dma2 semaphore(%arg19 : memref<!tpu.dma_semaphore, #tpu.memory_space<semaphore_mem>>) src(%arg7 : memref<128x128xf32, #tpu.memory_space<vmem>>) dst(%dma_wait3A_1442 : memref<128x128xf32, #tpu.memory_space<hbm>>)
    %add3A_1443 = arith.constant 384 : i32
    %add3A_1444 = arith.addi %mul3A_2, %add3A_1443 : i32
    %dma_start3A_1445 = tpu.memref_slice %arg2[%add3A_1444, %multiple_of3A_64] : memref<16384x3328xf32, #tpu.memory_space<hbm>> -> memref<128x128xf32, #tpu.memory_space<hbm>>
    %dma_start3A_1446 = tpu.memref_slice %arg2[%add3A_1444, %multiple_of3A_64] : memref<16384x3328xf32, #tpu.memory_space<hbm>> -> memref<128x128xf32, #tpu.memory_space<hbm>>
    tpu.enqueue_dma source(%dma_start3A_1446 : memref<128x128xf32, #tpu.memory_space<hbm>>) target(%arg7 : memref<128x128xf32, #tpu.memory_space<vmem>>) target_semaphore(%arg13 : memref<!tpu.dma_semaphore, #tpu.memory_space<semaphore_mem>>)
    %dma_wait3A_1447 = tpu.memref_slice %arg2[%add3A_1372, %multiple_of3A_61] : memref<16384x3328xf32, #tpu.memory_space<hbm>> -> memref<128x128xf32, #tpu.memory_space<hbm>>
    %dma_wait3A_1448 = tpu.memref_slice %arg2[%add3A_1372, %multiple_of3A_61] : memref<16384x3328xf32, #tpu.memory_space<hbm>> -> memref<128x128xf32, #tpu.memory_space<hbm>>
    tpu.wait_dma2 semaphore(%arg15 : memref<!tpu.dma_semaphore, #tpu.memory_space<semaphore_mem>>) src(%dma_wait3A_1448 : memref<128x128xf32, #tpu.memory_space<hbm>>) dst(%arg9 : memref<128x128xf32, #tpu.memory_space<vmem>>)
    %add3A_1449 = arith.constant 294912 : i32
    %add3A_1450 = arith.addi %add3A_1449, %mul3A_2 : i32
    %add3A_1451 = arith.constant 384 : i32
    %add3A_1452 = arith.addi %add3A_1450, %add3A_1451 : i32
    %dma_start3A_1453 = arith.constant 0 : i32
    %dma_start3A_1454 = tpu.memref_slice %arg4[%add3A_1452, %dma_start3A_1453] : memref<425984x128xf32, #tpu.memory_space<hbm>> -> memref<128x128xf32, #tpu.memory_space<hbm>>
    %dma_start3A_1455 = arith.constant 0 : i32
    %dma_start3A_1456 = tpu.memref_slice %arg4[%add3A_1452, %dma_start3A_1455] : memref<425984x128xf32, #tpu.memory_space<hbm>> -> memref<128x128xf32, #tpu.memory_space<hbm>>
    tpu.enqueue_dma source(%arg9 : memref<128x128xf32, #tpu.memory_space<vmem>>) target(%dma_start3A_1456 : memref<128x128xf32, #tpu.memory_space<hbm>>) target_semaphore(%arg21 : memref<!tpu.dma_semaphore, #tpu.memory_space<semaphore_mem>>)
    %dma_wait3A_1457 = arith.constant 0 : i32
    %dma_wait3A_1458 = tpu.memref_slice %arg4[%add3A_1434, %dma_wait3A_1457] : memref<425984x128xf32, #tpu.memory_space<hbm>> -> memref<128x128xf32, #tpu.memory_space<hbm>>
    %dma_wait3A_1459 = arith.constant 0 : i32
    %dma_wait3A_1460 = tpu.memref_slice %arg4[%add3A_1434, %dma_wait3A_1459] : memref<425984x128xf32, #tpu.memory_space<hbm>> -> memref<128x128xf32, #tpu.memory_space<hbm>>
    tpu.wait_dma2 semaphore(%arg20 : memref<!tpu.dma_semaphore, #tpu.memory_space<semaphore_mem>>) src(%arg8 : memref<128x128xf32, #tpu.memory_space<vmem>>) dst(%dma_wait3A_1460 : memref<128x128xf32, #tpu.memory_space<hbm>>)
    %add3A_1461 = arith.constant 0 : i32
    %add3A_1462 = arith.addi %mul3A_2, %add3A_1461 : i32
    %dma_start3A_1463 = tpu.memref_slice %arg2[%add3A_1462, %multiple_of3A_67] : memref<16384x3328xf32, #tpu.memory_space<hbm>> -> memref<128x128xf32, #tpu.memory_space<hbm>>
    %dma_start3A_1464 = tpu.memref_slice %arg2[%add3A_1462, %multiple_of3A_67] : memref<16384x3328xf32, #tpu.memory_space<hbm>> -> memref<128x128xf32, #tpu.memory_space<hbm>>
    tpu.enqueue_dma source(%dma_start3A_1464 : memref<128x128xf32, #tpu.memory_space<hbm>>) target(%arg8 : memref<128x128xf32, #tpu.memory_space<vmem>>) target_semaphore(%arg14 : memref<!tpu.dma_semaphore, #tpu.memory_space<semaphore_mem>>)
    %dma_wait3A_1465 = tpu.memref_slice %arg2[%add3A_1390, %multiple_of3A_64] : memref<16384x3328xf32, #tpu.memory_space<hbm>> -> memref<128x128xf32, #tpu.memory_space<hbm>>
    %dma_wait3A_1466 = tpu.memref_slice %arg2[%add3A_1390, %multiple_of3A_64] : memref<16384x3328xf32, #tpu.memory_space<hbm>> -> memref<128x128xf32, #tpu.memory_space<hbm>>
    tpu.wait_dma2 semaphore(%arg16 : memref<!tpu.dma_semaphore, #tpu.memory_space<semaphore_mem>>) src(%dma_wait3A_1466 : memref<128x128xf32, #tpu.memory_space<hbm>>) dst(%arg10 : memref<128x128xf32, #tpu.memory_space<vmem>>)
    %add3A_1467 = arith.constant 311296 : i32
    %add3A_1468 = arith.addi %add3A_1467, %mul3A_2 : i32
    %add3A_1469 = arith.constant 0 : i32
    %add3A_1470 = arith.addi %add3A_1468, %add3A_1469 : i32
    %dma_start3A_1471 = arith.constant 0 : i32
    %dma_start3A_1472 = tpu.memref_slice %arg4[%add3A_1470, %dma_start3A_1471] : memref<425984x128xf32, #tpu.memory_space<hbm>> -> memref<128x128xf32, #tpu.memory_space<hbm>>
    %dma_start3A_1473 = arith.constant 0 : i32
    %dma_start3A_1474 = tpu.memref_slice %arg4[%add3A_1470, %dma_start3A_1473] : memref<425984x128xf32, #tpu.memory_space<hbm>> -> memref<128x128xf32, #tpu.memory_space<hbm>>
    tpu.enqueue_dma source(%arg10 : memref<128x128xf32, #tpu.memory_space<vmem>>) target(%dma_start3A_1474 : memref<128x128xf32, #tpu.memory_space<hbm>>) target_semaphore(%arg22 : memref<!tpu.dma_semaphore, #tpu.memory_space<semaphore_mem>>)
    %dma_wait3A_1475 = arith.constant 0 : i32
    %dma_wait3A_1476 = tpu.memref_slice %arg4[%add3A_1452, %dma_wait3A_1475] : memref<425984x128xf32, #tpu.memory_space<hbm>> -> memref<128x128xf32, #tpu.memory_space<hbm>>
    %dma_wait3A_1477 = arith.constant 0 : i32
    %dma_wait3A_1478 = tpu.memref_slice %arg4[%add3A_1452, %dma_wait3A_1477] : memref<425984x128xf32, #tpu.memory_space<hbm>> -> memref<128x128xf32, #tpu.memory_space<hbm>>
    tpu.wait_dma2 semaphore(%arg21 : memref<!tpu.dma_semaphore, #tpu.memory_space<semaphore_mem>>) src(%arg9 : memref<128x128xf32, #tpu.memory_space<vmem>>) dst(%dma_wait3A_1478 : memref<128x128xf32, #tpu.memory_space<hbm>>)
    %add3A_1479 = arith.constant 128 : i32
    %add3A_1480 = arith.addi %mul3A_2, %add3A_1479 : i32
    %dma_start3A_1481 = tpu.memref_slice %arg2[%add3A_1480, %multiple_of3A_67] : memref<16384x3328xf32, #tpu.memory_space<hbm>> -> memref<128x128xf32, #tpu.memory_space<hbm>>
    %dma_start3A_1482 = tpu.memref_slice %arg2[%add3A_1480, %multiple_of3A_67] : memref<16384x3328xf32, #tpu.memory_space<hbm>> -> memref<128x128xf32, #tpu.memory_space<hbm>>
    tpu.enqueue_dma source(%dma_start3A_1482 : memref<128x128xf32, #tpu.memory_space<hbm>>) target(%arg9 : memref<128x128xf32, #tpu.memory_space<vmem>>) target_semaphore(%arg15 : memref<!tpu.dma_semaphore, #tpu.memory_space<semaphore_mem>>)
    %dma_wait3A_1483 = tpu.memref_slice %arg2[%add3A_1408, %multiple_of3A_64] : memref<16384x3328xf32, #tpu.memory_space<hbm>> -> memref<128x128xf32, #tpu.memory_space<hbm>>
    %dma_wait3A_1484 = tpu.memref_slice %arg2[%add3A_1408, %multiple_of3A_64] : memref<16384x3328xf32, #tpu.memory_space<hbm>> -> memref<128x128xf32, #tpu.memory_space<hbm>>
    tpu.wait_dma2 semaphore(%arg17 : memref<!tpu.dma_semaphore, #tpu.memory_space<semaphore_mem>>) src(%dma_wait3A_1484 : memref<128x128xf32, #tpu.memory_space<hbm>>) dst(%arg11 : memref<128x128xf32, #tpu.memory_space<vmem>>)
    %add3A_1485 = arith.constant 311296 : i32
    %add3A_1486 = arith.addi %add3A_1485, %mul3A_2 : i32
    %add3A_1487 = arith.constant 128 : i32
    %add3A_1488 = arith.addi %add3A_1486, %add3A_1487 : i32
    %dma_start3A_1489 = arith.constant 0 : i32
    %dma_start3A_1490 = tpu.memref_slice %arg4[%add3A_1488, %dma_start3A_1489] : memref<425984x128xf32, #tpu.memory_space<hbm>> -> memref<128x128xf32, #tpu.memory_space<hbm>>
    %dma_start3A_1491 = arith.constant 0 : i32
    %dma_start3A_1492 = tpu.memref_slice %arg4[%add3A_1488, %dma_start3A_1491] : memref<425984x128xf32, #tpu.memory_space<hbm>> -> memref<128x128xf32, #tpu.memory_space<hbm>>
    tpu.enqueue_dma source(%arg11 : memref<128x128xf32, #tpu.memory_space<vmem>>) target(%dma_start3A_1492 : memref<128x128xf32, #tpu.memory_space<hbm>>) target_semaphore(%arg23 : memref<!tpu.dma_semaphore, #tpu.memory_space<semaphore_mem>>)
    %dma_wait3A_1493 = arith.constant 0 : i32
    %dma_wait3A_1494 = tpu.memref_slice %arg4[%add3A_1470, %dma_wait3A_1493] : memref<425984x128xf32, #tpu.memory_space<hbm>> -> memref<128x128xf32, #tpu.memory_space<hbm>>
    %dma_wait3A_1495 = arith.constant 0 : i32
    %dma_wait3A_1496 = tpu.memref_slice %arg4[%add3A_1470, %dma_wait3A_1495] : memref<425984x128xf32, #tpu.memory_space<hbm>> -> memref<128x128xf32, #tpu.memory_space<hbm>>
    tpu.wait_dma2 semaphore(%arg22 : memref<!tpu.dma_semaphore, #tpu.memory_space<semaphore_mem>>) src(%arg10 : memref<128x128xf32, #tpu.memory_space<vmem>>) dst(%dma_wait3A_1496 : memref<128x128xf32, #tpu.memory_space<hbm>>)
    %add3A_1497 = arith.constant 256 : i32
    %add3A_1498 = arith.addi %mul3A_2, %add3A_1497 : i32
    %dma_start3A_1499 = tpu.memref_slice %arg2[%add3A_1498, %multiple_of3A_67] : memref<16384x3328xf32, #tpu.memory_space<hbm>> -> memref<128x128xf32, #tpu.memory_space<hbm>>
    %dma_start3A_1500 = tpu.memref_slice %arg2[%add3A_1498, %multiple_of3A_67] : memref<16384x3328xf32, #tpu.memory_space<hbm>> -> memref<128x128xf32, #tpu.memory_space<hbm>>
    tpu.enqueue_dma source(%dma_start3A_1500 : memref<128x128xf32, #tpu.memory_space<hbm>>) target(%arg10 : memref<128x128xf32, #tpu.memory_space<vmem>>) target_semaphore(%arg16 : memref<!tpu.dma_semaphore, #tpu.memory_space<semaphore_mem>>)
    %dma_wait3A_1501 = tpu.memref_slice %arg2[%add3A_1426, %multiple_of3A_64] : memref<16384x3328xf32, #tpu.memory_space<hbm>> -> memref<128x128xf32, #tpu.memory_space<hbm>>
    %dma_wait3A_1502 = tpu.memref_slice %arg2[%add3A_1426, %multiple_of3A_64] : memref<16384x3328xf32, #tpu.memory_space<hbm>> -> memref<128x128xf32, #tpu.memory_space<hbm>>
    tpu.wait_dma2 semaphore(%arg12 : memref<!tpu.dma_semaphore, #tpu.memory_space<semaphore_mem>>) src(%dma_wait3A_1502 : memref<128x128xf32, #tpu.memory_space<hbm>>) dst(%arg6 : memref<128x128xf32, #tpu.memory_space<vmem>>)
    %add3A_1503 = arith.constant 311296 : i32
    %add3A_1504 = arith.addi %add3A_1503, %mul3A_2 : i32
    %add3A_1505 = arith.constant 256 : i32
    %add3A_1506 = arith.addi %add3A_1504, %add3A_1505 : i32
    %dma_start3A_1507 = arith.constant 0 : i32
    %dma_start3A_1508 = tpu.memref_slice %arg4[%add3A_1506, %dma_start3A_1507] : memref<425984x128xf32, #tpu.memory_space<hbm>> -> memref<128x128xf32, #tpu.memory_space<hbm>>
    %dma_start3A_1509 = arith.constant 0 : i32
    %dma_start3A_1510 = tpu.memref_slice %arg4[%add3A_1506, %dma_start3A_1509] : memref<425984x128xf32, #tpu.memory_space<hbm>> -> memref<128x128xf32, #tpu.memory_space<hbm>>
    tpu.enqueue_dma source(%arg6 : memref<128x128xf32, #tpu.memory_space<vmem>>) target(%dma_start3A_1510 : memref<128x128xf32, #tpu.memory_space<hbm>>) target_semaphore(%arg18 : memref<!tpu.dma_semaphore, #tpu.memory_space<semaphore_mem>>)
    %dma_wait3A_1511 = arith.constant 0 : i32
    %dma_wait3A_1512 = tpu.memref_slice %arg4[%add3A_1488, %dma_wait3A_1511] : memref<425984x128xf32, #tpu.memory_space<hbm>> -> memref<128x128xf32, #tpu.memory_space<hbm>>
    %dma_wait3A_1513 = arith.constant 0 : i32
    %dma_wait3A_1514 = tpu.memref_slice %arg4[%add3A_1488, %dma_wait3A_1513] : memref<425984x128xf32, #tpu.memory_space<hbm>> -> memref<128x128xf32, #tpu.memory_space<hbm>>
    tpu.wait_dma2 semaphore(%arg23 : memref<!tpu.dma_semaphore, #tpu.memory_space<semaphore_mem>>) src(%arg11 : memref<128x128xf32, #tpu.memory_space<vmem>>) dst(%dma_wait3A_1514 : memref<128x128xf32, #tpu.memory_space<hbm>>)
    %add3A_1515 = arith.constant 384 : i32
    %add3A_1516 = arith.addi %mul3A_2, %add3A_1515 : i32
    %dma_start3A_1517 = tpu.memref_slice %arg2[%add3A_1516, %multiple_of3A_67] : memref<16384x3328xf32, #tpu.memory_space<hbm>> -> memref<128x128xf32, #tpu.memory_space<hbm>>
    %dma_start3A_1518 = tpu.memref_slice %arg2[%add3A_1516, %multiple_of3A_67] : memref<16384x3328xf32, #tpu.memory_space<hbm>> -> memref<128x128xf32, #tpu.memory_space<hbm>>
    tpu.enqueue_dma source(%dma_start3A_1518 : memref<128x128xf32, #tpu.memory_space<hbm>>) target(%arg11 : memref<128x128xf32, #tpu.memory_space<vmem>>) target_semaphore(%arg17 : memref<!tpu.dma_semaphore, #tpu.memory_space<semaphore_mem>>)
    %dma_wait3A_1519 = tpu.memref_slice %arg2[%add3A_1444, %multiple_of3A_64] : memref<16384x3328xf32, #tpu.memory_space<hbm>> -> memref<128x128xf32, #tpu.memory_space<hbm>>
    %dma_wait3A_1520 = tpu.memref_slice %arg2[%add3A_1444, %multiple_of3A_64] : memref<16384x3328xf32, #tpu.memory_space<hbm>> -> memref<128x128xf32, #tpu.memory_space<hbm>>
    tpu.wait_dma2 semaphore(%arg13 : memref<!tpu.dma_semaphore, #tpu.memory_space<semaphore_mem>>) src(%dma_wait3A_1520 : memref<128x128xf32, #tpu.memory_space<hbm>>) dst(%arg7 : memref<128x128xf32, #tpu.memory_space<vmem>>)
    %add3A_1521 = arith.constant 311296 : i32
    %add3A_1522 = arith.addi %add3A_1521, %mul3A_2 : i32
    %add3A_1523 = arith.constant 384 : i32
    %add3A_1524 = arith.addi %add3A_1522, %add3A_1523 : i32
    %dma_start3A_1525 = arith.constant 0 : i32
    %dma_start3A_1526 = tpu.memref_slice %arg4[%add3A_1524, %dma_start3A_1525] : memref<425984x128xf32, #tpu.memory_space<hbm>> -> memref<128x128xf32, #tpu.memory_space<hbm>>
    %dma_start3A_1527 = arith.constant 0 : i32
    %dma_start3A_1528 = tpu.memref_slice %arg4[%add3A_1524, %dma_start3A_1527] : memref<425984x128xf32, #tpu.memory_space<hbm>> -> memref<128x128xf32, #tpu.memory_space<hbm>>
    tpu.enqueue_dma source(%arg7 : memref<128x128xf32, #tpu.memory_space<vmem>>) target(%dma_start3A_1528 : memref<128x128xf32, #tpu.memory_space<hbm>>) target_semaphore(%arg19 : memref<!tpu.dma_semaphore, #tpu.memory_space<semaphore_mem>>)
    %dma_wait3A_1529 = arith.constant 0 : i32
    %dma_wait3A_1530 = tpu.memref_slice %arg4[%add3A_1506, %dma_wait3A_1529] : memref<425984x128xf32, #tpu.memory_space<hbm>> -> memref<128x128xf32, #tpu.memory_space<hbm>>
    %dma_wait3A_1531 = arith.constant 0 : i32
    %dma_wait3A_1532 = tpu.memref_slice %arg4[%add3A_1506, %dma_wait3A_1531] : memref<425984x128xf32, #tpu.memory_space<hbm>> -> memref<128x128xf32, #tpu.memory_space<hbm>>
    tpu.wait_dma2 semaphore(%arg18 : memref<!tpu.dma_semaphore, #tpu.memory_space<semaphore_mem>>) src(%arg6 : memref<128x128xf32, #tpu.memory_space<vmem>>) dst(%dma_wait3A_1532 : memref<128x128xf32, #tpu.memory_space<hbm>>)
    %add3A_1533 = arith.constant 0 : i32
    %add3A_1534 = arith.addi %mul3A_2, %add3A_1533 : i32
    %dma_start3A_1535 = tpu.memref_slice %arg2[%add3A_1534, %multiple_of3A_70] : memref<16384x3328xf32, #tpu.memory_space<hbm>> -> memref<128x128xf32, #tpu.memory_space<hbm>>
    %dma_start3A_1536 = tpu.memref_slice %arg2[%add3A_1534, %multiple_of3A_70] : memref<16384x3328xf32, #tpu.memory_space<hbm>> -> memref<128x128xf32, #tpu.memory_space<hbm>>
    tpu.enqueue_dma source(%dma_start3A_1536 : memref<128x128xf32, #tpu.memory_space<hbm>>) target(%arg6 : memref<128x128xf32, #tpu.memory_space<vmem>>) target_semaphore(%arg12 : memref<!tpu.dma_semaphore, #tpu.memory_space<semaphore_mem>>)
    %dma_wait3A_1537 = tpu.memref_slice %arg2[%add3A_1462, %multiple_of3A_67] : memref<16384x3328xf32, #tpu.memory_space<hbm>> -> memref<128x128xf32, #tpu.memory_space<hbm>>
    %dma_wait3A_1538 = tpu.memref_slice %arg2[%add3A_1462, %multiple_of3A_67] : memref<16384x3328xf32, #tpu.memory_space<hbm>> -> memref<128x128xf32, #tpu.memory_space<hbm>>
    tpu.wait_dma2 semaphore(%arg14 : memref<!tpu.dma_semaphore, #tpu.memory_space<semaphore_mem>>) src(%dma_wait3A_1538 : memref<128x128xf32, #tpu.memory_space<hbm>>) dst(%arg8 : memref<128x128xf32, #tpu.memory_space<vmem>>)
    %add3A_1539 = arith.constant 327680 : i32
    %add3A_1540 = arith.addi %add3A_1539, %mul3A_2 : i32
    %add3A_1541 = arith.constant 0 : i32
    %add3A_1542 = arith.addi %add3A_1540, %add3A_1541 : i32
    %dma_start3A_1543 = arith.constant 0 : i32
    %dma_start3A_1544 = tpu.memref_slice %arg4[%add3A_1542, %dma_start3A_1543] : memref<425984x128xf32, #tpu.memory_space<hbm>> -> memref<128x128xf32, #tpu.memory_space<hbm>>
    %dma_start3A_1545 = arith.constant 0 : i32
    %dma_start3A_1546 = tpu.memref_slice %arg4[%add3A_1542, %dma_start3A_1545] : memref<425984x128xf32, #tpu.memory_space<hbm>> -> memref<128x128xf32, #tpu.memory_space<hbm>>
    tpu.enqueue_dma source(%arg8 : memref<128x128xf32, #tpu.memory_space<vmem>>) target(%dma_start3A_1546 : memref<128x128xf32, #tpu.memory_space<hbm>>) target_semaphore(%arg20 : memref<!tpu.dma_semaphore, #tpu.memory_space<semaphore_mem>>)
    %dma_wait3A_1547 = arith.constant 0 : i32
    %dma_wait3A_1548 = tpu.memref_slice %arg4[%add3A_1524, %dma_wait3A_1547] : memref<425984x128xf32, #tpu.memory_space<hbm>> -> memref<128x128xf32, #tpu.memory_space<hbm>>
    %dma_wait3A_1549 = arith.constant 0 : i32
    %dma_wait3A_1550 = tpu.memref_slice %arg4[%add3A_1524, %dma_wait3A_1549] : memref<425984x128xf32, #tpu.memory_space<hbm>> -> memref<128x128xf32, #tpu.memory_space<hbm>>
    tpu.wait_dma2 semaphore(%arg19 : memref<!tpu.dma_semaphore, #tpu.memory_space<semaphore_mem>>) src(%arg7 : memref<128x128xf32, #tpu.memory_space<vmem>>) dst(%dma_wait3A_1550 : memref<128x128xf32, #tpu.memory_space<hbm>>)
    %add3A_1551 = arith.constant 128 : i32
    %add3A_1552 = arith.addi %mul3A_2, %add3A_1551 : i32
    %dma_start3A_1553 = tpu.memref_slice %arg2[%add3A_1552, %multiple_of3A_70] : memref<16384x3328xf32, #tpu.memory_space<hbm>> -> memref<128x128xf32, #tpu.memory_space<hbm>>
    %dma_start3A_1554 = tpu.memref_slice %arg2[%add3A_1552, %multiple_of3A_70] : memref<16384x3328xf32, #tpu.memory_space<hbm>> -> memref<128x128xf32, #tpu.memory_space<hbm>>
    tpu.enqueue_dma source(%dma_start3A_1554 : memref<128x128xf32, #tpu.memory_space<hbm>>) target(%arg7 : memref<128x128xf32, #tpu.memory_space<vmem>>) target_semaphore(%arg13 : memref<!tpu.dma_semaphore, #tpu.memory_space<semaphore_mem>>)
    %dma_wait3A_1555 = tpu.memref_slice %arg2[%add3A_1480, %multiple_of3A_67] : memref<16384x3328xf32, #tpu.memory_space<hbm>> -> memref<128x128xf32, #tpu.memory_space<hbm>>
    %dma_wait3A_1556 = tpu.memref_slice %arg2[%add3A_1480, %multiple_of3A_67] : memref<16384x3328xf32, #tpu.memory_space<hbm>> -> memref<128x128xf32, #tpu.memory_space<hbm>>
    tpu.wait_dma2 semaphore(%arg15 : memref<!tpu.dma_semaphore, #tpu.memory_space<semaphore_mem>>) src(%dma_wait3A_1556 : memref<128x128xf32, #tpu.memory_space<hbm>>) dst(%arg9 : memref<128x128xf32, #tpu.memory_space<vmem>>)
    %add3A_1557 = arith.constant 327680 : i32
    %add3A_1558 = arith.addi %add3A_1557, %mul3A_2 : i32
    %add3A_1559 = arith.constant 128 : i32
    %add3A_1560 = arith.addi %add3A_1558, %add3A_1559 : i32
    %dma_start3A_1561 = arith.constant 0 : i32
    %dma_start3A_1562 = tpu.memref_slice %arg4[%add3A_1560, %dma_start3A_1561] : memref<425984x128xf32, #tpu.memory_space<hbm>> -> memref<128x128xf32, #tpu.memory_space<hbm>>
    %dma_start3A_1563 = arith.constant 0 : i32
    %dma_start3A_1564 = tpu.memref_slice %arg4[%add3A_1560, %dma_start3A_1563] : memref<425984x128xf32, #tpu.memory_space<hbm>> -> memref<128x128xf32, #tpu.memory_space<hbm>>
    tpu.enqueue_dma source(%arg9 : memref<128x128xf32, #tpu.memory_space<vmem>>) target(%dma_start3A_1564 : memref<128x128xf32, #tpu.memory_space<hbm>>) target_semaphore(%arg21 : memref<!tpu.dma_semaphore, #tpu.memory_space<semaphore_mem>>)
    %dma_wait3A_1565 = arith.constant 0 : i32
    %dma_wait3A_1566 = tpu.memref_slice %arg4[%add3A_1542, %dma_wait3A_1565] : memref<425984x128xf32, #tpu.memory_space<hbm>> -> memref<128x128xf32, #tpu.memory_space<hbm>>
    %dma_wait3A_1567 = arith.constant 0 : i32
    %dma_wait3A_1568 = tpu.memref_slice %arg4[%add3A_1542, %dma_wait3A_1567] : memref<425984x128xf32, #tpu.memory_space<hbm>> -> memref<128x128xf32, #tpu.memory_space<hbm>>
    tpu.wait_dma2 semaphore(%arg20 : memref<!tpu.dma_semaphore, #tpu.memory_space<semaphore_mem>>) src(%arg8 : memref<128x128xf32, #tpu.memory_space<vmem>>) dst(%dma_wait3A_1568 : memref<128x128xf32, #tpu.memory_space<hbm>>)
    %add3A_1569 = arith.constant 256 : i32
    %add3A_1570 = arith.addi %mul3A_2, %add3A_1569 : i32
    %dma_start3A_1571 = tpu.memref_slice %arg2[%add3A_1570, %multiple_of3A_70] : memref<16384x3328xf32, #tpu.memory_space<hbm>> -> memref<128x128xf32, #tpu.memory_space<hbm>>
    %dma_start3A_1572 = tpu.memref_slice %arg2[%add3A_1570, %multiple_of3A_70] : memref<16384x3328xf32, #tpu.memory_space<hbm>> -> memref<128x128xf32, #tpu.memory_space<hbm>>
    tpu.enqueue_dma source(%dma_start3A_1572 : memref<128x128xf32, #tpu.memory_space<hbm>>) target(%arg8 : memref<128x128xf32, #tpu.memory_space<vmem>>) target_semaphore(%arg14 : memref<!tpu.dma_semaphore, #tpu.memory_space<semaphore_mem>>)
    %dma_wait3A_1573 = tpu.memref_slice %arg2[%add3A_1498, %multiple_of3A_67] : memref<16384x3328xf32, #tpu.memory_space<hbm>> -> memref<128x128xf32, #tpu.memory_space<hbm>>
    %dma_wait3A_1574 = tpu.memref_slice %arg2[%add3A_1498, %multiple_of3A_67] : memref<16384x3328xf32, #tpu.memory_space<hbm>> -> memref<128x128xf32, #tpu.memory_space<hbm>>
    tpu.wait_dma2 semaphore(%arg16 : memref<!tpu.dma_semaphore, #tpu.memory_space<semaphore_mem>>) src(%dma_wait3A_1574 : memref<128x128xf32, #tpu.memory_space<hbm>>) dst(%arg10 : memref<128x128xf32, #tpu.memory_space<vmem>>)
    %add3A_1575 = arith.constant 327680 : i32
    %add3A_1576 = arith.addi %add3A_1575, %mul3A_2 : i32
    %add3A_1577 = arith.constant 256 : i32
    %add3A_1578 = arith.addi %add3A_1576, %add3A_1577 : i32
    %dma_start3A_1579 = arith.constant 0 : i32
    %dma_start3A_1580 = tpu.memref_slice %arg4[%add3A_1578, %dma_start3A_1579] : memref<425984x128xf32, #tpu.memory_space<hbm>> -> memref<128x128xf32, #tpu.memory_space<hbm>>
    %dma_start3A_1581 = arith.constant 0 : i32
    %dma_start3A_1582 = tpu.memref_slice %arg4[%add3A_1578, %dma_start3A_1581] : memref<425984x128xf32, #tpu.memory_space<hbm>> -> memref<128x128xf32, #tpu.memory_space<hbm>>
    tpu.enqueue_dma source(%arg10 : memref<128x128xf32, #tpu.memory_space<vmem>>) target(%dma_start3A_1582 : memref<128x128xf32, #tpu.memory_space<hbm>>) target_semaphore(%arg22 : memref<!tpu.dma_semaphore, #tpu.memory_space<semaphore_mem>>)
    %dma_wait3A_1583 = arith.constant 0 : i32
    %dma_wait3A_1584 = tpu.memref_slice %arg4[%add3A_1560, %dma_wait3A_1583] : memref<425984x128xf32, #tpu.memory_space<hbm>> -> memref<128x128xf32, #tpu.memory_space<hbm>>
    %dma_wait3A_1585 = arith.constant 0 : i32
    %dma_wait3A_1586 = tpu.memref_slice %arg4[%add3A_1560, %dma_wait3A_1585] : memref<425984x128xf32, #tpu.memory_space<hbm>> -> memref<128x128xf32, #tpu.memory_space<hbm>>
    tpu.wait_dma2 semaphore(%arg21 : memref<!tpu.dma_semaphore, #tpu.memory_space<semaphore_mem>>) src(%arg9 : memref<128x128xf32, #tpu.memory_space<vmem>>) dst(%dma_wait3A_1586 : memref<128x128xf32, #tpu.memory_space<hbm>>)
    %add3A_1587 = arith.constant 384 : i32
    %add3A_1588 = arith.addi %mul3A_2, %add3A_1587 : i32
    %dma_start3A_1589 = tpu.memref_slice %arg2[%add3A_1588, %multiple_of3A_70] : memref<16384x3328xf32, #tpu.memory_space<hbm>> -> memref<128x128xf32, #tpu.memory_space<hbm>>
    %dma_start3A_1590 = tpu.memref_slice %arg2[%add3A_1588, %multiple_of3A_70] : memref<16384x3328xf32, #tpu.memory_space<hbm>> -> memref<128x128xf32, #tpu.memory_space<hbm>>
    tpu.enqueue_dma source(%dma_start3A_1590 : memref<128x128xf32, #tpu.memory_space<hbm>>) target(%arg9 : memref<128x128xf32, #tpu.memory_space<vmem>>) target_semaphore(%arg15 : memref<!tpu.dma_semaphore, #tpu.memory_space<semaphore_mem>>)
    %dma_wait3A_1591 = tpu.memref_slice %arg2[%add3A_1516, %multiple_of3A_67] : memref<16384x3328xf32, #tpu.memory_space<hbm>> -> memref<128x128xf32, #tpu.memory_space<hbm>>
    %dma_wait3A_1592 = tpu.memref_slice %arg2[%add3A_1516, %multiple_of3A_67] : memref<16384x3328xf32, #tpu.memory_space<hbm>> -> memref<128x128xf32, #tpu.memory_space<hbm>>
    tpu.wait_dma2 semaphore(%arg17 : memref<!tpu.dma_semaphore, #tpu.memory_space<semaphore_mem>>) src(%dma_wait3A_1592 : memref<128x128xf32, #tpu.memory_space<hbm>>) dst(%arg11 : memref<128x128xf32, #tpu.memory_space<vmem>>)
    %add3A_1593 = arith.constant 327680 : i32
    %add3A_1594 = arith.addi %add3A_1593, %mul3A_2 : i32
    %add3A_1595 = arith.constant 384 : i32
    %add3A_1596 = arith.addi %add3A_1594, %add3A_1595 : i32
    %dma_start3A_1597 = arith.constant 0 : i32
    %dma_start3A_1598 = tpu.memref_slice %arg4[%add3A_1596, %dma_start3A_1597] : memref<425984x128xf32, #tpu.memory_space<hbm>> -> memref<128x128xf32, #tpu.memory_space<hbm>>
    %dma_start3A_1599 = arith.constant 0 : i32
    %dma_start3A_1600 = tpu.memref_slice %arg4[%add3A_1596, %dma_start3A_1599] : memref<425984x128xf32, #tpu.memory_space<hbm>> -> memref<128x128xf32, #tpu.memory_space<hbm>>
    tpu.enqueue_dma source(%arg11 : memref<128x128xf32, #tpu.memory_space<vmem>>) target(%dma_start3A_1600 : memref<128x128xf32, #tpu.memory_space<hbm>>) target_semaphore(%arg23 : memref<!tpu.dma_semaphore, #tpu.memory_space<semaphore_mem>>)
    %dma_wait3A_1601 = arith.constant 0 : i32
    %dma_wait3A_1602 = tpu.memref_slice %arg4[%add3A_1578, %dma_wait3A_1601] : memref<425984x128xf32, #tpu.memory_space<hbm>> -> memref<128x128xf32, #tpu.memory_space<hbm>>
    %dma_wait3A_1603 = arith.constant 0 : i32
    %dma_wait3A_1604 = tpu.memref_slice %arg4[%add3A_1578, %dma_wait3A_1603] : memref<425984x128xf32, #tpu.memory_space<hbm>> -> memref<128x128xf32, #tpu.memory_space<hbm>>
    tpu.wait_dma2 semaphore(%arg22 : memref<!tpu.dma_semaphore, #tpu.memory_space<semaphore_mem>>) src(%arg10 : memref<128x128xf32, #tpu.memory_space<vmem>>) dst(%dma_wait3A_1604 : memref<128x128xf32, #tpu.memory_space<hbm>>)
    %add3A_1605 = arith.constant 0 : i32
    %add3A_1606 = arith.addi %mul3A_2, %add3A_1605 : i32
    %dma_start3A_1607 = tpu.memref_slice %arg2[%add3A_1606, %multiple_of3A_73] : memref<16384x3328xf32, #tpu.memory_space<hbm>> -> memref<128x128xf32, #tpu.memory_space<hbm>>
    %dma_start3A_1608 = tpu.memref_slice %arg2[%add3A_1606, %multiple_of3A_73] : memref<16384x3328xf32, #tpu.memory_space<hbm>> -> memref<128x128xf32, #tpu.memory_space<hbm>>
    tpu.enqueue_dma source(%dma_start3A_1608 : memref<128x128xf32, #tpu.memory_space<hbm>>) target(%arg10 : memref<128x128xf32, #tpu.memory_space<vmem>>) target_semaphore(%arg16 : memref<!tpu.dma_semaphore, #tpu.memory_space<semaphore_mem>>)
    %dma_wait3A_1609 = tpu.memref_slice %arg2[%add3A_1534, %multiple_of3A_70] : memref<16384x3328xf32, #tpu.memory_space<hbm>> -> memref<128x128xf32, #tpu.memory_space<hbm>>
    %dma_wait3A_1610 = tpu.memref_slice %arg2[%add3A_1534, %multiple_of3A_70] : memref<16384x3328xf32, #tpu.memory_space<hbm>> -> memref<128x128xf32, #tpu.memory_space<hbm>>
    tpu.wait_dma2 semaphore(%arg12 : memref<!tpu.dma_semaphore, #tpu.memory_space<semaphore_mem>>) src(%dma_wait3A_1610 : memref<128x128xf32, #tpu.memory_space<hbm>>) dst(%arg6 : memref<128x128xf32, #tpu.memory_space<vmem>>)
    %add3A_1611 = arith.constant 344064 : i32
    %add3A_1612 = arith.addi %add3A_1611, %mul3A_2 : i32
    %add3A_1613 = arith.constant 0 : i32
    %add3A_1614 = arith.addi %add3A_1612, %add3A_1613 : i32
    %dma_start3A_1615 = arith.constant 0 : i32
    %dma_start3A_1616 = tpu.memref_slice %arg4[%add3A_1614, %dma_start3A_1615] : memref<425984x128xf32, #tpu.memory_space<hbm>> -> memref<128x128xf32, #tpu.memory_space<hbm>>
    %dma_start3A_1617 = arith.constant 0 : i32
    %dma_start3A_1618 = tpu.memref_slice %arg4[%add3A_1614, %dma_start3A_1617] : memref<425984x128xf32, #tpu.memory_space<hbm>> -> memref<128x128xf32, #tpu.memory_space<hbm>>
    tpu.enqueue_dma source(%arg6 : memref<128x128xf32, #tpu.memory_space<vmem>>) target(%dma_start3A_1618 : memref<128x128xf32, #tpu.memory_space<hbm>>) target_semaphore(%arg18 : memref<!tpu.dma_semaphore, #tpu.memory_space<semaphore_mem>>)
    %dma_wait3A_1619 = arith.constant 0 : i32
    %dma_wait3A_1620 = tpu.memref_slice %arg4[%add3A_1596, %dma_wait3A_1619] : memref<425984x128xf32, #tpu.memory_space<hbm>> -> memref<128x128xf32, #tpu.memory_space<hbm>>
    %dma_wait3A_1621 = arith.constant 0 : i32
    %dma_wait3A_1622 = tpu.memref_slice %arg4[%add3A_1596, %dma_wait3A_1621] : memref<425984x128xf32, #tpu.memory_space<hbm>> -> memref<128x128xf32, #tpu.memory_space<hbm>>
    tpu.wait_dma2 semaphore(%arg23 : memref<!tpu.dma_semaphore, #tpu.memory_space<semaphore_mem>>) src(%arg11 : memref<128x128xf32, #tpu.memory_space<vmem>>) dst(%dma_wait3A_1622 : memref<128x128xf32, #tpu.memory_space<hbm>>)
    %add3A_1623 = arith.constant 128 : i32
    %add3A_1624 = arith.addi %mul3A_2, %add3A_1623 : i32
    %dma_start3A_1625 = tpu.memref_slice %arg2[%add3A_1624, %multiple_of3A_73] : memref<16384x3328xf32, #tpu.memory_space<hbm>> -> memref<128x128xf32, #tpu.memory_space<hbm>>
    %dma_start3A_1626 = tpu.memref_slice %arg2[%add3A_1624, %multiple_of3A_73] : memref<16384x3328xf32, #tpu.memory_space<hbm>> -> memref<128x128xf32, #tpu.memory_space<hbm>>
    tpu.enqueue_dma source(%dma_start3A_1626 : memref<128x128xf32, #tpu.memory_space<hbm>>) target(%arg11 : memref<128x128xf32, #tpu.memory_space<vmem>>) target_semaphore(%arg17 : memref<!tpu.dma_semaphore, #tpu.memory_space<semaphore_mem>>)
    %dma_wait3A_1627 = tpu.memref_slice %arg2[%add3A_1552, %multiple_of3A_70] : memref<16384x3328xf32, #tpu.memory_space<hbm>> -> memref<128x128xf32, #tpu.memory_space<hbm>>
    %dma_wait3A_1628 = tpu.memref_slice %arg2[%add3A_1552, %multiple_of3A_70] : memref<16384x3328xf32, #tpu.memory_space<hbm>> -> memref<128x128xf32, #tpu.memory_space<hbm>>
    tpu.wait_dma2 semaphore(%arg13 : memref<!tpu.dma_semaphore, #tpu.memory_space<semaphore_mem>>) src(%dma_wait3A_1628 : memref<128x128xf32, #tpu.memory_space<hbm>>) dst(%arg7 : memref<128x128xf32, #tpu.memory_space<vmem>>)
    %add3A_1629 = arith.constant 344064 : i32
    %add3A_1630 = arith.addi %add3A_1629, %mul3A_2 : i32
    %add3A_1631 = arith.constant 128 : i32
    %add3A_1632 = arith.addi %add3A_1630, %add3A_1631 : i32
    %dma_start3A_1633 = arith.constant 0 : i32
    %dma_start3A_1634 = tpu.memref_slice %arg4[%add3A_1632, %dma_start3A_1633] : memref<425984x128xf32, #tpu.memory_space<hbm>> -> memref<128x128xf32, #tpu.memory_space<hbm>>
    %dma_start3A_1635 = arith.constant 0 : i32
    %dma_start3A_1636 = tpu.memref_slice %arg4[%add3A_1632, %dma_start3A_1635] : memref<425984x128xf32, #tpu.memory_space<hbm>> -> memref<128x128xf32, #tpu.memory_space<hbm>>
    tpu.enqueue_dma source(%arg7 : memref<128x128xf32, #tpu.memory_space<vmem>>) target(%dma_start3A_1636 : memref<128x128xf32, #tpu.memory_space<hbm>>) target_semaphore(%arg19 : memref<!tpu.dma_semaphore, #tpu.memory_space<semaphore_mem>>)
    %dma_wait3A_1637 = arith.constant 0 : i32
    %dma_wait3A_1638 = tpu.memref_slice %arg4[%add3A_1614, %dma_wait3A_1637] : memref<425984x128xf32, #tpu.memory_space<hbm>> -> memref<128x128xf32, #tpu.memory_space<hbm>>
    %dma_wait3A_1639 = arith.constant 0 : i32
    %dma_wait3A_1640 = tpu.memref_slice %arg4[%add3A_1614, %dma_wait3A_1639] : memref<425984x128xf32, #tpu.memory_space<hbm>> -> memref<128x128xf32, #tpu.memory_space<hbm>>
    tpu.wait_dma2 semaphore(%arg18 : memref<!tpu.dma_semaphore, #tpu.memory_space<semaphore_mem>>) src(%arg6 : memref<128x128xf32, #tpu.memory_space<vmem>>) dst(%dma_wait3A_1640 : memref<128x128xf32, #tpu.memory_space<hbm>>)
    %add3A_1641 = arith.constant 256 : i32
    %add3A_1642 = arith.addi %mul3A_2, %add3A_1641 : i32
    %dma_start3A_1643 = tpu.memref_slice %arg2[%add3A_1642, %multiple_of3A_73] : memref<16384x3328xf32, #tpu.memory_space<hbm>> -> memref<128x128xf32, #tpu.memory_space<hbm>>
    %dma_start3A_1644 = tpu.memref_slice %arg2[%add3A_1642, %multiple_of3A_73] : memref<16384x3328xf32, #tpu.memory_space<hbm>> -> memref<128x128xf32, #tpu.memory_space<hbm>>
    tpu.enqueue_dma source(%dma_start3A_1644 : memref<128x128xf32, #tpu.memory_space<hbm>>) target(%arg6 : memref<128x128xf32, #tpu.memory_space<vmem>>) target_semaphore(%arg12 : memref<!tpu.dma_semaphore, #tpu.memory_space<semaphore_mem>>)
    %dma_wait3A_1645 = tpu.memref_slice %arg2[%add3A_1570, %multiple_of3A_70] : memref<16384x3328xf32, #tpu.memory_space<hbm>> -> memref<128x128xf32, #tpu.memory_space<hbm>>
    %dma_wait3A_1646 = tpu.memref_slice %arg2[%add3A_1570, %multiple_of3A_70] : memref<16384x3328xf32, #tpu.memory_space<hbm>> -> memref<128x128xf32, #tpu.memory_space<hbm>>
    tpu.wait_dma2 semaphore(%arg14 : memref<!tpu.dma_semaphore, #tpu.memory_space<semaphore_mem>>) src(%dma_wait3A_1646 : memref<128x128xf32, #tpu.memory_space<hbm>>) dst(%arg8 : memref<128x128xf32, #tpu.memory_space<vmem>>)
    %add3A_1647 = arith.constant 344064 : i32
    %add3A_1648 = arith.addi %add3A_1647, %mul3A_2 : i32
    %add3A_1649 = arith.constant 256 : i32
    %add3A_1650 = arith.addi %add3A_1648, %add3A_1649 : i32
    %dma_start3A_1651 = arith.constant 0 : i32
    %dma_start3A_1652 = tpu.memref_slice %arg4[%add3A_1650, %dma_start3A_1651] : memref<425984x128xf32, #tpu.memory_space<hbm>> -> memref<128x128xf32, #tpu.memory_space<hbm>>
    %dma_start3A_1653 = arith.constant 0 : i32
    %dma_start3A_1654 = tpu.memref_slice %arg4[%add3A_1650, %dma_start3A_1653] : memref<425984x128xf32, #tpu.memory_space<hbm>> -> memref<128x128xf32, #tpu.memory_space<hbm>>
    tpu.enqueue_dma source(%arg8 : memref<128x128xf32, #tpu.memory_space<vmem>>) target(%dma_start3A_1654 : memref<128x128xf32, #tpu.memory_space<hbm>>) target_semaphore(%arg20 : memref<!tpu.dma_semaphore, #tpu.memory_space<semaphore_mem>>)
    %dma_wait3A_1655 = arith.constant 0 : i32
    %dma_wait3A_1656 = tpu.memref_slice %arg4[%add3A_1632, %dma_wait3A_1655] : memref<425984x128xf32, #tpu.memory_space<hbm>> -> memref<128x128xf32, #tpu.memory_space<hbm>>
    %dma_wait3A_1657 = arith.constant 0 : i32
    %dma_wait3A_1658 = tpu.memref_slice %arg4[%add3A_1632, %dma_wait3A_1657] : memref<425984x128xf32, #tpu.memory_space<hbm>> -> memref<128x128xf32, #tpu.memory_space<hbm>>
    tpu.wait_dma2 semaphore(%arg19 : memref<!tpu.dma_semaphore, #tpu.memory_space<semaphore_mem>>) src(%arg7 : memref<128x128xf32, #tpu.memory_space<vmem>>) dst(%dma_wait3A_1658 : memref<128x128xf32, #tpu.memory_space<hbm>>)
    %add3A_1659 = arith.constant 384 : i32
    %add3A_1660 = arith.addi %mul3A_2, %add3A_1659 : i32
    %dma_start3A_1661 = tpu.memref_slice %arg2[%add3A_1660, %multiple_of3A_73] : memref<16384x3328xf32, #tpu.memory_space<hbm>> -> memref<128x128xf32, #tpu.memory_space<hbm>>
    %dma_start3A_1662 = tpu.memref_slice %arg2[%add3A_1660, %multiple_of3A_73] : memref<16384x3328xf32, #tpu.memory_space<hbm>> -> memref<128x128xf32, #tpu.memory_space<hbm>>
    tpu.enqueue_dma source(%dma_start3A_1662 : memref<128x128xf32, #tpu.memory_space<hbm>>) target(%arg7 : memref<128x128xf32, #tpu.memory_space<vmem>>) target_semaphore(%arg13 : memref<!tpu.dma_semaphore, #tpu.memory_space<semaphore_mem>>)
    %dma_wait3A_1663 = tpu.memref_slice %arg2[%add3A_1588, %multiple_of3A_70] : memref<16384x3328xf32, #tpu.memory_space<hbm>> -> memref<128x128xf32, #tpu.memory_space<hbm>>
    %dma_wait3A_1664 = tpu.memref_slice %arg2[%add3A_1588, %multiple_of3A_70] : memref<16384x3328xf32, #tpu.memory_space<hbm>> -> memref<128x128xf32, #tpu.memory_space<hbm>>
    tpu.wait_dma2 semaphore(%arg15 : memref<!tpu.dma_semaphore, #tpu.memory_space<semaphore_mem>>) src(%dma_wait3A_1664 : memref<128x128xf32, #tpu.memory_space<hbm>>) dst(%arg9 : memref<128x128xf32, #tpu.memory_space<vmem>>)
    %add3A_1665 = arith.constant 344064 : i32
    %add3A_1666 = arith.addi %add3A_1665, %mul3A_2 : i32
    %add3A_1667 = arith.constant 384 : i32
    %add3A_1668 = arith.addi %add3A_1666, %add3A_1667 : i32
    %dma_start3A_1669 = arith.constant 0 : i32
    %dma_start3A_1670 = tpu.memref_slice %arg4[%add3A_1668, %dma_start3A_1669] : memref<425984x128xf32, #tpu.memory_space<hbm>> -> memref<128x128xf32, #tpu.memory_space<hbm>>
    %dma_start3A_1671 = arith.constant 0 : i32
    %dma_start3A_1672 = tpu.memref_slice %arg4[%add3A_1668, %dma_start3A_1671] : memref<425984x128xf32, #tpu.memory_space<hbm>> -> memref<128x128xf32, #tpu.memory_space<hbm>>
    tpu.enqueue_dma source(%arg9 : memref<128x128xf32, #tpu.memory_space<vmem>>) target(%dma_start3A_1672 : memref<128x128xf32, #tpu.memory_space<hbm>>) target_semaphore(%arg21 : memref<!tpu.dma_semaphore, #tpu.memory_space<semaphore_mem>>)
    %dma_wait3A_1673 = arith.constant 0 : i32
    %dma_wait3A_1674 = tpu.memref_slice %arg4[%add3A_1650, %dma_wait3A_1673] : memref<425984x128xf32, #tpu.memory_space<hbm>> -> memref<128x128xf32, #tpu.memory_space<hbm>>
    %dma_wait3A_1675 = arith.constant 0 : i32
    %dma_wait3A_1676 = tpu.memref_slice %arg4[%add3A_1650, %dma_wait3A_1675] : memref<425984x128xf32, #tpu.memory_space<hbm>> -> memref<128x128xf32, #tpu.memory_space<hbm>>
    tpu.wait_dma2 semaphore(%arg20 : memref<!tpu.dma_semaphore, #tpu.memory_space<semaphore_mem>>) src(%arg8 : memref<128x128xf32, #tpu.memory_space<vmem>>) dst(%dma_wait3A_1676 : memref<128x128xf32, #tpu.memory_space<hbm>>)
    %add3A_1677 = arith.constant 0 : i32
    %add3A_1678 = arith.addi %mul3A_2, %add3A_1677 : i32
    %dma_start3A_1679 = tpu.memref_slice %arg2[%add3A_1678, %multiple_of3A_76] : memref<16384x3328xf32, #tpu.memory_space<hbm>> -> memref<128x128xf32, #tpu.memory_space<hbm>>
    %dma_start3A_1680 = tpu.memref_slice %arg2[%add3A_1678, %multiple_of3A_76] : memref<16384x3328xf32, #tpu.memory_space<hbm>> -> memref<128x128xf32, #tpu.memory_space<hbm>>
    tpu.enqueue_dma source(%dma_start3A_1680 : memref<128x128xf32, #tpu.memory_space<hbm>>) target(%arg8 : memref<128x128xf32, #tpu.memory_space<vmem>>) target_semaphore(%arg14 : memref<!tpu.dma_semaphore, #tpu.memory_space<semaphore_mem>>)
    %dma_wait3A_1681 = tpu.memref_slice %arg2[%add3A_1606, %multiple_of3A_73] : memref<16384x3328xf32, #tpu.memory_space<hbm>> -> memref<128x128xf32, #tpu.memory_space<hbm>>
    %dma_wait3A_1682 = tpu.memref_slice %arg2[%add3A_1606, %multiple_of3A_73] : memref<16384x3328xf32, #tpu.memory_space<hbm>> -> memref<128x128xf32, #tpu.memory_space<hbm>>
    tpu.wait_dma2 semaphore(%arg16 : memref<!tpu.dma_semaphore, #tpu.memory_space<semaphore_mem>>) src(%dma_wait3A_1682 : memref<128x128xf32, #tpu.memory_space<hbm>>) dst(%arg10 : memref<128x128xf32, #tpu.memory_space<vmem>>)
    %add3A_1683 = arith.constant 360448 : i32
    %add3A_1684 = arith.addi %add3A_1683, %mul3A_2 : i32
    %add3A_1685 = arith.constant 0 : i32
    %add3A_1686 = arith.addi %add3A_1684, %add3A_1685 : i32
    %dma_start3A_1687 = arith.constant 0 : i32
    %dma_start3A_1688 = tpu.memref_slice %arg4[%add3A_1686, %dma_start3A_1687] : memref<425984x128xf32, #tpu.memory_space<hbm>> -> memref<128x128xf32, #tpu.memory_space<hbm>>
    %dma_start3A_1689 = arith.constant 0 : i32
    %dma_start3A_1690 = tpu.memref_slice %arg4[%add3A_1686, %dma_start3A_1689] : memref<425984x128xf32, #tpu.memory_space<hbm>> -> memref<128x128xf32, #tpu.memory_space<hbm>>
    tpu.enqueue_dma source(%arg10 : memref<128x128xf32, #tpu.memory_space<vmem>>) target(%dma_start3A_1690 : memref<128x128xf32, #tpu.memory_space<hbm>>) target_semaphore(%arg22 : memref<!tpu.dma_semaphore, #tpu.memory_space<semaphore_mem>>)
    %dma_wait3A_1691 = arith.constant 0 : i32
    %dma_wait3A_1692 = tpu.memref_slice %arg4[%add3A_1668, %dma_wait3A_1691] : memref<425984x128xf32, #tpu.memory_space<hbm>> -> memref<128x128xf32, #tpu.memory_space<hbm>>
    %dma_wait3A_1693 = arith.constant 0 : i32
    %dma_wait3A_1694 = tpu.memref_slice %arg4[%add3A_1668, %dma_wait3A_1693] : memref<425984x128xf32, #tpu.memory_space<hbm>> -> memref<128x128xf32, #tpu.memory_space<hbm>>
    tpu.wait_dma2 semaphore(%arg21 : memref<!tpu.dma_semaphore, #tpu.memory_space<semaphore_mem>>) src(%arg9 : memref<128x128xf32, #tpu.memory_space<vmem>>) dst(%dma_wait3A_1694 : memref<128x128xf32, #tpu.memory_space<hbm>>)
    %add3A_1695 = arith.constant 128 : i32
    %add3A_1696 = arith.addi %mul3A_2, %add3A_1695 : i32
    %dma_start3A_1697 = tpu.memref_slice %arg2[%add3A_1696, %multiple_of3A_76] : memref<16384x3328xf32, #tpu.memory_space<hbm>> -> memref<128x128xf32, #tpu.memory_space<hbm>>
    %dma_start3A_1698 = tpu.memref_slice %arg2[%add3A_1696, %multiple_of3A_76] : memref<16384x3328xf32, #tpu.memory_space<hbm>> -> memref<128x128xf32, #tpu.memory_space<hbm>>
    tpu.enqueue_dma source(%dma_start3A_1698 : memref<128x128xf32, #tpu.memory_space<hbm>>) target(%arg9 : memref<128x128xf32, #tpu.memory_space<vmem>>) target_semaphore(%arg15 : memref<!tpu.dma_semaphore, #tpu.memory_space<semaphore_mem>>)
    %dma_wait3A_1699 = tpu.memref_slice %arg2[%add3A_1624, %multiple_of3A_73] : memref<16384x3328xf32, #tpu.memory_space<hbm>> -> memref<128x128xf32, #tpu.memory_space<hbm>>
    %dma_wait3A_1700 = tpu.memref_slice %arg2[%add3A_1624, %multiple_of3A_73] : memref<16384x3328xf32, #tpu.memory_space<hbm>> -> memref<128x128xf32, #tpu.memory_space<hbm>>
    tpu.wait_dma2 semaphore(%arg17 : memref<!tpu.dma_semaphore, #tpu.memory_space<semaphore_mem>>) src(%dma_wait3A_1700 : memref<128x128xf32, #tpu.memory_space<hbm>>) dst(%arg11 : memref<128x128xf32, #tpu.memory_space<vmem>>)
    %add3A_1701 = arith.constant 360448 : i32
    %add3A_1702 = arith.addi %add3A_1701, %mul3A_2 : i32
    %add3A_1703 = arith.constant 128 : i32
    %add3A_1704 = arith.addi %add3A_1702, %add3A_1703 : i32
    %dma_start3A_1705 = arith.constant 0 : i32
    %dma_start3A_1706 = tpu.memref_slice %arg4[%add3A_1704, %dma_start3A_1705] : memref<425984x128xf32, #tpu.memory_space<hbm>> -> memref<128x128xf32, #tpu.memory_space<hbm>>
    %dma_start3A_1707 = arith.constant 0 : i32
    %dma_start3A_1708 = tpu.memref_slice %arg4[%add3A_1704, %dma_start3A_1707] : memref<425984x128xf32, #tpu.memory_space<hbm>> -> memref<128x128xf32, #tpu.memory_space<hbm>>
    tpu.enqueue_dma source(%arg11 : memref<128x128xf32, #tpu.memory_space<vmem>>) target(%dma_start3A_1708 : memref<128x128xf32, #tpu.memory_space<hbm>>) target_semaphore(%arg23 : memref<!tpu.dma_semaphore, #tpu.memory_space<semaphore_mem>>)
    %dma_wait3A_1709 = arith.constant 0 : i32
    %dma_wait3A_1710 = tpu.memref_slice %arg4[%add3A_1686, %dma_wait3A_1709] : memref<425984x128xf32, #tpu.memory_space<hbm>> -> memref<128x128xf32, #tpu.memory_space<hbm>>
    %dma_wait3A_1711 = arith.constant 0 : i32
    %dma_wait3A_1712 = tpu.memref_slice %arg4[%add3A_1686, %dma_wait3A_1711] : memref<425984x128xf32, #tpu.memory_space<hbm>> -> memref<128x128xf32, #tpu.memory_space<hbm>>
    tpu.wait_dma2 semaphore(%arg22 : memref<!tpu.dma_semaphore, #tpu.memory_space<semaphore_mem>>) src(%arg10 : memref<128x128xf32, #tpu.memory_space<vmem>>) dst(%dma_wait3A_1712 : memref<128x128xf32, #tpu.memory_space<hbm>>)
    %add3A_1713 = arith.constant 256 : i32
    %add3A_1714 = arith.addi %mul3A_2, %add3A_1713 : i32
    %dma_start3A_1715 = tpu.memref_slice %arg2[%add3A_1714, %multiple_of3A_76] : memref<16384x3328xf32, #tpu.memory_space<hbm>> -> memref<128x128xf32, #tpu.memory_space<hbm>>
    %dma_start3A_1716 = tpu.memref_slice %arg2[%add3A_1714, %multiple_of3A_76] : memref<16384x3328xf32, #tpu.memory_space<hbm>> -> memref<128x128xf32, #tpu.memory_space<hbm>>
    tpu.enqueue_dma source(%dma_start3A_1716 : memref<128x128xf32, #tpu.memory_space<hbm>>) target(%arg10 : memref<128x128xf32, #tpu.memory_space<vmem>>) target_semaphore(%arg16 : memref<!tpu.dma_semaphore, #tpu.memory_space<semaphore_mem>>)
    %dma_wait3A_1717 = tpu.memref_slice %arg2[%add3A_1642, %multiple_of3A_73] : memref<16384x3328xf32, #tpu.memory_space<hbm>> -> memref<128x128xf32, #tpu.memory_space<hbm>>
    %dma_wait3A_1718 = tpu.memref_slice %arg2[%add3A_1642, %multiple_of3A_73] : memref<16384x3328xf32, #tpu.memory_space<hbm>> -> memref<128x128xf32, #tpu.memory_space<hbm>>
    tpu.wait_dma2 semaphore(%arg12 : memref<!tpu.dma_semaphore, #tpu.memory_space<semaphore_mem>>) src(%dma_wait3A_1718 : memref<128x128xf32, #tpu.memory_space<hbm>>) dst(%arg6 : memref<128x128xf32, #tpu.memory_space<vmem>>)
    %add3A_1719 = arith.constant 360448 : i32
    %add3A_1720 = arith.addi %add3A_1719, %mul3A_2 : i32
    %add3A_1721 = arith.constant 256 : i32
    %add3A_1722 = arith.addi %add3A_1720, %add3A_1721 : i32
    %dma_start3A_1723 = arith.constant 0 : i32
    %dma_start3A_1724 = tpu.memref_slice %arg4[%add3A_1722, %dma_start3A_1723] : memref<425984x128xf32, #tpu.memory_space<hbm>> -> memref<128x128xf32, #tpu.memory_space<hbm>>
    %dma_start3A_1725 = arith.constant 0 : i32
    %dma_start3A_1726 = tpu.memref_slice %arg4[%add3A_1722, %dma_start3A_1725] : memref<425984x128xf32, #tpu.memory_space<hbm>> -> memref<128x128xf32, #tpu.memory_space<hbm>>
    tpu.enqueue_dma source(%arg6 : memref<128x128xf32, #tpu.memory_space<vmem>>) target(%dma_start3A_1726 : memref<128x128xf32, #tpu.memory_space<hbm>>) target_semaphore(%arg18 : memref<!tpu.dma_semaphore, #tpu.memory_space<semaphore_mem>>)
    %dma_wait3A_1727 = arith.constant 0 : i32
    %dma_wait3A_1728 = tpu.memref_slice %arg4[%add3A_1704, %dma_wait3A_1727] : memref<425984x128xf32, #tpu.memory_space<hbm>> -> memref<128x128xf32, #tpu.memory_space<hbm>>
    %dma_wait3A_1729 = arith.constant 0 : i32
    %dma_wait3A_1730 = tpu.memref_slice %arg4[%add3A_1704, %dma_wait3A_1729] : memref<425984x128xf32, #tpu.memory_space<hbm>> -> memref<128x128xf32, #tpu.memory_space<hbm>>
    tpu.wait_dma2 semaphore(%arg23 : memref<!tpu.dma_semaphore, #tpu.memory_space<semaphore_mem>>) src(%arg11 : memref<128x128xf32, #tpu.memory_space<vmem>>) dst(%dma_wait3A_1730 : memref<128x128xf32, #tpu.memory_space<hbm>>)
    %add3A_1731 = arith.constant 384 : i32
    %add3A_1732 = arith.addi %mul3A_2, %add3A_1731 : i32
    %dma_start3A_1733 = tpu.memref_slice %arg2[%add3A_1732, %multiple_of3A_76] : memref<16384x3328xf32, #tpu.memory_space<hbm>> -> memref<128x128xf32, #tpu.memory_space<hbm>>
    %dma_start3A_1734 = tpu.memref_slice %arg2[%add3A_1732, %multiple_of3A_76] : memref<16384x3328xf32, #tpu.memory_space<hbm>> -> memref<128x128xf32, #tpu.memory_space<hbm>>
    tpu.enqueue_dma source(%dma_start3A_1734 : memref<128x128xf32, #tpu.memory_space<hbm>>) target(%arg11 : memref<128x128xf32, #tpu.memory_space<vmem>>) target_semaphore(%arg17 : memref<!tpu.dma_semaphore, #tpu.memory_space<semaphore_mem>>)
    %dma_wait3A_1735 = tpu.memref_slice %arg2[%add3A_1660, %multiple_of3A_73] : memref<16384x3328xf32, #tpu.memory_space<hbm>> -> memref<128x128xf32, #tpu.memory_space<hbm>>
    %dma_wait3A_1736 = tpu.memref_slice %arg2[%add3A_1660, %multiple_of3A_73] : memref<16384x3328xf32, #tpu.memory_space<hbm>> -> memref<128x128xf32, #tpu.memory_space<hbm>>
    tpu.wait_dma2 semaphore(%arg13 : memref<!tpu.dma_semaphore, #tpu.memory_space<semaphore_mem>>) src(%dma_wait3A_1736 : memref<128x128xf32, #tpu.memory_space<hbm>>) dst(%arg7 : memref<128x128xf32, #tpu.memory_space<vmem>>)
    %add3A_1737 = arith.constant 360448 : i32
    %add3A_1738 = arith.addi %add3A_1737, %mul3A_2 : i32
    %add3A_1739 = arith.constant 384 : i32
    %add3A_1740 = arith.addi %add3A_1738, %add3A_1739 : i32
    %dma_start3A_1741 = arith.constant 0 : i32
    %dma_start3A_1742 = tpu.memref_slice %arg4[%add3A_1740, %dma_start3A_1741] : memref<425984x128xf32, #tpu.memory_space<hbm>> -> memref<128x128xf32, #tpu.memory_space<hbm>>
    %dma_start3A_1743 = arith.constant 0 : i32
    %dma_start3A_1744 = tpu.memref_slice %arg4[%add3A_1740, %dma_start3A_1743] : memref<425984x128xf32, #tpu.memory_space<hbm>> -> memref<128x128xf32, #tpu.memory_space<hbm>>
    tpu.enqueue_dma source(%arg7 : memref<128x128xf32, #tpu.memory_space<vmem>>) target(%dma_start3A_1744 : memref<128x128xf32, #tpu.memory_space<hbm>>) target_semaphore(%arg19 : memref<!tpu.dma_semaphore, #tpu.memory_space<semaphore_mem>>)
    %dma_wait3A_1745 = arith.constant 0 : i32
    %dma_wait3A_1746 = tpu.memref_slice %arg4[%add3A_1722, %dma_wait3A_1745] : memref<425984x128xf32, #tpu.memory_space<hbm>> -> memref<128x128xf32, #tpu.memory_space<hbm>>
    %dma_wait3A_1747 = arith.constant 0 : i32
    %dma_wait3A_1748 = tpu.memref_slice %arg4[%add3A_1722, %dma_wait3A_1747] : memref<425984x128xf32, #tpu.memory_space<hbm>> -> memref<128x128xf32, #tpu.memory_space<hbm>>
    tpu.wait_dma2 semaphore(%arg18 : memref<!tpu.dma_semaphore, #tpu.memory_space<semaphore_mem>>) src(%arg6 : memref<128x128xf32, #tpu.memory_space<vmem>>) dst(%dma_wait3A_1748 : memref<128x128xf32, #tpu.memory_space<hbm>>)
    %add3A_1749 = arith.constant 0 : i32
    %add3A_1750 = arith.addi %mul3A_2, %add3A_1749 : i32
    %dma_start3A_1751 = tpu.memref_slice %arg2[%add3A_1750, %multiple_of3A_79] : memref<16384x3328xf32, #tpu.memory_space<hbm>> -> memref<128x128xf32, #tpu.memory_space<hbm>>
    %dma_start3A_1752 = tpu.memref_slice %arg2[%add3A_1750, %multiple_of3A_79] : memref<16384x3328xf32, #tpu.memory_space<hbm>> -> memref<128x128xf32, #tpu.memory_space<hbm>>
    tpu.enqueue_dma source(%dma_start3A_1752 : memref<128x128xf32, #tpu.memory_space<hbm>>) target(%arg6 : memref<128x128xf32, #tpu.memory_space<vmem>>) target_semaphore(%arg12 : memref<!tpu.dma_semaphore, #tpu.memory_space<semaphore_mem>>)
    %dma_wait3A_1753 = tpu.memref_slice %arg2[%add3A_1678, %multiple_of3A_76] : memref<16384x3328xf32, #tpu.memory_space<hbm>> -> memref<128x128xf32, #tpu.memory_space<hbm>>
    %dma_wait3A_1754 = tpu.memref_slice %arg2[%add3A_1678, %multiple_of3A_76] : memref<16384x3328xf32, #tpu.memory_space<hbm>> -> memref<128x128xf32, #tpu.memory_space<hbm>>
    tpu.wait_dma2 semaphore(%arg14 : memref<!tpu.dma_semaphore, #tpu.memory_space<semaphore_mem>>) src(%dma_wait3A_1754 : memref<128x128xf32, #tpu.memory_space<hbm>>) dst(%arg8 : memref<128x128xf32, #tpu.memory_space<vmem>>)
    %add3A_1755 = arith.constant 376832 : i32
    %add3A_1756 = arith.addi %add3A_1755, %mul3A_2 : i32
    %add3A_1757 = arith.constant 0 : i32
    %add3A_1758 = arith.addi %add3A_1756, %add3A_1757 : i32
    %dma_start3A_1759 = arith.constant 0 : i32
    %dma_start3A_1760 = tpu.memref_slice %arg4[%add3A_1758, %dma_start3A_1759] : memref<425984x128xf32, #tpu.memory_space<hbm>> -> memref<128x128xf32, #tpu.memory_space<hbm>>
    %dma_start3A_1761 = arith.constant 0 : i32
    %dma_start3A_1762 = tpu.memref_slice %arg4[%add3A_1758, %dma_start3A_1761] : memref<425984x128xf32, #tpu.memory_space<hbm>> -> memref<128x128xf32, #tpu.memory_space<hbm>>
    tpu.enqueue_dma source(%arg8 : memref<128x128xf32, #tpu.memory_space<vmem>>) target(%dma_start3A_1762 : memref<128x128xf32, #tpu.memory_space<hbm>>) target_semaphore(%arg20 : memref<!tpu.dma_semaphore, #tpu.memory_space<semaphore_mem>>)
    %dma_wait3A_1763 = arith.constant 0 : i32
    %dma_wait3A_1764 = tpu.memref_slice %arg4[%add3A_1740, %dma_wait3A_1763] : memref<425984x128xf32, #tpu.memory_space<hbm>> -> memref<128x128xf32, #tpu.memory_space<hbm>>
    %dma_wait3A_1765 = arith.constant 0 : i32
    %dma_wait3A_1766 = tpu.memref_slice %arg4[%add3A_1740, %dma_wait3A_1765] : memref<425984x128xf32, #tpu.memory_space<hbm>> -> memref<128x128xf32, #tpu.memory_space<hbm>>
    tpu.wait_dma2 semaphore(%arg19 : memref<!tpu.dma_semaphore, #tpu.memory_space<semaphore_mem>>) src(%arg7 : memref<128x128xf32, #tpu.memory_space<vmem>>) dst(%dma_wait3A_1766 : memref<128x128xf32, #tpu.memory_space<hbm>>)
    %add3A_1767 = arith.constant 128 : i32
    %add3A_1768 = arith.addi %mul3A_2, %add3A_1767 : i32
    %dma_start3A_1769 = tpu.memref_slice %arg2[%add3A_1768, %multiple_of3A_79] : memref<16384x3328xf32, #tpu.memory_space<hbm>> -> memref<128x128xf32, #tpu.memory_space<hbm>>
    %dma_start3A_1770 = tpu.memref_slice %arg2[%add3A_1768, %multiple_of3A_79] : memref<16384x3328xf32, #tpu.memory_space<hbm>> -> memref<128x128xf32, #tpu.memory_space<hbm>>
    tpu.enqueue_dma source(%dma_start3A_1770 : memref<128x128xf32, #tpu.memory_space<hbm>>) target(%arg7 : memref<128x128xf32, #tpu.memory_space<vmem>>) target_semaphore(%arg13 : memref<!tpu.dma_semaphore, #tpu.memory_space<semaphore_mem>>)
    %dma_wait3A_1771 = tpu.memref_slice %arg2[%add3A_1696, %multiple_of3A_76] : memref<16384x3328xf32, #tpu.memory_space<hbm>> -> memref<128x128xf32, #tpu.memory_space<hbm>>
    %dma_wait3A_1772 = tpu.memref_slice %arg2[%add3A_1696, %multiple_of3A_76] : memref<16384x3328xf32, #tpu.memory_space<hbm>> -> memref<128x128xf32, #tpu.memory_space<hbm>>
    tpu.wait_dma2 semaphore(%arg15 : memref<!tpu.dma_semaphore, #tpu.memory_space<semaphore_mem>>) src(%dma_wait3A_1772 : memref<128x128xf32, #tpu.memory_space<hbm>>) dst(%arg9 : memref<128x128xf32, #tpu.memory_space<vmem>>)
    %add3A_1773 = arith.constant 376832 : i32
    %add3A_1774 = arith.addi %add3A_1773, %mul3A_2 : i32
    %add3A_1775 = arith.constant 128 : i32
    %add3A_1776 = arith.addi %add3A_1774, %add3A_1775 : i32
    %dma_start3A_1777 = arith.constant 0 : i32
    %dma_start3A_1778 = tpu.memref_slice %arg4[%add3A_1776, %dma_start3A_1777] : memref<425984x128xf32, #tpu.memory_space<hbm>> -> memref<128x128xf32, #tpu.memory_space<hbm>>
    %dma_start3A_1779 = arith.constant 0 : i32
    %dma_start3A_1780 = tpu.memref_slice %arg4[%add3A_1776, %dma_start3A_1779] : memref<425984x128xf32, #tpu.memory_space<hbm>> -> memref<128x128xf32, #tpu.memory_space<hbm>>
    tpu.enqueue_dma source(%arg9 : memref<128x128xf32, #tpu.memory_space<vmem>>) target(%dma_start3A_1780 : memref<128x128xf32, #tpu.memory_space<hbm>>) target_semaphore(%arg21 : memref<!tpu.dma_semaphore, #tpu.memory_space<semaphore_mem>>)
    %dma_wait3A_1781 = arith.constant 0 : i32
    %dma_wait3A_1782 = tpu.memref_slice %arg4[%add3A_1758, %dma_wait3A_1781] : memref<425984x128xf32, #tpu.memory_space<hbm>> -> memref<128x128xf32, #tpu.memory_space<hbm>>
    %dma_wait3A_1783 = arith.constant 0 : i32
    %dma_wait3A_1784 = tpu.memref_slice %arg4[%add3A_1758, %dma_wait3A_1783] : memref<425984x128xf32, #tpu.memory_space<hbm>> -> memref<128x128xf32, #tpu.memory_space<hbm>>
    tpu.wait_dma2 semaphore(%arg20 : memref<!tpu.dma_semaphore, #tpu.memory_space<semaphore_mem>>) src(%arg8 : memref<128x128xf32, #tpu.memory_space<vmem>>) dst(%dma_wait3A_1784 : memref<128x128xf32, #tpu.memory_space<hbm>>)
    %add3A_1785 = arith.constant 256 : i32
    %add3A_1786 = arith.addi %mul3A_2, %add3A_1785 : i32
    %dma_start3A_1787 = tpu.memref_slice %arg2[%add3A_1786, %multiple_of3A_79] : memref<16384x3328xf32, #tpu.memory_space<hbm>> -> memref<128x128xf32, #tpu.memory_space<hbm>>
    %dma_start3A_1788 = tpu.memref_slice %arg2[%add3A_1786, %multiple_of3A_79] : memref<16384x3328xf32, #tpu.memory_space<hbm>> -> memref<128x128xf32, #tpu.memory_space<hbm>>
    tpu.enqueue_dma source(%dma_start3A_1788 : memref<128x128xf32, #tpu.memory_space<hbm>>) target(%arg8 : memref<128x128xf32, #tpu.memory_space<vmem>>) target_semaphore(%arg14 : memref<!tpu.dma_semaphore, #tpu.memory_space<semaphore_mem>>)
    %dma_wait3A_1789 = tpu.memref_slice %arg2[%add3A_1714, %multiple_of3A_76] : memref<16384x3328xf32, #tpu.memory_space<hbm>> -> memref<128x128xf32, #tpu.memory_space<hbm>>
    %dma_wait3A_1790 = tpu.memref_slice %arg2[%add3A_1714, %multiple_of3A_76] : memref<16384x3328xf32, #tpu.memory_space<hbm>> -> memref<128x128xf32, #tpu.memory_space<hbm>>
    tpu.wait_dma2 semaphore(%arg16 : memref<!tpu.dma_semaphore, #tpu.memory_space<semaphore_mem>>) src(%dma_wait3A_1790 : memref<128x128xf32, #tpu.memory_space<hbm>>) dst(%arg10 : memref<128x128xf32, #tpu.memory_space<vmem>>)
    %add3A_1791 = arith.constant 376832 : i32
    %add3A_1792 = arith.addi %add3A_1791, %mul3A_2 : i32
    %add3A_1793 = arith.constant 256 : i32
    %add3A_1794 = arith.addi %add3A_1792, %add3A_1793 : i32
    %dma_start3A_1795 = arith.constant 0 : i32
    %dma_start3A_1796 = tpu.memref_slice %arg4[%add3A_1794, %dma_start3A_1795] : memref<425984x128xf32, #tpu.memory_space<hbm>> -> memref<128x128xf32, #tpu.memory_space<hbm>>
    %dma_start3A_1797 = arith.constant 0 : i32
    %dma_start3A_1798 = tpu.memref_slice %arg4[%add3A_1794, %dma_start3A_1797] : memref<425984x128xf32, #tpu.memory_space<hbm>> -> memref<128x128xf32, #tpu.memory_space<hbm>>
    tpu.enqueue_dma source(%arg10 : memref<128x128xf32, #tpu.memory_space<vmem>>) target(%dma_start3A_1798 : memref<128x128xf32, #tpu.memory_space<hbm>>) target_semaphore(%arg22 : memref<!tpu.dma_semaphore, #tpu.memory_space<semaphore_mem>>)
    %dma_wait3A_1799 = arith.constant 0 : i32
    %dma_wait3A_1800 = tpu.memref_slice %arg4[%add3A_1776, %dma_wait3A_1799] : memref<425984x128xf32, #tpu.memory_space<hbm>> -> memref<128x128xf32, #tpu.memory_space<hbm>>
    %dma_wait3A_1801 = arith.constant 0 : i32
    %dma_wait3A_1802 = tpu.memref_slice %arg4[%add3A_1776, %dma_wait3A_1801] : memref<425984x128xf32, #tpu.memory_space<hbm>> -> memref<128x128xf32, #tpu.memory_space<hbm>>
    tpu.wait_dma2 semaphore(%arg21 : memref<!tpu.dma_semaphore, #tpu.memory_space<semaphore_mem>>) src(%arg9 : memref<128x128xf32, #tpu.memory_space<vmem>>) dst(%dma_wait3A_1802 : memref<128x128xf32, #tpu.memory_space<hbm>>)
    %add3A_1803 = arith.constant 384 : i32
    %add3A_1804 = arith.addi %mul3A_2, %add3A_1803 : i32
    %dma_start3A_1805 = tpu.memref_slice %arg2[%add3A_1804, %multiple_of3A_79] : memref<16384x3328xf32, #tpu.memory_space<hbm>> -> memref<128x128xf32, #tpu.memory_space<hbm>>
    %dma_start3A_1806 = tpu.memref_slice %arg2[%add3A_1804, %multiple_of3A_79] : memref<16384x3328xf32, #tpu.memory_space<hbm>> -> memref<128x128xf32, #tpu.memory_space<hbm>>
    tpu.enqueue_dma source(%dma_start3A_1806 : memref<128x128xf32, #tpu.memory_space<hbm>>) target(%arg9 : memref<128x128xf32, #tpu.memory_space<vmem>>) target_semaphore(%arg15 : memref<!tpu.dma_semaphore, #tpu.memory_space<semaphore_mem>>)
    %dma_wait3A_1807 = tpu.memref_slice %arg2[%add3A_1732, %multiple_of3A_76] : memref<16384x3328xf32, #tpu.memory_space<hbm>> -> memref<128x128xf32, #tpu.memory_space<hbm>>
    %dma_wait3A_1808 = tpu.memref_slice %arg2[%add3A_1732, %multiple_of3A_76] : memref<16384x3328xf32, #tpu.memory_space<hbm>> -> memref<128x128xf32, #tpu.memory_space<hbm>>
    tpu.wait_dma2 semaphore(%arg17 : memref<!tpu.dma_semaphore, #tpu.memory_space<semaphore_mem>>) src(%dma_wait3A_1808 : memref<128x128xf32, #tpu.memory_space<hbm>>) dst(%arg11 : memref<128x128xf32, #tpu.memory_space<vmem>>)
    %add3A_1809 = arith.constant 376832 : i32
    %add3A_1810 = arith.addi %add3A_1809, %mul3A_2 : i32
    %add3A_1811 = arith.constant 384 : i32
    %add3A_1812 = arith.addi %add3A_1810, %add3A_1811 : i32
    %dma_start3A_1813 = arith.constant 0 : i32
    %dma_start3A_1814 = tpu.memref_slice %arg4[%add3A_1812, %dma_start3A_1813] : memref<425984x128xf32, #tpu.memory_space<hbm>> -> memref<128x128xf32, #tpu.memory_space<hbm>>
    %dma_start3A_1815 = arith.constant 0 : i32
    %dma_start3A_1816 = tpu.memref_slice %arg4[%add3A_1812, %dma_start3A_1815] : memref<425984x128xf32, #tpu.memory_space<hbm>> -> memref<128x128xf32, #tpu.memory_space<hbm>>
    tpu.enqueue_dma source(%arg11 : memref<128x128xf32, #tpu.memory_space<vmem>>) target(%dma_start3A_1816 : memref<128x128xf32, #tpu.memory_space<hbm>>) target_semaphore(%arg23 : memref<!tpu.dma_semaphore, #tpu.memory_space<semaphore_mem>>)
    %dma_wait3A_1817 = arith.constant 0 : i32
    %dma_wait3A_1818 = tpu.memref_slice %arg4[%add3A_1794, %dma_wait3A_1817] : memref<425984x128xf32, #tpu.memory_space<hbm>> -> memref<128x128xf32, #tpu.memory_space<hbm>>
    %dma_wait3A_1819 = arith.constant 0 : i32
    %dma_wait3A_1820 = tpu.memref_slice %arg4[%add3A_1794, %dma_wait3A_1819] : memref<425984x128xf32, #tpu.memory_space<hbm>> -> memref<128x128xf32, #tpu.memory_space<hbm>>
    tpu.wait_dma2 semaphore(%arg22 : memref<!tpu.dma_semaphore, #tpu.memory_space<semaphore_mem>>) src(%arg10 : memref<128x128xf32, #tpu.memory_space<vmem>>) dst(%dma_wait3A_1820 : memref<128x128xf32, #tpu.memory_space<hbm>>)
    %add3A_1821 = arith.constant 0 : i32
    %add3A_1822 = arith.addi %mul3A_2, %add3A_1821 : i32
    %dma_start3A_1823 = tpu.memref_slice %arg2[%add3A_1822, %multiple_of3A_82] : memref<16384x3328xf32, #tpu.memory_space<hbm>> -> memref<128x128xf32, #tpu.memory_space<hbm>>
    %dma_start3A_1824 = tpu.memref_slice %arg2[%add3A_1822, %multiple_of3A_82] : memref<16384x3328xf32, #tpu.memory_space<hbm>> -> memref<128x128xf32, #tpu.memory_space<hbm>>
    tpu.enqueue_dma source(%dma_start3A_1824 : memref<128x128xf32, #tpu.memory_space<hbm>>) target(%arg10 : memref<128x128xf32, #tpu.memory_space<vmem>>) target_semaphore(%arg16 : memref<!tpu.dma_semaphore, #tpu.memory_space<semaphore_mem>>)
    %dma_wait3A_1825 = tpu.memref_slice %arg2[%add3A_1750, %multiple_of3A_79] : memref<16384x3328xf32, #tpu.memory_space<hbm>> -> memref<128x128xf32, #tpu.memory_space<hbm>>
    %dma_wait3A_1826 = tpu.memref_slice %arg2[%add3A_1750, %multiple_of3A_79] : memref<16384x3328xf32, #tpu.memory_space<hbm>> -> memref<128x128xf32, #tpu.memory_space<hbm>>
    tpu.wait_dma2 semaphore(%arg12 : memref<!tpu.dma_semaphore, #tpu.memory_space<semaphore_mem>>) src(%dma_wait3A_1826 : memref<128x128xf32, #tpu.memory_space<hbm>>) dst(%arg6 : memref<128x128xf32, #tpu.memory_space<vmem>>)
    %add3A_1827 = arith.constant 393216 : i32
    %add3A_1828 = arith.addi %add3A_1827, %mul3A_2 : i32
    %add3A_1829 = arith.constant 0 : i32
    %add3A_1830 = arith.addi %add3A_1828, %add3A_1829 : i32
    %dma_start3A_1831 = arith.constant 0 : i32
    %dma_start3A_1832 = tpu.memref_slice %arg4[%add3A_1830, %dma_start3A_1831] : memref<425984x128xf32, #tpu.memory_space<hbm>> -> memref<128x128xf32, #tpu.memory_space<hbm>>
    %dma_start3A_1833 = arith.constant 0 : i32
    %dma_start3A_1834 = tpu.memref_slice %arg4[%add3A_1830, %dma_start3A_1833] : memref<425984x128xf32, #tpu.memory_space<hbm>> -> memref<128x128xf32, #tpu.memory_space<hbm>>
    tpu.enqueue_dma source(%arg6 : memref<128x128xf32, #tpu.memory_space<vmem>>) target(%dma_start3A_1834 : memref<128x128xf32, #tpu.memory_space<hbm>>) target_semaphore(%arg18 : memref<!tpu.dma_semaphore, #tpu.memory_space<semaphore_mem>>)
    %dma_wait3A_1835 = arith.constant 0 : i32
    %dma_wait3A_1836 = tpu.memref_slice %arg4[%add3A_1812, %dma_wait3A_1835] : memref<425984x128xf32, #tpu.memory_space<hbm>> -> memref<128x128xf32, #tpu.memory_space<hbm>>
    %dma_wait3A_1837 = arith.constant 0 : i32
    %dma_wait3A_1838 = tpu.memref_slice %arg4[%add3A_1812, %dma_wait3A_1837] : memref<425984x128xf32, #tpu.memory_space<hbm>> -> memref<128x128xf32, #tpu.memory_space<hbm>>
    tpu.wait_dma2 semaphore(%arg23 : memref<!tpu.dma_semaphore, #tpu.memory_space<semaphore_mem>>) src(%arg11 : memref<128x128xf32, #tpu.memory_space<vmem>>) dst(%dma_wait3A_1838 : memref<128x128xf32, #tpu.memory_space<hbm>>)
    %add3A_1839 = arith.constant 128 : i32
    %add3A_1840 = arith.addi %mul3A_2, %add3A_1839 : i32
    %dma_start3A_1841 = tpu.memref_slice %arg2[%add3A_1840, %multiple_of3A_82] : memref<16384x3328xf32, #tpu.memory_space<hbm>> -> memref<128x128xf32, #tpu.memory_space<hbm>>
    %dma_start3A_1842 = tpu.memref_slice %arg2[%add3A_1840, %multiple_of3A_82] : memref<16384x3328xf32, #tpu.memory_space<hbm>> -> memref<128x128xf32, #tpu.memory_space<hbm>>
    tpu.enqueue_dma source(%dma_start3A_1842 : memref<128x128xf32, #tpu.memory_space<hbm>>) target(%arg11 : memref<128x128xf32, #tpu.memory_space<vmem>>) target_semaphore(%arg17 : memref<!tpu.dma_semaphore, #tpu.memory_space<semaphore_mem>>)
    %dma_wait3A_1843 = tpu.memref_slice %arg2[%add3A_1768, %multiple_of3A_79] : memref<16384x3328xf32, #tpu.memory_space<hbm>> -> memref<128x128xf32, #tpu.memory_space<hbm>>
    %dma_wait3A_1844 = tpu.memref_slice %arg2[%add3A_1768, %multiple_of3A_79] : memref<16384x3328xf32, #tpu.memory_space<hbm>> -> memref<128x128xf32, #tpu.memory_space<hbm>>
    tpu.wait_dma2 semaphore(%arg13 : memref<!tpu.dma_semaphore, #tpu.memory_space<semaphore_mem>>) src(%dma_wait3A_1844 : memref<128x128xf32, #tpu.memory_space<hbm>>) dst(%arg7 : memref<128x128xf32, #tpu.memory_space<vmem>>)
    %add3A_1845 = arith.constant 393216 : i32
    %add3A_1846 = arith.addi %add3A_1845, %mul3A_2 : i32
    %add3A_1847 = arith.constant 128 : i32
    %add3A_1848 = arith.addi %add3A_1846, %add3A_1847 : i32
    %dma_start3A_1849 = arith.constant 0 : i32
    %dma_start3A_1850 = tpu.memref_slice %arg4[%add3A_1848, %dma_start3A_1849] : memref<425984x128xf32, #tpu.memory_space<hbm>> -> memref<128x128xf32, #tpu.memory_space<hbm>>
    %dma_start3A_1851 = arith.constant 0 : i32
    %dma_start3A_1852 = tpu.memref_slice %arg4[%add3A_1848, %dma_start3A_1851] : memref<425984x128xf32, #tpu.memory_space<hbm>> -> memref<128x128xf32, #tpu.memory_space<hbm>>
    tpu.enqueue_dma source(%arg7 : memref<128x128xf32, #tpu.memory_space<vmem>>) target(%dma_start3A_1852 : memref<128x128xf32, #tpu.memory_space<hbm>>) target_semaphore(%arg19 : memref<!tpu.dma_semaphore, #tpu.memory_space<semaphore_mem>>)
    %dma_wait3A_1853 = arith.constant 0 : i32
    %dma_wait3A_1854 = tpu.memref_slice %arg4[%add3A_1830, %dma_wait3A_1853] : memref<425984x128xf32, #tpu.memory_space<hbm>> -> memref<128x128xf32, #tpu.memory_space<hbm>>
    %dma_wait3A_1855 = arith.constant 0 : i32
    %dma_wait3A_1856 = tpu.memref_slice %arg4[%add3A_1830, %dma_wait3A_1855] : memref<425984x128xf32, #tpu.memory_space<hbm>> -> memref<128x128xf32, #tpu.memory_space<hbm>>
    tpu.wait_dma2 semaphore(%arg18 : memref<!tpu.dma_semaphore, #tpu.memory_space<semaphore_mem>>) src(%arg6 : memref<128x128xf32, #tpu.memory_space<vmem>>) dst(%dma_wait3A_1856 : memref<128x128xf32, #tpu.memory_space<hbm>>)
    %add3A_1857 = arith.constant 256 : i32
    %add3A_1858 = arith.addi %mul3A_2, %add3A_1857 : i32
    %dma_start3A_1859 = tpu.memref_slice %arg2[%add3A_1858, %multiple_of3A_82] : memref<16384x3328xf32, #tpu.memory_space<hbm>> -> memref<128x128xf32, #tpu.memory_space<hbm>>
    %dma_start3A_1860 = tpu.memref_slice %arg2[%add3A_1858, %multiple_of3A_82] : memref<16384x3328xf32, #tpu.memory_space<hbm>> -> memref<128x128xf32, #tpu.memory_space<hbm>>
    tpu.enqueue_dma source(%dma_start3A_1860 : memref<128x128xf32, #tpu.memory_space<hbm>>) target(%arg6 : memref<128x128xf32, #tpu.memory_space<vmem>>) target_semaphore(%arg12 : memref<!tpu.dma_semaphore, #tpu.memory_space<semaphore_mem>>)
    %dma_wait3A_1861 = tpu.memref_slice %arg2[%add3A_1786, %multiple_of3A_79] : memref<16384x3328xf32, #tpu.memory_space<hbm>> -> memref<128x128xf32, #tpu.memory_space<hbm>>
    %dma_wait3A_1862 = tpu.memref_slice %arg2[%add3A_1786, %multiple_of3A_79] : memref<16384x3328xf32, #tpu.memory_space<hbm>> -> memref<128x128xf32, #tpu.memory_space<hbm>>
    tpu.wait_dma2 semaphore(%arg14 : memref<!tpu.dma_semaphore, #tpu.memory_space<semaphore_mem>>) src(%dma_wait3A_1862 : memref<128x128xf32, #tpu.memory_space<hbm>>) dst(%arg8 : memref<128x128xf32, #tpu.memory_space<vmem>>)
    %add3A_1863 = arith.constant 393216 : i32
    %add3A_1864 = arith.addi %add3A_1863, %mul3A_2 : i32
    %add3A_1865 = arith.constant 256 : i32
    %add3A_1866 = arith.addi %add3A_1864, %add3A_1865 : i32
    %dma_start3A_1867 = arith.constant 0 : i32
    %dma_start3A_1868 = tpu.memref_slice %arg4[%add3A_1866, %dma_start3A_1867] : memref<425984x128xf32, #tpu.memory_space<hbm>> -> memref<128x128xf32, #tpu.memory_space<hbm>>
    %dma_start3A_1869 = arith.constant 0 : i32
    %dma_start3A_1870 = tpu.memref_slice %arg4[%add3A_1866, %dma_start3A_1869] : memref<425984x128xf32, #tpu.memory_space<hbm>> -> memref<128x128xf32, #tpu.memory_space<hbm>>
    tpu.enqueue_dma source(%arg8 : memref<128x128xf32, #tpu.memory_space<vmem>>) target(%dma_start3A_1870 : memref<128x128xf32, #tpu.memory_space<hbm>>) target_semaphore(%arg20 : memref<!tpu.dma_semaphore, #tpu.memory_space<semaphore_mem>>)
    %dma_wait3A_1871 = arith.constant 0 : i32
    %dma_wait3A_1872 = tpu.memref_slice %arg4[%add3A_1848, %dma_wait3A_1871] : memref<425984x128xf32, #tpu.memory_space<hbm>> -> memref<128x128xf32, #tpu.memory_space<hbm>>
    %dma_wait3A_1873 = arith.constant 0 : i32
    %dma_wait3A_1874 = tpu.memref_slice %arg4[%add3A_1848, %dma_wait3A_1873] : memref<425984x128xf32, #tpu.memory_space<hbm>> -> memref<128x128xf32, #tpu.memory_space<hbm>>
    tpu.wait_dma2 semaphore(%arg19 : memref<!tpu.dma_semaphore, #tpu.memory_space<semaphore_mem>>) src(%arg7 : memref<128x128xf32, #tpu.memory_space<vmem>>) dst(%dma_wait3A_1874 : memref<128x128xf32, #tpu.memory_space<hbm>>)
    %add3A_1875 = arith.constant 384 : i32
    %add3A_1876 = arith.addi %mul3A_2, %add3A_1875 : i32
    %dma_start3A_1877 = tpu.memref_slice %arg2[%add3A_1876, %multiple_of3A_82] : memref<16384x3328xf32, #tpu.memory_space<hbm>> -> memref<128x128xf32, #tpu.memory_space<hbm>>
    %dma_start3A_1878 = tpu.memref_slice %arg2[%add3A_1876, %multiple_of3A_82] : memref<16384x3328xf32, #tpu.memory_space<hbm>> -> memref<128x128xf32, #tpu.memory_space<hbm>>
    tpu.enqueue_dma source(%dma_start3A_1878 : memref<128x128xf32, #tpu.memory_space<hbm>>) target(%arg7 : memref<128x128xf32, #tpu.memory_space<vmem>>) target_semaphore(%arg13 : memref<!tpu.dma_semaphore, #tpu.memory_space<semaphore_mem>>)
    %dma_wait3A_1879 = tpu.memref_slice %arg2[%add3A_1804, %multiple_of3A_79] : memref<16384x3328xf32, #tpu.memory_space<hbm>> -> memref<128x128xf32, #tpu.memory_space<hbm>>
    %dma_wait3A_1880 = tpu.memref_slice %arg2[%add3A_1804, %multiple_of3A_79] : memref<16384x3328xf32, #tpu.memory_space<hbm>> -> memref<128x128xf32, #tpu.memory_space<hbm>>
    tpu.wait_dma2 semaphore(%arg15 : memref<!tpu.dma_semaphore, #tpu.memory_space<semaphore_mem>>) src(%dma_wait3A_1880 : memref<128x128xf32, #tpu.memory_space<hbm>>) dst(%arg9 : memref<128x128xf32, #tpu.memory_space<vmem>>)
    %add3A_1881 = arith.constant 393216 : i32
    %add3A_1882 = arith.addi %add3A_1881, %mul3A_2 : i32
    %add3A_1883 = arith.constant 384 : i32
    %add3A_1884 = arith.addi %add3A_1882, %add3A_1883 : i32
    %dma_start3A_1885 = arith.constant 0 : i32
    %dma_start3A_1886 = tpu.memref_slice %arg4[%add3A_1884, %dma_start3A_1885] : memref<425984x128xf32, #tpu.memory_space<hbm>> -> memref<128x128xf32, #tpu.memory_space<hbm>>
    %dma_start3A_1887 = arith.constant 0 : i32
    %dma_start3A_1888 = tpu.memref_slice %arg4[%add3A_1884, %dma_start3A_1887] : memref<425984x128xf32, #tpu.memory_space<hbm>> -> memref<128x128xf32, #tpu.memory_space<hbm>>
    tpu.enqueue_dma source(%arg9 : memref<128x128xf32, #tpu.memory_space<vmem>>) target(%dma_start3A_1888 : memref<128x128xf32, #tpu.memory_space<hbm>>) target_semaphore(%arg21 : memref<!tpu.dma_semaphore, #tpu.memory_space<semaphore_mem>>)
    %dma_wait3A_1889 = tpu.memref_slice %arg2[%add3A_1822, %multiple_of3A_82] : memref<16384x3328xf32, #tpu.memory_space<hbm>> -> memref<128x128xf32, #tpu.memory_space<hbm>>
    %dma_wait3A_1890 = tpu.memref_slice %arg2[%add3A_1822, %multiple_of3A_82] : memref<16384x3328xf32, #tpu.memory_space<hbm>> -> memref<128x128xf32, #tpu.memory_space<hbm>>
    tpu.wait_dma2 semaphore(%arg16 : memref<!tpu.dma_semaphore, #tpu.memory_space<semaphore_mem>>) src(%dma_wait3A_1890 : memref<128x128xf32, #tpu.memory_space<hbm>>) dst(%arg10 : memref<128x128xf32, #tpu.memory_space<vmem>>)
    %add3A_1891 = arith.constant 409600 : i32
    %add3A_1892 = arith.addi %add3A_1891, %mul3A_2 : i32
    %add3A_1893 = arith.constant 0 : i32
    %add3A_1894 = arith.addi %add3A_1892, %add3A_1893 : i32
    %dma_start3A_1895 = arith.constant 0 : i32
    %dma_start3A_1896 = tpu.memref_slice %arg4[%add3A_1894, %dma_start3A_1895] : memref<425984x128xf32, #tpu.memory_space<hbm>> -> memref<128x128xf32, #tpu.memory_space<hbm>>
    %dma_start3A_1897 = arith.constant 0 : i32
    %dma_start3A_1898 = tpu.memref_slice %arg4[%add3A_1894, %dma_start3A_1897] : memref<425984x128xf32, #tpu.memory_space<hbm>> -> memref<128x128xf32, #tpu.memory_space<hbm>>
    tpu.enqueue_dma source(%arg10 : memref<128x128xf32, #tpu.memory_space<vmem>>) target(%dma_start3A_1898 : memref<128x128xf32, #tpu.memory_space<hbm>>) target_semaphore(%arg22 : memref<!tpu.dma_semaphore, #tpu.memory_space<semaphore_mem>>)
    %dma_wait3A_1899 = tpu.memref_slice %arg2[%add3A_1840, %multiple_of3A_82] : memref<16384x3328xf32, #tpu.memory_space<hbm>> -> memref<128x128xf32, #tpu.memory_space<hbm>>
    %dma_wait3A_1900 = tpu.memref_slice %arg2[%add3A_1840, %multiple_of3A_82] : memref<16384x3328xf32, #tpu.memory_space<hbm>> -> memref<128x128xf32, #tpu.memory_space<hbm>>
    tpu.wait_dma2 semaphore(%arg17 : memref<!tpu.dma_semaphore, #tpu.memory_space<semaphore_mem>>) src(%dma_wait3A_1900 : memref<128x128xf32, #tpu.memory_space<hbm>>) dst(%arg11 : memref<128x128xf32, #tpu.memory_space<vmem>>)
    %add3A_1901 = arith.constant 409600 : i32
    %add3A_1902 = arith.addi %add3A_1901, %mul3A_2 : i32
    %add3A_1903 = arith.constant 128 : i32
    %add3A_1904 = arith.addi %add3A_1902, %add3A_1903 : i32
    %dma_start3A_1905 = arith.constant 0 : i32
    %dma_start3A_1906 = tpu.memref_slice %arg4[%add3A_1904, %dma_start3A_1905] : memref<425984x128xf32, #tpu.memory_space<hbm>> -> memref<128x128xf32, #tpu.memory_space<hbm>>
    %dma_start3A_1907 = arith.constant 0 : i32
    %dma_start3A_1908 = tpu.memref_slice %arg4[%add3A_1904, %dma_start3A_1907] : memref<425984x128xf32, #tpu.memory_space<hbm>> -> memref<128x128xf32, #tpu.memory_space<hbm>>
    tpu.enqueue_dma source(%arg11 : memref<128x128xf32, #tpu.memory_space<vmem>>) target(%dma_start3A_1908 : memref<128x128xf32, #tpu.memory_space<hbm>>) target_semaphore(%arg23 : memref<!tpu.dma_semaphore, #tpu.memory_space<semaphore_mem>>)
    %dma_wait3A_1909 = tpu.memref_slice %arg2[%add3A_1858, %multiple_of3A_82] : memref<16384x3328xf32, #tpu.memory_space<hbm>> -> memref<128x128xf32, #tpu.memory_space<hbm>>
    %dma_wait3A_1910 = tpu.memref_slice %arg2[%add3A_1858, %multiple_of3A_82] : memref<16384x3328xf32, #tpu.memory_space<hbm>> -> memref<128x128xf32, #tpu.memory_space<hbm>>
    tpu.wait_dma2 semaphore(%arg12 : memref<!tpu.dma_semaphore, #tpu.memory_space<semaphore_mem>>) src(%dma_wait3A_1910 : memref<128x128xf32, #tpu.memory_space<hbm>>) dst(%arg6 : memref<128x128xf32, #tpu.memory_space<vmem>>)
    %add3A_1911 = arith.constant 409600 : i32
    %add3A_1912 = arith.addi %add3A_1911, %mul3A_2 : i32
    %add3A_1913 = arith.constant 256 : i32
    %add3A_1914 = arith.addi %add3A_1912, %add3A_1913 : i32
    %dma_start3A_1915 = arith.constant 0 : i32
    %dma_start3A_1916 = tpu.memref_slice %arg4[%add3A_1914, %dma_start3A_1915] : memref<425984x128xf32, #tpu.memory_space<hbm>> -> memref<128x128xf32, #tpu.memory_space<hbm>>
    %dma_start3A_1917 = arith.constant 0 : i32
    %dma_start3A_1918 = tpu.memref_slice %arg4[%add3A_1914, %dma_start3A_1917] : memref<425984x128xf32, #tpu.memory_space<hbm>> -> memref<128x128xf32, #tpu.memory_space<hbm>>
    tpu.enqueue_dma source(%arg6 : memref<128x128xf32, #tpu.memory_space<vmem>>) target(%dma_start3A_1918 : memref<128x128xf32, #tpu.memory_space<hbm>>) target_semaphore(%arg18 : memref<!tpu.dma_semaphore, #tpu.memory_space<semaphore_mem>>)
    %dma_wait3A_1919 = tpu.memref_slice %arg2[%add3A_1876, %multiple_of3A_82] : memref<16384x3328xf32, #tpu.memory_space<hbm>> -> memref<128x128xf32, #tpu.memory_space<hbm>>
    %dma_wait3A_1920 = tpu.memref_slice %arg2[%add3A_1876, %multiple_of3A_82] : memref<16384x3328xf32, #tpu.memory_space<hbm>> -> memref<128x128xf32, #tpu.memory_space<hbm>>
    tpu.wait_dma2 semaphore(%arg13 : memref<!tpu.dma_semaphore, #tpu.memory_space<semaphore_mem>>) src(%dma_wait3A_1920 : memref<128x128xf32, #tpu.memory_space<hbm>>) dst(%arg7 : memref<128x128xf32, #tpu.memory_space<vmem>>)
    %add3A_1921 = arith.constant 409600 : i32
    %add3A_1922 = arith.addi %add3A_1921, %mul3A_2 : i32
    %add3A_1923 = arith.constant 384 : i32
    %add3A_1924 = arith.addi %add3A_1922, %add3A_1923 : i32
    %dma_start3A_1925 = arith.constant 0 : i32
    %dma_start3A_1926 = tpu.memref_slice %arg4[%add3A_1924, %dma_start3A_1925] : memref<425984x128xf32, #tpu.memory_space<hbm>> -> memref<128x128xf32, #tpu.memory_space<hbm>>
    %dma_start3A_1927 = arith.constant 0 : i32
    %dma_start3A_1928 = tpu.memref_slice %arg4[%add3A_1924, %dma_start3A_1927] : memref<425984x128xf32, #tpu.memory_space<hbm>> -> memref<128x128xf32, #tpu.memory_space<hbm>>
    tpu.enqueue_dma source(%arg7 : memref<128x128xf32, #tpu.memory_space<vmem>>) target(%dma_start3A_1928 : memref<128x128xf32, #tpu.memory_space<hbm>>) target_semaphore(%arg19 : memref<!tpu.dma_semaphore, #tpu.memory_space<semaphore_mem>>)
    %dma_wait3A_1929 = arith.constant 0 : i32
    %dma_wait3A_1930 = tpu.memref_slice %arg4[%add3A_1866, %dma_wait3A_1929] : memref<425984x128xf32, #tpu.memory_space<hbm>> -> memref<128x128xf32, #tpu.memory_space<hbm>>
    %dma_wait3A_1931 = arith.constant 0 : i32
    %dma_wait3A_1932 = tpu.memref_slice %arg4[%add3A_1866, %dma_wait3A_1931] : memref<425984x128xf32, #tpu.memory_space<hbm>> -> memref<128x128xf32, #tpu.memory_space<hbm>>
    tpu.wait_dma2 semaphore(%arg20 : memref<!tpu.dma_semaphore, #tpu.memory_space<semaphore_mem>>) src(%arg8 : memref<128x128xf32, #tpu.memory_space<vmem>>) dst(%dma_wait3A_1932 : memref<128x128xf32, #tpu.memory_space<hbm>>)
    %dma_wait3A_1933 = arith.constant 0 : i32
    %dma_wait3A_1934 = tpu.memref_slice %arg4[%add3A_1884, %dma_wait3A_1933] : memref<425984x128xf32, #tpu.memory_space<hbm>> -> memref<128x128xf32, #tpu.memory_space<hbm>>
    %dma_wait3A_1935 = arith.constant 0 : i32
    %dma_wait3A_1936 = tpu.memref_slice %arg4[%add3A_1884, %dma_wait3A_1935] : memref<425984x128xf32, #tpu.memory_space<hbm>> -> memref<128x128xf32, #tpu.memory_space<hbm>>
    tpu.wait_dma2 semaphore(%arg21 : memref<!tpu.dma_semaphore, #tpu.memory_space<semaphore_mem>>) src(%arg9 : memref<128x128xf32, #tpu.memory_space<vmem>>) dst(%dma_wait3A_1936 : memref<128x128xf32, #tpu.memory_space<hbm>>)
    %dma_wait3A_1937 = arith.constant 0 : i32
    %dma_wait3A_1938 = tpu.memref_slice %arg4[%add3A_1894, %dma_wait3A_1937] : memref<425984x128xf32, #tpu.memory_space<hbm>> -> memref<128x128xf32, #tpu.memory_space<hbm>>
    %dma_wait3A_1939 = arith.constant 0 : i32
    %dma_wait3A_1940 = tpu.memref_slice %arg4[%add3A_1894, %dma_wait3A_1939] : memref<425984x128xf32, #tpu.memory_space<hbm>> -> memref<128x128xf32, #tpu.memory_space<hbm>>
    tpu.wait_dma2 semaphore(%arg22 : memref<!tpu.dma_semaphore, #tpu.memory_space<semaphore_mem>>) src(%arg10 : memref<128x128xf32, #tpu.memory_space<vmem>>) dst(%dma_wait3A_1940 : memref<128x128xf32, #tpu.memory_space<hbm>>)
    %dma_wait3A_1941 = arith.constant 0 : i32
    %dma_wait3A_1942 = tpu.memref_slice %arg4[%add3A_1904, %dma_wait3A_1941] : memref<425984x128xf32, #tpu.memory_space<hbm>> -> memref<128x128xf32, #tpu.memory_space<hbm>>
    %dma_wait3A_1943 = arith.constant 0 : i32
    %dma_wait3A_1944 = tpu.memref_slice %arg4[%add3A_1904, %dma_wait3A_1943] : memref<425984x128xf32, #tpu.memory_space<hbm>> -> memref<128x128xf32, #tpu.memory_space<hbm>>
    tpu.wait_dma2 semaphore(%arg23 : memref<!tpu.dma_semaphore, #tpu.memory_space<semaphore_mem>>) src(%arg11 : memref<128x128xf32, #tpu.memory_space<vmem>>) dst(%dma_wait3A_1944 : memref<128x128xf32, #tpu.memory_space<hbm>>)
    %dma_wait3A_1945 = arith.constant 0 : i32
    %dma_wait3A_1946 = tpu.memref_slice %arg4[%add3A_1914, %dma_wait3A_1945] : memref<425984x128xf32, #tpu.memory_space<hbm>> -> memref<128x128xf32, #tpu.memory_space<hbm>>
    %dma_wait3A_1947 = arith.constant 0 : i32
    %dma_wait3A_1948 = tpu.memref_slice %arg4[%add3A_1914, %dma_wait3A_1947] : memref<425984x128xf32, #tpu.memory_space<hbm>> -> memref<128x128xf32, #tpu.memory_space<hbm>>
    tpu.wait_dma2 semaphore(%arg18 : memref<!tpu.dma_semaphore, #tpu.memory_space<semaphore_mem>>) src(%arg6 : memref<128x128xf32, #tpu.memory_space<vmem>>) dst(%dma_wait3A_1948 : memref<128x128xf32, #tpu.memory_space<hbm>>)
    %dma_wait3A_1949 = arith.constant 0 : i32
    %dma_wait3A_1950 = tpu.memref_slice %arg4[%add3A_1924, %dma_wait3A_1949] : memref<425984x128xf32, #tpu.memory_space<hbm>> -> memref<128x128xf32, #tpu.memory_space<hbm>>
    %dma_wait3A_1951 = arith.constant 0 : i32
    %dma_wait3A_1952 = tpu.memref_slice %arg4[%add3A_1924, %dma_wait3A_1951] : memref<425984x128xf32, #tpu.memory_space<hbm>> -> memref<128x128xf32, #tpu.memory_space<hbm>>
    tpu.wait_dma2 semaphore(%arg19 : memref<!tpu.dma_semaphore, #tpu.memory_space<semaphore_mem>>) src(%arg7 : memref<128x128xf32, #tpu.memory_space<vmem>>) dst(%dma_wait3A_1952 : memref<128x128xf32, #tpu.memory_space<hbm>>)
    return
  }
}

</mosaic_0001>

<sc_bundles>
// kernel: kernel.3.cloned.1.call-start
scs
__scs_entry_jumppad:
0x0: {  	(pc) =	sbr.rel $0x88, $3  }
0x1: {  	(tag) =	ssettag $0x0;
	lr =	simm.s32 $0x1  }
0x2: {  	[smem:$0x3F9F] =	sst lr;
	_ =	strace $0xD0000000  }
0x3: {  	_ = 	snop  }
0x4: {  	_ = 	snop  }
0x5: {  	_ = 	snop  }
0x6: {  	_ = 	snop  }
0x7: {  	_ = 	snop  }
__scs_overlays_trampoline_lowered:
0x8: {  	[smem:$0x3FAE] =	sst s0  }
0x9: {  	[smem:$0x3FAF] =	sst s1  }
0xa: {  	[smem:$0x3FB0] =	sst s2  }
0xb: {  	[smem:$0x3FB1] =	sst s3  }
0xc: {  	[smem:$0x3FB2] =	sst s4  }
0xd: {  	[smem:$0x3FB3] =	sst s5  }
0xe: {  	[smem:$0x3FB4] =	sst s6  }
0xf: {  	[smem:$0x3FB5] =	sst s7  }
0x10: {  	[smem:$0x3FB6] =	sst s8  }
0x11: {  	[smem:$0x3FB7] =	sst s9;
	s0 =	simm.s32 @!p0 $0x0  }
0x12: {  	s1 =	sld [smem:$0x3F9D];
	s0 =	simm.s32 @p0 $0x1  }
0x13: {  	[smem:$0x3FB8] =	sst s0;
	s0 =	simm.s32 @!p1 $0x0  }
0x14: {  	s2 =	sld [smem:$0x3F9C];
	s0 =	simm.s32 @p1 $0x1  }
0x15: {  	[smem:$0x3FB9] =	sst s0;
	s0 =	simm.s32 @!p2 $0x0  }
0x16: {  	s3 =	sld [smem:$0x3FDB];
	s0 =	simm.s32 @p2 $0x1  }
0x17: {  	s4 =	simm.s32 $0x1BF5;
	[smem:$0x3FBB] =	sst s0  }
0x18: {  	s0 =	sld [smem:$0x3F9E];
	_ =	swait.ge [sflag:s4], $0x0  }
0x19: {  	s7 =	sld [smem:$0x3F9F]  }
0x1a: {  	s8 =	sadd.s32 $0xFFFFE003, lr  }
0x1b: {  	s9 =	sadd.s32 $0xFFFFFEF7, lr;
	s5 =	simm.s32 $0xFFFFFFFF;
	p2 =	slt.u32 s8, $0xFFFFF086  }
0x1c: {  	p1 =	slt.u32 s9, $0xF7A;
	s5 =	simm.s32 @!p2 $0x0  }
0x1d: {  	s5 =	simm.s32 @p1 $0x1;
	p0 =	seq.s32 s7, s2  }
0x1e: {  	s7 =	smul.u32 @!p0 $0xF7A, s2;
	p2 =	seq.s32 @!p0 s5, $0x0  }
0x1f: {  	s9 =	smul.u32 $0xF7A, s1;
	s8 =	simm.s32 @!p0 $0x1BF5;
	p2 =	por !p2, p0  }
0x20: {  	[sflag:s8] =	ssyncset.s32 @!p0 $0xFFFFF086;
	s6 =	sadd.s32 @!p0 s3, s7;
	s7 =	simm.s32 @!p0 $0x108  }
0x21: {  	s3 =	sadd.s32 s3, s9;
	s6 =	sadd.s32 @!p0 $0x88, s6;
	s7 =	simm.s32 @p2 $0x1082  }
0x22: {  	[simem:s7], [sflag:s8] =	dma.local @!p0 [hbm:s6], $0xF7A  }
0x23: {  	s9 =	sor.u32 $0xD0000000, s2;
	s6 =	simm.s32 $0x108;
	_ =	swait.ge @!p0 [sflag:s8], $0x0  }
0x24: {  	s3 =	sadd.s32 $0x88, s3;
	s6 =	simm.s32 @!p1 $0x1082;
	[sflag:s4] =	ssyncset.s32 $0xFFFFF086  }
0x25: {  	[simem:s6], [sflag:s4] =	dma.local [hbm:s3], $0xF7A  }
0x26: {  	[smem:$0x3F9F] =	sst s1;
	(tag) =	ssettag s2;
	_ =	strace s9  }
0x27: {  	s1 =	sld [smem:$0x3FAF]  }
0x28: {  	s2 =	sld [smem:$0x3FB0]  }
0x29: {  	s4 =	sld [smem:$0x3FB2]  }
0x2a: {  	p0 =	seq.s32 s5, $0x0;
	s5 =	sld [smem:$0x3FB3]  }
0x2b: {  	s6 =	sld [smem:$0x3FB4]  }
0x2c: {  	s7 =	sld [smem:$0x3FB5]  }
0x2d: {  	s3 =	simm.s32 $0x108;
	s8 =	sld [smem:$0x3FB6]  }
0x2e: {  	s3 =	simm.s32 @!p0 $0x1082;
	s9 =	sld [smem:$0x3FB7]  }
0x2f: {  	lr =	sadd.s32 s0, s3;
	s0 =	sld [smem:$0x3FAE]  }
0x30: {  	s3 =	sld [smem:$0x3FB1]  }
0x31: {  	[smem:$0x3FBA] =	sst s10  }
0x32: {  	s10 =	sld [smem:$0x3FB8];
	_ =	sdelay $0x3  }
0x33: {  	p0 =	seq.s32 s10, $0x1;
	s10 =	sld [smem:$0x3FBA];
	_ =	sdelay $0x3  }
0x34: {  	[smem:$0x3FBA] =	sst s10  }
0x35: {  	s10 =	sld [smem:$0x3FB9];
	_ =	sdelay $0x3  }
0x36: {  	p1 =	seq.s32 s10, $0x1;
	s10 =	sld [smem:$0x3FBA];
	_ =	sdelay $0x3  }
0x37: {  	[smem:$0x3FBA] =	sst s10  }
0x38: {  	s10 =	sld [smem:$0x3FBB]  }
0x39: {  	_ = 	snop;
	(pc) =	sbr.ind lr, $3  }
0x3a: {  	_ = 	snop  }
0x3b: {  	_ = 	snop  }
0x3c: {  	p2 =	seq.s32 s10, $0x1;
	s10 =	sld [smem:$0x3FBA]  }
0x3d: {  	_ =	shalt  }
0x3e: {  	_ =	shalt  }
0x3f: {  	_ =	shalt  }
0x40: {  	_ =	shalt  }
0x41: {  	_ =	shalt  }
0x42: {  	_ =	shalt  }
0x43: {  	_ =	shalt  }
0x44: {  	_ =	shalt  }
0x45: {  	_ =	shalt  }
0x46: {  	_ =	shalt  }
0x47: {  	_ =	shalt  }
0x48: {  	_ =	shalt  }
0x49: {  	_ =	shalt  }
0x4a: {  	_ =	shalt  }
0x4b: {  	_ =	shalt  }
0x4c: {  	_ =	shalt  }
0x4d: {  	_ =	shalt  }
0x4e: {  	_ =	shalt  }
0x4f: {  	_ =	shalt  }
0x50: {  	_ =	shalt  }
0x51: {  	_ =	shalt  }
0x52: {  	_ =	shalt  }
0x53: {  	_ =	shalt  }
0x54: {  	_ =	shalt  }
0x55: {  	_ =	shalt  }
0x56: {  	_ =	shalt  }
0x57: {  	_ =	shalt  }
0x58: {  	_ =	shalt  }
0x59: {  	_ =	shalt  }
0x5a: {  	_ =	shalt  }
0x5b: {  	_ =	shalt  }
0x5c: {  	_ =	shalt  }
0x5d: {  	_ =	shalt  }
0x5e: {  	_ =	shalt  }
0x5f: {  	_ =	shalt  }
0x60: {  	_ =	shalt  }
0x61: {  	_ =	shalt  }
0x62: {  	_ =	shalt  }
0x63: {  	_ =	shalt  }
0x64: {  	_ =	shalt  }
0x65: {  	_ =	shalt  }
0x66: {  	_ =	shalt  }
0x67: {  	_ =	shalt  }
0x68: {  	_ =	shalt  }
0x69: {  	_ =	shalt  }
0x6a: {  	_ =	shalt  }
0x6b: {  	_ =	shalt  }
0x6c: {  	_ =	shalt  }
0x6d: {  	_ =	shalt  }
0x6e: {  	_ =	shalt  }
0x6f: {  	_ =	shalt  }
0x70: {  	_ =	shalt  }
0x71: {  	_ =	shalt  }
0x72: {  	_ =	shalt  }
0x73: {  	_ =	shalt  }
0x74: {  	_ =	shalt  }
0x75: {  	_ =	shalt  }
0x76: {  	_ =	shalt  }
0x77: {  	_ =	shalt  }
0x78: {  	_ =	shalt  }
0x79: {  	_ =	shalt  }
0x7a: {  	_ =	shalt  }
0x7b: {  	_ =	shalt  }
0x7c: {  	_ =	shalt  }
0x7d: {  	_ =	shalt  }
0x7e: {  	_ =	shalt  }
0x7f: {  	_ =	shalt  }
0x80: {  	_ =	shalt  }
0x81: {  	_ =	shalt  }
0x82: {  	_ =	shalt  }
0x83: {  	_ =	shalt  }
0x84: {  	_ =	shalt  }
0x85: {  	_ =	shalt  }
0x86: {  	_ =	shalt  }
0x87: {  	_ =	shalt  }
.Lfunc_end0:
.L_simem_size_0:
called_computation_lowered:
.L_overlay_start_0:
0x88: {  	s2 =	sld [smem:$0x3FD9]  }
0x89: {  	s3 =	sld [smem:$0x3FFE];
	_ =	sdelay $0x1  }
0x8a: {  	s1 =	srdreg.scid  }
0x8b: {  	s0 =	sand.u32 $0x1, s1  }
0x8c: {  	s17 =	sshll.u32 s0, $0xA;
	s2 =	sadd.s32 s3, s2  }
0x8d: {  	s2 =	sadd.s32 s2, s17  }
0x8e: {  	[smem:$0x3FC6] =	sst s2  }
0x8f: {  	_ = 	snop  }
0x90: {  	s2 =	sld [smem:$0x3FC9]  }
0x91: {  	s18 =	sld [smem:$0x3FD0];
	(tm) =	ssettm $0x1  }
0x92: {  	s4 =	sld [smem:$0x3FFB];
	_ =	sdelay $0x3  }
0x93: {  	_ =	strace s4  }
0x94: {  	s4 =	sld [smem:$0x3FFC];
	_ =	sdelay $0x3  }
0x95: {  	_ =	strace s4  }
0x96: {  	s4 =	sld [smem:$0x3FFD];
	_ =	sdelay $0x3  }
0x97: {  	_ =	strace s4  }
0x98: {  	_ =	strace $0x8FFFFFFF  }
0x99: {  	s19 =	sld [smem:$0x3FDB];
	_ =	sdelay $0x1  }
0x9a: {  	s5 =	simm.s32 $_scs_section_size  }
0x9b: {  	s6 =	simm.s32 $_size__tile_overlayer_lowered;
	s7 =	simm.s32 $_tile_overlayer_lowered  }
0x9c: {  	s22 =	simm.s32 $0x1BFF;
	s21 =	sshll.u32 s7, $0x1;
	s4 =	sadd.s32 s5, s19  }
0x9d: {  	s8 =	simm.s32 $0x0;
	s20 =	sshll.u32 s6, $0x1;
	s6 =	sadd.s32 s21, s4  }
0x9e: {  	[timem:s8], [sflag:s22] =	dma.local [hbm:s6], s20  }
0x9f: {  	_ =	swait.ge [sflag:s22], s20  }
0xa0: {  	s5 =	ssub.s32 $0x0, s20;
	[sflag:s22] =	ssyncset.done $0x0  }
0xa1: {  	[sflag:s22] =	ssyncadd.s32 s5;
	_ =	sdelay $0x1  }
0xa2: {  	s23 =	simm.s32 $0x1B8B  }
0xa3: {  	_ =	swait.ge [sflag:s23], $0x1  }
0xa4: {  	[sflag:s23] =	ssyncset.done $0x0  }
0xa5: {  	s25 =	simm.s32 $0x1B8E;
	s24 =	sld [smem:$0x3FFE];
	[sflag:s23] =	ssyncadd.s32 $0xFFFFFFFF  }
0xa6: {  	s26 =	simm.s32 $execute0_lowered;
	[smem:$0x3FD2] =	sst s25  }
0xa7: {  	s6 =	sshll.u32 s26, $0x1;
	_ =	strace $0x80000046;
	[dreg:$0x1] =	wrdreg $0xFFFFFFFF  }
0xa8: {  	s28 =	simm.s32 $_size_execute0_lowered;
	s4 =	sadd.s32 s4, s6;
	[dreg:$0x0] =	wrdreg $0x0  }
0xa9: {  	s6 =	sshll.u32 s28, $0x1;
	[dreg:$0x2] =	wrdreg s4  }
0xaa: {  	[dreg:$0x3] =	wrdreg s6  }
0xab: {  	[dreg:$0x4] =	wrdreg $0xC0  }
0xac: {  	_ =	task [dreg:s8], $0x5FFFF  }
0xad: {  	[dreg:$0x1] =	wrdreg $0xFFFFFFFF  }
0xae: {  	[dreg:$0x0] =	wrdreg $0x60  }
0xaf: {  	[dreg:$0x2] =	wrdreg s2  }
0xb0: {  	[dreg:$0x3] =	wrdreg s24  }
0xb1: {  	[dreg:$0x4] =	wrdreg s18  }
0xb2: {  	[dreg:$0x5] =	wrdreg $0x9  }
0xb3: {  	_ =	task.clear_ibuf [dreg:s8], $0x6FFFF;
	_ =	strace $0x90000046  }
0xb4: {  	s29 =	simm.s32 $0x9;
	_ =	strace $0x80000048  }
0xb5: {  	_ =	swait.ge [sflag:s29], $0x1  }
0xb6: {  	[sflag:s29] =	ssyncadd.s32 $0xFFFFFFFF  }
0xb7: {  	_ =	strace $0x90000048  }
0xb8: {  	_ =	sfence  }
0xb9: {  	s30 =	sld [smem:$0x0];
	_ =	sdelay $0x2  }
0xba: {  	s31 =	sshll.u32 s1, $0xD;
	s1 =	sshrl.u32 s1, $0x2  }
0xbb: {  	s3 =	sand.u32 $0x4000, s31;
	s1 =	sadd.s32 s1, s30  }
0xbc: {  	s0 =	sor.u32 s3, s0;
	s1 =	sshll.u32 s1, $0x11  }
0xbd: {  	s0 =	sor.u32 s1, s0  }
0xbe: {  	s0 =	sadd.s32 $0x8F2B, s0  }
0xbf: {  	[sflag:s0] =	ssyncadd.remote.s32 $0x1  }
0xc0: {  	_ =	sfence.sel $0xFFFF  }
0xc1: {  	[dreg:$0x0] =	wrdreg $0xFFFFFFFF;
	(pc) =	sbr.abs _section_cstart, $3  }
0xc2: {  	[dreg:$0x1] =	wrdreg $0xFFFFFFFF  }
0xc3: {  	_ =	task.clear_ibuf [dreg:s8], $0x2FFFF;
	_ =	strace $0x9FFFFFFF  }
0xc4: {  	(tm) =	ssettm $0x7FFFFFFF  }
0xc5: {  	_ =	shalt  }
tec
execute0_lowered:
.L_overlay_start_1:
0x0: {  	(tag) =	ssettag $0x1  }
0x1: {  	s3 =	srdreg.scid  }
0x2: {  	s1 =	rddreg [dreg:$0x0];
	s0 =	stileid.u32;
	s9 =	sand.u32 $0x1, s3  }
0x3: {  	s4 =	rddreg [dreg:$0x1];
	s5 =	sshll.u32 s0, $0xA;
	s6 =	sshll.u32 s9, $0x9  }
0x4: {  	s10 =	rddreg [dreg:$0x2];
	s3 =	simm.s32 $0x0;
	s11 =	sor.u32 s6, s5  }
0x5: {  	s4 =	sadd.s32 $0x400, s4;
	[smem:$0x7FF] =	sst s3;
	s5 =	sshrl.u32 s11, $0x3  }
0x6: {  	_ =	strace $0x80000047;
	[dreg:$0x4] =	wrdreg s4;
	s6 =	sor.u32 $0x10, s5  }
0x7: {  	s11 =	sshll.u32 s11, $0x4;
	s7 =	sor.u32 $0x20, s5;
	s15 =	sshll.u32 s6, $0x7  }
0x8: {  	s8 =	sor.u32 $0x30, s5;
	s12 =	sshll.u32 s7, $0x7;
	s4 =	sadd.s32 s10, s15  }
0x9: {  	s13 =	sshll.u32 s8, $0x7;
	s12 =	sadd.s32 s10, s12;
	[dreg:$0x5] =	wrdreg s4  }
0xa: {  	s4 =	sadd.s32 s10, s11;
	[dreg:$0x6] =	wrdreg s12;
	s10 =	sadd.s32 s10, s13  }
0xb: {  	[dreg:$0x7] =	wrdreg s10;
	s16 =	sadd.s32 $0x40000, s4  }
0xc: {  	s17 =	sadd.s32 $0x40800, s4;
	[dreg:$0x8] =	wrdreg s16  }
0xd: {  	s18 =	sadd.s32 $0x41000, s4;
	[dreg:$0x9] =	wrdreg s17  }
0xe: {  	s19 =	sadd.s32 $0x41800, s4;
	[dreg:$0xa] =	wrdreg s18  }
0xf: {  	s20 =	sadd.s32 $0x80000, s4;
	[dreg:$0xb] =	wrdreg s19  }
0x10: {  	s21 =	sadd.s32 $0x80800, s4;
	[dreg:$0xc] =	wrdreg s20  }
0x11: {  	s22 =	sadd.s32 $0x81000, s4;
	[dreg:$0xd] =	wrdreg s21  }
0x12: {  	s23 =	sadd.s32 $0x81800, s4;
	[dreg:$0xe] =	wrdreg s22  }
0x13: {  	s24 =	sadd.s32 $0xC0000, s4;
	[dreg:$0xf] =	wrdreg s23  }
0x14: {  	s25 =	sadd.s32 $0xC0800, s4;
	[dreg:$0x10] =	wrdreg s24  }
0x15: {  	s26 =	sadd.s32 $0xC1000, s4;
	[dreg:$0x11] =	wrdreg s25  }
0x16: {  	s0 =	sadd.s32 $0xC1800, s4;
	[dreg:$0x12] =	wrdreg s26  }
0x17: {  	s2 =	sadd.s32 $0x100000, s4;
	[dreg:$0x13] =	wrdreg s0  }
0x18: {  	s11 =	sadd.s32 $0x100800, s4;
	[dreg:$0x14] =	wrdreg s2  }
0x19: {  	s12 =	sadd.s32 $0x101000, s4;
	[dreg:$0x15] =	wrdreg s11  }
0x1a: {  	s13 =	sadd.s32 $0x101800, s4;
	[dreg:$0x16] =	wrdreg s12  }
0x1b: {  	s14 =	sadd.s32 $0x140000, s4;
	[dreg:$0x17] =	wrdreg s13  }
0x1c: {  	s15 =	sadd.s32 $0x140800, s4;
	[dreg:$0x18] =	wrdreg s14  }
0x1d: {  	[dreg:$0x19] =	wrdreg s15;
	s16 =	sadd.s32 $0x141000, s4  }
0x1e: {  	s17 =	sadd.s32 $0x141800, s4;
	[dreg:$0x1a] =	wrdreg s16  }
0x1f: {  	s18 =	sadd.s32 $0x180000, s4;
	[dreg:$0x1b] =	wrdreg s17  }
0x20: {  	s19 =	sadd.s32 $0x180800, s4;
	[dreg:$0x1c] =	wrdreg s18  }
0x21: {  	s20 =	sadd.s32 $0x181000, s4;
	[dreg:$0x1d] =	wrdreg s19  }
0x22: {  	s21 =	sadd.s32 $0x181800, s4;
	[dreg:$0x1e] =	wrdreg s20  }
0x23: {  	s22 =	sadd.s32 $0x1C0000, s4;
	[dreg:$0x1f] =	wrdreg s21  }
0x24: {  	s23 =	sadd.s32 $0x1C0800, s4;
	[smem:$0x7B2] =	sst s22  }
0x25: {  	s24 =	sadd.s32 $0x1C1000, s4;
	[smem:$0x7B3] =	sst s23  }
0x26: {  	s25 =	sadd.s32 $0x1C1800, s4;
	[smem:$0x7B4] =	sst s24  }
0x27: {  	s26 =	sadd.s32 $0x200000, s4;
	[smem:$0x7B5] =	sst s25  }
0x28: {  	s0 =	sadd.s32 $0x200800, s4;
	[smem:$0x7B6] =	sst s26  }
0x29: {  	s2 =	sadd.s32 $0x201000, s4;
	[smem:$0x7B7] =	sst s0  }
0x2a: {  	s11 =	sadd.s32 $0x201800, s4;
	[smem:$0x7B8] =	sst s2  }
0x2b: {  	s12 =	sadd.s32 $0x240000, s4;
	[smem:$0x7B9] =	sst s11  }
0x2c: {  	s13 =	sadd.s32 $0x240800, s4;
	[smem:$0x7BA] =	sst s12  }
0x2d: {  	s14 =	sadd.s32 $0x241000, s4;
	[smem:$0x7BB] =	sst s13  }
0x2e: {  	s15 =	sadd.s32 $0x241800, s4;
	[smem:$0x7BC] =	sst s14  }
0x2f: {  	[smem:$0x7BD] =	sst s15;
	s16 =	sadd.s32 $0x280000, s4  }
0x30: {  	s17 =	sadd.s32 $0x280800, s4;
	[smem:$0x7BE] =	sst s16  }
0x31: {  	s18 =	sadd.s32 $0x281000, s4;
	[smem:$0x7BF] =	sst s17  }
0x32: {  	s19 =	sadd.s32 $0x281800, s4;
	[smem:$0x7C0] =	sst s18  }
0x33: {  	s20 =	sadd.s32 $0x2C0000, s4;
	[smem:$0x7C1] =	sst s19  }
0x34: {  	s21 =	sadd.s32 $0x2C0800, s4;
	[smem:$0x7C2] =	sst s20  }
0x35: {  	s22 =	sadd.s32 $0x2C1000, s4;
	[smem:$0x7C3] =	sst s21  }
0x36: {  	s23 =	sadd.s32 $0x2C1800, s4;
	[smem:$0x7C4] =	sst s22  }
0x37: {  	s24 =	sadd.s32 $0x300000, s4;
	[smem:$0x7C5] =	sst s23  }
0x38: {  	s25 =	sadd.s32 $0x300800, s4;
	[smem:$0x7C6] =	sst s24  }
0x39: {  	s26 =	sadd.s32 $0x301000, s4;
	[smem:$0x7C7] =	sst s25  }
0x3a: {  	s0 =	sadd.s32 $0x301800, s4;
	[smem:$0x7C8] =	sst s26  }
0x3b: {  	s2 =	sadd.s32 $0x340000, s4;
	[smem:$0x7C9] =	sst s0  }
0x3c: {  	s11 =	sadd.s32 $0x340800, s4;
	[smem:$0x7CA] =	sst s2  }
0x3d: {  	s12 =	sadd.s32 $0x341000, s4;
	[smem:$0x7CB] =	sst s11  }
0x3e: {  	s13 =	sadd.s32 $0x341800, s4;
	[smem:$0x7CC] =	sst s12  }
0x3f: {  	s14 =	sadd.s32 $0x380000, s4;
	[smem:$0x7CD] =	sst s13  }
0x40: {  	s15 =	sadd.s32 $0x380800, s4;
	[smem:$0x7CE] =	sst s14  }
0x41: {  	[smem:$0x7CF] =	sst s15;
	s16 =	sadd.s32 $0x381000, s4  }
0x42: {  	s17 =	sadd.s32 $0x381800, s4;
	[smem:$0x7D0] =	sst s16  }
0x43: {  	s18 =	sadd.s32 $0x3C0000, s4;
	[smem:$0x7D1] =	sst s17  }
0x44: {  	s19 =	sadd.s32 $0x3C0800, s4;
	[smem:$0x7D2] =	sst s18  }
0x45: {  	s20 =	sadd.s32 $0x3C1000, s4;
	[smem:$0x7D3] =	sst s19  }
0x46: {  	s21 =	sadd.s32 $0x3C1800, s4;
	[smem:$0x7D4] =	sst s20  }
0x47: {  	s22 =	sadd.s32 $0x400000, s4;
	[smem:$0x7D5] =	sst s21  }
0x48: {  	s23 =	sadd.s32 $0x400800, s4;
	[smem:$0x7D6] =	sst s22  }
0x49: {  	s24 =	sadd.s32 $0x401000, s4;
	[smem:$0x7D7] =	sst s23  }
0x4a: {  	s25 =	sadd.s32 $0x401800, s4;
	[smem:$0x7D8] =	sst s24  }
0x4b: {  	s26 =	sadd.s32 $0x440000, s4;
	[smem:$0x7D9] =	sst s25  }
0x4c: {  	s0 =	sadd.s32 $0x440800, s4;
	[smem:$0x7DA] =	sst s26  }
0x4d: {  	s2 =	sadd.s32 $0x441000, s4;
	[smem:$0x7DB] =	sst s0  }
0x4e: {  	s11 =	sadd.s32 $0x441800, s4;
	[smem:$0x7DC] =	sst s2  }
0x4f: {  	s12 =	sadd.s32 $0x480000, s4;
	[smem:$0x7DD] =	sst s11  }
0x50: {  	s13 =	sadd.s32 $0x480800, s4;
	[smem:$0x7DE] =	sst s12  }
0x51: {  	s14 =	sadd.s32 $0x481000, s4;
	[smem:$0x7DF] =	sst s13  }
0x52: {  	s15 =	sadd.s32 $0x481800, s4;
	[smem:$0x7E0] =	sst s14  }
0x53: {  	[smem:$0x7E1] =	sst s15;
	s16 =	sadd.s32 $0x4C0000, s4  }
0x54: {  	s17 =	sadd.s32 $0x4C0800, s4;
	[smem:$0x7E2] =	sst s16  }
0x55: {  	s18 =	sadd.s32 $0x4C1000, s4;
	[smem:$0x7E3] =	sst s17  }
0x56: {  	s19 =	sadd.s32 $0x4C1800, s4;
	[smem:$0x7E4] =	sst s18  }
0x57: {  	s20 =	sadd.s32 $0x500000, s4;
	[smem:$0x7E5] =	sst s19  }
0x58: {  	s21 =	sadd.s32 $0x500800, s4;
	[smem:$0x7E6] =	sst s20  }
0x59: {  	s22 =	sadd.s32 $0x501000, s4;
	[smem:$0x7E7] =	sst s21  }
0x5a: {  	s23 =	sadd.s32 $0x501800, s4;
	[smem:$0x7E8] =	sst s22  }
0x5b: {  	s24 =	sadd.s32 $0x540000, s4;
	[smem:$0x7E9] =	sst s23  }
0x5c: {  	s25 =	sadd.s32 $0x540800, s4;
	[smem:$0x7EA] =	sst s24  }
0x5d: {  	s26 =	sadd.s32 $0x541000, s4;
	[smem:$0x7EB] =	sst s25  }
0x5e: {  	s0 =	sadd.s32 $0x541800, s4;
	[smem:$0x7EC] =	sst s26  }
0x5f: {  	s2 =	sadd.s32 $0x580000, s4;
	[smem:$0x7ED] =	sst s0  }
0x60: {  	s28 =	simm.s32 $0xA;
	s11 =	sadd.s32 $0x580800, s4;
	[smem:$0x7EE] =	sst s2  }
0x61: {  	s29 =	simm.s32 $0x6;
	s12 =	sadd.s32 $0x581000, s4;
	[smem:$0x7EF] =	sst s11  }
0x62: {  	s30 =	simm.s32 $0xB;
	s13 =	sadd.s32 $0x581800, s4;
	[smem:$0x7F0] =	sst s12  }
0x63: {  	s31 =	simm.s32 $0xC;
	s14 =	sadd.s32 $0x5C0000, s4;
	[smem:$0x7F1] =	sst s13  }
0x64: {  	s9 =	ssub.s32 $0x2, s9;
	s15 =	sadd.s32 $0x5C0800, s4;
	[smem:$0x7F2] =	sst s14  }
0x65: {  	s5 =	smul.u32 $0x6800, s5;
	[smem:$0x7F3] =	sst s15;
	s16 =	sadd.s32 $0x5C1000, s4  }
0x66: {  	s6 =	smul.u32 $0x6800, s6;
	s17 =	sadd.s32 $0x5C1800, s4;
	[smem:$0x7F4] =	sst s16  }
0x67: {  	s7 =	smul.u32 $0x6800, s7;
	s18 =	sadd.s32 $0x600000, s4;
	[smem:$0x7F5] =	sst s17  }
0x68: {  	s8 =	smul.u32 $0x6800, s8;
	s19 =	sadd.s32 $0x600800, s4;
	[smem:$0x7F6] =	sst s18  }
0x69: {  	s10 =	simm.s32 $0xD;
	s20 =	sadd.s32 $0x601000, s4;
	[smem:$0x7F7] =	sst s19  }
0x6a: {  	s21 =	sshrl.u32 s9, $0x1;
	s22 =	sadd.s32 $0x601800, s4;
	[smem:$0x7F8] =	sst s20  }
0x6b: {  	s23 =	sadd.s32 $0x640000, s4;
	s24 =	sadd.s32 $0x640800, s4;
	[smem:$0x7F9] =	sst s22  }
0x6c: {  	s25 =	sadd.s32 $0x641000, s4;
	s26 =	sadd.s32 $0x641800, s4;
	[smem:$0x7FA] =	sst s23  }
0x6d: {  	s11 =	simm.s32 $0x400;
	s12 =	simm.s32 $0x6800;
	[smem:$0x7FB] =	sst s24  }
0x6e: {  	s13 =	simm.s32 $0x80;
	s14 =	simm.s32 $0x4080;
	[smem:$0x7FC] =	sst s25  }
0x6f: {  	s15 =	simm.s32 $0x8080;
	s9 =	ssub.s32 s9, s21;
	[smem:$0x7FD] =	sst s26  }
0x70: {  	s16 =	simm.s32 $0xC080;
	s17 =	simm.s32 $0x10080;
	s18 =	simm.s32 $0x1  }
0x71: {  	s19 =	simm.s32 $0x14080;
	s20 =	simm.s32 $0x2;
	s21 =	simm.s32 $0x7  }
0x72: {  	s22 =	simm.s32 $0x3;
	s23 =	simm.s32 $0x8;
	s24 =	simm.s32 $0x4  }
0x73: {  	s25 =	simm.s32 $0x9;
	s26 =	simm.s32 $0x5;
	s9 =	smax.u32 s9, $0x1  }
.LBB2_1:
0x74: {  	s0 =	rddreg [dreg:$0x4]  }
0x75: {  	[tilespmem:s3], [sflag:$0xD] =	stream.linear.gather [hbm4b:s0+s3], $0x80, $0x38;
	[tilespmem:$0x18080] =	vst v63  }
0x76: {  	_ =	swait.ge [sflag:s10], $0x80  }
0x77: {  	[sflag:s10] =	ssyncset.done $0x0  }
0x78: {  	[sflag:s10] =	ssyncadd.s32 $0xFFFFFF80  }
0x79: {  	v0 =	vld [tilespmem:$0x0];
	_ =	sdelay $0x4  }
0x7a: {  	v1 =	vshll.u32 v0, $0x3  }
0x7b: {  	(v2sf) =	vpush v1, $0x0;
	_ =	sdelay $0xe  }
0x7c: {  	s2 =	spop (v2sf)  }
0x7d: {  	(v2sf) =	vpush v1, $0x1;
	s0 =	sand.u32 $0x7FFFFC00, s2  }
0x7e: {  	s2 =	sadd.s32 s5, s0  }
0x7f: {  	s2 =	sshrl.u32 s2, $0x3  }
0x80: {  	s2 =	sadd.s32 s1, s2  }
0x81: {  	v63 =	vld [tilespmem:$0x10];
	[tilespmem:s13], [sflag:$0x1] =	stream.strided.gather [hbm4b:s2+s11], $0x4000, s12, s11, $0x38  }
0x82: {  	s2 =	sadd.s32 s6, s0  }
0x83: {  	s2 =	sshrl.u32 s2, $0x3  }
0x84: {  	s2 =	sadd.s32 s1, s2  }
0x85: {  	[tilespmem:s14], [sflag:$0x2] =	stream.strided.gather [hbm4b:s2+s11], $0x4000, s12, s11, $0x38;
	[tilespmem:$0x18080] =	vst v63  }
0x86: {  	s2 =	sadd.s32 s7, s0  }
0x87: {  	s0 =	sadd.s32 s8, s0;
	s2 =	sshrl.u32 s2, $0x3  }
0x88: {  	s0 =	sshrl.u32 s0, $0x3;
	s2 =	sadd.s32 s1, s2  }
0x89: {  	[tilespmem:s15], [sflag:$0x3] =	stream.strided.gather [hbm4b:s2+s11], $0x4000, s12, s11, $0x38;
	[tilespmem:$0x18080] =	vst v63  }
0x8a: {  	s0 =	sadd.s32 s1, s0  }
0x8b: {  	[tilespmem:s16], [sflag:$0x4] =	stream.strided.gather [hbm4b:s0+s11], $0x4000, s12, s11, $0x38;
	[tilespmem:$0x18080] =	vst v63  }
0x8c: {  	s2 =	spop (v2sf)  }
0x8d: {  	s0 =	sand.u32 $0x7FFFFC00, s2  }
0x8e: {  	s2 =	sadd.s32 s5, s0  }
0x8f: {  	s2 =	sshrl.u32 s2, $0x3  }
0x90: {  	s2 =	sadd.s32 s1, s2  }
0x91: {  	[tilespmem:s17], [sflag:$0x5] =	stream.strided.gather [hbm4b:s2+s11], $0x4000, s12, s11, $0x38;
	[tilespmem:$0x18080] =	vst v63  }
0x92: {  	_ =	swait.ge [sflag:s18], $0x4000  }
0x93: {  	s2 =	sadd.s32 s6, s0;
	[sflag:s18] =	ssyncset.done $0x0  }
0x94: {  	s2 =	sshrl.u32 s2, $0x3;
	[sflag:s18] =	ssyncadd.s32 $0xFFFFC000  }
0x95: {  	[hbm4b:s4+s3] =	stream.linear.scatter [tilespmem:s13], [sflag:$0x7], $0x4000, $0x38;
	[tilespmem:$0x18080] =	vst v63  }
0x96: {  	s2 =	sadd.s32 s1, s2  }
0x97: {  	[tilespmem:s19], [sflag:$0x6] =	stream.strided.gather [hbm4b:s2+s11], $0x4000, s12, s11, $0x38;
	[tilespmem:$0x18080] =	vst v63  }
0x98: {  	_ =	swait.ge [sflag:s20], $0x4000  }
0x99: {  	[sflag:s20] =	ssyncset.done $0x0  }
0x9a: {  	s2 =	rddreg [dreg:$0x5];
	[sflag:s20] =	ssyncadd.s32 $0xFFFFC000  }
0x9b: {  	[hbm4b:s2+s3] =	stream.linear.scatter [tilespmem:s14], [sflag:$0x8], $0x4000, $0x38;
	[tilespmem:$0x18080] =	vst v63  }
0x9c: {  	s2 =	sadd.s32 s7, s0;
	_ =	swait.ge [sflag:s21], $0x4000  }
0x9d: {  	s2 =	sshrl.u32 s2, $0x3;
	[sflag:s21] =	ssyncset.done $0x0  }
0x9e: {  	s2 =	sadd.s32 s1, s2;
	[sflag:s21] =	ssyncadd.s32 $0xFFFFC000  }
0x9f: {  	[tilespmem:s13], [sflag:$0x1] =	stream.strided.gather [hbm4b:s2+s11], $0x4000, s12, s11, $0x38;
	[tilespmem:$0x18080] =	vst v63  }
0xa0: {  	_ =	swait.ge [sflag:s22], $0x4000  }
0xa1: {  	[sflag:s22] =	ssyncset.done $0x0  }
0xa2: {  	s2 =	rddreg [dreg:$0x6];
	[sflag:s22] =	ssyncadd.s32 $0xFFFFC000  }
0xa3: {  	[hbm4b:s2+s3] =	stream.linear.scatter [tilespmem:s15], [sflag:$0x9], $0x4000, $0x38;
	[tilespmem:$0x18080] =	vst v63  }
0xa4: {  	s0 =	sadd.s32 s8, s0;
	_ =	swait.ge [sflag:s23], $0x4000  }
0xa5: {  	s0 =	sshrl.u32 s0, $0x3;
	[sflag:s23] =	ssyncset.done $0x0  }
0xa6: {  	s0 =	sadd.s32 s1, s0;
	[sflag:s23] =	ssyncadd.s32 $0xFFFFC000  }
0xa7: {  	[tilespmem:s14], [sflag:$0x2] =	stream.strided.gather [hbm4b:s0+s11], $0x4000, s12, s11, $0x38;
	[tilespmem:$0x18080] =	vst v63  }
0xa8: {  	_ =	swait.ge [sflag:s24], $0x4000  }
0xa9: {  	[sflag:s24] =	ssyncset.done $0x0  }
0xaa: {  	s2 =	rddreg [dreg:$0x7];
	[sflag:s24] =	ssyncadd.s32 $0xFFFFC000  }
0xab: {  	[hbm4b:s2+s3] =	stream.linear.scatter [tilespmem:s16], [sflag:$0xA], $0x4000, $0x38;
	[tilespmem:$0x18080] =	vst v63  }
0xac: {  	_ =	swait.ge [sflag:s25], $0x4000  }
0xad: {  	(v2sf) =	vpush v1, $0x2;
	_ =	sdelay $0xe  }
0xae: {  	s2 =	spop (v2sf)  }
0xaf: {  	s0 =	sand.u32 $0x7FFFFC00, s2  }
0xb0: {  	s2 =	sadd.s32 s5, s0  }
0xb1: {  	[sflag:s25] =	ssyncset.done $0x0;
	s2 =	sshrl.u32 s2, $0x3  }
0xb2: {  	[sflag:s25] =	ssyncadd.s32 $0xFFFFC000;
	s2 =	sadd.s32 s1, s2  }
0xb3: {  	[tilespmem:s15], [sflag:$0x3] =	stream.strided.gather [hbm4b:s2+s11], $0x4000, s12, s11, $0x38;
	[tilespmem:$0x18080] =	vst v63  }
0xb4: {  	_ =	swait.ge [sflag:s26], $0x4000  }
0xb5: {  	[sflag:s26] =	ssyncset.done $0x0  }
0xb6: {  	s2 =	rddreg [dreg:$0x8];
	[sflag:s26] =	ssyncadd.s32 $0xFFFFC000  }
0xb7: {  	[hbm4b:s2+s3] =	stream.linear.scatter [tilespmem:s17], [sflag:$0xB], $0x4000, $0x38;
	[tilespmem:$0x18080] =	vst v63  }
0xb8: {  	s2 =	sadd.s32 s6, s0;
	_ =	swait.ge [sflag:s28], $0x4000  }
0xb9: {  	s2 =	sshrl.u32 s2, $0x3;
	[sflag:s28] =	ssyncset.done $0x0  }
0xba: {  	s2 =	sadd.s32 s1, s2;
	[sflag:s28] =	ssyncadd.s32 $0xFFFFC000  }
0xbb: {  	[tilespmem:s16], [sflag:$0x4] =	stream.strided.gather [hbm4b:s2+s11], $0x4000, s12, s11, $0x38;
	[tilespmem:$0x18080] =	vst v63  }
0xbc: {  	_ =	swait.ge [sflag:s29], $0x4000  }
0xbd: {  	[sflag:s29] =	ssyncset.done $0x0  }
0xbe: {  	s2 =	rddreg [dreg:$0x9];
	[sflag:s29] =	ssyncadd.s32 $0xFFFFC000  }
0xbf: {  	[hbm4b:s2+s3] =	stream.linear.scatter [tilespmem:s19], [sflag:$0xC], $0x4000, $0x38;
	[tilespmem:$0x18080] =	vst v63  }
0xc0: {  	s2 =	sadd.s32 s7, s0;
	_ =	swait.ge [sflag:s30], $0x4000  }
0xc1: {  	s2 =	sshrl.u32 s2, $0x3;
	[sflag:s30] =	ssyncset.done $0x0  }
0xc2: {  	s2 =	sadd.s32 s1, s2;
	[sflag:s30] =	ssyncadd.s32 $0xFFFFC000  }
0xc3: {  	[tilespmem:s17], [sflag:$0x5] =	stream.strided.gather [hbm4b:s2+s11], $0x4000, s12, s11, $0x38;
	[tilespmem:$0x18080] =	vst v63  }
0xc4: {  	_ =	swait.ge [sflag:s18], $0x4000  }
0xc5: {  	[sflag:s18] =	ssyncset.done $0x0  }
0xc6: {  	s2 =	rddreg [dreg:$0xa];
	[sflag:s18] =	ssyncadd.s32 $0xFFFFC000  }
0xc7: {  	[hbm4b:s2+s3] =	stream.linear.scatter [tilespmem:s13], [sflag:$0x7], $0x4000, $0x38;
	[tilespmem:$0x18080] =	vst v63  }
0xc8: {  	s0 =	sadd.s32 s8, s0;
	_ =	swait.ge [sflag:s31], $0x4000  }
0xc9: {  	s0 =	sshrl.u32 s0, $0x3;
	[sflag:s31] =	ssyncset.done $0x0  }
0xca: {  	s0 =	sadd.s32 s1, s0;
	[sflag:s31] =	ssyncadd.s32 $0xFFFFC000  }
0xcb: {  	[tilespmem:s19], [sflag:$0x6] =	stream.strided.gather [hbm4b:s0+s11], $0x4000, s12, s11, $0x38;
	[tilespmem:$0x18080] =	vst v63  }
0xcc: {  	_ =	swait.ge [sflag:s20], $0x4000  }
0xcd: {  	[sflag:s20] =	ssyncset.done $0x0  }
0xce: {  	s2 =	rddreg [dreg:$0xb];
	[sflag:s20] =	ssyncadd.s32 $0xFFFFC000  }
0xcf: {  	[hbm4b:s2+s3] =	stream.linear.scatter [tilespmem:s14], [sflag:$0x8], $0x4000, $0x38;
	[tilespmem:$0x18080] =	vst v63  }
0xd0: {  	_ =	swait.ge [sflag:s21], $0x4000  }
0xd1: {  	(v2sf) =	vpush v1, $0x3;
	_ =	sdelay $0xe  }
0xd2: {  	s2 =	spop (v2sf)  }
0xd3: {  	s0 =	sand.u32 $0x7FFFFC00, s2  }
0xd4: {  	s2 =	sadd.s32 s5, s0  }
0xd5: {  	[sflag:s21] =	ssyncset.done $0x0;
	s2 =	sshrl.u32 s2, $0x3  }
0xd6: {  	[sflag:s21] =	ssyncadd.s32 $0xFFFFC000;
	s2 =	sadd.s32 s1, s2  }
0xd7: {  	[tilespmem:s13], [sflag:$0x1] =	stream.strided.gather [hbm4b:s2+s11], $0x4000, s12, s11, $0x38;
	[tilespmem:$0x18080] =	vst v63  }
0xd8: {  	_ =	swait.ge [sflag:s22], $0x4000  }
0xd9: {  	[sflag:s22] =	ssyncset.done $0x0  }
0xda: {  	s2 =	rddreg [dreg:$0xc];
	[sflag:s22] =	ssyncadd.s32 $0xFFFFC000  }
0xdb: {  	[hbm4b:s2+s3] =	stream.linear.scatter [tilespmem:s15], [sflag:$0x9], $0x4000, $0x38;
	[tilespmem:$0x18080] =	vst v63  }
0xdc: {  	s2 =	sadd.s32 s6, s0;
	_ =	swait.ge [sflag:s23], $0x4000  }
0xdd: {  	s2 =	sshrl.u32 s2, $0x3;
	[sflag:s23] =	ssyncset.done $0x0  }
0xde: {  	s2 =	sadd.s32 s1, s2;
	[sflag:s23] =	ssyncadd.s32 $0xFFFFC000  }
0xdf: {  	[tilespmem:s14], [sflag:$0x2] =	stream.strided.gather [hbm4b:s2+s11], $0x4000, s12, s11, $0x38;
	[tilespmem:$0x18080] =	vst v63  }
0xe0: {  	_ =	swait.ge [sflag:s24], $0x4000  }
0xe1: {  	[sflag:s24] =	ssyncset.done $0x0  }
0xe2: {  	s2 =	rddreg [dreg:$0xd];
	[sflag:s24] =	ssyncadd.s32 $0xFFFFC000  }
0xe3: {  	[hbm4b:s2+s3] =	stream.linear.scatter [tilespmem:s16], [sflag:$0xA], $0x4000, $0x38;
	[tilespmem:$0x18080] =	vst v63  }
0xe4: {  	s2 =	sadd.s32 s7, s0;
	_ =	swait.ge [sflag:s25], $0x4000  }
0xe5: {  	s2 =	sshrl.u32 s2, $0x3;
	[sflag:s25] =	ssyncset.done $0x0  }
0xe6: {  	s2 =	sadd.s32 s1, s2;
	[sflag:s25] =	ssyncadd.s32 $0xFFFFC000  }
0xe7: {  	[tilespmem:s15], [sflag:$0x3] =	stream.strided.gather [hbm4b:s2+s11], $0x4000, s12, s11, $0x38;
	[tilespmem:$0x18080] =	vst v63  }
0xe8: {  	_ =	swait.ge [sflag:s26], $0x4000  }
0xe9: {  	[sflag:s26] =	ssyncset.done $0x0  }
0xea: {  	s2 =	rddreg [dreg:$0xe];
	[sflag:s26] =	ssyncadd.s32 $0xFFFFC000  }
0xeb: {  	[hbm4b:s2+s3] =	stream.linear.scatter [tilespmem:s17], [sflag:$0xB], $0x4000, $0x38;
	[tilespmem:$0x18080] =	vst v63  }
0xec: {  	s0 =	sadd.s32 s8, s0;
	_ =	swait.ge [sflag:s28], $0x4000  }
0xed: {  	s0 =	sshrl.u32 s0, $0x3;
	[sflag:s28] =	ssyncset.done $0x0  }
0xee: {  	s0 =	sadd.s32 s1, s0;
	[sflag:s28] =	ssyncadd.s32 $0xFFFFC000  }
0xef: {  	[tilespmem:s16], [sflag:$0x4] =	stream.strided.gather [hbm4b:s0+s11], $0x4000, s12, s11, $0x38;
	[tilespmem:$0x18080] =	vst v63  }
0xf0: {  	_ =	swait.ge [sflag:s29], $0x4000  }
0xf1: {  	[sflag:s29] =	ssyncset.done $0x0  }
0xf2: {  	s2 =	rddreg [dreg:$0xf];
	[sflag:s29] =	ssyncadd.s32 $0xFFFFC000  }
0xf3: {  	[hbm4b:s2+s3] =	stream.linear.scatter [tilespmem:s19], [sflag:$0xC], $0x4000, $0x38;
	[tilespmem:$0x18080] =	vst v63  }
0xf4: {  	_ =	swait.ge [sflag:s30], $0x4000  }
0xf5: {  	(v2sf) =	vpush v1, $0x4;
	_ =	sdelay $0xe  }
0xf6: {  	s2 =	spop (v2sf)  }
0xf7: {  	s0 =	sand.u32 $0x7FFFFC00, s2  }
0xf8: {  	s2 =	sadd.s32 s5, s0  }
0xf9: {  	[sflag:s30] =	ssyncset.done $0x0;
	s2 =	sshrl.u32 s2, $0x3  }
0xfa: {  	[sflag:s30] =	ssyncadd.s32 $0xFFFFC000;
	s2 =	sadd.s32 s1, s2  }
0xfb: {  	[tilespmem:s17], [sflag:$0x5] =	stream.strided.gather [hbm4b:s2+s11], $0x4000, s12, s11, $0x38;
	[tilespmem:$0x18080] =	vst v63  }
0xfc: {  	_ =	swait.ge [sflag:s18], $0x4000  }
0xfd: {  	[sflag:s18] =	ssyncset.done $0x0  }
0xfe: {  	s2 =	rddreg [dreg:$0x10];
	[sflag:s18] =	ssyncadd.s32 $0xFFFFC000  }
0xff: {  	[hbm4b:s2+s3] =	stream.linear.scatter [tilespmem:s13], [sflag:$0x7], $0x4000, $0x38;
	[tilespmem:$0x18080] =	vst v63  }
0x100: {  	s2 =	sadd.s32 s6, s0;
	_ =	swait.ge [sflag:s31], $0x4000  }
0x101: {  	s2 =	sshrl.u32 s2, $0x3;
	[sflag:s31] =	ssyncset.done $0x0  }
0x102: {  	s2 =	sadd.s32 s1, s2;
	[sflag:s31] =	ssyncadd.s32 $0xFFFFC000  }
0x103: {  	[tilespmem:s19], [sflag:$0x6] =	stream.strided.gather [hbm4b:s2+s11], $0x4000, s12, s11, $0x38;
	[tilespmem:$0x18080] =	vst v63  }
0x104: {  	_ =	swait.ge [sflag:s20], $0x4000  }
0x105: {  	[sflag:s20] =	ssyncset.done $0x0  }
0x106: {  	s2 =	rddreg [dreg:$0x11];
	[sflag:s20] =	ssyncadd.s32 $0xFFFFC000  }
0x107: {  	[hbm4b:s2+s3] =	stream.linear.scatter [tilespmem:s14], [sflag:$0x8], $0x4000, $0x38;
	[tilespmem:$0x18080] =	vst v63  }
0x108: {  	s2 =	sadd.s32 s7, s0;
	_ =	swait.ge [sflag:s21], $0x4000  }
0x109: {  	s2 =	sshrl.u32 s2, $0x3;
	[sflag:s21] =	ssyncset.done $0x0  }
0x10a: {  	s2 =	sadd.s32 s1, s2;
	[sflag:s21] =	ssyncadd.s32 $0xFFFFC000  }
0x10b: {  	[tilespmem:s13], [sflag:$0x1] =	stream.strided.gather [hbm4b:s2+s11], $0x4000, s12, s11, $0x38;
	[tilespmem:$0x18080] =	vst v63  }
0x10c: {  	_ =	swait.ge [sflag:s22], $0x4000  }
0x10d: {  	[sflag:s22] =	ssyncset.done $0x0  }
0x10e: {  	s2 =	rddreg [dreg:$0x12];
	[sflag:s22] =	ssyncadd.s32 $0xFFFFC000  }
0x10f: {  	[hbm4b:s2+s3] =	stream.linear.scatter [tilespmem:s15], [sflag:$0x9], $0x4000, $0x38;
	[tilespmem:$0x18080] =	vst v63  }
0x110: {  	s0 =	sadd.s32 s8, s0;
	_ =	swait.ge [sflag:s23], $0x4000  }
0x111: {  	s0 =	sshrl.u32 s0, $0x3;
	[sflag:s23] =	ssyncset.done $0x0  }
0x112: {  	s0 =	sadd.s32 s1, s0;
	[sflag:s23] =	ssyncadd.s32 $0xFFFFC000  }
0x113: {  	[tilespmem:s14], [sflag:$0x2] =	stream.strided.gather [hbm4b:s0+s11], $0x4000, s12, s11, $0x38;
	[tilespmem:$0x18080] =	vst v63  }
0x114: {  	_ =	swait.ge [sflag:s24], $0x4000  }
0x115: {  	[sflag:s24] =	ssyncset.done $0x0  }
0x116: {  	s2 =	rddreg [dreg:$0x13];
	[sflag:s24] =	ssyncadd.s32 $0xFFFFC000  }
0x117: {  	[hbm4b:s2+s3] =	stream.linear.scatter [tilespmem:s16], [sflag:$0xA], $0x4000, $0x38;
	[tilespmem:$0x18080] =	vst v63  }
0x118: {  	_ =	swait.ge [sflag:s25], $0x4000  }
0x119: {  	(v2sf) =	vpush v1, $0x5;
	_ =	sdelay $0xe  }
0x11a: {  	s2 =	spop (v2sf)  }
0x11b: {  	s0 =	sand.u32 $0x7FFFFC00, s2  }
0x11c: {  	s2 =	sadd.s32 s5, s0  }
0x11d: {  	[sflag:s25] =	ssyncset.done $0x0;
	s2 =	sshrl.u32 s2, $0x3  }
0x11e: {  	[sflag:s25] =	ssyncadd.s32 $0xFFFFC000;
	s2 =	sadd.s32 s1, s2  }
0x11f: {  	[tilespmem:s15], [sflag:$0x3] =	stream.strided.gather [hbm4b:s2+s11], $0x4000, s12, s11, $0x38;
	[tilespmem:$0x18080] =	vst v63  }
0x120: {  	_ =	swait.ge [sflag:s26], $0x4000  }
0x121: {  	[sflag:s26] =	ssyncset.done $0x0  }
0x122: {  	s2 =	rddreg [dreg:$0x14];
	[sflag:s26] =	ssyncadd.s32 $0xFFFFC000  }
0x123: {  	[hbm4b:s2+s3] =	stream.linear.scatter [tilespmem:s17], [sflag:$0xB], $0x4000, $0x38;
	[tilespmem:$0x18080] =	vst v63  }
0x124: {  	s2 =	sadd.s32 s6, s0;
	_ =	swait.ge [sflag:s28], $0x4000  }
0x125: {  	s2 =	sshrl.u32 s2, $0x3;
	[sflag:s28] =	ssyncset.done $0x0  }
0x126: {  	s2 =	sadd.s32 s1, s2;
	[sflag:s28] =	ssyncadd.s32 $0xFFFFC000  }
0x127: {  	[tilespmem:s16], [sflag:$0x4] =	stream.strided.gather [hbm4b:s2+s11], $0x4000, s12, s11, $0x38;
	[tilespmem:$0x18080] =	vst v63  }
0x128: {  	_ =	swait.ge [sflag:s29], $0x4000  }
0x129: {  	[sflag:s29] =	ssyncset.done $0x0  }
0x12a: {  	s2 =	rddreg [dreg:$0x15];
	[sflag:s29] =	ssyncadd.s32 $0xFFFFC000  }
0x12b: {  	[hbm4b:s2+s3] =	stream.linear.scatter [tilespmem:s19], [sflag:$0xC], $0x4000, $0x38;
	[tilespmem:$0x18080] =	vst v63  }
0x12c: {  	s2 =	sadd.s32 s7, s0;
	_ =	swait.ge [sflag:s30], $0x4000  }
0x12d: {  	s2 =	sshrl.u32 s2, $0x3;
	[sflag:s30] =	ssyncset.done $0x0  }
0x12e: {  	s2 =	sadd.s32 s1, s2;
	[sflag:s30] =	ssyncadd.s32 $0xFFFFC000  }
0x12f: {  	[tilespmem:s17], [sflag:$0x5] =	stream.strided.gather [hbm4b:s2+s11], $0x4000, s12, s11, $0x38;
	[tilespmem:$0x18080] =	vst v63  }
0x130: {  	_ =	swait.ge [sflag:s18], $0x4000  }
0x131: {  	[sflag:s18] =	ssyncset.done $0x0  }
0x132: {  	s2 =	rddreg [dreg:$0x16];
	[sflag:s18] =	ssyncadd.s32 $0xFFFFC000  }
0x133: {  	[hbm4b:s2+s3] =	stream.linear.scatter [tilespmem:s13], [sflag:$0x7], $0x4000, $0x38;
	[tilespmem:$0x18080] =	vst v63  }
0x134: {  	s0 =	sadd.s32 s8, s0;
	_ =	swait.ge [sflag:s31], $0x4000  }
0x135: {  	s0 =	sshrl.u32 s0, $0x3;
	[sflag:s31] =	ssyncset.done $0x0  }
0x136: {  	s0 =	sadd.s32 s1, s0;
	[sflag:s31] =	ssyncadd.s32 $0xFFFFC000  }
0x137: {  	[tilespmem:s19], [sflag:$0x6] =	stream.strided.gather [hbm4b:s0+s11], $0x4000, s12, s11, $0x38;
	[tilespmem:$0x18080] =	vst v63  }
0x138: {  	_ =	swait.ge [sflag:s20], $0x4000  }
0x139: {  	[sflag:s20] =	ssyncset.done $0x0  }
0x13a: {  	s2 =	rddreg [dreg:$0x17];
	[sflag:s20] =	ssyncadd.s32 $0xFFFFC000  }
0x13b: {  	[hbm4b:s2+s3] =	stream.linear.scatter [tilespmem:s14], [sflag:$0x8], $0x4000, $0x38;
	[tilespmem:$0x18080] =	vst v63  }
0x13c: {  	_ =	swait.ge [sflag:s21], $0x4000  }
0x13d: {  	(v2sf) =	vpush v1, $0x6;
	_ =	sdelay $0xe  }
0x13e: {  	s2 =	spop (v2sf)  }
0x13f: {  	s0 =	sand.u32 $0x7FFFFC00, s2  }
0x140: {  	s2 =	sadd.s32 s5, s0  }
0x141: {  	[sflag:s21] =	ssyncset.done $0x0;
	s2 =	sshrl.u32 s2, $0x3  }
0x142: {  	[sflag:s21] =	ssyncadd.s32 $0xFFFFC000;
	s2 =	sadd.s32 s1, s2  }
0x143: {  	[tilespmem:s13], [sflag:$0x1] =	stream.strided.gather [hbm4b:s2+s11], $0x4000, s12, s11, $0x38;
	[tilespmem:$0x18080] =	vst v63  }
0x144: {  	_ =	swait.ge [sflag:s22], $0x4000  }
0x145: {  	[sflag:s22] =	ssyncset.done $0x0  }
0x146: {  	s2 =	rddreg [dreg:$0x18];
	[sflag:s22] =	ssyncadd.s32 $0xFFFFC000  }
0x147: {  	[hbm4b:s2+s3] =	stream.linear.scatter [tilespmem:s15], [sflag:$0x9], $0x4000, $0x38;
	[tilespmem:$0x18080] =	vst v63  }
0x148: {  	s2 =	sadd.s32 s6, s0;
	_ =	swait.ge [sflag:s23], $0x4000  }
0x149: {  	s2 =	sshrl.u32 s2, $0x3;
	[sflag:s23] =	ssyncset.done $0x0  }
0x14a: {  	s2 =	sadd.s32 s1, s2;
	[sflag:s23] =	ssyncadd.s32 $0xFFFFC000  }
0x14b: {  	[tilespmem:s14], [sflag:$0x2] =	stream.strided.gather [hbm4b:s2+s11], $0x4000, s12, s11, $0x38;
	[tilespmem:$0x18080] =	vst v63  }
0x14c: {  	_ =	swait.ge [sflag:s24], $0x4000  }
0x14d: {  	[sflag:s24] =	ssyncset.done $0x0  }
0x14e: {  	s2 =	rddreg [dreg:$0x19];
	[sflag:s24] =	ssyncadd.s32 $0xFFFFC000  }
0x14f: {  	[hbm4b:s2+s3] =	stream.linear.scatter [tilespmem:s16], [sflag:$0xA], $0x4000, $0x38;
	[tilespmem:$0x18080] =	vst v63  }
0x150: {  	s2 =	sadd.s32 s7, s0;
	_ =	swait.ge [sflag:s25], $0x4000  }
0x151: {  	s2 =	sshrl.u32 s2, $0x3;
	[sflag:s25] =	ssyncset.done $0x0  }
0x152: {  	s2 =	sadd.s32 s1, s2;
	[sflag:s25] =	ssyncadd.s32 $0xFFFFC000  }
0x153: {  	[tilespmem:s15], [sflag:$0x3] =	stream.strided.gather [hbm4b:s2+s11], $0x4000, s12, s11, $0x38;
	[tilespmem:$0x18080] =	vst v63  }
0x154: {  	_ =	swait.ge [sflag:s26], $0x4000  }
0x155: {  	[sflag:s26] =	ssyncset.done $0x0  }
0x156: {  	s2 =	rddreg [dreg:$0x1a];
	[sflag:s26] =	ssyncadd.s32 $0xFFFFC000  }
0x157: {  	[hbm4b:s2+s3] =	stream.linear.scatter [tilespmem:s17], [sflag:$0xB], $0x4000, $0x38;
	[tilespmem:$0x18080] =	vst v63  }
0x158: {  	s0 =	sadd.s32 s8, s0;
	_ =	swait.ge [sflag:s28], $0x4000  }
0x159: {  	s0 =	sshrl.u32 s0, $0x3;
	[sflag:s28] =	ssyncset.done $0x0  }
0x15a: {  	s0 =	sadd.s32 s1, s0;
	[sflag:s28] =	ssyncadd.s32 $0xFFFFC000  }
0x15b: {  	[tilespmem:s16], [sflag:$0x4] =	stream.strided.gather [hbm4b:s0+s11], $0x4000, s12, s11, $0x38;
	[tilespmem:$0x18080] =	vst v63  }
0x15c: {  	_ =	swait.ge [sflag:s29], $0x4000  }
0x15d: {  	[sflag:s29] =	ssyncset.done $0x0  }
0x15e: {  	s2 =	rddreg [dreg:$0x1b];
	[sflag:s29] =	ssyncadd.s32 $0xFFFFC000  }
0x15f: {  	[hbm4b:s2+s3] =	stream.linear.scatter [tilespmem:s19], [sflag:$0xC], $0x4000, $0x38;
	[tilespmem:$0x18080] =	vst v63  }
0x160: {  	_ =	swait.ge [sflag:s30], $0x4000  }
0x161: {  	(v2sf) =	vpush v1, $0x7;
	_ =	sdelay $0xe  }
0x162: {  	s2 =	spop (v2sf)  }
0x163: {  	s0 =	sand.u32 $0x7FFFFC00, s2  }
0x164: {  	s2 =	sadd.s32 s5, s0  }
0x165: {  	[sflag:s30] =	ssyncset.done $0x0;
	s2 =	sshrl.u32 s2, $0x3  }
0x166: {  	[sflag:s30] =	ssyncadd.s32 $0xFFFFC000;
	s2 =	sadd.s32 s1, s2  }
0x167: {  	[tilespmem:s17], [sflag:$0x5] =	stream.strided.gather [hbm4b:s2+s11], $0x4000, s12, s11, $0x38;
	[tilespmem:$0x18080] =	vst v63  }
0x168: {  	_ =	swait.ge [sflag:s18], $0x4000  }
0x169: {  	[sflag:s18] =	ssyncset.done $0x0  }
0x16a: {  	s2 =	rddreg [dreg:$0x1c];
	[sflag:s18] =	ssyncadd.s32 $0xFFFFC000  }
0x16b: {  	[hbm4b:s2+s3] =	stream.linear.scatter [tilespmem:s13], [sflag:$0x7], $0x4000, $0x38;
	[tilespmem:$0x18080] =	vst v63  }
0x16c: {  	s2 =	sadd.s32 s6, s0;
	_ =	swait.ge [sflag:s31], $0x4000  }
0x16d: {  	s2 =	sshrl.u32 s2, $0x3;
	[sflag:s31] =	ssyncset.done $0x0  }
0x16e: {  	s2 =	sadd.s32 s1, s2;
	[sflag:s31] =	ssyncadd.s32 $0xFFFFC000  }
0x16f: {  	[tilespmem:s19], [sflag:$0x6] =	stream.strided.gather [hbm4b:s2+s11], $0x4000, s12, s11, $0x38;
	[tilespmem:$0x18080] =	vst v63  }
0x170: {  	_ =	swait.ge [sflag:s20], $0x4000  }
0x171: {  	[sflag:s20] =	ssyncset.done $0x0  }
0x172: {  	s2 =	rddreg [dreg:$0x1d];
	[sflag:s20] =	ssyncadd.s32 $0xFFFFC000  }
0x173: {  	[hbm4b:s2+s3] =	stream.linear.scatter [tilespmem:s14], [sflag:$0x8], $0x4000, $0x38;
	[tilespmem:$0x18080] =	vst v63  }
0x174: {  	s2 =	sadd.s32 s7, s0;
	_ =	swait.ge [sflag:s21], $0x4000  }
0x175: {  	s2 =	sshrl.u32 s2, $0x3;
	[sflag:s21] =	ssyncset.done $0x0  }
0x176: {  	s2 =	sadd.s32 s1, s2;
	[sflag:s21] =	ssyncadd.s32 $0xFFFFC000  }
0x177: {  	[tilespmem:s13], [sflag:$0x1] =	stream.strided.gather [hbm4b:s2+s11], $0x4000, s12, s11, $0x38;
	[tilespmem:$0x18080] =	vst v63  }
0x178: {  	_ =	swait.ge [sflag:s22], $0x4000  }
0x179: {  	[sflag:s22] =	ssyncset.done $0x0  }
0x17a: {  	s2 =	rddreg [dreg:$0x1e];
	[sflag:s22] =	ssyncadd.s32 $0xFFFFC000  }
0x17b: {  	[hbm4b:s2+s3] =	stream.linear.scatter [tilespmem:s15], [sflag:$0x9], $0x4000, $0x38;
	[tilespmem:$0x18080] =	vst v63  }
0x17c: {  	s0 =	sadd.s32 s8, s0;
	_ =	swait.ge [sflag:s23], $0x4000  }
0x17d: {  	s0 =	sshrl.u32 s0, $0x3;
	[sflag:s23] =	ssyncset.done $0x0  }
0x17e: {  	s0 =	sadd.s32 s1, s0;
	[sflag:s23] =	ssyncadd.s32 $0xFFFFC000  }
0x17f: {  	[tilespmem:s14], [sflag:$0x2] =	stream.strided.gather [hbm4b:s0+s11], $0x4000, s12, s11, $0x38;
	[tilespmem:$0x18080] =	vst v63  }
0x180: {  	_ =	swait.ge [sflag:s24], $0x4000  }
0x181: {  	[sflag:s24] =	ssyncset.done $0x0  }
0x182: {  	s2 =	rddreg [dreg:$0x1f];
	[sflag:s24] =	ssyncadd.s32 $0xFFFFC000  }
0x183: {  	[hbm4b:s2+s3] =	stream.linear.scatter [tilespmem:s16], [sflag:$0xA], $0x4000, $0x38;
	[tilespmem:$0x18080] =	vst v63  }
0x184: {  	_ =	swait.ge [sflag:s25], $0x4000  }
0x185: {  	(v2sf) =	vpush v1, $0x8;
	_ =	sdelay $0xe  }
0x186: {  	s2 =	spop (v2sf)  }
0x187: {  	s0 =	sand.u32 $0x7FFFFC00, s2  }
0x188: {  	s2 =	sadd.s32 s5, s0  }
0x189: {  	[sflag:s25] =	ssyncset.done $0x0;
	s2 =	sshrl.u32 s2, $0x3  }
0x18a: {  	[sflag:s25] =	ssyncadd.s32 $0xFFFFC000;
	s2 =	sadd.s32 s1, s2  }
0x18b: {  	[tilespmem:s15], [sflag:$0x3] =	stream.strided.gather [hbm4b:s2+s11], $0x4000, s12, s11, $0x38;
	[tilespmem:$0x18080] =	vst v63  }
0x18c: {  	_ =	swait.ge [sflag:s26], $0x4000  }
0x18d: {  	s2 =	sld [smem:$0x7B2]  }
0x18e: {  	[sflag:s26] =	ssyncset.done $0x0  }
0x18f: {  	[sflag:s26] =	ssyncadd.s32 $0xFFFFC000  }
0x190: {  	[hbm4b:s2+s3] =	stream.linear.scatter [tilespmem:s17], [sflag:$0xB], $0x4000, $0x38;
	[tilespmem:$0x18080] =	vst v63  }
0x191: {  	s2 =	sadd.s32 s6, s0;
	_ =	swait.ge [sflag:s28], $0x4000  }
0x192: {  	s2 =	sshrl.u32 s2, $0x3;
	[sflag:s28] =	ssyncset.done $0x0  }
0x193: {  	s2 =	sadd.s32 s1, s2;
	[sflag:s28] =	ssyncadd.s32 $0xFFFFC000  }
0x194: {  	[tilespmem:s16], [sflag:$0x4] =	stream.strided.gather [hbm4b:s2+s11], $0x4000, s12, s11, $0x38;
	[tilespmem:$0x18080] =	vst v63  }
0x195: {  	_ =	swait.ge [sflag:s29], $0x4000  }
0x196: {  	s2 =	sld [smem:$0x7B3]  }
0x197: {  	[sflag:s29] =	ssyncset.done $0x0  }
0x198: {  	[sflag:s29] =	ssyncadd.s32 $0xFFFFC000  }
0x199: {  	[hbm4b:s2+s3] =	stream.linear.scatter [tilespmem:s19], [sflag:$0xC], $0x4000, $0x38;
	[tilespmem:$0x18080] =	vst v63  }
0x19a: {  	s2 =	sadd.s32 s7, s0;
	_ =	swait.ge [sflag:s30], $0x4000  }
0x19b: {  	s2 =	sshrl.u32 s2, $0x3;
	[sflag:s30] =	ssyncset.done $0x0  }
0x19c: {  	s2 =	sadd.s32 s1, s2;
	[sflag:s30] =	ssyncadd.s32 $0xFFFFC000  }
0x19d: {  	[tilespmem:s17], [sflag:$0x5] =	stream.strided.gather [hbm4b:s2+s11], $0x4000, s12, s11, $0x38;
	[tilespmem:$0x18080] =	vst v63  }
0x19e: {  	_ =	swait.ge [sflag:s18], $0x4000  }
0x19f: {  	s2 =	sld [smem:$0x7B4]  }
0x1a0: {  	[sflag:s18] =	ssyncset.done $0x0  }
0x1a1: {  	[sflag:s18] =	ssyncadd.s32 $0xFFFFC000  }
0x1a2: {  	[hbm4b:s2+s3] =	stream.linear.scatter [tilespmem:s13], [sflag:$0x7], $0x4000, $0x38;
	[tilespmem:$0x18080] =	vst v63  }
0x1a3: {  	s0 =	sadd.s32 s8, s0;
	_ =	swait.ge [sflag:s31], $0x4000  }
0x1a4: {  	s0 =	sshrl.u32 s0, $0x3;
	[sflag:s31] =	ssyncset.done $0x0  }
0x1a5: {  	s0 =	sadd.s32 s1, s0;
	[sflag:s31] =	ssyncadd.s32 $0xFFFFC000  }
0x1a6: {  	[tilespmem:s19], [sflag:$0x6] =	stream.strided.gather [hbm4b:s0+s11], $0x4000, s12, s11, $0x38;
	[tilespmem:$0x18080] =	vst v63  }
0x1a7: {  	_ =	swait.ge [sflag:s20], $0x4000  }
0x1a8: {  	s2 =	sld [smem:$0x7B5]  }
0x1a9: {  	[sflag:s20] =	ssyncset.done $0x0  }
0x1aa: {  	[sflag:s20] =	ssyncadd.s32 $0xFFFFC000  }
0x1ab: {  	[hbm4b:s2+s3] =	stream.linear.scatter [tilespmem:s14], [sflag:$0x8], $0x4000, $0x38;
	[tilespmem:$0x18080] =	vst v63  }
0x1ac: {  	_ =	swait.ge [sflag:s21], $0x4000  }
0x1ad: {  	(v2sf) =	vpush v1, $0x9;
	_ =	sdelay $0xe  }
0x1ae: {  	s2 =	spop (v2sf)  }
0x1af: {  	s0 =	sand.u32 $0x7FFFFC00, s2  }
0x1b0: {  	s2 =	sadd.s32 s5, s0  }
0x1b1: {  	[sflag:s21] =	ssyncset.done $0x0;
	s2 =	sshrl.u32 s2, $0x3  }
0x1b2: {  	[sflag:s21] =	ssyncadd.s32 $0xFFFFC000;
	s2 =	sadd.s32 s1, s2  }
0x1b3: {  	[tilespmem:s13], [sflag:$0x1] =	stream.strided.gather [hbm4b:s2+s11], $0x4000, s12, s11, $0x38;
	[tilespmem:$0x18080] =	vst v63  }
0x1b4: {  	_ =	swait.ge [sflag:s22], $0x4000  }
0x1b5: {  	s2 =	sld [smem:$0x7B6]  }
0x1b6: {  	[sflag:s22] =	ssyncset.done $0x0  }
0x1b7: {  	[sflag:s22] =	ssyncadd.s32 $0xFFFFC000  }
0x1b8: {  	[hbm4b:s2+s3] =	stream.linear.scatter [tilespmem:s15], [sflag:$0x9], $0x4000, $0x38;
	[tilespmem:$0x18080] =	vst v63  }
0x1b9: {  	s2 =	sadd.s32 s6, s0;
	_ =	swait.ge [sflag:s23], $0x4000  }
0x1ba: {  	s2 =	sshrl.u32 s2, $0x3;
	[sflag:s23] =	ssyncset.done $0x0  }
0x1bb: {  	s2 =	sadd.s32 s1, s2;
	[sflag:s23] =	ssyncadd.s32 $0xFFFFC000  }
0x1bc: {  	[tilespmem:s14], [sflag:$0x2] =	stream.strided.gather [hbm4b:s2+s11], $0x4000, s12, s11, $0x38;
	[tilespmem:$0x18080] =	vst v63  }
0x1bd: {  	_ =	swait.ge [sflag:s24], $0x4000  }
0x1be: {  	s2 =	sld [smem:$0x7B7]  }
0x1bf: {  	[sflag:s24] =	ssyncset.done $0x0  }
0x1c0: {  	[sflag:s24] =	ssyncadd.s32 $0xFFFFC000  }
0x1c1: {  	[hbm4b:s2+s3] =	stream.linear.scatter [tilespmem:s16], [sflag:$0xA], $0x4000, $0x38;
	[tilespmem:$0x18080] =	vst v63  }
0x1c2: {  	s2 =	sadd.s32 s7, s0;
	_ =	swait.ge [sflag:s25], $0x4000  }
0x1c3: {  	s2 =	sshrl.u32 s2, $0x3;
	[sflag:s25] =	ssyncset.done $0x0  }
0x1c4: {  	s2 =	sadd.s32 s1, s2;
	[sflag:s25] =	ssyncadd.s32 $0xFFFFC000  }
0x1c5: {  	[tilespmem:s15], [sflag:$0x3] =	stream.strided.gather [hbm4b:s2+s11], $0x4000, s12, s11, $0x38;
	[tilespmem:$0x18080] =	vst v63  }
0x1c6: {  	_ =	swait.ge [sflag:s26], $0x4000  }
0x1c7: {  	s2 =	sld [smem:$0x7B8]  }
0x1c8: {  	[sflag:s26] =	ssyncset.done $0x0  }
0x1c9: {  	[sflag:s26] =	ssyncadd.s32 $0xFFFFC000  }
0x1ca: {  	[hbm4b:s2+s3] =	stream.linear.scatter [tilespmem:s17], [sflag:$0xB], $0x4000, $0x38;
	[tilespmem:$0x18080] =	vst v63  }
0x1cb: {  	s0 =	sadd.s32 s8, s0;
	_ =	swait.ge [sflag:s28], $0x4000  }
0x1cc: {  	s0 =	sshrl.u32 s0, $0x3;
	[sflag:s28] =	ssyncset.done $0x0  }
0x1cd: {  	s0 =	sadd.s32 s1, s0;
	[sflag:s28] =	ssyncadd.s32 $0xFFFFC000  }
0x1ce: {  	[tilespmem:s16], [sflag:$0x4] =	stream.strided.gather [hbm4b:s0+s11], $0x4000, s12, s11, $0x38;
	[tilespmem:$0x18080] =	vst v63  }
0x1cf: {  	_ =	swait.ge [sflag:s29], $0x4000  }
0x1d0: {  	s2 =	sld [smem:$0x7B9]  }
0x1d1: {  	[sflag:s29] =	ssyncset.done $0x0  }
0x1d2: {  	[sflag:s29] =	ssyncadd.s32 $0xFFFFC000  }
0x1d3: {  	[hbm4b:s2+s3] =	stream.linear.scatter [tilespmem:s19], [sflag:$0xC], $0x4000, $0x38;
	[tilespmem:$0x18080] =	vst v63  }
0x1d4: {  	_ =	swait.ge [sflag:s30], $0x4000  }
0x1d5: {  	(v2sf) =	vpush v1, $0xA;
	_ =	sdelay $0xe  }
0x1d6: {  	s2 =	spop (v2sf)  }
0x1d7: {  	s0 =	sand.u32 $0x7FFFFC00, s2  }
0x1d8: {  	s2 =	sadd.s32 s5, s0  }
0x1d9: {  	[sflag:s30] =	ssyncset.done $0x0;
	s2 =	sshrl.u32 s2, $0x3  }
0x1da: {  	[sflag:s30] =	ssyncadd.s32 $0xFFFFC000;
	s2 =	sadd.s32 s1, s2  }
0x1db: {  	[tilespmem:s17], [sflag:$0x5] =	stream.strided.gather [hbm4b:s2+s11], $0x4000, s12, s11, $0x38;
	[tilespmem:$0x18080] =	vst v63  }
0x1dc: {  	_ =	swait.ge [sflag:s18], $0x4000  }
0x1dd: {  	s2 =	sld [smem:$0x7BA]  }
0x1de: {  	[sflag:s18] =	ssyncset.done $0x0  }
0x1df: {  	[sflag:s18] =	ssyncadd.s32 $0xFFFFC000  }
0x1e0: {  	[hbm4b:s2+s3] =	stream.linear.scatter [tilespmem:s13], [sflag:$0x7], $0x4000, $0x38;
	[tilespmem:$0x18080] =	vst v63  }
0x1e1: {  	s2 =	sadd.s32 s6, s0;
	_ =	swait.ge [sflag:s31], $0x4000  }
0x1e2: {  	s2 =	sshrl.u32 s2, $0x3;
	[sflag:s31] =	ssyncset.done $0x0  }
0x1e3: {  	s2 =	sadd.s32 s1, s2;
	[sflag:s31] =	ssyncadd.s32 $0xFFFFC000  }
0x1e4: {  	[tilespmem:s19], [sflag:$0x6] =	stream.strided.gather [hbm4b:s2+s11], $0x4000, s12, s11, $0x38;
	[tilespmem:$0x18080] =	vst v63  }
0x1e5: {  	_ =	swait.ge [sflag:s20], $0x4000  }
0x1e6: {  	s2 =	sld [smem:$0x7BB]  }
0x1e7: {  	[sflag:s20] =	ssyncset.done $0x0  }
0x1e8: {  	[sflag:s20] =	ssyncadd.s32 $0xFFFFC000  }
0x1e9: {  	[hbm4b:s2+s3] =	stream.linear.scatter [tilespmem:s14], [sflag:$0x8], $0x4000, $0x38;
	[tilespmem:$0x18080] =	vst v63  }
0x1ea: {  	s2 =	sadd.s32 s7, s0;
	_ =	swait.ge [sflag:s21], $0x4000  }
0x1eb: {  	s2 =	sshrl.u32 s2, $0x3;
	[sflag:s21] =	ssyncset.done $0x0  }
0x1ec: {  	s2 =	sadd.s32 s1, s2;
	[sflag:s21] =	ssyncadd.s32 $0xFFFFC000  }
0x1ed: {  	[tilespmem:s13], [sflag:$0x1] =	stream.strided.gather [hbm4b:s2+s11], $0x4000, s12, s11, $0x38;
	[tilespmem:$0x18080] =	vst v63  }
0x1ee: {  	_ =	swait.ge [sflag:s22], $0x4000  }
0x1ef: {  	s2 =	sld [smem:$0x7BC]  }
0x1f0: {  	[sflag:s22] =	ssyncset.done $0x0  }
0x1f1: {  	[sflag:s22] =	ssyncadd.s32 $0xFFFFC000  }
0x1f2: {  	[hbm4b:s2+s3] =	stream.linear.scatter [tilespmem:s15], [sflag:$0x9], $0x4000, $0x38;
	[tilespmem:$0x18080] =	vst v63  }
0x1f3: {  	s0 =	sadd.s32 s8, s0;
	_ =	swait.ge [sflag:s23], $0x4000  }
0x1f4: {  	s0 =	sshrl.u32 s0, $0x3;
	[sflag:s23] =	ssyncset.done $0x0  }
0x1f5: {  	s0 =	sadd.s32 s1, s0;
	[sflag:s23] =	ssyncadd.s32 $0xFFFFC000  }
0x1f6: {  	[tilespmem:s14], [sflag:$0x2] =	stream.strided.gather [hbm4b:s0+s11], $0x4000, s12, s11, $0x38;
	[tilespmem:$0x18080] =	vst v63  }
0x1f7: {  	_ =	swait.ge [sflag:s24], $0x4000  }
0x1f8: {  	s2 =	sld [smem:$0x7BD]  }
0x1f9: {  	[sflag:s24] =	ssyncset.done $0x0  }
0x1fa: {  	[sflag:s24] =	ssyncadd.s32 $0xFFFFC000  }
0x1fb: {  	[hbm4b:s2+s3] =	stream.linear.scatter [tilespmem:s16], [sflag:$0xA], $0x4000, $0x38;
	[tilespmem:$0x18080] =	vst v63  }
0x1fc: {  	_ =	swait.ge [sflag:s25], $0x4000  }
0x1fd: {  	(v2sf) =	vpush v1, $0xB;
	_ =	sdelay $0xe  }
0x1fe: {  	s2 =	spop (v2sf)  }
0x1ff: {  	s0 =	sand.u32 $0x7FFFFC00, s2  }
0x200: {  	s2 =	sadd.s32 s5, s0  }
0x201: {  	[sflag:s25] =	ssyncset.done $0x0;
	s2 =	sshrl.u32 s2, $0x3  }
0x202: {  	[sflag:s25] =	ssyncadd.s32 $0xFFFFC000;
	s2 =	sadd.s32 s1, s2  }
0x203: {  	[tilespmem:s15], [sflag:$0x3] =	stream.strided.gather [hbm4b:s2+s11], $0x4000, s12, s11, $0x38;
	[tilespmem:$0x18080] =	vst v63  }
0x204: {  	_ =	swait.ge [sflag:s26], $0x4000  }
0x205: {  	s2 =	sld [smem:$0x7BE]  }
0x206: {  	[sflag:s26] =	ssyncset.done $0x0  }
0x207: {  	[sflag:s26] =	ssyncadd.s32 $0xFFFFC000  }
0x208: {  	[hbm4b:s2+s3] =	stream.linear.scatter [tilespmem:s17], [sflag:$0xB], $0x4000, $0x38;
	[tilespmem:$0x18080] =	vst v63  }
0x209: {  	s2 =	sadd.s32 s6, s0;
	_ =	swait.ge [sflag:s28], $0x4000  }
0x20a: {  	s2 =	sshrl.u32 s2, $0x3;
	[sflag:s28] =	ssyncset.done $0x0  }
0x20b: {  	s2 =	sadd.s32 s1, s2;
	[sflag:s28] =	ssyncadd.s32 $0xFFFFC000  }
0x20c: {  	[tilespmem:s16], [sflag:$0x4] =	stream.strided.gather [hbm4b:s2+s11], $0x4000, s12, s11, $0x38;
	[tilespmem:$0x18080] =	vst v63  }
0x20d: {  	_ =	swait.ge [sflag:s29], $0x4000  }
0x20e: {  	s2 =	sld [smem:$0x7BF]  }
0x20f: {  	[sflag:s29] =	ssyncset.done $0x0  }
0x210: {  	[sflag:s29] =	ssyncadd.s32 $0xFFFFC000  }
0x211: {  	[hbm4b:s2+s3] =	stream.linear.scatter [tilespmem:s19], [sflag:$0xC], $0x4000, $0x38;
	[tilespmem:$0x18080] =	vst v63  }
0x212: {  	s2 =	sadd.s32 s7, s0;
	_ =	swait.ge [sflag:s30], $0x4000  }
0x213: {  	s2 =	sshrl.u32 s2, $0x3;
	[sflag:s30] =	ssyncset.done $0x0  }
0x214: {  	s2 =	sadd.s32 s1, s2;
	[sflag:s30] =	ssyncadd.s32 $0xFFFFC000  }
0x215: {  	[tilespmem:s17], [sflag:$0x5] =	stream.strided.gather [hbm4b:s2+s11], $0x4000, s12, s11, $0x38;
	[tilespmem:$0x18080] =	vst v63  }
0x216: {  	_ =	swait.ge [sflag:s18], $0x4000  }
0x217: {  	s2 =	sld [smem:$0x7C0]  }
0x218: {  	[sflag:s18] =	ssyncset.done $0x0  }
0x219: {  	[sflag:s18] =	ssyncadd.s32 $0xFFFFC000  }
0x21a: {  	[hbm4b:s2+s3] =	stream.linear.scatter [tilespmem:s13], [sflag:$0x7], $0x4000, $0x38;
	[tilespmem:$0x18080] =	vst v63  }
0x21b: {  	s0 =	sadd.s32 s8, s0;
	_ =	swait.ge [sflag:s31], $0x4000  }
0x21c: {  	s0 =	sshrl.u32 s0, $0x3;
	[sflag:s31] =	ssyncset.done $0x0  }
0x21d: {  	s0 =	sadd.s32 s1, s0;
	[sflag:s31] =	ssyncadd.s32 $0xFFFFC000  }
0x21e: {  	[tilespmem:s19], [sflag:$0x6] =	stream.strided.gather [hbm4b:s0+s11], $0x4000, s12, s11, $0x38;
	[tilespmem:$0x18080] =	vst v63  }
0x21f: {  	_ =	swait.ge [sflag:s20], $0x4000  }
0x220: {  	s2 =	sld [smem:$0x7C1]  }
0x221: {  	[sflag:s20] =	ssyncset.done $0x0  }
0x222: {  	[sflag:s20] =	ssyncadd.s32 $0xFFFFC000  }
0x223: {  	[hbm4b:s2+s3] =	stream.linear.scatter [tilespmem:s14], [sflag:$0x8], $0x4000, $0x38;
	[tilespmem:$0x18080] =	vst v63  }
0x224: {  	_ =	swait.ge [sflag:s21], $0x4000  }
0x225: {  	(v2sf) =	vpush v1, $0xC;
	_ =	sdelay $0xe  }
0x226: {  	s2 =	spop (v2sf)  }
0x227: {  	s0 =	sand.u32 $0x7FFFFC00, s2  }
0x228: {  	s2 =	sadd.s32 s5, s0  }
0x229: {  	[sflag:s21] =	ssyncset.done $0x0;
	s2 =	sshrl.u32 s2, $0x3  }
0x22a: {  	[sflag:s21] =	ssyncadd.s32 $0xFFFFC000;
	s2 =	sadd.s32 s1, s2  }
0x22b: {  	[tilespmem:s13], [sflag:$0x1] =	stream.strided.gather [hbm4b:s2+s11], $0x4000, s12, s11, $0x38;
	[tilespmem:$0x18080] =	vst v63  }
0x22c: {  	_ =	swait.ge [sflag:s22], $0x4000  }
0x22d: {  	s2 =	sld [smem:$0x7C2]  }
0x22e: {  	[sflag:s22] =	ssyncset.done $0x0  }
0x22f: {  	[sflag:s22] =	ssyncadd.s32 $0xFFFFC000  }
0x230: {  	[hbm4b:s2+s3] =	stream.linear.scatter [tilespmem:s15], [sflag:$0x9], $0x4000, $0x38;
	[tilespmem:$0x18080] =	vst v63  }
0x231: {  	s2 =	sadd.s32 s6, s0;
	_ =	swait.ge [sflag:s23], $0x4000  }
0x232: {  	s2 =	sshrl.u32 s2, $0x3;
	[sflag:s23] =	ssyncset.done $0x0  }
0x233: {  	s2 =	sadd.s32 s1, s2;
	[sflag:s23] =	ssyncadd.s32 $0xFFFFC000  }
0x234: {  	[tilespmem:s14], [sflag:$0x2] =	stream.strided.gather [hbm4b:s2+s11], $0x4000, s12, s11, $0x38;
	[tilespmem:$0x18080] =	vst v63  }
0x235: {  	_ =	swait.ge [sflag:s24], $0x4000  }
0x236: {  	s2 =	sld [smem:$0x7C3]  }
0x237: {  	[sflag:s24] =	ssyncset.done $0x0  }
0x238: {  	[sflag:s24] =	ssyncadd.s32 $0xFFFFC000  }
0x239: {  	[hbm4b:s2+s3] =	stream.linear.scatter [tilespmem:s16], [sflag:$0xA], $0x4000, $0x38;
	[tilespmem:$0x18080] =	vst v63  }
0x23a: {  	s2 =	sadd.s32 s7, s0;
	_ =	swait.ge [sflag:s25], $0x4000  }
0x23b: {  	s2 =	sshrl.u32 s2, $0x3;
	[sflag:s25] =	ssyncset.done $0x0  }
0x23c: {  	s2 =	sadd.s32 s1, s2;
	[sflag:s25] =	ssyncadd.s32 $0xFFFFC000  }
0x23d: {  	[tilespmem:s15], [sflag:$0x3] =	stream.strided.gather [hbm4b:s2+s11], $0x4000, s12, s11, $0x38;
	[tilespmem:$0x18080] =	vst v63  }
0x23e: {  	_ =	swait.ge [sflag:s26], $0x4000  }
0x23f: {  	s2 =	sld [smem:$0x7C4]  }
0x240: {  	[sflag:s26] =	ssyncset.done $0x0  }
0x241: {  	[sflag:s26] =	ssyncadd.s32 $0xFFFFC000  }
0x242: {  	[hbm4b:s2+s3] =	stream.linear.scatter [tilespmem:s17], [sflag:$0xB], $0x4000, $0x38;
	[tilespmem:$0x18080] =	vst v63  }
0x243: {  	s0 =	sadd.s32 s8, s0;
	_ =	swait.ge [sflag:s28], $0x4000  }
0x244: {  	s0 =	sshrl.u32 s0, $0x3;
	[sflag:s28] =	ssyncset.done $0x0  }
0x245: {  	s0 =	sadd.s32 s1, s0;
	[sflag:s28] =	ssyncadd.s32 $0xFFFFC000  }
0x246: {  	[tilespmem:s16], [sflag:$0x4] =	stream.strided.gather [hbm4b:s0+s11], $0x4000, s12, s11, $0x38;
	[tilespmem:$0x18080] =	vst v63  }
0x247: {  	_ =	swait.ge [sflag:s29], $0x4000  }
0x248: {  	s2 =	sld [smem:$0x7C5]  }
0x249: {  	[sflag:s29] =	ssyncset.done $0x0  }
0x24a: {  	[sflag:s29] =	ssyncadd.s32 $0xFFFFC000  }
0x24b: {  	[hbm4b:s2+s3] =	stream.linear.scatter [tilespmem:s19], [sflag:$0xC], $0x4000, $0x38;
	[tilespmem:$0x18080] =	vst v63  }
0x24c: {  	_ =	swait.ge [sflag:s30], $0x4000  }
0x24d: {  	(v2sf) =	vpush v1, $0xD;
	_ =	sdelay $0xe  }
0x24e: {  	s2 =	spop (v2sf)  }
0x24f: {  	s0 =	sand.u32 $0x7FFFFC00, s2  }
0x250: {  	s2 =	sadd.s32 s5, s0  }
0x251: {  	[sflag:s30] =	ssyncset.done $0x0;
	s2 =	sshrl.u32 s2, $0x3  }
0x252: {  	[sflag:s30] =	ssyncadd.s32 $0xFFFFC000;
	s2 =	sadd.s32 s1, s2  }
0x253: {  	[tilespmem:s17], [sflag:$0x5] =	stream.strided.gather [hbm4b:s2+s11], $0x4000, s12, s11, $0x38;
	[tilespmem:$0x18080] =	vst v63  }
0x254: {  	_ =	swait.ge [sflag:s18], $0x4000  }
0x255: {  	s2 =	sld [smem:$0x7C6]  }
0x256: {  	[sflag:s18] =	ssyncset.done $0x0  }
0x257: {  	[sflag:s18] =	ssyncadd.s32 $0xFFFFC000  }
0x258: {  	[hbm4b:s2+s3] =	stream.linear.scatter [tilespmem:s13], [sflag:$0x7], $0x4000, $0x38;
	[tilespmem:$0x18080] =	vst v63  }
0x259: {  	s2 =	sadd.s32 s6, s0;
	_ =	swait.ge [sflag:s31], $0x4000  }
0x25a: {  	s2 =	sshrl.u32 s2, $0x3;
	[sflag:s31] =	ssyncset.done $0x0  }
0x25b: {  	s2 =	sadd.s32 s1, s2;
	[sflag:s31] =	ssyncadd.s32 $0xFFFFC000  }
0x25c: {  	[tilespmem:s19], [sflag:$0x6] =	stream.strided.gather [hbm4b:s2+s11], $0x4000, s12, s11, $0x38;
	[tilespmem:$0x18080] =	vst v63  }
0x25d: {  	_ =	swait.ge [sflag:s20], $0x4000  }
0x25e: {  	s2 =	sld [smem:$0x7C7]  }
0x25f: {  	[sflag:s20] =	ssyncset.done $0x0  }
0x260: {  	[sflag:s20] =	ssyncadd.s32 $0xFFFFC000  }
0x261: {  	[hbm4b:s2+s3] =	stream.linear.scatter [tilespmem:s14], [sflag:$0x8], $0x4000, $0x38;
	[tilespmem:$0x18080] =	vst v63  }
0x262: {  	s2 =	sadd.s32 s7, s0;
	_ =	swait.ge [sflag:s21], $0x4000  }
0x263: {  	s2 =	sshrl.u32 s2, $0x3;
	[sflag:s21] =	ssyncset.done $0x0  }
0x264: {  	s2 =	sadd.s32 s1, s2;
	[sflag:s21] =	ssyncadd.s32 $0xFFFFC000  }
0x265: {  	[tilespmem:s13], [sflag:$0x1] =	stream.strided.gather [hbm4b:s2+s11], $0x4000, s12, s11, $0x38;
	[tilespmem:$0x18080] =	vst v63  }
0x266: {  	_ =	swait.ge [sflag:s22], $0x4000  }
0x267: {  	s2 =	sld [smem:$0x7C8]  }
0x268: {  	[sflag:s22] =	ssyncset.done $0x0  }
0x269: {  	[sflag:s22] =	ssyncadd.s32 $0xFFFFC000  }
0x26a: {  	[hbm4b:s2+s3] =	stream.linear.scatter [tilespmem:s15], [sflag:$0x9], $0x4000, $0x38;
	[tilespmem:$0x18080] =	vst v63  }
0x26b: {  	s0 =	sadd.s32 s8, s0;
	_ =	swait.ge [sflag:s23], $0x4000  }
0x26c: {  	s0 =	sshrl.u32 s0, $0x3;
	[sflag:s23] =	ssyncset.done $0x0  }
0x26d: {  	s0 =	sadd.s32 s1, s0;
	[sflag:s23] =	ssyncadd.s32 $0xFFFFC000  }
0x26e: {  	[tilespmem:s14], [sflag:$0x2] =	stream.strided.gather [hbm4b:s0+s11], $0x4000, s12, s11, $0x38;
	[tilespmem:$0x18080] =	vst v63  }
0x26f: {  	_ =	swait.ge [sflag:s24], $0x4000  }
0x270: {  	s2 =	sld [smem:$0x7C9]  }
0x271: {  	[sflag:s24] =	ssyncset.done $0x0  }
0x272: {  	[sflag:s24] =	ssyncadd.s32 $0xFFFFC000  }
0x273: {  	[hbm4b:s2+s3] =	stream.linear.scatter [tilespmem:s16], [sflag:$0xA], $0x4000, $0x38;
	[tilespmem:$0x18080] =	vst v63  }
0x274: {  	_ =	swait.ge [sflag:s25], $0x4000  }
0x275: {  	(v2sf) =	vpush v1, $0xE;
	_ =	sdelay $0xe  }
0x276: {  	s2 =	spop (v2sf)  }
0x277: {  	s0 =	sand.u32 $0x7FFFFC00, s2  }
0x278: {  	s2 =	sadd.s32 s5, s0  }
0x279: {  	[sflag:s25] =	ssyncset.done $0x0;
	s2 =	sshrl.u32 s2, $0x3  }
0x27a: {  	[sflag:s25] =	ssyncadd.s32 $0xFFFFC000;
	s2 =	sadd.s32 s1, s2  }
0x27b: {  	[tilespmem:s15], [sflag:$0x3] =	stream.strided.gather [hbm4b:s2+s11], $0x4000, s12, s11, $0x38;
	[tilespmem:$0x18080] =	vst v63  }
0x27c: {  	_ =	swait.ge [sflag:s26], $0x4000  }
0x27d: {  	s2 =	sld [smem:$0x7CA]  }
0x27e: {  	[sflag:s26] =	ssyncset.done $0x0  }
0x27f: {  	[sflag:s26] =	ssyncadd.s32 $0xFFFFC000  }
0x280: {  	[hbm4b:s2+s3] =	stream.linear.scatter [tilespmem:s17], [sflag:$0xB], $0x4000, $0x38;
	[tilespmem:$0x18080] =	vst v63  }
0x281: {  	s2 =	sadd.s32 s6, s0;
	_ =	swait.ge [sflag:s28], $0x4000  }
0x282: {  	s2 =	sshrl.u32 s2, $0x3;
	[sflag:s28] =	ssyncset.done $0x0  }
0x283: {  	s2 =	sadd.s32 s1, s2;
	[sflag:s28] =	ssyncadd.s32 $0xFFFFC000  }
0x284: {  	[tilespmem:s16], [sflag:$0x4] =	stream.strided.gather [hbm4b:s2+s11], $0x4000, s12, s11, $0x38;
	[tilespmem:$0x18080] =	vst v63  }
0x285: {  	_ =	swait.ge [sflag:s29], $0x4000  }
0x286: {  	s2 =	sld [smem:$0x7CB]  }
0x287: {  	[sflag:s29] =	ssyncset.done $0x0  }
0x288: {  	[sflag:s29] =	ssyncadd.s32 $0xFFFFC000  }
0x289: {  	[hbm4b:s2+s3] =	stream.linear.scatter [tilespmem:s19], [sflag:$0xC], $0x4000, $0x38;
	[tilespmem:$0x18080] =	vst v63  }
0x28a: {  	s2 =	sadd.s32 s7, s0;
	_ =	swait.ge [sflag:s30], $0x4000  }
0x28b: {  	s2 =	sshrl.u32 s2, $0x3;
	[sflag:s30] =	ssyncset.done $0x0  }
0x28c: {  	s2 =	sadd.s32 s1, s2;
	[sflag:s30] =	ssyncadd.s32 $0xFFFFC000  }
0x28d: {  	[tilespmem:s17], [sflag:$0x5] =	stream.strided.gather [hbm4b:s2+s11], $0x4000, s12, s11, $0x38;
	[tilespmem:$0x18080] =	vst v63  }
0x28e: {  	_ =	swait.ge [sflag:s18], $0x4000  }
0x28f: {  	s2 =	sld [smem:$0x7CC]  }
0x290: {  	[sflag:s18] =	ssyncset.done $0x0  }
0x291: {  	[sflag:s18] =	ssyncadd.s32 $0xFFFFC000  }
0x292: {  	[hbm4b:s2+s3] =	stream.linear.scatter [tilespmem:s13], [sflag:$0x7], $0x4000, $0x38;
	[tilespmem:$0x18080] =	vst v63  }
0x293: {  	s0 =	sadd.s32 s8, s0;
	_ =	swait.ge [sflag:s31], $0x4000  }
0x294: {  	s0 =	sshrl.u32 s0, $0x3;
	[sflag:s31] =	ssyncset.done $0x0  }
0x295: {  	s0 =	sadd.s32 s1, s0;
	[sflag:s31] =	ssyncadd.s32 $0xFFFFC000  }
0x296: {  	[tilespmem:s19], [sflag:$0x6] =	stream.strided.gather [hbm4b:s0+s11], $0x4000, s12, s11, $0x38;
	[tilespmem:$0x18080] =	vst v63  }
0x297: {  	_ =	swait.ge [sflag:s20], $0x4000  }
0x298: {  	s2 =	sld [smem:$0x7CD]  }
0x299: {  	[sflag:s20] =	ssyncset.done $0x0  }
0x29a: {  	[sflag:s20] =	ssyncadd.s32 $0xFFFFC000  }
0x29b: {  	[hbm4b:s2+s3] =	stream.linear.scatter [tilespmem:s14], [sflag:$0x8], $0x4000, $0x38;
	[tilespmem:$0x18080] =	vst v63  }
0x29c: {  	_ =	swait.ge [sflag:s21], $0x4000  }
0x29d: {  	(v2sf) =	vpush v1, $0xF;
	_ =	sdelay $0xe  }
0x29e: {  	s2 =	spop (v2sf)  }
0x29f: {  	s0 =	sand.u32 $0x7FFFFC00, s2  }
0x2a0: {  	s2 =	sadd.s32 s5, s0  }
0x2a1: {  	[sflag:s21] =	ssyncset.done $0x0;
	s2 =	sshrl.u32 s2, $0x3  }
0x2a2: {  	[sflag:s21] =	ssyncadd.s32 $0xFFFFC000;
	s2 =	sadd.s32 s1, s2  }
0x2a3: {  	[tilespmem:s13], [sflag:$0x1] =	stream.strided.gather [hbm4b:s2+s11], $0x4000, s12, s11, $0x38;
	[tilespmem:$0x18080] =	vst v63  }
0x2a4: {  	_ =	swait.ge [sflag:s22], $0x4000  }
0x2a5: {  	s2 =	sld [smem:$0x7CE]  }
0x2a6: {  	[sflag:s22] =	ssyncset.done $0x0  }
0x2a7: {  	[sflag:s22] =	ssyncadd.s32 $0xFFFFC000  }
0x2a8: {  	[hbm4b:s2+s3] =	stream.linear.scatter [tilespmem:s15], [sflag:$0x9], $0x4000, $0x38;
	[tilespmem:$0x18080] =	vst v63  }
0x2a9: {  	s2 =	sadd.s32 s6, s0;
	_ =	swait.ge [sflag:s23], $0x4000  }
0x2aa: {  	s2 =	sshrl.u32 s2, $0x3;
	[sflag:s23] =	ssyncset.done $0x0  }
0x2ab: {  	s2 =	sadd.s32 s1, s2;
	[sflag:s23] =	ssyncadd.s32 $0xFFFFC000  }
0x2ac: {  	[tilespmem:s14], [sflag:$0x2] =	stream.strided.gather [hbm4b:s2+s11], $0x4000, s12, s11, $0x38;
	[tilespmem:$0x18080] =	vst v63  }
0x2ad: {  	_ =	swait.ge [sflag:s24], $0x4000  }
0x2ae: {  	s2 =	sld [smem:$0x7CF]  }
0x2af: {  	[sflag:s24] =	ssyncset.done $0x0  }
0x2b0: {  	[sflag:s24] =	ssyncadd.s32 $0xFFFFC000  }
0x2b1: {  	[hbm4b:s2+s3] =	stream.linear.scatter [tilespmem:s16], [sflag:$0xA], $0x4000, $0x38;
	[tilespmem:$0x18080] =	vst v63  }
0x2b2: {  	s2 =	sadd.s32 s7, s0;
	_ =	swait.ge [sflag:s25], $0x4000  }
0x2b3: {  	s2 =	sshrl.u32 s2, $0x3;
	[sflag:s25] =	ssyncset.done $0x0  }
0x2b4: {  	s2 =	sadd.s32 s1, s2;
	[sflag:s25] =	ssyncadd.s32 $0xFFFFC000  }
0x2b5: {  	[tilespmem:s15], [sflag:$0x3] =	stream.strided.gather [hbm4b:s2+s11], $0x4000, s12, s11, $0x38;
	[tilespmem:$0x18080] =	vst v63  }
0x2b6: {  	_ =	swait.ge [sflag:s26], $0x4000  }
0x2b7: {  	s2 =	sld [smem:$0x7D0]  }
0x2b8: {  	[sflag:s26] =	ssyncset.done $0x0  }
0x2b9: {  	[sflag:s26] =	ssyncadd.s32 $0xFFFFC000  }
0x2ba: {  	[hbm4b:s2+s3] =	stream.linear.scatter [tilespmem:s17], [sflag:$0xB], $0x4000, $0x38;
	[tilespmem:$0x18080] =	vst v63  }
0x2bb: {  	s0 =	sadd.s32 s8, s0;
	_ =	swait.ge [sflag:s28], $0x4000  }
0x2bc: {  	s0 =	sshrl.u32 s0, $0x3;
	[sflag:s28] =	ssyncset.done $0x0  }
0x2bd: {  	s0 =	sadd.s32 s1, s0;
	[sflag:s28] =	ssyncadd.s32 $0xFFFFC000  }
0x2be: {  	[tilespmem:s16], [sflag:$0x4] =	stream.strided.gather [hbm4b:s0+s11], $0x4000, s12, s11, $0x38;
	[tilespmem:$0x18080] =	vst v63  }
0x2bf: {  	_ =	swait.ge [sflag:s29], $0x4000  }
0x2c0: {  	s2 =	sld [smem:$0x7D1]  }
0x2c1: {  	[sflag:s29] =	ssyncset.done $0x0  }
0x2c2: {  	[sflag:s29] =	ssyncadd.s32 $0xFFFFC000  }
0x2c3: {  	[hbm4b:s2+s3] =	stream.linear.scatter [tilespmem:s19], [sflag:$0xC], $0x4000, $0x38;
	[tilespmem:$0x18080] =	vst v63  }
0x2c4: {  	v0 =	vshll.u32 v63, $0x3;
	_ =	swait.ge [sflag:s30], $0x4000  }
0x2c5: {  	(v2sf) =	vpush v0, $0x0;
	_ =	sdelay $0xe  }
0x2c6: {  	s2 =	spop (v2sf)  }
0x2c7: {  	s0 =	sand.u32 $0x7FFFFC00, s2  }
0x2c8: {  	s2 =	sadd.s32 s5, s0  }
0x2c9: {  	[sflag:s30] =	ssyncset.done $0x0;
	s2 =	sshrl.u32 s2, $0x3  }
0x2ca: {  	[sflag:s30] =	ssyncadd.s32 $0xFFFFC000;
	s2 =	sadd.s32 s1, s2  }
0x2cb: {  	[tilespmem:s17], [sflag:$0x5] =	stream.strided.gather [hbm4b:s2+s11], $0x4000, s12, s11, $0x38;
	[tilespmem:$0x18080] =	vst v63  }
0x2cc: {  	_ =	swait.ge [sflag:s18], $0x4000  }
0x2cd: {  	s2 =	sld [smem:$0x7D2]  }
0x2ce: {  	[sflag:s18] =	ssyncset.done $0x0  }
0x2cf: {  	[sflag:s18] =	ssyncadd.s32 $0xFFFFC000  }
0x2d0: {  	[hbm4b:s2+s3] =	stream.linear.scatter [tilespmem:s13], [sflag:$0x7], $0x4000, $0x38;
	[tilespmem:$0x18080] =	vst v63  }
0x2d1: {  	s2 =	sadd.s32 s6, s0;
	_ =	swait.ge [sflag:s31], $0x4000  }
0x2d2: {  	s2 =	sshrl.u32 s2, $0x3;
	[sflag:s31] =	ssyncset.done $0x0  }
0x2d3: {  	s2 =	sadd.s32 s1, s2;
	[sflag:s31] =	ssyncadd.s32 $0xFFFFC000  }
0x2d4: {  	[tilespmem:s19], [sflag:$0x6] =	stream.strided.gather [hbm4b:s2+s11], $0x4000, s12, s11, $0x38;
	[tilespmem:$0x18080] =	vst v63  }
0x2d5: {  	_ =	swait.ge [sflag:s20], $0x4000  }
0x2d6: {  	s2 =	sld [smem:$0x7D3]  }
0x2d7: {  	[sflag:s20] =	ssyncset.done $0x0  }
0x2d8: {  	[sflag:s20] =	ssyncadd.s32 $0xFFFFC000  }
0x2d9: {  	[hbm4b:s2+s3] =	stream.linear.scatter [tilespmem:s14], [sflag:$0x8], $0x4000, $0x38;
	[tilespmem:$0x18080] =	vst v63  }
0x2da: {  	s2 =	sadd.s32 s7, s0;
	_ =	swait.ge [sflag:s21], $0x4000  }
0x2db: {  	s2 =	sshrl.u32 s2, $0x3;
	[sflag:s21] =	ssyncset.done $0x0  }
0x2dc: {  	s2 =	sadd.s32 s1, s2;
	[sflag:s21] =	ssyncadd.s32 $0xFFFFC000  }
0x2dd: {  	[tilespmem:s13], [sflag:$0x1] =	stream.strided.gather [hbm4b:s2+s11], $0x4000, s12, s11, $0x38;
	[tilespmem:$0x18080] =	vst v63  }
0x2de: {  	_ =	swait.ge [sflag:s22], $0x4000  }
0x2df: {  	s2 =	sld [smem:$0x7D4]  }
0x2e0: {  	[sflag:s22] =	ssyncset.done $0x0  }
0x2e1: {  	[sflag:s22] =	ssyncadd.s32 $0xFFFFC000  }
0x2e2: {  	[hbm4b:s2+s3] =	stream.linear.scatter [tilespmem:s15], [sflag:$0x9], $0x4000, $0x38;
	[tilespmem:$0x18080] =	vst v63  }
0x2e3: {  	s0 =	sadd.s32 s8, s0;
	_ =	swait.ge [sflag:s23], $0x4000  }
0x2e4: {  	s0 =	sshrl.u32 s0, $0x3;
	[sflag:s23] =	ssyncset.done $0x0  }
0x2e5: {  	s0 =	sadd.s32 s1, s0;
	[sflag:s23] =	ssyncadd.s32 $0xFFFFC000  }
0x2e6: {  	[tilespmem:s14], [sflag:$0x2] =	stream.strided.gather [hbm4b:s0+s11], $0x4000, s12, s11, $0x38;
	[tilespmem:$0x18080] =	vst v63  }
0x2e7: {  	_ =	swait.ge [sflag:s24], $0x4000  }
0x2e8: {  	s2 =	sld [smem:$0x7D5]  }
0x2e9: {  	[sflag:s24] =	ssyncset.done $0x0  }
0x2ea: {  	[sflag:s24] =	ssyncadd.s32 $0xFFFFC000  }
0x2eb: {  	[hbm4b:s2+s3] =	stream.linear.scatter [tilespmem:s16], [sflag:$0xA], $0x4000, $0x38;
	[tilespmem:$0x18080] =	vst v63  }
0x2ec: {  	_ =	swait.ge [sflag:s25], $0x4000  }
0x2ed: {  	(v2sf) =	vpush v0, $0x1;
	_ =	sdelay $0xe  }
0x2ee: {  	s2 =	spop (v2sf)  }
0x2ef: {  	s0 =	sand.u32 $0x7FFFFC00, s2  }
0x2f0: {  	s2 =	sadd.s32 s5, s0  }
0x2f1: {  	[sflag:s25] =	ssyncset.done $0x0;
	s2 =	sshrl.u32 s2, $0x3  }
0x2f2: {  	[sflag:s25] =	ssyncadd.s32 $0xFFFFC000;
	s2 =	sadd.s32 s1, s2  }
0x2f3: {  	[tilespmem:s15], [sflag:$0x3] =	stream.strided.gather [hbm4b:s2+s11], $0x4000, s12, s11, $0x38;
	[tilespmem:$0x18080] =	vst v63  }
0x2f4: {  	_ =	swait.ge [sflag:s26], $0x4000  }
0x2f5: {  	s2 =	sld [smem:$0x7D6]  }
0x2f6: {  	[sflag:s26] =	ssyncset.done $0x0  }
0x2f7: {  	[sflag:s26] =	ssyncadd.s32 $0xFFFFC000  }
0x2f8: {  	[hbm4b:s2+s3] =	stream.linear.scatter [tilespmem:s17], [sflag:$0xB], $0x4000, $0x38;
	[tilespmem:$0x18080] =	vst v63  }
0x2f9: {  	s2 =	sadd.s32 s6, s0;
	_ =	swait.ge [sflag:s28], $0x4000  }
0x2fa: {  	s2 =	sshrl.u32 s2, $0x3;
	[sflag:s28] =	ssyncset.done $0x0  }
0x2fb: {  	s2 =	sadd.s32 s1, s2;
	[sflag:s28] =	ssyncadd.s32 $0xFFFFC000  }
0x2fc: {  	[tilespmem:s16], [sflag:$0x4] =	stream.strided.gather [hbm4b:s2+s11], $0x4000, s12, s11, $0x38;
	[tilespmem:$0x18080] =	vst v63  }
0x2fd: {  	_ =	swait.ge [sflag:s29], $0x4000  }
0x2fe: {  	s2 =	sld [smem:$0x7D7]  }
0x2ff: {  	[sflag:s29] =	ssyncset.done $0x0  }
0x300: {  	[sflag:s29] =	ssyncadd.s32 $0xFFFFC000  }
0x301: {  	[hbm4b:s2+s3] =	stream.linear.scatter [tilespmem:s19], [sflag:$0xC], $0x4000, $0x38;
	[tilespmem:$0x18080] =	vst v63  }
0x302: {  	s2 =	sadd.s32 s7, s0;
	_ =	swait.ge [sflag:s30], $0x4000  }
0x303: {  	s2 =	sshrl.u32 s2, $0x3;
	[sflag:s30] =	ssyncset.done $0x0  }
0x304: {  	s2 =	sadd.s32 s1, s2;
	[sflag:s30] =	ssyncadd.s32 $0xFFFFC000  }
0x305: {  	[tilespmem:s17], [sflag:$0x5] =	stream.strided.gather [hbm4b:s2+s11], $0x4000, s12, s11, $0x38;
	[tilespmem:$0x18080] =	vst v63  }
0x306: {  	_ =	swait.ge [sflag:s18], $0x4000  }
0x307: {  	s2 =	sld [smem:$0x7D8]  }
0x308: {  	[sflag:s18] =	ssyncset.done $0x0  }
0x309: {  	[sflag:s18] =	ssyncadd.s32 $0xFFFFC000  }
0x30a: {  	[hbm4b:s2+s3] =	stream.linear.scatter [tilespmem:s13], [sflag:$0x7], $0x4000, $0x38;
	[tilespmem:$0x18080] =	vst v63  }
0x30b: {  	s0 =	sadd.s32 s8, s0;
	_ =	swait.ge [sflag:s31], $0x4000  }
0x30c: {  	s0 =	sshrl.u32 s0, $0x3;
	[sflag:s31] =	ssyncset.done $0x0  }
0x30d: {  	s0 =	sadd.s32 s1, s0;
	[sflag:s31] =	ssyncadd.s32 $0xFFFFC000  }
0x30e: {  	[tilespmem:s19], [sflag:$0x6] =	stream.strided.gather [hbm4b:s0+s11], $0x4000, s12, s11, $0x38;
	[tilespmem:$0x18080] =	vst v63  }
0x30f: {  	_ =	swait.ge [sflag:s20], $0x4000  }
0x310: {  	s2 =	sld [smem:$0x7D9]  }
0x311: {  	[sflag:s20] =	ssyncset.done $0x0  }
0x312: {  	[sflag:s20] =	ssyncadd.s32 $0xFFFFC000  }
0x313: {  	[hbm4b:s2+s3] =	stream.linear.scatter [tilespmem:s14], [sflag:$0x8], $0x4000, $0x38;
	[tilespmem:$0x18080] =	vst v63  }
0x314: {  	_ =	swait.ge [sflag:s21], $0x4000  }
0x315: {  	(v2sf) =	vpush v0, $0x2;
	_ =	sdelay $0xe  }
0x316: {  	s2 =	spop (v2sf)  }
0x317: {  	s0 =	sand.u32 $0x7FFFFC00, s2  }
0x318: {  	s2 =	sadd.s32 s5, s0  }
0x319: {  	[sflag:s21] =	ssyncset.done $0x0;
	s2 =	sshrl.u32 s2, $0x3  }
0x31a: {  	[sflag:s21] =	ssyncadd.s32 $0xFFFFC000;
	s2 =	sadd.s32 s1, s2  }
0x31b: {  	[tilespmem:s13], [sflag:$0x1] =	stream.strided.gather [hbm4b:s2+s11], $0x4000, s12, s11, $0x38;
	[tilespmem:$0x18080] =	vst v63  }
0x31c: {  	_ =	swait.ge [sflag:s22], $0x4000  }
0x31d: {  	s2 =	sld [smem:$0x7DA]  }
0x31e: {  	[sflag:s22] =	ssyncset.done $0x0  }
0x31f: {  	[sflag:s22] =	ssyncadd.s32 $0xFFFFC000  }
0x320: {  	[hbm4b:s2+s3] =	stream.linear.scatter [tilespmem:s15], [sflag:$0x9], $0x4000, $0x38;
	[tilespmem:$0x18080] =	vst v63  }
0x321: {  	s2 =	sadd.s32 s6, s0;
	_ =	swait.ge [sflag:s23], $0x4000  }
0x322: {  	s2 =	sshrl.u32 s2, $0x3;
	[sflag:s23] =	ssyncset.done $0x0  }
0x323: {  	s2 =	sadd.s32 s1, s2;
	[sflag:s23] =	ssyncadd.s32 $0xFFFFC000  }
0x324: {  	[tilespmem:s14], [sflag:$0x2] =	stream.strided.gather [hbm4b:s2+s11], $0x4000, s12, s11, $0x38;
	[tilespmem:$0x18080] =	vst v63  }
0x325: {  	_ =	swait.ge [sflag:s24], $0x4000  }
0x326: {  	s2 =	sld [smem:$0x7DB]  }
0x327: {  	[sflag:s24] =	ssyncset.done $0x0  }
0x328: {  	[sflag:s24] =	ssyncadd.s32 $0xFFFFC000  }
0x329: {  	[hbm4b:s2+s3] =	stream.linear.scatter [tilespmem:s16], [sflag:$0xA], $0x4000, $0x38;
	[tilespmem:$0x18080] =	vst v63  }
0x32a: {  	s2 =	sadd.s32 s7, s0;
	_ =	swait.ge [sflag:s25], $0x4000  }
0x32b: {  	s2 =	sshrl.u32 s2, $0x3;
	[sflag:s25] =	ssyncset.done $0x0  }
0x32c: {  	s2 =	sadd.s32 s1, s2;
	[sflag:s25] =	ssyncadd.s32 $0xFFFFC000  }
0x32d: {  	[tilespmem:s15], [sflag:$0x3] =	stream.strided.gather [hbm4b:s2+s11], $0x4000, s12, s11, $0x38;
	[tilespmem:$0x18080] =	vst v63  }
0x32e: {  	_ =	swait.ge [sflag:s26], $0x4000  }
0x32f: {  	s2 =	sld [smem:$0x7DC]  }
0x330: {  	[sflag:s26] =	ssyncset.done $0x0  }
0x331: {  	[sflag:s26] =	ssyncadd.s32 $0xFFFFC000  }
0x332: {  	[hbm4b:s2+s3] =	stream.linear.scatter [tilespmem:s17], [sflag:$0xB], $0x4000, $0x38;
	[tilespmem:$0x18080] =	vst v63  }
0x333: {  	s0 =	sadd.s32 s8, s0;
	_ =	swait.ge [sflag:s28], $0x4000  }
0x334: {  	s0 =	sshrl.u32 s0, $0x3;
	[sflag:s28] =	ssyncset.done $0x0  }
0x335: {  	s0 =	sadd.s32 s1, s0;
	[sflag:s28] =	ssyncadd.s32 $0xFFFFC000  }
0x336: {  	[tilespmem:s16], [sflag:$0x4] =	stream.strided.gather [hbm4b:s0+s11], $0x4000, s12, s11, $0x38;
	[tilespmem:$0x18080] =	vst v63  }
0x337: {  	_ =	swait.ge [sflag:s29], $0x4000  }
0x338: {  	s2 =	sld [smem:$0x7DD]  }
0x339: {  	[sflag:s29] =	ssyncset.done $0x0  }
0x33a: {  	[sflag:s29] =	ssyncadd.s32 $0xFFFFC000  }
0x33b: {  	[hbm4b:s2+s3] =	stream.linear.scatter [tilespmem:s19], [sflag:$0xC], $0x4000, $0x38;
	[tilespmem:$0x18080] =	vst v63  }
0x33c: {  	_ =	swait.ge [sflag:s30], $0x4000  }
0x33d: {  	(v2sf) =	vpush v0, $0x3;
	_ =	sdelay $0xe  }
0x33e: {  	s2 =	spop (v2sf)  }
0x33f: {  	s0 =	sand.u32 $0x7FFFFC00, s2  }
0x340: {  	s2 =	sadd.s32 s5, s0  }
0x341: {  	[sflag:s30] =	ssyncset.done $0x0;
	s2 =	sshrl.u32 s2, $0x3  }
0x342: {  	[sflag:s30] =	ssyncadd.s32 $0xFFFFC000;
	s2 =	sadd.s32 s1, s2  }
0x343: {  	[tilespmem:s17], [sflag:$0x5] =	stream.strided.gather [hbm4b:s2+s11], $0x4000, s12, s11, $0x38;
	[tilespmem:$0x18080] =	vst v63  }
0x344: {  	_ =	swait.ge [sflag:s18], $0x4000  }
0x345: {  	s2 =	sld [smem:$0x7DE]  }
0x346: {  	[sflag:s18] =	ssyncset.done $0x0  }
0x347: {  	[sflag:s18] =	ssyncadd.s32 $0xFFFFC000  }
0x348: {  	[hbm4b:s2+s3] =	stream.linear.scatter [tilespmem:s13], [sflag:$0x7], $0x4000, $0x38;
	[tilespmem:$0x18080] =	vst v63  }
0x349: {  	s2 =	sadd.s32 s6, s0;
	_ =	swait.ge [sflag:s31], $0x4000  }
0x34a: {  	s2 =	sshrl.u32 s2, $0x3;
	[sflag:s31] =	ssyncset.done $0x0  }
0x34b: {  	s2 =	sadd.s32 s1, s2;
	[sflag:s31] =	ssyncadd.s32 $0xFFFFC000  }
0x34c: {  	[tilespmem:s19], [sflag:$0x6] =	stream.strided.gather [hbm4b:s2+s11], $0x4000, s12, s11, $0x38;
	[tilespmem:$0x18080] =	vst v63  }
0x34d: {  	_ =	swait.ge [sflag:s20], $0x4000  }
0x34e: {  	s2 =	sld [smem:$0x7DF]  }
0x34f: {  	[sflag:s20] =	ssyncset.done $0x0  }
0x350: {  	[sflag:s20] =	ssyncadd.s32 $0xFFFFC000  }
0x351: {  	[hbm4b:s2+s3] =	stream.linear.scatter [tilespmem:s14], [sflag:$0x8], $0x4000, $0x38;
	[tilespmem:$0x18080] =	vst v63  }
0x352: {  	s2 =	sadd.s32 s7, s0;
	_ =	swait.ge [sflag:s21], $0x4000  }
0x353: {  	s2 =	sshrl.u32 s2, $0x3;
	[sflag:s21] =	ssyncset.done $0x0  }
0x354: {  	s2 =	sadd.s32 s1, s2;
	[sflag:s21] =	ssyncadd.s32 $0xFFFFC000  }
0x355: {  	[tilespmem:s13], [sflag:$0x1] =	stream.strided.gather [hbm4b:s2+s11], $0x4000, s12, s11, $0x38;
	[tilespmem:$0x18080] =	vst v63  }
0x356: {  	_ =	swait.ge [sflag:s22], $0x4000  }
0x357: {  	s2 =	sld [smem:$0x7E0]  }
0x358: {  	[sflag:s22] =	ssyncset.done $0x0  }
0x359: {  	[sflag:s22] =	ssyncadd.s32 $0xFFFFC000  }
0x35a: {  	[hbm4b:s2+s3] =	stream.linear.scatter [tilespmem:s15], [sflag:$0x9], $0x4000, $0x38;
	[tilespmem:$0x18080] =	vst v63  }
0x35b: {  	s0 =	sadd.s32 s8, s0;
	_ =	swait.ge [sflag:s23], $0x4000  }
0x35c: {  	s0 =	sshrl.u32 s0, $0x3;
	[sflag:s23] =	ssyncset.done $0x0  }
0x35d: {  	s0 =	sadd.s32 s1, s0;
	[sflag:s23] =	ssyncadd.s32 $0xFFFFC000  }
0x35e: {  	[tilespmem:s14], [sflag:$0x2] =	stream.strided.gather [hbm4b:s0+s11], $0x4000, s12, s11, $0x38;
	[tilespmem:$0x18080] =	vst v63  }
0x35f: {  	_ =	swait.ge [sflag:s24], $0x4000  }
0x360: {  	s2 =	sld [smem:$0x7E1]  }
0x361: {  	[sflag:s24] =	ssyncset.done $0x0  }
0x362: {  	[sflag:s24] =	ssyncadd.s32 $0xFFFFC000  }
0x363: {  	[hbm4b:s2+s3] =	stream.linear.scatter [tilespmem:s16], [sflag:$0xA], $0x4000, $0x38;
	[tilespmem:$0x18080] =	vst v63  }
0x364: {  	_ =	swait.ge [sflag:s25], $0x4000  }
0x365: {  	(v2sf) =	vpush v0, $0x4;
	_ =	sdelay $0xe  }
0x366: {  	s2 =	spop (v2sf)  }
0x367: {  	s0 =	sand.u32 $0x7FFFFC00, s2  }
0x368: {  	s2 =	sadd.s32 s5, s0  }
0x369: {  	[sflag:s25] =	ssyncset.done $0x0;
	s2 =	sshrl.u32 s2, $0x3  }
0x36a: {  	[sflag:s25] =	ssyncadd.s32 $0xFFFFC000;
	s2 =	sadd.s32 s1, s2  }
0x36b: {  	[tilespmem:s15], [sflag:$0x3] =	stream.strided.gather [hbm4b:s2+s11], $0x4000, s12, s11, $0x38;
	[tilespmem:$0x18080] =	vst v63  }
0x36c: {  	_ =	swait.ge [sflag:s26], $0x4000  }
0x36d: {  	s2 =	sld [smem:$0x7E2]  }
0x36e: {  	[sflag:s26] =	ssyncset.done $0x0  }
0x36f: {  	[sflag:s26] =	ssyncadd.s32 $0xFFFFC000  }
0x370: {  	[hbm4b:s2+s3] =	stream.linear.scatter [tilespmem:s17], [sflag:$0xB], $0x4000, $0x38;
	[tilespmem:$0x18080] =	vst v63  }
0x371: {  	s2 =	sadd.s32 s6, s0;
	_ =	swait.ge [sflag:s28], $0x4000  }
0x372: {  	s2 =	sshrl.u32 s2, $0x3;
	[sflag:s28] =	ssyncset.done $0x0  }
0x373: {  	s2 =	sadd.s32 s1, s2;
	[sflag:s28] =	ssyncadd.s32 $0xFFFFC000  }
0x374: {  	[tilespmem:s16], [sflag:$0x4] =	stream.strided.gather [hbm4b:s2+s11], $0x4000, s12, s11, $0x38;
	[tilespmem:$0x18080] =	vst v63  }
0x375: {  	_ =	swait.ge [sflag:s29], $0x4000  }
0x376: {  	s2 =	sld [smem:$0x7E3]  }
0x377: {  	[sflag:s29] =	ssyncset.done $0x0  }
0x378: {  	[sflag:s29] =	ssyncadd.s32 $0xFFFFC000  }
0x379: {  	[hbm4b:s2+s3] =	stream.linear.scatter [tilespmem:s19], [sflag:$0xC], $0x4000, $0x38;
	[tilespmem:$0x18080] =	vst v63  }
0x37a: {  	s2 =	sadd.s32 s7, s0;
	_ =	swait.ge [sflag:s30], $0x4000  }
0x37b: {  	s2 =	sshrl.u32 s2, $0x3;
	[sflag:s30] =	ssyncset.done $0x0  }
0x37c: {  	s2 =	sadd.s32 s1, s2;
	[sflag:s30] =	ssyncadd.s32 $0xFFFFC000  }
0x37d: {  	[tilespmem:s17], [sflag:$0x5] =	stream.strided.gather [hbm4b:s2+s11], $0x4000, s12, s11, $0x38;
	[tilespmem:$0x18080] =	vst v63  }
0x37e: {  	_ =	swait.ge [sflag:s18], $0x4000  }
0x37f: {  	s2 =	sld [smem:$0x7E4]  }
0x380: {  	[sflag:s18] =	ssyncset.done $0x0  }
0x381: {  	[sflag:s18] =	ssyncadd.s32 $0xFFFFC000  }
0x382: {  	[hbm4b:s2+s3] =	stream.linear.scatter [tilespmem:s13], [sflag:$0x7], $0x4000, $0x38;
	[tilespmem:$0x18080] =	vst v63  }
0x383: {  	s0 =	sadd.s32 s8, s0;
	_ =	swait.ge [sflag:s31], $0x4000  }
0x384: {  	s0 =	sshrl.u32 s0, $0x3;
	[sflag:s31] =	ssyncset.done $0x0  }
0x385: {  	s0 =	sadd.s32 s1, s0;
	[sflag:s31] =	ssyncadd.s32 $0xFFFFC000  }
0x386: {  	[tilespmem:s19], [sflag:$0x6] =	stream.strided.gather [hbm4b:s0+s11], $0x4000, s12, s11, $0x38;
	[tilespmem:$0x18080] =	vst v63  }
0x387: {  	_ =	swait.ge [sflag:s20], $0x4000  }
0x388: {  	s2 =	sld [smem:$0x7E5]  }
0x389: {  	[sflag:s20] =	ssyncset.done $0x0  }
0x38a: {  	[sflag:s20] =	ssyncadd.s32 $0xFFFFC000  }
0x38b: {  	[hbm4b:s2+s3] =	stream.linear.scatter [tilespmem:s14], [sflag:$0x8], $0x4000, $0x38;
	[tilespmem:$0x18080] =	vst v63  }
0x38c: {  	_ =	swait.ge [sflag:s21], $0x4000  }
0x38d: {  	(v2sf) =	vpush v0, $0x5;
	_ =	sdelay $0xe  }
0x38e: {  	s2 =	spop (v2sf)  }
0x38f: {  	s0 =	sand.u32 $0x7FFFFC00, s2  }
0x390: {  	s2 =	sadd.s32 s5, s0  }
0x391: {  	[sflag:s21] =	ssyncset.done $0x0;
	s2 =	sshrl.u32 s2, $0x3  }
0x392: {  	[sflag:s21] =	ssyncadd.s32 $0xFFFFC000;
	s2 =	sadd.s32 s1, s2  }
0x393: {  	[tilespmem:s13], [sflag:$0x1] =	stream.strided.gather [hbm4b:s2+s11], $0x4000, s12, s11, $0x38;
	[tilespmem:$0x18080] =	vst v63  }
0x394: {  	_ =	swait.ge [sflag:s22], $0x4000  }
0x395: {  	s2 =	sld [smem:$0x7E6]  }
0x396: {  	[sflag:s22] =	ssyncset.done $0x0  }
0x397: {  	[sflag:s22] =	ssyncadd.s32 $0xFFFFC000  }
0x398: {  	[hbm4b:s2+s3] =	stream.linear.scatter [tilespmem:s15], [sflag:$0x9], $0x4000, $0x38;
	[tilespmem:$0x18080] =	vst v63  }
0x399: {  	s2 =	sadd.s32 s6, s0;
	_ =	swait.ge [sflag:s23], $0x4000  }
0x39a: {  	s2 =	sshrl.u32 s2, $0x3;
	[sflag:s23] =	ssyncset.done $0x0  }
0x39b: {  	s2 =	sadd.s32 s1, s2;
	[sflag:s23] =	ssyncadd.s32 $0xFFFFC000  }
0x39c: {  	[tilespmem:s14], [sflag:$0x2] =	stream.strided.gather [hbm4b:s2+s11], $0x4000, s12, s11, $0x38;
	[tilespmem:$0x18080] =	vst v63  }
0x39d: {  	_ =	swait.ge [sflag:s24], $0x4000  }
0x39e: {  	s2 =	sld [smem:$0x7E7]  }
0x39f: {  	[sflag:s24] =	ssyncset.done $0x0  }
0x3a0: {  	[sflag:s24] =	ssyncadd.s32 $0xFFFFC000  }
0x3a1: {  	[hbm4b:s2+s3] =	stream.linear.scatter [tilespmem:s16], [sflag:$0xA], $0x4000, $0x38;
	[tilespmem:$0x18080] =	vst v63  }
0x3a2: {  	s2 =	sadd.s32 s7, s0;
	_ =	swait.ge [sflag:s25], $0x4000  }
0x3a3: {  	s2 =	sshrl.u32 s2, $0x3;
	[sflag:s25] =	ssyncset.done $0x0  }
0x3a4: {  	s2 =	sadd.s32 s1, s2;
	[sflag:s25] =	ssyncadd.s32 $0xFFFFC000  }
0x3a5: {  	[tilespmem:s15], [sflag:$0x3] =	stream.strided.gather [hbm4b:s2+s11], $0x4000, s12, s11, $0x38;
	[tilespmem:$0x18080] =	vst v63  }
0x3a6: {  	_ =	swait.ge [sflag:s26], $0x4000  }
0x3a7: {  	s2 =	sld [smem:$0x7E8]  }
0x3a8: {  	[sflag:s26] =	ssyncset.done $0x0  }
0x3a9: {  	[sflag:s26] =	ssyncadd.s32 $0xFFFFC000  }
0x3aa: {  	[hbm4b:s2+s3] =	stream.linear.scatter [tilespmem:s17], [sflag:$0xB], $0x4000, $0x38;
	[tilespmem:$0x18080] =	vst v63  }
0x3ab: {  	s0 =	sadd.s32 s8, s0;
	_ =	swait.ge [sflag:s28], $0x4000  }
0x3ac: {  	s0 =	sshrl.u32 s0, $0x3;
	[sflag:s28] =	ssyncset.done $0x0  }
0x3ad: {  	s0 =	sadd.s32 s1, s0;
	[sflag:s28] =	ssyncadd.s32 $0xFFFFC000  }
0x3ae: {  	[tilespmem:s16], [sflag:$0x4] =	stream.strided.gather [hbm4b:s0+s11], $0x4000, s12, s11, $0x38;
	[tilespmem:$0x18080] =	vst v63  }
0x3af: {  	_ =	swait.ge [sflag:s29], $0x4000  }
0x3b0: {  	s2 =	sld [smem:$0x7E9]  }
0x3b1: {  	[sflag:s29] =	ssyncset.done $0x0  }
0x3b2: {  	[sflag:s29] =	ssyncadd.s32 $0xFFFFC000  }
0x3b3: {  	[hbm4b:s2+s3] =	stream.linear.scatter [tilespmem:s19], [sflag:$0xC], $0x4000, $0x38;
	[tilespmem:$0x18080] =	vst v63  }
0x3b4: {  	_ =	swait.ge [sflag:s30], $0x4000  }
0x3b5: {  	(v2sf) =	vpush v0, $0x6;
	_ =	sdelay $0xe  }
0x3b6: {  	s2 =	spop (v2sf)  }
0x3b7: {  	s0 =	sand.u32 $0x7FFFFC00, s2  }
0x3b8: {  	s2 =	sadd.s32 s5, s0  }
0x3b9: {  	[sflag:s30] =	ssyncset.done $0x0;
	s2 =	sshrl.u32 s2, $0x3  }
0x3ba: {  	[sflag:s30] =	ssyncadd.s32 $0xFFFFC000;
	s2 =	sadd.s32 s1, s2  }
0x3bb: {  	[tilespmem:s17], [sflag:$0x5] =	stream.strided.gather [hbm4b:s2+s11], $0x4000, s12, s11, $0x38;
	[tilespmem:$0x18080] =	vst v63  }
0x3bc: {  	_ =	swait.ge [sflag:s18], $0x4000  }
0x3bd: {  	s2 =	sld [smem:$0x7EA]  }
0x3be: {  	[sflag:s18] =	ssyncset.done $0x0  }
0x3bf: {  	[sflag:s18] =	ssyncadd.s32 $0xFFFFC000  }
0x3c0: {  	[hbm4b:s2+s3] =	stream.linear.scatter [tilespmem:s13], [sflag:$0x7], $0x4000, $0x38;
	[tilespmem:$0x18080] =	vst v63  }
0x3c1: {  	s2 =	sadd.s32 s6, s0;
	_ =	swait.ge [sflag:s31], $0x4000  }
0x3c2: {  	s2 =	sshrl.u32 s2, $0x3;
	[sflag:s31] =	ssyncset.done $0x0  }
0x3c3: {  	s2 =	sadd.s32 s1, s2;
	[sflag:s31] =	ssyncadd.s32 $0xFFFFC000  }
0x3c4: {  	[tilespmem:s19], [sflag:$0x6] =	stream.strided.gather [hbm4b:s2+s11], $0x4000, s12, s11, $0x38;
	[tilespmem:$0x18080] =	vst v63  }
0x3c5: {  	_ =	swait.ge [sflag:s20], $0x4000  }
0x3c6: {  	s2 =	sld [smem:$0x7EB]  }
0x3c7: {  	[sflag:s20] =	ssyncset.done $0x0  }
0x3c8: {  	[sflag:s20] =	ssyncadd.s32 $0xFFFFC000  }
0x3c9: {  	[hbm4b:s2+s3] =	stream.linear.scatter [tilespmem:s14], [sflag:$0x8], $0x4000, $0x38;
	[tilespmem:$0x18080] =	vst v63  }
0x3ca: {  	s2 =	sadd.s32 s7, s0;
	_ =	swait.ge [sflag:s21], $0x4000  }
0x3cb: {  	s2 =	sshrl.u32 s2, $0x3;
	[sflag:s21] =	ssyncset.done $0x0  }
0x3cc: {  	s2 =	sadd.s32 s1, s2;
	[sflag:s21] =	ssyncadd.s32 $0xFFFFC000  }
0x3cd: {  	[tilespmem:s13], [sflag:$0x1] =	stream.strided.gather [hbm4b:s2+s11], $0x4000, s12, s11, $0x38;
	[tilespmem:$0x18080] =	vst v63  }
0x3ce: {  	_ =	swait.ge [sflag:s22], $0x4000  }
0x3cf: {  	s2 =	sld [smem:$0x7EC]  }
0x3d0: {  	[sflag:s22] =	ssyncset.done $0x0  }
0x3d1: {  	[sflag:s22] =	ssyncadd.s32 $0xFFFFC000  }
0x3d2: {  	[hbm4b:s2+s3] =	stream.linear.scatter [tilespmem:s15], [sflag:$0x9], $0x4000, $0x38;
	[tilespmem:$0x18080] =	vst v63  }
0x3d3: {  	s0 =	sadd.s32 s8, s0;
	_ =	swait.ge [sflag:s23], $0x4000  }
0x3d4: {  	s0 =	sshrl.u32 s0, $0x3;
	[sflag:s23] =	ssyncset.done $0x0  }
0x3d5: {  	s0 =	sadd.s32 s1, s0;
	[sflag:s23] =	ssyncadd.s32 $0xFFFFC000  }
0x3d6: {  	[tilespmem:s14], [sflag:$0x2] =	stream.strided.gather [hbm4b:s0+s11], $0x4000, s12, s11, $0x38;
	[tilespmem:$0x18080] =	vst v63  }
0x3d7: {  	_ =	swait.ge [sflag:s24], $0x4000  }
0x3d8: {  	s2 =	sld [smem:$0x7ED]  }
0x3d9: {  	[sflag:s24] =	ssyncset.done $0x0  }
0x3da: {  	[sflag:s24] =	ssyncadd.s32 $0xFFFFC000  }
0x3db: {  	[hbm4b:s2+s3] =	stream.linear.scatter [tilespmem:s16], [sflag:$0xA], $0x4000, $0x38;
	[tilespmem:$0x18080] =	vst v63  }
0x3dc: {  	_ =	swait.ge [sflag:s25], $0x4000  }
0x3dd: {  	(v2sf) =	vpush v0, $0x7;
	_ =	sdelay $0xe  }
0x3de: {  	s2 =	spop (v2sf)  }
0x3df: {  	s0 =	sand.u32 $0x7FFFFC00, s2  }
0x3e0: {  	s2 =	sadd.s32 s5, s0  }
0x3e1: {  	[sflag:s25] =	ssyncset.done $0x0;
	s2 =	sshrl.u32 s2, $0x3  }
0x3e2: {  	[sflag:s25] =	ssyncadd.s32 $0xFFFFC000;
	s2 =	sadd.s32 s1, s2  }
0x3e3: {  	[tilespmem:s15], [sflag:$0x3] =	stream.strided.gather [hbm4b:s2+s11], $0x4000, s12, s11, $0x38;
	[tilespmem:$0x18080] =	vst v63  }
0x3e4: {  	_ =	swait.ge [sflag:s26], $0x4000  }
0x3e5: {  	s2 =	sld [smem:$0x7EE]  }
0x3e6: {  	[sflag:s26] =	ssyncset.done $0x0  }
0x3e7: {  	[sflag:s26] =	ssyncadd.s32 $0xFFFFC000  }
0x3e8: {  	[hbm4b:s2+s3] =	stream.linear.scatter [tilespmem:s17], [sflag:$0xB], $0x4000, $0x38;
	[tilespmem:$0x18080] =	vst v63  }
0x3e9: {  	s2 =	sadd.s32 s6, s0;
	_ =	swait.ge [sflag:s28], $0x4000  }
0x3ea: {  	s2 =	sshrl.u32 s2, $0x3;
	[sflag:s28] =	ssyncset.done $0x0  }
0x3eb: {  	s2 =	sadd.s32 s1, s2;
	[sflag:s28] =	ssyncadd.s32 $0xFFFFC000  }
0x3ec: {  	[tilespmem:s16], [sflag:$0x4] =	stream.strided.gather [hbm4b:s2+s11], $0x4000, s12, s11, $0x38;
	[tilespmem:$0x18080] =	vst v63  }
0x3ed: {  	_ =	swait.ge [sflag:s29], $0x4000  }
0x3ee: {  	s2 =	sld [smem:$0x7EF]  }
0x3ef: {  	[sflag:s29] =	ssyncset.done $0x0  }
0x3f0: {  	[sflag:s29] =	ssyncadd.s32 $0xFFFFC000  }
0x3f1: {  	[hbm4b:s2+s3] =	stream.linear.scatter [tilespmem:s19], [sflag:$0xC], $0x4000, $0x38;
	[tilespmem:$0x18080] =	vst v63  }
0x3f2: {  	s2 =	sadd.s32 s7, s0;
	_ =	swait.ge [sflag:s30], $0x4000  }
0x3f3: {  	s2 =	sshrl.u32 s2, $0x3;
	[sflag:s30] =	ssyncset.done $0x0  }
0x3f4: {  	s2 =	sadd.s32 s1, s2;
	[sflag:s30] =	ssyncadd.s32 $0xFFFFC000  }
0x3f5: {  	[tilespmem:s17], [sflag:$0x5] =	stream.strided.gather [hbm4b:s2+s11], $0x4000, s12, s11, $0x38;
	[tilespmem:$0x18080] =	vst v63  }
0x3f6: {  	_ =	swait.ge [sflag:s18], $0x4000  }
0x3f7: {  	s2 =	sld [smem:$0x7F0]  }
0x3f8: {  	[sflag:s18] =	ssyncset.done $0x0  }
0x3f9: {  	[sflag:s18] =	ssyncadd.s32 $0xFFFFC000  }
0x3fa: {  	[hbm4b:s2+s3] =	stream.linear.scatter [tilespmem:s13], [sflag:$0x7], $0x4000, $0x38;
	[tilespmem:$0x18080] =	vst v63  }
0x3fb: {  	s0 =	sadd.s32 s8, s0;
	_ =	swait.ge [sflag:s31], $0x4000  }
0x3fc: {  	s0 =	sshrl.u32 s0, $0x3;
	[sflag:s31] =	ssyncset.done $0x0  }
0x3fd: {  	s0 =	sadd.s32 s1, s0;
	[sflag:s31] =	ssyncadd.s32 $0xFFFFC000  }
0x3fe: {  	[tilespmem:s19], [sflag:$0x6] =	stream.strided.gather [hbm4b:s0+s11], $0x4000, s12, s11, $0x38;
	[tilespmem:$0x18080] =	vst v63  }
0x3ff: {  	_ =	swait.ge [sflag:s20], $0x4000  }
0x400: {  	s2 =	sld [smem:$0x7F1]  }
0x401: {  	[sflag:s20] =	ssyncset.done $0x0  }
0x402: {  	[sflag:s20] =	ssyncadd.s32 $0xFFFFC000  }
0x403: {  	[hbm4b:s2+s3] =	stream.linear.scatter [tilespmem:s14], [sflag:$0x8], $0x4000, $0x38;
	[tilespmem:$0x18080] =	vst v63  }
0x404: {  	_ =	swait.ge [sflag:s21], $0x4000  }
0x405: {  	(v2sf) =	vpush v0, $0x8;
	_ =	sdelay $0xe  }
0x406: {  	s2 =	spop (v2sf)  }
0x407: {  	s0 =	sand.u32 $0x7FFFFC00, s2  }
0x408: {  	s2 =	sadd.s32 s5, s0  }
0x409: {  	[sflag:s21] =	ssyncset.done $0x0;
	s2 =	sshrl.u32 s2, $0x3  }
0x40a: {  	[sflag:s21] =	ssyncadd.s32 $0xFFFFC000;
	s2 =	sadd.s32 s1, s2  }
0x40b: {  	[tilespmem:s13], [sflag:$0x1] =	stream.strided.gather [hbm4b:s2+s11], $0x4000, s12, s11, $0x38;
	[tilespmem:$0x18080] =	vst v63  }
0x40c: {  	_ =	swait.ge [sflag:s22], $0x4000  }
0x40d: {  	s2 =	sld [smem:$0x7F2]  }
0x40e: {  	[sflag:s22] =	ssyncset.done $0x0  }
0x40f: {  	[sflag:s22] =	ssyncadd.s32 $0xFFFFC000  }
0x410: {  	[hbm4b:s2+s3] =	stream.linear.scatter [tilespmem:s15], [sflag:$0x9], $0x4000, $0x38;
	[tilespmem:$0x18080] =	vst v63  }
0x411: {  	s2 =	sadd.s32 s6, s0;
	_ =	swait.ge [sflag:s23], $0x4000  }
0x412: {  	s2 =	sshrl.u32 s2, $0x3;
	[sflag:s23] =	ssyncset.done $0x0  }
0x413: {  	s2 =	sadd.s32 s1, s2;
	[sflag:s23] =	ssyncadd.s32 $0xFFFFC000  }
0x414: {  	[tilespmem:s14], [sflag:$0x2] =	stream.strided.gather [hbm4b:s2+s11], $0x4000, s12, s11, $0x38;
	[tilespmem:$0x18080] =	vst v63  }
0x415: {  	_ =	swait.ge [sflag:s24], $0x4000  }
0x416: {  	s2 =	sld [smem:$0x7F3]  }
0x417: {  	[sflag:s24] =	ssyncset.done $0x0  }
0x418: {  	[sflag:s24] =	ssyncadd.s32 $0xFFFFC000  }
0x419: {  	[hbm4b:s2+s3] =	stream.linear.scatter [tilespmem:s16], [sflag:$0xA], $0x4000, $0x38;
	[tilespmem:$0x18080] =	vst v63  }
0x41a: {  	s2 =	sadd.s32 s7, s0;
	_ =	swait.ge [sflag:s25], $0x4000  }
0x41b: {  	s2 =	sshrl.u32 s2, $0x3;
	[sflag:s25] =	ssyncset.done $0x0  }
0x41c: {  	s2 =	sadd.s32 s1, s2;
	[sflag:s25] =	ssyncadd.s32 $0xFFFFC000  }
0x41d: {  	[tilespmem:s15], [sflag:$0x3] =	stream.strided.gather [hbm4b:s2+s11], $0x4000, s12, s11, $0x38;
	[tilespmem:$0x18080] =	vst v63  }
0x41e: {  	_ =	swait.ge [sflag:s26], $0x4000  }
0x41f: {  	s2 =	sld [smem:$0x7F4]  }
0x420: {  	[sflag:s26] =	ssyncset.done $0x0  }
0x421: {  	[sflag:s26] =	ssyncadd.s32 $0xFFFFC000  }
0x422: {  	[hbm4b:s2+s3] =	stream.linear.scatter [tilespmem:s17], [sflag:$0xB], $0x4000, $0x38;
	[tilespmem:$0x18080] =	vst v63  }
0x423: {  	s0 =	sadd.s32 s8, s0;
	_ =	swait.ge [sflag:s28], $0x4000  }
0x424: {  	s0 =	sshrl.u32 s0, $0x3;
	[sflag:s28] =	ssyncset.done $0x0  }
0x425: {  	s0 =	sadd.s32 s1, s0;
	[sflag:s28] =	ssyncadd.s32 $0xFFFFC000  }
0x426: {  	[tilespmem:s16], [sflag:$0x4] =	stream.strided.gather [hbm4b:s0+s11], $0x4000, s12, s11, $0x38;
	[tilespmem:$0x18080] =	vst v63  }
0x427: {  	_ =	swait.ge [sflag:s29], $0x4000  }
0x428: {  	s2 =	sld [smem:$0x7F5]  }
0x429: {  	[sflag:s29] =	ssyncset.done $0x0  }
0x42a: {  	[sflag:s29] =	ssyncadd.s32 $0xFFFFC000  }
0x42b: {  	[hbm4b:s2+s3] =	stream.linear.scatter [tilespmem:s19], [sflag:$0xC], $0x4000, $0x38;
	[tilespmem:$0x18080] =	vst v63  }
0x42c: {  	_ =	swait.ge [sflag:s30], $0x4000  }
0x42d: {  	(v2sf) =	vpush v0, $0x9;
	_ =	sdelay $0xe  }
0x42e: {  	s2 =	spop (v2sf)  }
0x42f: {  	s0 =	sand.u32 $0x7FFFFC00, s2  }
0x430: {  	s2 =	sadd.s32 s5, s0  }
0x431: {  	[sflag:s30] =	ssyncset.done $0x0;
	s2 =	sshrl.u32 s2, $0x3  }
0x432: {  	[sflag:s30] =	ssyncadd.s32 $0xFFFFC000;
	s2 =	sadd.s32 s1, s2  }
0x433: {  	[tilespmem:s17], [sflag:$0x5] =	stream.strided.gather [hbm4b:s2+s11], $0x4000, s12, s11, $0x38;
	[tilespmem:$0x18080] =	vst v63  }
0x434: {  	_ =	swait.ge [sflag:s18], $0x4000  }
0x435: {  	s2 =	sld [smem:$0x7F6]  }
0x436: {  	[sflag:s18] =	ssyncset.done $0x0  }
0x437: {  	[sflag:s18] =	ssyncadd.s32 $0xFFFFC000  }
0x438: {  	[hbm4b:s2+s3] =	stream.linear.scatter [tilespmem:s13], [sflag:$0x7], $0x4000, $0x38;
	[tilespmem:$0x18080] =	vst v63  }
0x439: {  	s2 =	sadd.s32 s6, s0;
	_ =	swait.ge [sflag:s31], $0x4000  }
0x43a: {  	s2 =	sshrl.u32 s2, $0x3;
	[sflag:s31] =	ssyncset.done $0x0  }
0x43b: {  	s2 =	sadd.s32 s1, s2;
	[sflag:s31] =	ssyncadd.s32 $0xFFFFC000  }
0x43c: {  	[tilespmem:s19], [sflag:$0x6] =	stream.strided.gather [hbm4b:s2+s11], $0x4000, s12, s11, $0x38;
	[tilespmem:$0x18080] =	vst v63  }
0x43d: {  	_ =	swait.ge [sflag:s20], $0x4000  }
0x43e: {  	s2 =	sld [smem:$0x7F7]  }
0x43f: {  	[sflag:s20] =	ssyncset.done $0x0  }
0x440: {  	[sflag:s20] =	ssyncadd.s32 $0xFFFFC000  }
0x441: {  	[hbm4b:s2+s3] =	stream.linear.scatter [tilespmem:s14], [sflag:$0x8], $0x4000, $0x38;
	[tilespmem:$0x18080] =	vst v63  }
0x442: {  	s2 =	sadd.s32 s7, s0;
	_ =	swait.ge [sflag:s21], $0x4000  }
0x443: {  	s2 =	sshrl.u32 s2, $0x3;
	[sflag:s21] =	ssyncset.done $0x0  }
0x444: {  	s2 =	sadd.s32 s1, s2;
	[sflag:s21] =	ssyncadd.s32 $0xFFFFC000  }
0x445: {  	[tilespmem:s13], [sflag:$0x1] =	stream.strided.gather [hbm4b:s2+s11], $0x4000, s12, s11, $0x38;
	[tilespmem:$0x18080] =	vst v63  }
0x446: {  	_ =	swait.ge [sflag:s22], $0x4000  }
0x447: {  	s2 =	sld [smem:$0x7F8]  }
0x448: {  	[sflag:s22] =	ssyncset.done $0x0  }
0x449: {  	[sflag:s22] =	ssyncadd.s32 $0xFFFFC000  }
0x44a: {  	[hbm4b:s2+s3] =	stream.linear.scatter [tilespmem:s15], [sflag:$0x9], $0x4000, $0x38;
	[tilespmem:$0x18080] =	vst v63  }
0x44b: {  	s0 =	sadd.s32 s8, s0;
	_ =	swait.ge [sflag:s23], $0x4000  }
0x44c: {  	s0 =	sshrl.u32 s0, $0x3;
	[sflag:s23] =	ssyncset.done $0x0  }
0x44d: {  	s0 =	sadd.s32 s1, s0;
	[sflag:s23] =	ssyncadd.s32 $0xFFFFC000  }
0x44e: {  	[tilespmem:s14], [sflag:$0x2] =	stream.strided.gather [hbm4b:s0+s11], $0x4000, s12, s11, $0x38;
	[tilespmem:$0x18080] =	vst v63  }
0x44f: {  	_ =	swait.ge [sflag:s24], $0x4000  }
0x450: {  	s2 =	sld [smem:$0x7F9]  }
0x451: {  	[sflag:s24] =	ssyncset.done $0x0  }
0x452: {  	[sflag:s24] =	ssyncadd.s32 $0xFFFFC000  }
0x453: {  	[hbm4b:s2+s3] =	stream.linear.scatter [tilespmem:s16], [sflag:$0xA], $0x4000, $0x38;
	[tilespmem:$0x18080] =	vst v63  }
0x454: {  	_ =	swait.ge [sflag:s26], $0x4000  }
0x455: {  	s2 =	sld [smem:$0x7FA]  }
0x456: {  	[sflag:s26] =	ssyncset.done $0x0  }
0x457: {  	[sflag:s26] =	ssyncadd.s32 $0xFFFFC000  }
0x458: {  	[hbm4b:s2+s3] =	stream.linear.scatter [tilespmem:s17], [sflag:$0xB], $0x4000, $0x38;
	[tilespmem:$0x18080] =	vst v63  }
0x459: {  	_ =	swait.ge [sflag:s29], $0x4000  }
0x45a: {  	s2 =	sld [smem:$0x7FB]  }
0x45b: {  	[sflag:s29] =	ssyncset.done $0x0  }
0x45c: {  	[sflag:s29] =	ssyncadd.s32 $0xFFFFC000  }
0x45d: {  	[hbm4b:s2+s3] =	stream.linear.scatter [tilespmem:s19], [sflag:$0xC], $0x4000, $0x38;
	[tilespmem:$0x18080] =	vst v63  }
0x45e: {  	_ =	swait.ge [sflag:s18], $0x4000  }
0x45f: {  	s2 =	sld [smem:$0x7FC]  }
0x460: {  	[sflag:s18] =	ssyncset.done $0x0  }
0x461: {  	[sflag:s18] =	ssyncadd.s32 $0xFFFFC000  }
0x462: {  	[hbm4b:s2+s3] =	stream.linear.scatter [tilespmem:s13], [sflag:$0x7], $0x4000, $0x38;
	[tilespmem:$0x18080] =	vst v63  }
0x463: {  	_ =	swait.ge [sflag:s20], $0x4000  }
0x464: {  	s2 =	sld [smem:$0x7FD]  }
0x465: {  	[sflag:s20] =	ssyncset.done $0x0  }
0x466: {  	[sflag:s20] =	ssyncadd.s32 $0xFFFFC000  }
0x467: {  	[hbm4b:s2+s3] =	stream.linear.scatter [tilespmem:s14], [sflag:$0x8], $0x4000, $0x38;
	[tilespmem:$0x18080] =	vst v63  }
0x468: {  	_ =	swait.ge [sflag:s25], $0x4000  }
0x469: {  	[sflag:s25] =	ssyncset.done $0x0  }
0x46a: {  	[sflag:s25] =	ssyncadd.s32 $0xFFFFC000  }
0x46b: {  	_ =	swait.ge [sflag:s28], $0x4000  }
0x46c: {  	[sflag:s28] =	ssyncset.done $0x0  }
0x46d: {  	[sflag:s28] =	ssyncadd.s32 $0xFFFFC000  }
0x46e: {  	_ =	swait.ge [sflag:s30], $0x4000  }
0x46f: {  	[sflag:s30] =	ssyncset.done $0x0  }
0x470: {  	[sflag:s30] =	ssyncadd.s32 $0xFFFFC000  }
0x471: {  	_ =	swait.ge [sflag:s31], $0x4000  }
0x472: {  	[sflag:s31] =	ssyncset.done $0x0  }
0x473: {  	[sflag:s31] =	ssyncadd.s32 $0xFFFFC000  }
0x474: {  	p0 =	sne.s32 s9, $0x1;
	_ =	swait.ge [sflag:s21], $0x4000  }
.Ltmp0:
0x475: {  	[sflag:s21] =	ssyncset.done $0x0;
	(pc) =	sbr.rel @p0 .LBB2_1-.Ltmp0, $4  }
0x476: {  	[sflag:s21] =	ssyncadd.s32 $0xFFFFC000  }
0x477: {  	_ =	swait.ge [sflag:s23], $0x4000  }
0x478: {  	[sflag:s23] =	ssyncset.done $0x0  }
0x479: {  	s9 =	sadd.s32 $0xFFFFFFFF, s9;
	[sflag:s23] =	ssyncadd.s32 $0xFFFFC000  }
0x47a: {  	_ =	sfence.sel $0x180000  }
0x47b: {  	[bflag:$0x0] =	sbarrier.arrive $0xFFFF  }
0x47c: {  	_ =	strace $0x90000047  }
0x47d: {  	s0 =	stileid.u32;
	[bflag:$0x2] =	sbarrier.arrive $0xFFFF  }
0x47e: {  	p0 =	sne.s32 s0, $0x0;
	s0 =	rddreg [dreg:$0x3]  }
0x47f: {  	s0 =	sadd.s32 @!p0 $0x100000, s0  }
0x480: {  	[sflag:s0] =	ssyncadd.tile.s32 @!p0 $0x1;
	_ =	shalt  }
.Lfunc_end2:
_tile_overlayer_lowered:
.L_overlay_start_2:
0x481: {  	(tag) =	ssettag $0x2  }
0x482: {  	s0 =	rddreg [dreg:$0x0];
	s2 =	stileid.u32  }
0x483: {  	s1 =	rddreg [dreg:$0x1];
	p0 =	sne.s32 s2, $0x0  }
0x484: {  	s3 =	rddreg [dreg:$0x2];
	[bflag:$0x3] =	sbarrier.arrive $0xFFFF;
	s2 =	simm.s32 @!p0 $0x1C0D  }
0x485: {  	[timem:s3], [sflag:s2] =	dma.local @!p0 [hbm:s0], s1  }
0x486: {  	s0 =	simm.s32 @!p0 $0xD  }
0x487: {  	_ =	swait.ge @!p0 [sflag:s0], s1  }
0x488: {  	s1 =	ssub.s32 @!p0 $0x0, s1;
	[sflag:s0] =	ssyncset.done @!p0 $0x0  }
0x489: {  	[sflag:s0] =	ssyncadd.s32 @!p0 s1  }
0x48a: {  	[bflag:$0x3] =	sbarrier.arrive $0xFFFF  }
0x48b: {  	_ =	shalt  }

</sc_bundles>
